<compile_context>
chip_gen: v7x
topology: tpu7x:2x2x1
jax: 0.10.2.dev20260603
libtpu: 0.0.44.dev20260713+nightly
codegen_flags: <defaults>
</compile_context>

<pallas_src>
import functools

import jax
import jax.numpy as jnp
from jax import lax
from jax.experimental import pallas as pl
from jax.experimental.pallas import tpu as pltpu
from jax.experimental.pallas import tpu_sc as plsc

N_ELEMS = 6_400_000
N_TYPES = 128
N_SEG = 512
FACTOR = 0.5

NC = 2
NS = 16
L = 16
NW = NC * NS
PER_W = N_ELEMS // NW
BLK = 20_000
NBLK = PER_W // BLK
SBW = 800
NSB = BLK // SBW


def _sc_partials(coeffs, mean, ind, batch):
    mesh = plsc.VectorSubcoreMesh(core_axis_name="c", subcore_axis_name="s")

    @functools.partial(
        pl.kernel,
        mesh=mesh,
        out_type=jax.ShapeDtypeStruct((NW, N_SEG), jnp.float32),
        compiler_params=pltpu.CompilerParams(needs_layout_passes=False),
        scratch_types=[
            pltpu.VMEM((N_TYPES,), jnp.float32),
            pltpu.VMEM((BLK,), jnp.float32),
            pltpu.VMEM((BLK,), jnp.int32),
            pltpu.VMEM((BLK,), jnp.int32),
            pltpu.VMEM((BLK,), jnp.float32),
            pltpu.VMEM((BLK,), jnp.int32),
            pltpu.VMEM((BLK,), jnp.int32),
            pltpu.VMEM((N_SEG * L,), jnp.float32),
            pltpu.VMEM((N_SEG,), jnp.float32),
            pltpu.SemaphoreType.DMA,
            pltpu.SemaphoreType.DMA,
        ],
    )
    def k(coeffs_hbm, mean_hbm, ind_hbm, batch_hbm, out_hbm,
          mean_v, c0, i0, b0, c1, i1, b1, acc2_v, acc_v, sem0, sem1):
        wid = lax.axis_index("s") * NC + lax.axis_index("c")
        base = pl.multiple_of(wid * PER_W, 8)
        bufs = ((c0, i0, b0, sem0), (c1, i1, b1, sem1))

        def start(kk):
            c_v, i_v, b_v, sem = bufs[kk % 2]
            off = pl.multiple_of(base + kk * BLK, 8)
            return (
                pltpu.async_copy(coeffs_hbm.at[pl.ds(off, BLK)], c_v, sem),
                pltpu.async_copy(ind_hbm.at[pl.ds(off, BLK)], i_v, sem),
                pltpu.async_copy(batch_hbm.at[pl.ds(off, BLK)], b_v, sem),
            )

        handles = start(0)
        pltpu.sync_copy(mean_hbm, mean_v)
        zeros = jnp.zeros((L,), jnp.float32)
        lane = lax.iota(jnp.int32, L)

        @plsc.parallel_loop(0, N_SEG, unroll=8)
        def zero_body(s):
            acc2_v[pl.ds(s * L, L)] = zeros

        for kk in range(NBLK):
            for h in handles:
                h.wait()
            c_v, i_v, b_v, _ = bufs[kk % 2]
            if kk + 1 < NBLK:
                handles = start(kk + 1)

            def sb_body(j, carry):
                o = j * SBW
                bf_vec = b_v[pl.ds(o, L)]
                bl_vec = b_v[pl.ds(o + SBW - L, L)]
                b_first = bf_vec[0]
                b_last = bl_vec[L - 1]

                def fast(_):
                    def acc_body(t, s_acc):
                        oo = o + t * L
                        c = c_v[pl.ds(oo, L)]
                        m = plsc.load_gather(mean_v, [i_v[pl.ds(oo, L)]])
                        d = c - m
                        return s_acc + d * d

                    s_tot = plsc.parallel_loop(
                        0, SBW // L, unroll=10, carry=zeros)(acc_body)
                    idx = (bf_vec << 4) + lane
                    plsc.addupdate_scatter(acc2_v, [idx], s_tot)
                    return 0

                def slow(_):
                    @plsc.parallel_loop(0, SBW // L, unroll=10)
                    def sc_body(t):
                        oo = o + t * L
                        c = c_v[pl.ds(oo, L)]
                        m = plsc.load_gather(mean_v, [i_v[pl.ds(oo, L)]])
                        d = c - m
                        idx = (b_v[pl.ds(oo, L)] << 4) + lane
                        plsc.addupdate_scatter(acc2_v, [idx], d * d)
                    return 0

                lax.cond(b_first == b_last, fast, slow, 0)
                return carry

            lax.fori_loop(0, NSB, sb_body, 0)

        lane0 = lane == 0

        @plsc.parallel_loop(0, N_SEG, unroll=8)
        def fold_body(s):
            row = acc2_v[pl.ds(s * L, L)]
            tot = jnp.broadcast_to(jnp.sum(row), (L,))
            plsc.store_scatter(acc_v, [jnp.broadcast_to(s, (L,))], tot,
                               mask=lane0)

        pltpu.sync_copy(acc_v, out_hbm.at[wid])

    return k(coeffs, mean, ind, batch)


def _tc_combine(partials):
    def body(p_ref, o_ref):
        o_ref[...] = FACTOR * jnp.sum(p_ref[...], axis=0, keepdims=True)

    out = pl.pallas_call(
        body,
        out_shape=jax.ShapeDtypeStruct((1, N_SEG), jnp.float32),
    )(partials)
    return out[0]


def kernel(coeffs, ground_state_coeff_mean, basis_function_ind, coeffs_batch):
    ind = basis_function_ind.astype(jnp.int32)
    batch = coeffs_batch.astype(jnp.int32)
    partials = _sc_partials(coeffs, ground_state_coeff_mean, ind, batch)
    return _tc_combine(partials)

# --- scband reference (transcript-rebuilt; emitter-appended) ---
"""Pipeline reference for scband-simple-quadratic-atom-ref-59072980189794 (READ-ONLY COPY).

The authoritative reference and input builder live on the scoring server;
editing this copy changes nothing except your own understanding.
"""

import jax, jax.numpy as jnp
import numpy as np

N_BASIS = 6400000
N_TYPES = 128
N_SEGMENTS = 512
FACTOR = 0.5


def setup_inputs(seed: int = 0) -> dict:
    key = jax.random.key(seed)
    k1, k2, k3, k4 = jax.random.split(key, 4)
    coeffs = jax.random.normal(k1, (N_BASIS,), dtype=jnp.float32)
    basis_function_ind = jax.random.randint(k2, (N_BASIS,), 0, N_TYPES, dtype=jnp.int64)
    coeffs_batch = jnp.sort(jax.random.randint(k3, (N_BASIS,), 0, N_SEGMENTS, dtype=jnp.int64))
    # learned/buffer parameter from __init__ (ground_state_coeff_mean per atom/basis type)
    ground_state_coeff_mean = jax.random.normal(k4, (N_TYPES,), dtype=jnp.float32)
    return {
        "coeffs": coeffs,
        "ground_state_coeff_mean": ground_state_coeff_mean,
        "basis_function_ind": basis_function_ind,
        "coeffs_batch": coeffs_batch,
    }


def reference(coeffs, ground_state_coeff_mean, basis_function_ind, coeffs_batch):
    # coeff_delta = coeffs - mean[basis_function_ind]  (gather)
    coeff_delta = coeffs - jnp.take(ground_state_coeff_mean, basis_function_ind, axis=0)
    # global_add_pool == segment_sum over batch index
    pooled = jax.ops.segment_sum(coeff_delta ** 2, coeffs_batch, num_segments=N_SEGMENTS)
    return FACTOR * pooled

if __name__ == "__main__":
    import jax
    _d = setup_inputs()
    print(jax.jit(kernel)(*tuple(_d.values())))

</pallas_src>

<mosaic_0001>
#map = affine_map<(d0, d1) -> (0)>
#map1 = affine_map<(d0, d1) -> (0, 0)>
module attributes {stable_mosaic.version = 14 : i64} {
  func.func @k(%arg0: i32, %arg1: i32, %arg2: memref<6400000xf32, #tpu.memory_space<hbm>>, %arg3: memref<128xf32, #tpu.memory_space<hbm>>, %arg4: memref<6400000xi32, #tpu.memory_space<hbm>>, %arg5: memref<6400000xi32, #tpu.memory_space<hbm>>, %arg6: memref<32x512xf32, #tpu.memory_space<hbm>>, %arg7: memref<128xf32, #tpu.memory_space<vmem>>, %arg8: memref<20000xf32, #tpu.memory_space<vmem>>, %arg9: memref<20000xi32, #tpu.memory_space<vmem>>, %arg10: memref<20000xi32, #tpu.memory_space<vmem>>, %arg11: memref<20000xf32, #tpu.memory_space<vmem>>, %arg12: memref<20000xi32, #tpu.memory_space<vmem>>, %arg13: memref<20000xi32, #tpu.memory_space<vmem>>, %arg14: memref<8192xf32, #tpu.memory_space<vmem>>, %arg15: memref<512xf32, #tpu.memory_space<vmem>>, %arg16: memref<!tpu.dma_semaphore, #tpu.memory_space<semaphore_mem>>, %arg17: memref<!tpu.dma_semaphore, #tpu.memory_space<semaphore_mem>>) attributes {dimension_semantics = [#tpu.dimension_semantics<core_parallel>, #tpu.dimension_semantics<subcore_parallel>], iteration_bounds = array<i64: 2, 16>, scalar_prefetch = 0 : i64, scratch_operands = 11 : i64, tpu.core_type = #tpu.core_type<sc_vector_subcore>, window_params = [{transform_indices = #map}, {transform_indices = #map}, {transform_indices = #map}, {transform_indices = #map}, {transform_indices = #map1}]} {
    %mul3A = arith.constant 2 : i32
    %mul3A_0 = arith.muli %arg1, %mul3A : i32
    %add3A = arith.addi %mul3A_0, %arg0 : i32
    %mul3A_1 = arith.constant 200000 : i32
    %mul3A_2 = arith.muli %add3A, %mul3A_1 : i32
    %multiple_of3A = tpu.assume_multiple %mul3A_2, 8 : i32
    %add3A_3 = arith.constant 0 : i32
    %add3A_4 = arith.addi %multiple_of3A, %add3A_3 : i32
    %multiple_of3A_5 = tpu.assume_multiple %add3A_4, 8 : i32
    %dma_start3A = tpu.memref_slice %arg2[%multiple_of3A_5] : memref<6400000xf32, #tpu.memory_space<hbm>> -> memref<20000xf32, #tpu.memory_space<hbm>>
    %dma_start3A_6 = tpu.memref_slice %arg2[%multiple_of3A_5] : memref<6400000xf32, #tpu.memory_space<hbm>> -> memref<20000xf32, #tpu.memory_space<hbm>>
    tpu.enqueue_dma source(%dma_start3A_6 : memref<20000xf32, #tpu.memory_space<hbm>>) target(%arg8 : memref<20000xf32, #tpu.memory_space<vmem>>) target_semaphore(%arg16 : memref<!tpu.dma_semaphore, #tpu.memory_space<semaphore_mem>>)
    %dma_start3A_7 = tpu.memref_slice %arg4[%multiple_of3A_5] : memref<6400000xi32, #tpu.memory_space<hbm>> -> memref<20000xi32, #tpu.memory_space<hbm>>
    %dma_start3A_8 = tpu.memref_slice %arg4[%multiple_of3A_5] : memref<6400000xi32, #tpu.memory_space<hbm>> -> memref<20000xi32, #tpu.memory_space<hbm>>
    tpu.enqueue_dma source(%dma_start3A_8 : memref<20000xi32, #tpu.memory_space<hbm>>) target(%arg9 : memref<20000xi32, #tpu.memory_space<vmem>>) target_semaphore(%arg16 : memref<!tpu.dma_semaphore, #tpu.memory_space<semaphore_mem>>)
    %dma_start3A_9 = tpu.memref_slice %arg5[%multiple_of3A_5] : memref<6400000xi32, #tpu.memory_space<hbm>> -> memref<20000xi32, #tpu.memory_space<hbm>>
    %dma_start3A_10 = tpu.memref_slice %arg5[%multiple_of3A_5] : memref<6400000xi32, #tpu.memory_space<hbm>> -> memref<20000xi32, #tpu.memory_space<hbm>>
    tpu.enqueue_dma source(%dma_start3A_10 : memref<20000xi32, #tpu.memory_space<hbm>>) target(%arg10 : memref<20000xi32, #tpu.memory_space<vmem>>) target_semaphore(%arg16 : memref<!tpu.dma_semaphore, #tpu.memory_space<semaphore_mem>>)
    "tpu.region"() ({
      %run_scoped3A = tpu.sem_alloc : memref<!tpu.dma_semaphore, #tpu.memory_space<semaphore_mem>>
      tpu.enqueue_dma source(%arg3 : memref<128xf32, #tpu.memory_space<hbm>>) target(%arg7 : memref<128xf32, #tpu.memory_space<vmem>>) target_semaphore(%run_scoped3A : memref<!tpu.dma_semaphore, #tpu.memory_space<semaphore_mem>>)
      tpu.wait_dma2 semaphore(%run_scoped3A : memref<!tpu.dma_semaphore, #tpu.memory_space<semaphore_mem>>) src(%arg3 : memref<128xf32, #tpu.memory_space<hbm>>) dst(%arg7 : memref<128xf32, #tpu.memory_space<vmem>>)
      tpu.yield
    }) : () -> ()
    %broadcast_in_dim3A = arith.constant 0.000000e+00 : f32
    %broadcast_in_dim3A_11 = vector.broadcast %broadcast_in_dim3A : f32 to vector<16xf32>
    %iota3A = tpu.iota {dimensions = array<i32: 0>} : vector<16xi32>
    %parallel_loop3A = arith.constant 0 : i32
    %parallel_loop3A_12 = arith.constant 512 : i32
    %parallel_loop3A_13 = arith.constant 1 : i32
    scf.for %parallel_loop3A_218 = %parallel_loop3A to %parallel_loop3A_12 step %parallel_loop3A_13  : i32 {
      %parallel_loop3A_219 = arith.constant 16 : i32
      %parallel_loop3A_220 = arith.muli %parallel_loop3A_218, %parallel_loop3A_219 : i32
      %parallel_loop3A_221 = arith.index_cast %parallel_loop3A_220 : i32 to index
      %parallel_loop3A_222 = tpu.vector_load %arg14[%parallel_loop3A_221] {strides = array<i32>} : memref<8192xf32, #tpu.memory_space<vmem>>, vector<16xf32>,
      tpu.vector_store %arg14[%parallel_loop3A_221], %broadcast_in_dim3A_11 {strides = array<i32>} : memref<8192xf32, #tpu.memory_space<vmem>>, vector<16xf32>,
    } {sc.loop_unroll_factor = 8 : i64, sc.parallel_access}
    %dma_wait3A = tpu.memref_slice %arg2[%multiple_of3A_5] : memref<6400000xf32, #tpu.memory_space<hbm>> -> memref<20000xf32, #tpu.memory_space<hbm>>
    %dma_wait3A_14 = tpu.memref_slice %arg2[%multiple_of3A_5] : memref<6400000xf32, #tpu.memory_space<hbm>> -> memref<20000xf32, #tpu.memory_space<hbm>>
    tpu.wait_dma2 semaphore(%arg16 : memref<!tpu.dma_semaphore, #tpu.memory_space<semaphore_mem>>) src(%dma_wait3A_14 : memref<20000xf32, #tpu.memory_space<hbm>>) dst(%arg8 : memref<20000xf32, #tpu.memory_space<vmem>>)
    %dma_wait3A_15 = tpu.memref_slice %arg4[%multiple_of3A_5] : memref<6400000xi32, #tpu.memory_space<hbm>> -> memref<20000xi32, #tpu.memory_space<hbm>>
    %dma_wait3A_16 = tpu.memref_slice %arg4[%multiple_of3A_5] : memref<6400000xi32, #tpu.memory_space<hbm>> -> memref<20000xi32, #tpu.memory_space<hbm>>
    tpu.wait_dma2 semaphore(%arg16 : memref<!tpu.dma_semaphore, #tpu.memory_space<semaphore_mem>>) src(%dma_wait3A_16 : memref<20000xi32, #tpu.memory_space<hbm>>) dst(%arg9 : memref<20000xi32, #tpu.memory_space<vmem>>)
    %dma_wait3A_17 = tpu.memref_slice %arg5[%multiple_of3A_5] : memref<6400000xi32, #tpu.memory_space<hbm>> -> memref<20000xi32, #tpu.memory_space<hbm>>
    %dma_wait3A_18 = tpu.memref_slice %arg5[%multiple_of3A_5] : memref<6400000xi32, #tpu.memory_space<hbm>> -> memref<20000xi32, #tpu.memory_space<hbm>>
    tpu.wait_dma2 semaphore(%arg16 : memref<!tpu.dma_semaphore, #tpu.memory_space<semaphore_mem>>) src(%dma_wait3A_18 : memref<20000xi32, #tpu.memory_space<hbm>>) dst(%arg10 : memref<20000xi32, #tpu.memory_space<vmem>>)
    %add3A_19 = arith.constant 20000 : i32
    %add3A_20 = arith.addi %multiple_of3A, %add3A_19 : i32
    %multiple_of3A_21 = tpu.assume_multiple %add3A_20, 8 : i32
    %dma_start3A_22 = tpu.memref_slice %arg2[%multiple_of3A_21] : memref<6400000xf32, #tpu.memory_space<hbm>> -> memref<20000xf32, #tpu.memory_space<hbm>>
    %dma_start3A_23 = tpu.memref_slice %arg2[%multiple_of3A_21] : memref<6400000xf32, #tpu.memory_space<hbm>> -> memref<20000xf32, #tpu.memory_space<hbm>>
    tpu.enqueue_dma source(%dma_start3A_23 : memref<20000xf32, #tpu.memory_space<hbm>>) target(%arg11 : memref<20000xf32, #tpu.memory_space<vmem>>) target_semaphore(%arg17 : memref<!tpu.dma_semaphore, #tpu.memory_space<semaphore_mem>>)
    %dma_start3A_24 = tpu.memref_slice %arg4[%multiple_of3A_21] : memref<6400000xi32, #tpu.memory_space<hbm>> -> memref<20000xi32, #tpu.memory_space<hbm>>
    %dma_start3A_25 = tpu.memref_slice %arg4[%multiple_of3A_21] : memref<6400000xi32, #tpu.memory_space<hbm>> -> memref<20000xi32, #tpu.memory_space<hbm>>
    tpu.enqueue_dma source(%dma_start3A_25 : memref<20000xi32, #tpu.memory_space<hbm>>) target(%arg12 : memref<20000xi32, #tpu.memory_space<vmem>>) target_semaphore(%arg17 : memref<!tpu.dma_semaphore, #tpu.memory_space<semaphore_mem>>)
    %dma_start3A_26 = tpu.memref_slice %arg5[%multiple_of3A_21] : memref<6400000xi32, #tpu.memory_space<hbm>> -> memref<20000xi32, #tpu.memory_space<hbm>>
    %dma_start3A_27 = tpu.memref_slice %arg5[%multiple_of3A_21] : memref<6400000xi32, #tpu.memory_space<hbm>> -> memref<20000xi32, #tpu.memory_space<hbm>>
    tpu.enqueue_dma source(%dma_start3A_27 : memref<20000xi32, #tpu.memory_space<hbm>>) target(%arg13 : memref<20000xi32, #tpu.memory_space<vmem>>) target_semaphore(%arg17 : memref<!tpu.dma_semaphore, #tpu.memory_space<semaphore_mem>>)
    %scan3A = arith.constant 0 : i32
    %scan3A_28 = arith.constant 0 : i32
    %scan3A_29 = arith.constant 25 : i32
    %scan3A_30 = arith.addi %scan3A_28, %scan3A_29 : i32
    %scan3A_31 = arith.constant 1 : i32
    scf.for %scan3A_218 = %scan3A_28 to %scan3A_30 step %scan3A_31  : i32 {
      %mul3A_219 = arith.constant 800 : i32
      %mul3A_220 = arith.muli %scan3A_218, %mul3A_219 : i32
      %get3A = arith.index_cast %mul3A_220 : i32 to index
      %get3A_221 = tpu.vector_load %arg10[%get3A] {strides = array<i32>} : memref<20000xi32, #tpu.memory_space<vmem>>, vector<16xi32>,
      %add3A_222 = arith.constant 800 : i32
      %add3A_223 = arith.addi %mul3A_220, %add3A_222 : i32
      %sub3A = arith.constant 16 : i32
      %sub3A_224 = arith.subi %add3A_223, %sub3A : i32
      %get3A_225 = arith.index_cast %sub3A_224 : i32 to index
      %get3A_226 = tpu.vector_load %arg10[%get3A_225] {strides = array<i32>} : memref<20000xi32, #tpu.memory_space<vmem>>, vector<16xi32>,
      %slice3A = vector.extract_strided_slice %get3A_221 {offsets = [0], sizes = [1], strides = [1]} : vector<16xi32> to vector<1xi32>
      %squeeze3A = vector.extract %slice3A[0] : i32 from vector<1xi32>
      %slice3A_227 = vector.extract_strided_slice %get3A_226 {offsets = [15], sizes = [1], strides = [1]} : vector<16xi32> to vector<1xi32>
      %squeeze3A_228 = vector.extract %slice3A_227[0] : i32 from vector<1xi32>
      %eq3A_229 = arith.cmpi eq, %squeeze3A, %squeeze3A_228 : i32
      %convert_element_type3A = arith.extui %eq3A_229 : i1 to i32
      %cond3A = arith.constant 0 : i32
      %cond3A_230 = arith.constant 0 : i32
      %cond3A_231 = arith.cmpi ne, %convert_element_type3A, %cond3A_230 : i32
      %cond3A_232 = scf.if %cond3A_231 -> (i32) {
        %parallel_loop3A_233 = arith.constant 0 : i32
        %parallel_loop3A_234 = arith.constant 50 : i32
        %parallel_loop3A_235 = arith.constant 1 : i32
        %parallel_loop3A_236 = scf.for %parallel_loop3A_241 = %parallel_loop3A_233 to %parallel_loop3A_234 step %parallel_loop3A_235 iter_args(%parallel_loop3A_242 = %broadcast_in_dim3A_11) -> (vector<16xf32>)  : i32 {
          %parallel_loop3A_243 = arith.constant 16 : i32
          %parallel_loop3A_244 = arith.muli %parallel_loop3A_241, %parallel_loop3A_243 : i32
          %parallel_loop3A_245 = arith.addi %mul3A_220, %parallel_loop3A_244 : i32
          %parallel_loop3A_246 = arith.index_cast %parallel_loop3A_245 : i32 to index
          %parallel_loop3A_247 = tpu.vector_load %arg8[%parallel_loop3A_246] {strides = array<i32>} : memref<20000xf32, #tpu.memory_space<vmem>>, vector<16xf32>,
          %parallel_loop3A_248 = arith.index_cast %parallel_loop3A_245 : i32 to index
          %parallel_loop3A_249 = tpu.vector_load %arg9[%parallel_loop3A_248] {strides = array<i32>} : memref<20000xi32, #tpu.memory_space<vmem>>, vector<16xi32>,
          %parallel_loop3A_250 = tpu.vector_load_idx %arg7[%parallel_loop3A_249] : memref<128xf32, #tpu.memory_space<vmem>>[vector<16xi32>], vector<16xf32>,
          %parallel_loop3A_251 = arith.subf %parallel_loop3A_247, %parallel_loop3A_250 : vector<16xf32>
          %parallel_loop3A_252 = arith.mulf %parallel_loop3A_251, %parallel_loop3A_251 : vector<16xf32>
          %parallel_loop3A_253 = arith.addf %parallel_loop3A_242, %parallel_loop3A_252 : vector<16xf32>
          scf.yield %parallel_loop3A_253 : vector<16xf32>
        } {sc.loop_unroll_factor = 10 : i64, sc.parallel_access}
        %shift_left3A = arith.constant 4 : i32
        %shift_left3A_237 = vector.broadcast %shift_left3A : i32 to vector<16xi32>
        %shift_left3A_238 = arith.shli %get3A_221, %shift_left3A_237 : vector<16xi32>
        %add3A_239 = arith.addi %shift_left3A_238, %iota3A : vector<16xi32>
        tpu.vector_store_idx %arg14[%add3A_239], %parallel_loop3A_236 {add = true} : memref<8192xf32, #tpu.memory_space<vmem>>[vector<16xi32>], vector<16xf32>,
        %cond3A_240 = arith.constant 0 : i32
        scf.yield %cond3A_240 : i32
      } else {
        %parallel_loop3A_233 = arith.constant 0 : i32
        %parallel_loop3A_234 = arith.constant 50 : i32
        %parallel_loop3A_235 = arith.constant 1 : i32
        scf.for %parallel_loop3A_237 = %parallel_loop3A_233 to %parallel_loop3A_234 step %parallel_loop3A_235  : i32 {
          %parallel_loop3A_238 = arith.constant 16 : i32
          %parallel_loop3A_239 = arith.muli %parallel_loop3A_237, %parallel_loop3A_238 : i32
          %parallel_loop3A_240 = arith.addi %mul3A_220, %parallel_loop3A_239 : i32
          %parallel_loop3A_241 = arith.index_cast %parallel_loop3A_240 : i32 to index
          %parallel_loop3A_242 = tpu.vector_load %arg8[%parallel_loop3A_241] {strides = array<i32>} : memref<20000xf32, #tpu.memory_space<vmem>>, vector<16xf32>,
          %parallel_loop3A_243 = arith.index_cast %parallel_loop3A_240 : i32 to index
          %parallel_loop3A_244 = tpu.vector_load %arg9[%parallel_loop3A_243] {strides = array<i32>} : memref<20000xi32, #tpu.memory_space<vmem>>, vector<16xi32>,
          %parallel_loop3A_245 = tpu.vector_load_idx %arg7[%parallel_loop3A_244] : memref<128xf32, #tpu.memory_space<vmem>>[vector<16xi32>], vector<16xf32>,
          %parallel_loop3A_246 = arith.subf %parallel_loop3A_242, %parallel_loop3A_245 : vector<16xf32>
          %parallel_loop3A_247 = arith.index_cast %parallel_loop3A_240 : i32 to index
          %parallel_loop3A_248 = tpu.vector_load %arg10[%parallel_loop3A_247] {strides = array<i32>} : memref<20000xi32, #tpu.memory_space<vmem>>, vector<16xi32>,
          %parallel_loop3A_249 = arith.constant 4 : i32
          %parallel_loop3A_250 = vector.broadcast %parallel_loop3A_249 : i32 to vector<16xi32>
          %parallel_loop3A_251 = arith.shli %parallel_loop3A_248, %parallel_loop3A_250 : vector<16xi32>
          %parallel_loop3A_252 = arith.addi %parallel_loop3A_251, %iota3A : vector<16xi32>
          %parallel_loop3A_253 = arith.mulf %parallel_loop3A_246, %parallel_loop3A_246 : vector<16xf32>
          tpu.vector_store_idx %arg14[%parallel_loop3A_252], %parallel_loop3A_253 {add = true} : memref<8192xf32, #tpu.memory_space<vmem>>[vector<16xi32>], vector<16xf32>,
        } {sc.loop_unroll_factor = 10 : i64, sc.parallel_access}
        %cond3A_236 = arith.constant 0 : i32
        scf.yield %cond3A_236 : i32
      }
    }
    %scan3A_32 = arith.constant 25 : i32
    %dma_wait3A_33 = tpu.memref_slice %arg2[%multiple_of3A_21] : memref<6400000xf32, #tpu.memory_space<hbm>> -> memref<20000xf32, #tpu.memory_space<hbm>>
    %dma_wait3A_34 = tpu.memref_slice %arg2[%multiple_of3A_21] : memref<6400000xf32, #tpu.memory_space<hbm>> -> memref<20000xf32, #tpu.memory_space<hbm>>
    tpu.wait_dma2 semaphore(%arg17 : memref<!tpu.dma_semaphore, #tpu.memory_space<semaphore_mem>>) src(%dma_wait3A_34 : memref<20000xf32, #tpu.memory_space<hbm>>) dst(%arg11 : memref<20000xf32, #tpu.memory_space<vmem>>)
    %dma_wait3A_35 = tpu.memref_slice %arg4[%multiple_of3A_21] : memref<6400000xi32, #tpu.memory_space<hbm>> -> memref<20000xi32, #tpu.memory_space<hbm>>
    %dma_wait3A_36 = tpu.memref_slice %arg4[%multiple_of3A_21] : memref<6400000xi32, #tpu.memory_space<hbm>> -> memref<20000xi32, #tpu.memory_space<hbm>>
    tpu.wait_dma2 semaphore(%arg17 : memref<!tpu.dma_semaphore, #tpu.memory_space<semaphore_mem>>) src(%dma_wait3A_36 : memref<20000xi32, #tpu.memory_space<hbm>>) dst(%arg12 : memref<20000xi32, #tpu.memory_space<vmem>>)
    %dma_wait3A_37 = tpu.memref_slice %arg5[%multiple_of3A_21] : memref<6400000xi32, #tpu.memory_space<hbm>> -> memref<20000xi32, #tpu.memory_space<hbm>>
    %dma_wait3A_38 = tpu.memref_slice %arg5[%multiple_of3A_21] : memref<6400000xi32, #tpu.memory_space<hbm>> -> memref<20000xi32, #tpu.memory_space<hbm>>
    tpu.wait_dma2 semaphore(%arg17 : memref<!tpu.dma_semaphore, #tpu.memory_space<semaphore_mem>>) src(%dma_wait3A_38 : memref<20000xi32, #tpu.memory_space<hbm>>) dst(%arg13 : memref<20000xi32, #tpu.memory_space<vmem>>)
    %add3A_39 = arith.constant 40000 : i32
    %add3A_40 = arith.addi %multiple_of3A, %add3A_39 : i32
    %multiple_of3A_41 = tpu.assume_multiple %add3A_40, 8 : i32
    %dma_start3A_42 = tpu.memref_slice %arg2[%multiple_of3A_41] : memref<6400000xf32, #tpu.memory_space<hbm>> -> memref<20000xf32, #tpu.memory_space<hbm>>
    %dma_start3A_43 = tpu.memref_slice %arg2[%multiple_of3A_41] : memref<6400000xf32, #tpu.memory_space<hbm>> -> memref<20000xf32, #tpu.memory_space<hbm>>
    tpu.enqueue_dma source(%dma_start3A_43 : memref<20000xf32, #tpu.memory_space<hbm>>) target(%arg8 : memref<20000xf32, #tpu.memory_space<vmem>>) target_semaphore(%arg16 : memref<!tpu.dma_semaphore, #tpu.memory_space<semaphore_mem>>)
    %dma_start3A_44 = tpu.memref_slice %arg4[%multiple_of3A_41] : memref<6400000xi32, #tpu.memory_space<hbm>> -> memref<20000xi32, #tpu.memory_space<hbm>>
    %dma_start3A_45 = tpu.memref_slice %arg4[%multiple_of3A_41] : memref<6400000xi32, #tpu.memory_space<hbm>> -> memref<20000xi32, #tpu.memory_space<hbm>>
    tpu.enqueue_dma source(%dma_start3A_45 : memref<20000xi32, #tpu.memory_space<hbm>>) target(%arg9 : memref<20000xi32, #tpu.memory_space<vmem>>) target_semaphore(%arg16 : memref<!tpu.dma_semaphore, #tpu.memory_space<semaphore_mem>>)
    %dma_start3A_46 = tpu.memref_slice %arg5[%multiple_of3A_41] : memref<6400000xi32, #tpu.memory_space<hbm>> -> memref<20000xi32, #tpu.memory_space<hbm>>
    %dma_start3A_47 = tpu.memref_slice %arg5[%multiple_of3A_41] : memref<6400000xi32, #tpu.memory_space<hbm>> -> memref<20000xi32, #tpu.memory_space<hbm>>
    tpu.enqueue_dma source(%dma_start3A_47 : memref<20000xi32, #tpu.memory_space<hbm>>) target(%arg10 : memref<20000xi32, #tpu.memory_space<vmem>>) target_semaphore(%arg16 : memref<!tpu.dma_semaphore, #tpu.memory_space<semaphore_mem>>)
    %scan3A_48 = arith.constant 0 : i32
    %scan3A_49 = arith.constant 0 : i32
    %scan3A_50 = arith.constant 25 : i32
    %scan3A_51 = arith.addi %scan3A_49, %scan3A_50 : i32
    %scan3A_52 = arith.constant 1 : i32
    scf.for %scan3A_218 = %scan3A_49 to %scan3A_51 step %scan3A_52  : i32 {
      %mul3A_219 = arith.constant 800 : i32
      %mul3A_220 = arith.muli %scan3A_218, %mul3A_219 : i32
      %get3A = arith.index_cast %mul3A_220 : i32 to index
      %get3A_221 = tpu.vector_load %arg13[%get3A] {strides = array<i32>} : memref<20000xi32, #tpu.memory_space<vmem>>, vector<16xi32>,
      %add3A_222 = arith.constant 800 : i32
      %add3A_223 = arith.addi %mul3A_220, %add3A_222 : i32
      %sub3A = arith.constant 16 : i32
      %sub3A_224 = arith.subi %add3A_223, %sub3A : i32
      %get3A_225 = arith.index_cast %sub3A_224 : i32 to index
      %get3A_226 = tpu.vector_load %arg13[%get3A_225] {strides = array<i32>} : memref<20000xi32, #tpu.memory_space<vmem>>, vector<16xi32>,
      %slice3A = vector.extract_strided_slice %get3A_221 {offsets = [0], sizes = [1], strides = [1]} : vector<16xi32> to vector<1xi32>
      %squeeze3A = vector.extract %slice3A[0] : i32 from vector<1xi32>
      %slice3A_227 = vector.extract_strided_slice %get3A_226 {offsets = [15], sizes = [1], strides = [1]} : vector<16xi32> to vector<1xi32>
      %squeeze3A_228 = vector.extract %slice3A_227[0] : i32 from vector<1xi32>
      %eq3A_229 = arith.cmpi eq, %squeeze3A, %squeeze3A_228 : i32
      %convert_element_type3A = arith.extui %eq3A_229 : i1 to i32
      %cond3A = arith.constant 0 : i32
      %cond3A_230 = arith.constant 0 : i32
      %cond3A_231 = arith.cmpi ne, %convert_element_type3A, %cond3A_230 : i32
      %cond3A_232 = scf.if %cond3A_231 -> (i32) {
        %parallel_loop3A_233 = arith.constant 0 : i32
        %parallel_loop3A_234 = arith.constant 50 : i32
        %parallel_loop3A_235 = arith.constant 1 : i32
        %parallel_loop3A_236 = scf.for %parallel_loop3A_241 = %parallel_loop3A_233 to %parallel_loop3A_234 step %parallel_loop3A_235 iter_args(%parallel_loop3A_242 = %broadcast_in_dim3A_11) -> (vector<16xf32>)  : i32 {
          %parallel_loop3A_243 = arith.constant 16 : i32
          %parallel_loop3A_244 = arith.muli %parallel_loop3A_241, %parallel_loop3A_243 : i32
          %parallel_loop3A_245 = arith.addi %mul3A_220, %parallel_loop3A_244 : i32
          %parallel_loop3A_246 = arith.index_cast %parallel_loop3A_245 : i32 to index
          %parallel_loop3A_247 = tpu.vector_load %arg11[%parallel_loop3A_246] {strides = array<i32>} : memref<20000xf32, #tpu.memory_space<vmem>>, vector<16xf32>,
          %parallel_loop3A_248 = arith.index_cast %parallel_loop3A_245 : i32 to index
          %parallel_loop3A_249 = tpu.vector_load %arg12[%parallel_loop3A_248] {strides = array<i32>} : memref<20000xi32, #tpu.memory_space<vmem>>, vector<16xi32>,
          %parallel_loop3A_250 = tpu.vector_load_idx %arg7[%parallel_loop3A_249] : memref<128xf32, #tpu.memory_space<vmem>>[vector<16xi32>], vector<16xf32>,
          %parallel_loop3A_251 = arith.subf %parallel_loop3A_247, %parallel_loop3A_250 : vector<16xf32>
          %parallel_loop3A_252 = arith.mulf %parallel_loop3A_251, %parallel_loop3A_251 : vector<16xf32>
          %parallel_loop3A_253 = arith.addf %parallel_loop3A_242, %parallel_loop3A_252 : vector<16xf32>
          scf.yield %parallel_loop3A_253 : vector<16xf32>
        } {sc.loop_unroll_factor = 10 : i64, sc.parallel_access}
        %shift_left3A = arith.constant 4 : i32
        %shift_left3A_237 = vector.broadcast %shift_left3A : i32 to vector<16xi32>
        %shift_left3A_238 = arith.shli %get3A_221, %shift_left3A_237 : vector<16xi32>
        %add3A_239 = arith.addi %shift_left3A_238, %iota3A : vector<16xi32>
        tpu.vector_store_idx %arg14[%add3A_239], %parallel_loop3A_236 {add = true} : memref<8192xf32, #tpu.memory_space<vmem>>[vector<16xi32>], vector<16xf32>,
        %cond3A_240 = arith.constant 0 : i32
        scf.yield %cond3A_240 : i32
      } else {
        %parallel_loop3A_233 = arith.constant 0 : i32
        %parallel_loop3A_234 = arith.constant 50 : i32
        %parallel_loop3A_235 = arith.constant 1 : i32
        scf.for %parallel_loop3A_237 = %parallel_loop3A_233 to %parallel_loop3A_234 step %parallel_loop3A_235  : i32 {
          %parallel_loop3A_238 = arith.constant 16 : i32
          %parallel_loop3A_239 = arith.muli %parallel_loop3A_237, %parallel_loop3A_238 : i32
          %parallel_loop3A_240 = arith.addi %mul3A_220, %parallel_loop3A_239 : i32
          %parallel_loop3A_241 = arith.index_cast %parallel_loop3A_240 : i32 to index
          %parallel_loop3A_242 = tpu.vector_load %arg11[%parallel_loop3A_241] {strides = array<i32>} : memref<20000xf32, #tpu.memory_space<vmem>>, vector<16xf32>,
          %parallel_loop3A_243 = arith.index_cast %parallel_loop3A_240 : i32 to index
          %parallel_loop3A_244 = tpu.vector_load %arg12[%parallel_loop3A_243] {strides = array<i32>} : memref<20000xi32, #tpu.memory_space<vmem>>, vector<16xi32>,
          %parallel_loop3A_245 = tpu.vector_load_idx %arg7[%parallel_loop3A_244] : memref<128xf32, #tpu.memory_space<vmem>>[vector<16xi32>], vector<16xf32>,
          %parallel_loop3A_246 = arith.subf %parallel_loop3A_242, %parallel_loop3A_245 : vector<16xf32>
          %parallel_loop3A_247 = arith.index_cast %parallel_loop3A_240 : i32 to index
          %parallel_loop3A_248 = tpu.vector_load %arg13[%parallel_loop3A_247] {strides = array<i32>} : memref<20000xi32, #tpu.memory_space<vmem>>, vector<16xi32>,
          %parallel_loop3A_249 = arith.constant 4 : i32
          %parallel_loop3A_250 = vector.broadcast %parallel_loop3A_249 : i32 to vector<16xi32>
          %parallel_loop3A_251 = arith.shli %parallel_loop3A_248, %parallel_loop3A_250 : vector<16xi32>
          %parallel_loop3A_252 = arith.addi %parallel_loop3A_251, %iota3A : vector<16xi32>
          %parallel_loop3A_253 = arith.mulf %parallel_loop3A_246, %parallel_loop3A_246 : vector<16xf32>
          tpu.vector_store_idx %arg14[%parallel_loop3A_252], %parallel_loop3A_253 {add = true} : memref<8192xf32, #tpu.memory_space<vmem>>[vector<16xi32>], vector<16xf32>,
        } {sc.loop_unroll_factor = 10 : i64, sc.parallel_access}
        %cond3A_236 = arith.constant 0 : i32
        scf.yield %cond3A_236 : i32
      }
    }
    %scan3A_53 = arith.constant 25 : i32
    %dma_wait3A_54 = tpu.memref_slice %arg2[%multiple_of3A_41] : memref<6400000xf32, #tpu.memory_space<hbm>> -> memref<20000xf32, #tpu.memory_space<hbm>>
    %dma_wait3A_55 = tpu.memref_slice %arg2[%multiple_of3A_41] : memref<6400000xf32, #tpu.memory_space<hbm>> -> memref<20000xf32, #tpu.memory_space<hbm>>
    tpu.wait_dma2 semaphore(%arg16 : memref<!tpu.dma_semaphore, #tpu.memory_space<semaphore_mem>>) src(%dma_wait3A_55 : memref<20000xf32, #tpu.memory_space<hbm>>) dst(%arg8 : memref<20000xf32, #tpu.memory_space<vmem>>)
    %dma_wait3A_56 = tpu.memref_slice %arg4[%multiple_of3A_41] : memref<6400000xi32, #tpu.memory_space<hbm>> -> memref<20000xi32, #tpu.memory_space<hbm>>
    %dma_wait3A_57 = tpu.memref_slice %arg4[%multiple_of3A_41] : memref<6400000xi32, #tpu.memory_space<hbm>> -> memref<20000xi32, #tpu.memory_space<hbm>>
    tpu.wait_dma2 semaphore(%arg16 : memref<!tpu.dma_semaphore, #tpu.memory_space<semaphore_mem>>) src(%dma_wait3A_57 : memref<20000xi32, #tpu.memory_space<hbm>>) dst(%arg9 : memref<20000xi32, #tpu.memory_space<vmem>>)
    %dma_wait3A_58 = tpu.memref_slice %arg5[%multiple_of3A_41] : memref<6400000xi32, #tpu.memory_space<hbm>> -> memref<20000xi32, #tpu.memory_space<hbm>>
    %dma_wait3A_59 = tpu.memref_slice %arg5[%multiple_of3A_41] : memref<6400000xi32, #tpu.memory_space<hbm>> -> memref<20000xi32, #tpu.memory_space<hbm>>
    tpu.wait_dma2 semaphore(%arg16 : memref<!tpu.dma_semaphore, #tpu.memory_space<semaphore_mem>>) src(%dma_wait3A_59 : memref<20000xi32, #tpu.memory_space<hbm>>) dst(%arg10 : memref<20000xi32, #tpu.memory_space<vmem>>)
    %add3A_60 = arith.constant 60000 : i32
    %add3A_61 = arith.addi %multiple_of3A, %add3A_60 : i32
    %multiple_of3A_62 = tpu.assume_multiple %add3A_61, 8 : i32
    %dma_start3A_63 = tpu.memref_slice %arg2[%multiple_of3A_62] : memref<6400000xf32, #tpu.memory_space<hbm>> -> memref<20000xf32, #tpu.memory_space<hbm>>
    %dma_start3A_64 = tpu.memref_slice %arg2[%multiple_of3A_62] : memref<6400000xf32, #tpu.memory_space<hbm>> -> memref<20000xf32, #tpu.memory_space<hbm>>
    tpu.enqueue_dma source(%dma_start3A_64 : memref<20000xf32, #tpu.memory_space<hbm>>) target(%arg11 : memref<20000xf32, #tpu.memory_space<vmem>>) target_semaphore(%arg17 : memref<!tpu.dma_semaphore, #tpu.memory_space<semaphore_mem>>)
    %dma_start3A_65 = tpu.memref_slice %arg4[%multiple_of3A_62] : memref<6400000xi32, #tpu.memory_space<hbm>> -> memref<20000xi32, #tpu.memory_space<hbm>>
    %dma_start3A_66 = tpu.memref_slice %arg4[%multiple_of3A_62] : memref<6400000xi32, #tpu.memory_space<hbm>> -> memref<20000xi32, #tpu.memory_space<hbm>>
    tpu.enqueue_dma source(%dma_start3A_66 : memref<20000xi32, #tpu.memory_space<hbm>>) target(%arg12 : memref<20000xi32, #tpu.memory_space<vmem>>) target_semaphore(%arg17 : memref<!tpu.dma_semaphore, #tpu.memory_space<semaphore_mem>>)
    %dma_start3A_67 = tpu.memref_slice %arg5[%multiple_of3A_62] : memref<6400000xi32, #tpu.memory_space<hbm>> -> memref<20000xi32, #tpu.memory_space<hbm>>
    %dma_start3A_68 = tpu.memref_slice %arg5[%multiple_of3A_62] : memref<6400000xi32, #tpu.memory_space<hbm>> -> memref<20000xi32, #tpu.memory_space<hbm>>
    tpu.enqueue_dma source(%dma_start3A_68 : memref<20000xi32, #tpu.memory_space<hbm>>) target(%arg13 : memref<20000xi32, #tpu.memory_space<vmem>>) target_semaphore(%arg17 : memref<!tpu.dma_semaphore, #tpu.memory_space<semaphore_mem>>)
    %scan3A_69 = arith.constant 0 : i32
    %scan3A_70 = arith.constant 0 : i32
    %scan3A_71 = arith.constant 25 : i32
    %scan3A_72 = arith.addi %scan3A_70, %scan3A_71 : i32
    %scan3A_73 = arith.constant 1 : i32
    scf.for %scan3A_218 = %scan3A_70 to %scan3A_72 step %scan3A_73  : i32 {
      %mul3A_219 = arith.constant 800 : i32
      %mul3A_220 = arith.muli %scan3A_218, %mul3A_219 : i32
      %get3A = arith.index_cast %mul3A_220 : i32 to index
      %get3A_221 = tpu.vector_load %arg10[%get3A] {strides = array<i32>} : memref<20000xi32, #tpu.memory_space<vmem>>, vector<16xi32>,
      %add3A_222 = arith.constant 800 : i32
      %add3A_223 = arith.addi %mul3A_220, %add3A_222 : i32
      %sub3A = arith.constant 16 : i32
      %sub3A_224 = arith.subi %add3A_223, %sub3A : i32
      %get3A_225 = arith.index_cast %sub3A_224 : i32 to index
      %get3A_226 = tpu.vector_load %arg10[%get3A_225] {strides = array<i32>} : memref<20000xi32, #tpu.memory_space<vmem>>, vector<16xi32>,
      %slice3A = vector.extract_strided_slice %get3A_221 {offsets = [0], sizes = [1], strides = [1]} : vector<16xi32> to vector<1xi32>
      %squeeze3A = vector.extract %slice3A[0] : i32 from vector<1xi32>
      %slice3A_227 = vector.extract_strided_slice %get3A_226 {offsets = [15], sizes = [1], strides = [1]} : vector<16xi32> to vector<1xi32>
      %squeeze3A_228 = vector.extract %slice3A_227[0] : i32 from vector<1xi32>
      %eq3A_229 = arith.cmpi eq, %squeeze3A, %squeeze3A_228 : i32
      %convert_element_type3A = arith.extui %eq3A_229 : i1 to i32
      %cond3A = arith.constant 0 : i32
      %cond3A_230 = arith.constant 0 : i32
      %cond3A_231 = arith.cmpi ne, %convert_element_type3A, %cond3A_230 : i32
      %cond3A_232 = scf.if %cond3A_231 -> (i32) {
        %parallel_loop3A_233 = arith.constant 0 : i32
        %parallel_loop3A_234 = arith.constant 50 : i32
        %parallel_loop3A_235 = arith.constant 1 : i32
        %parallel_loop3A_236 = scf.for %parallel_loop3A_241 = %parallel_loop3A_233 to %parallel_loop3A_234 step %parallel_loop3A_235 iter_args(%parallel_loop3A_242 = %broadcast_in_dim3A_11) -> (vector<16xf32>)  : i32 {
          %parallel_loop3A_243 = arith.constant 16 : i32
          %parallel_loop3A_244 = arith.muli %parallel_loop3A_241, %parallel_loop3A_243 : i32
          %parallel_loop3A_245 = arith.addi %mul3A_220, %parallel_loop3A_244 : i32
          %parallel_loop3A_246 = arith.index_cast %parallel_loop3A_245 : i32 to index
          %parallel_loop3A_247 = tpu.vector_load %arg8[%parallel_loop3A_246] {strides = array<i32>} : memref<20000xf32, #tpu.memory_space<vmem>>, vector<16xf32>,
          %parallel_loop3A_248 = arith.index_cast %parallel_loop3A_245 : i32 to index
          %parallel_loop3A_249 = tpu.vector_load %arg9[%parallel_loop3A_248] {strides = array<i32>} : memref<20000xi32, #tpu.memory_space<vmem>>, vector<16xi32>,
          %parallel_loop3A_250 = tpu.vector_load_idx %arg7[%parallel_loop3A_249] : memref<128xf32, #tpu.memory_space<vmem>>[vector<16xi32>], vector<16xf32>,
          %parallel_loop3A_251 = arith.subf %parallel_loop3A_247, %parallel_loop3A_250 : vector<16xf32>
          %parallel_loop3A_252 = arith.mulf %parallel_loop3A_251, %parallel_loop3A_251 : vector<16xf32>
          %parallel_loop3A_253 = arith.addf %parallel_loop3A_242, %parallel_loop3A_252 : vector<16xf32>
          scf.yield %parallel_loop3A_253 : vector<16xf32>
        } {sc.loop_unroll_factor = 10 : i64, sc.parallel_access}
        %shift_left3A = arith.constant 4 : i32
        %shift_left3A_237 = vector.broadcast %shift_left3A : i32 to vector<16xi32>
        %shift_left3A_238 = arith.shli %get3A_221, %shift_left3A_237 : vector<16xi32>
        %add3A_239 = arith.addi %shift_left3A_238, %iota3A : vector<16xi32>
        tpu.vector_store_idx %arg14[%add3A_239], %parallel_loop3A_236 {add = true} : memref<8192xf32, #tpu.memory_space<vmem>>[vector<16xi32>], vector<16xf32>,
        %cond3A_240 = arith.constant 0 : i32
        scf.yield %cond3A_240 : i32
      } else {
        %parallel_loop3A_233 = arith.constant 0 : i32
        %parallel_loop3A_234 = arith.constant 50 : i32
        %parallel_loop3A_235 = arith.constant 1 : i32
        scf.for %parallel_loop3A_237 = %parallel_loop3A_233 to %parallel_loop3A_234 step %parallel_loop3A_235  : i32 {
          %parallel_loop3A_238 = arith.constant 16 : i32
          %parallel_loop3A_239 = arith.muli %parallel_loop3A_237, %parallel_loop3A_238 : i32
          %parallel_loop3A_240 = arith.addi %mul3A_220, %parallel_loop3A_239 : i32
          %parallel_loop3A_241 = arith.index_cast %parallel_loop3A_240 : i32 to index
          %parallel_loop3A_242 = tpu.vector_load %arg8[%parallel_loop3A_241] {strides = array<i32>} : memref<20000xf32, #tpu.memory_space<vmem>>, vector<16xf32>,
          %parallel_loop3A_243 = arith.index_cast %parallel_loop3A_240 : i32 to index
          %parallel_loop3A_244 = tpu.vector_load %arg9[%parallel_loop3A_243] {strides = array<i32>} : memref<20000xi32, #tpu.memory_space<vmem>>, vector<16xi32>,
          %parallel_loop3A_245 = tpu.vector_load_idx %arg7[%parallel_loop3A_244] : memref<128xf32, #tpu.memory_space<vmem>>[vector<16xi32>], vector<16xf32>,
          %parallel_loop3A_246 = arith.subf %parallel_loop3A_242, %parallel_loop3A_245 : vector<16xf32>
          %parallel_loop3A_247 = arith.index_cast %parallel_loop3A_240 : i32 to index
          %parallel_loop3A_248 = tpu.vector_load %arg10[%parallel_loop3A_247] {strides = array<i32>} : memref<20000xi32, #tpu.memory_space<vmem>>, vector<16xi32>,
          %parallel_loop3A_249 = arith.constant 4 : i32
          %parallel_loop3A_250 = vector.broadcast %parallel_loop3A_249 : i32 to vector<16xi32>
          %parallel_loop3A_251 = arith.shli %parallel_loop3A_248, %parallel_loop3A_250 : vector<16xi32>
          %parallel_loop3A_252 = arith.addi %parallel_loop3A_251, %iota3A : vector<16xi32>
          %parallel_loop3A_253 = arith.mulf %parallel_loop3A_246, %parallel_loop3A_246 : vector<16xf32>
          tpu.vector_store_idx %arg14[%parallel_loop3A_252], %parallel_loop3A_253 {add = true} : memref<8192xf32, #tpu.memory_space<vmem>>[vector<16xi32>], vector<16xf32>,
        } {sc.loop_unroll_factor = 10 : i64, sc.parallel_access}
        %cond3A_236 = arith.constant 0 : i32
        scf.yield %cond3A_236 : i32
      }
    }
    %scan3A_74 = arith.constant 25 : i32
    %dma_wait3A_75 = tpu.memref_slice %arg2[%multiple_of3A_62] : memref<6400000xf32, #tpu.memory_space<hbm>> -> memref<20000xf32, #tpu.memory_space<hbm>>
    %dma_wait3A_76 = tpu.memref_slice %arg2[%multiple_of3A_62] : memref<6400000xf32, #tpu.memory_space<hbm>> -> memref<20000xf32, #tpu.memory_space<hbm>>
    tpu.wait_dma2 semaphore(%arg17 : memref<!tpu.dma_semaphore, #tpu.memory_space<semaphore_mem>>) src(%dma_wait3A_76 : memref<20000xf32, #tpu.memory_space<hbm>>) dst(%arg11 : memref<20000xf32, #tpu.memory_space<vmem>>)
    %dma_wait3A_77 = tpu.memref_slice %arg4[%multiple_of3A_62] : memref<6400000xi32, #tpu.memory_space<hbm>> -> memref<20000xi32, #tpu.memory_space<hbm>>
    %dma_wait3A_78 = tpu.memref_slice %arg4[%multiple_of3A_62] : memref<6400000xi32, #tpu.memory_space<hbm>> -> memref<20000xi32, #tpu.memory_space<hbm>>
    tpu.wait_dma2 semaphore(%arg17 : memref<!tpu.dma_semaphore, #tpu.memory_space<semaphore_mem>>) src(%dma_wait3A_78 : memref<20000xi32, #tpu.memory_space<hbm>>) dst(%arg12 : memref<20000xi32, #tpu.memory_space<vmem>>)
    %dma_wait3A_79 = tpu.memref_slice %arg5[%multiple_of3A_62] : memref<6400000xi32, #tpu.memory_space<hbm>> -> memref<20000xi32, #tpu.memory_space<hbm>>
    %dma_wait3A_80 = tpu.memref_slice %arg5[%multiple_of3A_62] : memref<6400000xi32, #tpu.memory_space<hbm>> -> memref<20000xi32, #tpu.memory_space<hbm>>
    tpu.wait_dma2 semaphore(%arg17 : memref<!tpu.dma_semaphore, #tpu.memory_space<semaphore_mem>>) src(%dma_wait3A_80 : memref<20000xi32, #tpu.memory_space<hbm>>) dst(%arg13 : memref<20000xi32, #tpu.memory_space<vmem>>)
    %add3A_81 = arith.constant 80000 : i32
    %add3A_82 = arith.addi %multiple_of3A, %add3A_81 : i32
    %multiple_of3A_83 = tpu.assume_multiple %add3A_82, 8 : i32
    %dma_start3A_84 = tpu.memref_slice %arg2[%multiple_of3A_83] : memref<6400000xf32, #tpu.memory_space<hbm>> -> memref<20000xf32, #tpu.memory_space<hbm>>
    %dma_start3A_85 = tpu.memref_slice %arg2[%multiple_of3A_83] : memref<6400000xf32, #tpu.memory_space<hbm>> -> memref<20000xf32, #tpu.memory_space<hbm>>
    tpu.enqueue_dma source(%dma_start3A_85 : memref<20000xf32, #tpu.memory_space<hbm>>) target(%arg8 : memref<20000xf32, #tpu.memory_space<vmem>>) target_semaphore(%arg16 : memref<!tpu.dma_semaphore, #tpu.memory_space<semaphore_mem>>)
    %dma_start3A_86 = tpu.memref_slice %arg4[%multiple_of3A_83] : memref<6400000xi32, #tpu.memory_space<hbm>> -> memref<20000xi32, #tpu.memory_space<hbm>>
    %dma_start3A_87 = tpu.memref_slice %arg4[%multiple_of3A_83] : memref<6400000xi32, #tpu.memory_space<hbm>> -> memref<20000xi32, #tpu.memory_space<hbm>>
    tpu.enqueue_dma source(%dma_start3A_87 : memref<20000xi32, #tpu.memory_space<hbm>>) target(%arg9 : memref<20000xi32, #tpu.memory_space<vmem>>) target_semaphore(%arg16 : memref<!tpu.dma_semaphore, #tpu.memory_space<semaphore_mem>>)
    %dma_start3A_88 = tpu.memref_slice %arg5[%multiple_of3A_83] : memref<6400000xi32, #tpu.memory_space<hbm>> -> memref<20000xi32, #tpu.memory_space<hbm>>
    %dma_start3A_89 = tpu.memref_slice %arg5[%multiple_of3A_83] : memref<6400000xi32, #tpu.memory_space<hbm>> -> memref<20000xi32, #tpu.memory_space<hbm>>
    tpu.enqueue_dma source(%dma_start3A_89 : memref<20000xi32, #tpu.memory_space<hbm>>) target(%arg10 : memref<20000xi32, #tpu.memory_space<vmem>>) target_semaphore(%arg16 : memref<!tpu.dma_semaphore, #tpu.memory_space<semaphore_mem>>)
    %scan3A_90 = arith.constant 0 : i32
    %scan3A_91 = arith.constant 0 : i32
    %scan3A_92 = arith.constant 25 : i32
    %scan3A_93 = arith.addi %scan3A_91, %scan3A_92 : i32
    %scan3A_94 = arith.constant 1 : i32
    scf.for %scan3A_218 = %scan3A_91 to %scan3A_93 step %scan3A_94  : i32 {
      %mul3A_219 = arith.constant 800 : i32
      %mul3A_220 = arith.muli %scan3A_218, %mul3A_219 : i32
      %get3A = arith.index_cast %mul3A_220 : i32 to index
      %get3A_221 = tpu.vector_load %arg13[%get3A] {strides = array<i32>} : memref<20000xi32, #tpu.memory_space<vmem>>, vector<16xi32>,
      %add3A_222 = arith.constant 800 : i32
      %add3A_223 = arith.addi %mul3A_220, %add3A_222 : i32
      %sub3A = arith.constant 16 : i32
      %sub3A_224 = arith.subi %add3A_223, %sub3A : i32
      %get3A_225 = arith.index_cast %sub3A_224 : i32 to index
      %get3A_226 = tpu.vector_load %arg13[%get3A_225] {strides = array<i32>} : memref<20000xi32, #tpu.memory_space<vmem>>, vector<16xi32>,
      %slice3A = vector.extract_strided_slice %get3A_221 {offsets = [0], sizes = [1], strides = [1]} : vector<16xi32> to vector<1xi32>
      %squeeze3A = vector.extract %slice3A[0] : i32 from vector<1xi32>
      %slice3A_227 = vector.extract_strided_slice %get3A_226 {offsets = [15], sizes = [1], strides = [1]} : vector<16xi32> to vector<1xi32>
      %squeeze3A_228 = vector.extract %slice3A_227[0] : i32 from vector<1xi32>
      %eq3A_229 = arith.cmpi eq, %squeeze3A, %squeeze3A_228 : i32
      %convert_element_type3A = arith.extui %eq3A_229 : i1 to i32
      %cond3A = arith.constant 0 : i32
      %cond3A_230 = arith.constant 0 : i32
      %cond3A_231 = arith.cmpi ne, %convert_element_type3A, %cond3A_230 : i32
      %cond3A_232 = scf.if %cond3A_231 -> (i32) {
        %parallel_loop3A_233 = arith.constant 0 : i32
        %parallel_loop3A_234 = arith.constant 50 : i32
        %parallel_loop3A_235 = arith.constant 1 : i32
        %parallel_loop3A_236 = scf.for %parallel_loop3A_241 = %parallel_loop3A_233 to %parallel_loop3A_234 step %parallel_loop3A_235 iter_args(%parallel_loop3A_242 = %broadcast_in_dim3A_11) -> (vector<16xf32>)  : i32 {
          %parallel_loop3A_243 = arith.constant 16 : i32
          %parallel_loop3A_244 = arith.muli %parallel_loop3A_241, %parallel_loop3A_243 : i32
          %parallel_loop3A_245 = arith.addi %mul3A_220, %parallel_loop3A_244 : i32
          %parallel_loop3A_246 = arith.index_cast %parallel_loop3A_245 : i32 to index
          %parallel_loop3A_247 = tpu.vector_load %arg11[%parallel_loop3A_246] {strides = array<i32>} : memref<20000xf32, #tpu.memory_space<vmem>>, vector<16xf32>,
          %parallel_loop3A_248 = arith.index_cast %parallel_loop3A_245 : i32 to index
          %parallel_loop3A_249 = tpu.vector_load %arg12[%parallel_loop3A_248] {strides = array<i32>} : memref<20000xi32, #tpu.memory_space<vmem>>, vector<16xi32>,
          %parallel_loop3A_250 = tpu.vector_load_idx %arg7[%parallel_loop3A_249] : memref<128xf32, #tpu.memory_space<vmem>>[vector<16xi32>], vector<16xf32>,
          %parallel_loop3A_251 = arith.subf %parallel_loop3A_247, %parallel_loop3A_250 : vector<16xf32>
          %parallel_loop3A_252 = arith.mulf %parallel_loop3A_251, %parallel_loop3A_251 : vector<16xf32>
          %parallel_loop3A_253 = arith.addf %parallel_loop3A_242, %parallel_loop3A_252 : vector<16xf32>
          scf.yield %parallel_loop3A_253 : vector<16xf32>
        } {sc.loop_unroll_factor = 10 : i64, sc.parallel_access}
        %shift_left3A = arith.constant 4 : i32
        %shift_left3A_237 = vector.broadcast %shift_left3A : i32 to vector<16xi32>
        %shift_left3A_238 = arith.shli %get3A_221, %shift_left3A_237 : vector<16xi32>
        %add3A_239 = arith.addi %shift_left3A_238, %iota3A : vector<16xi32>
        tpu.vector_store_idx %arg14[%add3A_239], %parallel_loop3A_236 {add = true} : memref<8192xf32, #tpu.memory_space<vmem>>[vector<16xi32>], vector<16xf32>,
        %cond3A_240 = arith.constant 0 : i32
        scf.yield %cond3A_240 : i32
      } else {
        %parallel_loop3A_233 = arith.constant 0 : i32
        %parallel_loop3A_234 = arith.constant 50 : i32
        %parallel_loop3A_235 = arith.constant 1 : i32
        scf.for %parallel_loop3A_237 = %parallel_loop3A_233 to %parallel_loop3A_234 step %parallel_loop3A_235  : i32 {
          %parallel_loop3A_238 = arith.constant 16 : i32
          %parallel_loop3A_239 = arith.muli %parallel_loop3A_237, %parallel_loop3A_238 : i32
          %parallel_loop3A_240 = arith.addi %mul3A_220, %parallel_loop3A_239 : i32
          %parallel_loop3A_241 = arith.index_cast %parallel_loop3A_240 : i32 to index
          %parallel_loop3A_242 = tpu.vector_load %arg11[%parallel_loop3A_241] {strides = array<i32>} : memref<20000xf32, #tpu.memory_space<vmem>>, vector<16xf32>,
          %parallel_loop3A_243 = arith.index_cast %parallel_loop3A_240 : i32 to index
          %parallel_loop3A_244 = tpu.vector_load %arg12[%parallel_loop3A_243] {strides = array<i32>} : memref<20000xi32, #tpu.memory_space<vmem>>, vector<16xi32>,
          %parallel_loop3A_245 = tpu.vector_load_idx %arg7[%parallel_loop3A_244] : memref<128xf32, #tpu.memory_space<vmem>>[vector<16xi32>], vector<16xf32>,
          %parallel_loop3A_246 = arith.subf %parallel_loop3A_242, %parallel_loop3A_245 : vector<16xf32>
          %parallel_loop3A_247 = arith.index_cast %parallel_loop3A_240 : i32 to index
          %parallel_loop3A_248 = tpu.vector_load %arg13[%parallel_loop3A_247] {strides = array<i32>} : memref<20000xi32, #tpu.memory_space<vmem>>, vector<16xi32>,
          %parallel_loop3A_249 = arith.constant 4 : i32
          %parallel_loop3A_250 = vector.broadcast %parallel_loop3A_249 : i32 to vector<16xi32>
          %parallel_loop3A_251 = arith.shli %parallel_loop3A_248, %parallel_loop3A_250 : vector<16xi32>
          %parallel_loop3A_252 = arith.addi %parallel_loop3A_251, %iota3A : vector<16xi32>
          %parallel_loop3A_253 = arith.mulf %parallel_loop3A_246, %parallel_loop3A_246 : vector<16xf32>
          tpu.vector_store_idx %arg14[%parallel_loop3A_252], %parallel_loop3A_253 {add = true} : memref<8192xf32, #tpu.memory_space<vmem>>[vector<16xi32>], vector<16xf32>,
        } {sc.loop_unroll_factor = 10 : i64, sc.parallel_access}
        %cond3A_236 = arith.constant 0 : i32
        scf.yield %cond3A_236 : i32
      }
    }
    %scan3A_95 = arith.constant 25 : i32
    %dma_wait3A_96 = tpu.memref_slice %arg2[%multiple_of3A_83] : memref<6400000xf32, #tpu.memory_space<hbm>> -> memref<20000xf32, #tpu.memory_space<hbm>>
    %dma_wait3A_97 = tpu.memref_slice %arg2[%multiple_of3A_83] : memref<6400000xf32, #tpu.memory_space<hbm>> -> memref<20000xf32, #tpu.memory_space<hbm>>
    tpu.wait_dma2 semaphore(%arg16 : memref<!tpu.dma_semaphore, #tpu.memory_space<semaphore_mem>>) src(%dma_wait3A_97 : memref<20000xf32, #tpu.memory_space<hbm>>) dst(%arg8 : memref<20000xf32, #tpu.memory_space<vmem>>)
    %dma_wait3A_98 = tpu.memref_slice %arg4[%multiple_of3A_83] : memref<6400000xi32, #tpu.memory_space<hbm>> -> memref<20000xi32, #tpu.memory_space<hbm>>
    %dma_wait3A_99 = tpu.memref_slice %arg4[%multiple_of3A_83] : memref<6400000xi32, #tpu.memory_space<hbm>> -> memref<20000xi32, #tpu.memory_space<hbm>>
    tpu.wait_dma2 semaphore(%arg16 : memref<!tpu.dma_semaphore, #tpu.memory_space<semaphore_mem>>) src(%dma_wait3A_99 : memref<20000xi32, #tpu.memory_space<hbm>>) dst(%arg9 : memref<20000xi32, #tpu.memory_space<vmem>>)
    %dma_wait3A_100 = tpu.memref_slice %arg5[%multiple_of3A_83] : memref<6400000xi32, #tpu.memory_space<hbm>> -> memref<20000xi32, #tpu.memory_space<hbm>>
    %dma_wait3A_101 = tpu.memref_slice %arg5[%multiple_of3A_83] : memref<6400000xi32, #tpu.memory_space<hbm>> -> memref<20000xi32, #tpu.memory_space<hbm>>
    tpu.wait_dma2 semaphore(%arg16 : memref<!tpu.dma_semaphore, #tpu.memory_space<semaphore_mem>>) src(%dma_wait3A_101 : memref<20000xi32, #tpu.memory_space<hbm>>) dst(%arg10 : memref<20000xi32, #tpu.memory_space<vmem>>)
    %add3A_102 = arith.constant 100000 : i32
    %add3A_103 = arith.addi %multiple_of3A, %add3A_102 : i32
    %multiple_of3A_104 = tpu.assume_multiple %add3A_103, 8 : i32
    %dma_start3A_105 = tpu.memref_slice %arg2[%multiple_of3A_104] : memref<6400000xf32, #tpu.memory_space<hbm>> -> memref<20000xf32, #tpu.memory_space<hbm>>
    %dma_start3A_106 = tpu.memref_slice %arg2[%multiple_of3A_104] : memref<6400000xf32, #tpu.memory_space<hbm>> -> memref<20000xf32, #tpu.memory_space<hbm>>
    tpu.enqueue_dma source(%dma_start3A_106 : memref<20000xf32, #tpu.memory_space<hbm>>) target(%arg11 : memref<20000xf32, #tpu.memory_space<vmem>>) target_semaphore(%arg17 : memref<!tpu.dma_semaphore, #tpu.memory_space<semaphore_mem>>)
    %dma_start3A_107 = tpu.memref_slice %arg4[%multiple_of3A_104] : memref<6400000xi32, #tpu.memory_space<hbm>> -> memref<20000xi32, #tpu.memory_space<hbm>>
    %dma_start3A_108 = tpu.memref_slice %arg4[%multiple_of3A_104] : memref<6400000xi32, #tpu.memory_space<hbm>> -> memref<20000xi32, #tpu.memory_space<hbm>>
    tpu.enqueue_dma source(%dma_start3A_108 : memref<20000xi32, #tpu.memory_space<hbm>>) target(%arg12 : memref<20000xi32, #tpu.memory_space<vmem>>) target_semaphore(%arg17 : memref<!tpu.dma_semaphore, #tpu.memory_space<semaphore_mem>>)
    %dma_start3A_109 = tpu.memref_slice %arg5[%multiple_of3A_104] : memref<6400000xi32, #tpu.memory_space<hbm>> -> memref<20000xi32, #tpu.memory_space<hbm>>
    %dma_start3A_110 = tpu.memref_slice %arg5[%multiple_of3A_104] : memref<6400000xi32, #tpu.memory_space<hbm>> -> memref<20000xi32, #tpu.memory_space<hbm>>
    tpu.enqueue_dma source(%dma_start3A_110 : memref<20000xi32, #tpu.memory_space<hbm>>) target(%arg13 : memref<20000xi32, #tpu.memory_space<vmem>>) target_semaphore(%arg17 : memref<!tpu.dma_semaphore, #tpu.memory_space<semaphore_mem>>)
    %scan3A_111 = arith.constant 0 : i32
    %scan3A_112 = arith.constant 0 : i32
    %scan3A_113 = arith.constant 25 : i32
    %scan3A_114 = arith.addi %scan3A_112, %scan3A_113 : i32
    %scan3A_115 = arith.constant 1 : i32
    scf.for %scan3A_218 = %scan3A_112 to %scan3A_114 step %scan3A_115  : i32 {
      %mul3A_219 = arith.constant 800 : i32
      %mul3A_220 = arith.muli %scan3A_218, %mul3A_219 : i32
      %get3A = arith.index_cast %mul3A_220 : i32 to index
      %get3A_221 = tpu.vector_load %arg10[%get3A] {strides = array<i32>} : memref<20000xi32, #tpu.memory_space<vmem>>, vector<16xi32>,
      %add3A_222 = arith.constant 800 : i32
      %add3A_223 = arith.addi %mul3A_220, %add3A_222 : i32
      %sub3A = arith.constant 16 : i32
      %sub3A_224 = arith.subi %add3A_223, %sub3A : i32
      %get3A_225 = arith.index_cast %sub3A_224 : i32 to index
      %get3A_226 = tpu.vector_load %arg10[%get3A_225] {strides = array<i32>} : memref<20000xi32, #tpu.memory_space<vmem>>, vector<16xi32>,
      %slice3A = vector.extract_strided_slice %get3A_221 {offsets = [0], sizes = [1], strides = [1]} : vector<16xi32> to vector<1xi32>
      %squeeze3A = vector.extract %slice3A[0] : i32 from vector<1xi32>
      %slice3A_227 = vector.extract_strided_slice %get3A_226 {offsets = [15], sizes = [1], strides = [1]} : vector<16xi32> to vector<1xi32>
      %squeeze3A_228 = vector.extract %slice3A_227[0] : i32 from vector<1xi32>
      %eq3A_229 = arith.cmpi eq, %squeeze3A, %squeeze3A_228 : i32
      %convert_element_type3A = arith.extui %eq3A_229 : i1 to i32
      %cond3A = arith.constant 0 : i32
      %cond3A_230 = arith.constant 0 : i32
      %cond3A_231 = arith.cmpi ne, %convert_element_type3A, %cond3A_230 : i32
      %cond3A_232 = scf.if %cond3A_231 -> (i32) {
        %parallel_loop3A_233 = arith.constant 0 : i32
        %parallel_loop3A_234 = arith.constant 50 : i32
        %parallel_loop3A_235 = arith.constant 1 : i32
        %parallel_loop3A_236 = scf.for %parallel_loop3A_241 = %parallel_loop3A_233 to %parallel_loop3A_234 step %parallel_loop3A_235 iter_args(%parallel_loop3A_242 = %broadcast_in_dim3A_11) -> (vector<16xf32>)  : i32 {
          %parallel_loop3A_243 = arith.constant 16 : i32
          %parallel_loop3A_244 = arith.muli %parallel_loop3A_241, %parallel_loop3A_243 : i32
          %parallel_loop3A_245 = arith.addi %mul3A_220, %parallel_loop3A_244 : i32
          %parallel_loop3A_246 = arith.index_cast %parallel_loop3A_245 : i32 to index
          %parallel_loop3A_247 = tpu.vector_load %arg8[%parallel_loop3A_246] {strides = array<i32>} : memref<20000xf32, #tpu.memory_space<vmem>>, vector<16xf32>,
          %parallel_loop3A_248 = arith.index_cast %parallel_loop3A_245 : i32 to index
          %parallel_loop3A_249 = tpu.vector_load %arg9[%parallel_loop3A_248] {strides = array<i32>} : memref<20000xi32, #tpu.memory_space<vmem>>, vector<16xi32>,
          %parallel_loop3A_250 = tpu.vector_load_idx %arg7[%parallel_loop3A_249] : memref<128xf32, #tpu.memory_space<vmem>>[vector<16xi32>], vector<16xf32>,
          %parallel_loop3A_251 = arith.subf %parallel_loop3A_247, %parallel_loop3A_250 : vector<16xf32>
          %parallel_loop3A_252 = arith.mulf %parallel_loop3A_251, %parallel_loop3A_251 : vector<16xf32>
          %parallel_loop3A_253 = arith.addf %parallel_loop3A_242, %parallel_loop3A_252 : vector<16xf32>
          scf.yield %parallel_loop3A_253 : vector<16xf32>
        } {sc.loop_unroll_factor = 10 : i64, sc.parallel_access}
        %shift_left3A = arith.constant 4 : i32
        %shift_left3A_237 = vector.broadcast %shift_left3A : i32 to vector<16xi32>
        %shift_left3A_238 = arith.shli %get3A_221, %shift_left3A_237 : vector<16xi32>
        %add3A_239 = arith.addi %shift_left3A_238, %iota3A : vector<16xi32>
        tpu.vector_store_idx %arg14[%add3A_239], %parallel_loop3A_236 {add = true} : memref<8192xf32, #tpu.memory_space<vmem>>[vector<16xi32>], vector<16xf32>,
        %cond3A_240 = arith.constant 0 : i32
        scf.yield %cond3A_240 : i32
      } else {
        %parallel_loop3A_233 = arith.constant 0 : i32
        %parallel_loop3A_234 = arith.constant 50 : i32
        %parallel_loop3A_235 = arith.constant 1 : i32
        scf.for %parallel_loop3A_237 = %parallel_loop3A_233 to %parallel_loop3A_234 step %parallel_loop3A_235  : i32 {
          %parallel_loop3A_238 = arith.constant 16 : i32
          %parallel_loop3A_239 = arith.muli %parallel_loop3A_237, %parallel_loop3A_238 : i32
          %parallel_loop3A_240 = arith.addi %mul3A_220, %parallel_loop3A_239 : i32
          %parallel_loop3A_241 = arith.index_cast %parallel_loop3A_240 : i32 to index
          %parallel_loop3A_242 = tpu.vector_load %arg8[%parallel_loop3A_241] {strides = array<i32>} : memref<20000xf32, #tpu.memory_space<vmem>>, vector<16xf32>,
          %parallel_loop3A_243 = arith.index_cast %parallel_loop3A_240 : i32 to index
          %parallel_loop3A_244 = tpu.vector_load %arg9[%parallel_loop3A_243] {strides = array<i32>} : memref<20000xi32, #tpu.memory_space<vmem>>, vector<16xi32>,
          %parallel_loop3A_245 = tpu.vector_load_idx %arg7[%parallel_loop3A_244] : memref<128xf32, #tpu.memory_space<vmem>>[vector<16xi32>], vector<16xf32>,
          %parallel_loop3A_246 = arith.subf %parallel_loop3A_242, %parallel_loop3A_245 : vector<16xf32>
          %parallel_loop3A_247 = arith.index_cast %parallel_loop3A_240 : i32 to index
          %parallel_loop3A_248 = tpu.vector_load %arg10[%parallel_loop3A_247] {strides = array<i32>} : memref<20000xi32, #tpu.memory_space<vmem>>, vector<16xi32>,
          %parallel_loop3A_249 = arith.constant 4 : i32
          %parallel_loop3A_250 = vector.broadcast %parallel_loop3A_249 : i32 to vector<16xi32>
          %parallel_loop3A_251 = arith.shli %parallel_loop3A_248, %parallel_loop3A_250 : vector<16xi32>
          %parallel_loop3A_252 = arith.addi %parallel_loop3A_251, %iota3A : vector<16xi32>
          %parallel_loop3A_253 = arith.mulf %parallel_loop3A_246, %parallel_loop3A_246 : vector<16xf32>
          tpu.vector_store_idx %arg14[%parallel_loop3A_252], %parallel_loop3A_253 {add = true} : memref<8192xf32, #tpu.memory_space<vmem>>[vector<16xi32>], vector<16xf32>,
        } {sc.loop_unroll_factor = 10 : i64, sc.parallel_access}
        %cond3A_236 = arith.constant 0 : i32
        scf.yield %cond3A_236 : i32
      }
    }
    %scan3A_116 = arith.constant 25 : i32
    %dma_wait3A_117 = tpu.memref_slice %arg2[%multiple_of3A_104] : memref<6400000xf32, #tpu.memory_space<hbm>> -> memref<20000xf32, #tpu.memory_space<hbm>>
    %dma_wait3A_118 = tpu.memref_slice %arg2[%multiple_of3A_104] : memref<6400000xf32, #tpu.memory_space<hbm>> -> memref<20000xf32, #tpu.memory_space<hbm>>
    tpu.wait_dma2 semaphore(%arg17 : memref<!tpu.dma_semaphore, #tpu.memory_space<semaphore_mem>>) src(%dma_wait3A_118 : memref<20000xf32, #tpu.memory_space<hbm>>) dst(%arg11 : memref<20000xf32, #tpu.memory_space<vmem>>)
    %dma_wait3A_119 = tpu.memref_slice %arg4[%multiple_of3A_104] : memref<6400000xi32, #tpu.memory_space<hbm>> -> memref<20000xi32, #tpu.memory_space<hbm>>
    %dma_wait3A_120 = tpu.memref_slice %arg4[%multiple_of3A_104] : memref<6400000xi32, #tpu.memory_space<hbm>> -> memref<20000xi32, #tpu.memory_space<hbm>>
    tpu.wait_dma2 semaphore(%arg17 : memref<!tpu.dma_semaphore, #tpu.memory_space<semaphore_mem>>) src(%dma_wait3A_120 : memref<20000xi32, #tpu.memory_space<hbm>>) dst(%arg12 : memref<20000xi32, #tpu.memory_space<vmem>>)
    %dma_wait3A_121 = tpu.memref_slice %arg5[%multiple_of3A_104] : memref<6400000xi32, #tpu.memory_space<hbm>> -> memref<20000xi32, #tpu.memory_space<hbm>>
    %dma_wait3A_122 = tpu.memref_slice %arg5[%multiple_of3A_104] : memref<6400000xi32, #tpu.memory_space<hbm>> -> memref<20000xi32, #tpu.memory_space<hbm>>
    tpu.wait_dma2 semaphore(%arg17 : memref<!tpu.dma_semaphore, #tpu.memory_space<semaphore_mem>>) src(%dma_wait3A_122 : memref<20000xi32, #tpu.memory_space<hbm>>) dst(%arg13 : memref<20000xi32, #tpu.memory_space<vmem>>)
    %add3A_123 = arith.constant 120000 : i32
    %add3A_124 = arith.addi %multiple_of3A, %add3A_123 : i32
    %multiple_of3A_125 = tpu.assume_multiple %add3A_124, 8 : i32
    %dma_start3A_126 = tpu.memref_slice %arg2[%multiple_of3A_125] : memref<6400000xf32, #tpu.memory_space<hbm>> -> memref<20000xf32, #tpu.memory_space<hbm>>
    %dma_start3A_127 = tpu.memref_slice %arg2[%multiple_of3A_125] : memref<6400000xf32, #tpu.memory_space<hbm>> -> memref<20000xf32, #tpu.memory_space<hbm>>
    tpu.enqueue_dma source(%dma_start3A_127 : memref<20000xf32, #tpu.memory_space<hbm>>) target(%arg8 : memref<20000xf32, #tpu.memory_space<vmem>>) target_semaphore(%arg16 : memref<!tpu.dma_semaphore, #tpu.memory_space<semaphore_mem>>)
    %dma_start3A_128 = tpu.memref_slice %arg4[%multiple_of3A_125] : memref<6400000xi32, #tpu.memory_space<hbm>> -> memref<20000xi32, #tpu.memory_space<hbm>>
    %dma_start3A_129 = tpu.memref_slice %arg4[%multiple_of3A_125] : memref<6400000xi32, #tpu.memory_space<hbm>> -> memref<20000xi32, #tpu.memory_space<hbm>>
    tpu.enqueue_dma source(%dma_start3A_129 : memref<20000xi32, #tpu.memory_space<hbm>>) target(%arg9 : memref<20000xi32, #tpu.memory_space<vmem>>) target_semaphore(%arg16 : memref<!tpu.dma_semaphore, #tpu.memory_space<semaphore_mem>>)
    %dma_start3A_130 = tpu.memref_slice %arg5[%multiple_of3A_125] : memref<6400000xi32, #tpu.memory_space<hbm>> -> memref<20000xi32, #tpu.memory_space<hbm>>
    %dma_start3A_131 = tpu.memref_slice %arg5[%multiple_of3A_125] : memref<6400000xi32, #tpu.memory_space<hbm>> -> memref<20000xi32, #tpu.memory_space<hbm>>
    tpu.enqueue_dma source(%dma_start3A_131 : memref<20000xi32, #tpu.memory_space<hbm>>) target(%arg10 : memref<20000xi32, #tpu.memory_space<vmem>>) target_semaphore(%arg16 : memref<!tpu.dma_semaphore, #tpu.memory_space<semaphore_mem>>)
    %scan3A_132 = arith.constant 0 : i32
    %scan3A_133 = arith.constant 0 : i32
    %scan3A_134 = arith.constant 25 : i32
    %scan3A_135 = arith.addi %scan3A_133, %scan3A_134 : i32
    %scan3A_136 = arith.constant 1 : i32
    scf.for %scan3A_218 = %scan3A_133 to %scan3A_135 step %scan3A_136  : i32 {
      %mul3A_219 = arith.constant 800 : i32
      %mul3A_220 = arith.muli %scan3A_218, %mul3A_219 : i32
      %get3A = arith.index_cast %mul3A_220 : i32 to index
      %get3A_221 = tpu.vector_load %arg13[%get3A] {strides = array<i32>} : memref<20000xi32, #tpu.memory_space<vmem>>, vector<16xi32>,
      %add3A_222 = arith.constant 800 : i32
      %add3A_223 = arith.addi %mul3A_220, %add3A_222 : i32
      %sub3A = arith.constant 16 : i32
      %sub3A_224 = arith.subi %add3A_223, %sub3A : i32
      %get3A_225 = arith.index_cast %sub3A_224 : i32 to index
      %get3A_226 = tpu.vector_load %arg13[%get3A_225] {strides = array<i32>} : memref<20000xi32, #tpu.memory_space<vmem>>, vector<16xi32>,
      %slice3A = vector.extract_strided_slice %get3A_221 {offsets = [0], sizes = [1], strides = [1]} : vector<16xi32> to vector<1xi32>
      %squeeze3A = vector.extract %slice3A[0] : i32 from vector<1xi32>
      %slice3A_227 = vector.extract_strided_slice %get3A_226 {offsets = [15], sizes = [1], strides = [1]} : vector<16xi32> to vector<1xi32>
      %squeeze3A_228 = vector.extract %slice3A_227[0] : i32 from vector<1xi32>
      %eq3A_229 = arith.cmpi eq, %squeeze3A, %squeeze3A_228 : i32
      %convert_element_type3A = arith.extui %eq3A_229 : i1 to i32
      %cond3A = arith.constant 0 : i32
      %cond3A_230 = arith.constant 0 : i32
      %cond3A_231 = arith.cmpi ne, %convert_element_type3A, %cond3A_230 : i32
      %cond3A_232 = scf.if %cond3A_231 -> (i32) {
        %parallel_loop3A_233 = arith.constant 0 : i32
        %parallel_loop3A_234 = arith.constant 50 : i32
        %parallel_loop3A_235 = arith.constant 1 : i32
        %parallel_loop3A_236 = scf.for %parallel_loop3A_241 = %parallel_loop3A_233 to %parallel_loop3A_234 step %parallel_loop3A_235 iter_args(%parallel_loop3A_242 = %broadcast_in_dim3A_11) -> (vector<16xf32>)  : i32 {
          %parallel_loop3A_243 = arith.constant 16 : i32
          %parallel_loop3A_244 = arith.muli %parallel_loop3A_241, %parallel_loop3A_243 : i32
          %parallel_loop3A_245 = arith.addi %mul3A_220, %parallel_loop3A_244 : i32
          %parallel_loop3A_246 = arith.index_cast %parallel_loop3A_245 : i32 to index
          %parallel_loop3A_247 = tpu.vector_load %arg11[%parallel_loop3A_246] {strides = array<i32>} : memref<20000xf32, #tpu.memory_space<vmem>>, vector<16xf32>,
          %parallel_loop3A_248 = arith.index_cast %parallel_loop3A_245 : i32 to index
          %parallel_loop3A_249 = tpu.vector_load %arg12[%parallel_loop3A_248] {strides = array<i32>} : memref<20000xi32, #tpu.memory_space<vmem>>, vector<16xi32>,
          %parallel_loop3A_250 = tpu.vector_load_idx %arg7[%parallel_loop3A_249] : memref<128xf32, #tpu.memory_space<vmem>>[vector<16xi32>], vector<16xf32>,
          %parallel_loop3A_251 = arith.subf %parallel_loop3A_247, %parallel_loop3A_250 : vector<16xf32>
          %parallel_loop3A_252 = arith.mulf %parallel_loop3A_251, %parallel_loop3A_251 : vector<16xf32>
          %parallel_loop3A_253 = arith.addf %parallel_loop3A_242, %parallel_loop3A_252 : vector<16xf32>
          scf.yield %parallel_loop3A_253 : vector<16xf32>
        } {sc.loop_unroll_factor = 10 : i64, sc.parallel_access}
        %shift_left3A = arith.constant 4 : i32
        %shift_left3A_237 = vector.broadcast %shift_left3A : i32 to vector<16xi32>
        %shift_left3A_238 = arith.shli %get3A_221, %shift_left3A_237 : vector<16xi32>
        %add3A_239 = arith.addi %shift_left3A_238, %iota3A : vector<16xi32>
        tpu.vector_store_idx %arg14[%add3A_239], %parallel_loop3A_236 {add = true} : memref<8192xf32, #tpu.memory_space<vmem>>[vector<16xi32>], vector<16xf32>,
        %cond3A_240 = arith.constant 0 : i32
        scf.yield %cond3A_240 : i32
      } else {
        %parallel_loop3A_233 = arith.constant 0 : i32
        %parallel_loop3A_234 = arith.constant 50 : i32
        %parallel_loop3A_235 = arith.constant 1 : i32
        scf.for %parallel_loop3A_237 = %parallel_loop3A_233 to %parallel_loop3A_234 step %parallel_loop3A_235  : i32 {
          %parallel_loop3A_238 = arith.constant 16 : i32
          %parallel_loop3A_239 = arith.muli %parallel_loop3A_237, %parallel_loop3A_238 : i32
          %parallel_loop3A_240 = arith.addi %mul3A_220, %parallel_loop3A_239 : i32
          %parallel_loop3A_241 = arith.index_cast %parallel_loop3A_240 : i32 to index
          %parallel_loop3A_242 = tpu.vector_load %arg11[%parallel_loop3A_241] {strides = array<i32>} : memref<20000xf32, #tpu.memory_space<vmem>>, vector<16xf32>,
          %parallel_loop3A_243 = arith.index_cast %parallel_loop3A_240 : i32 to index
          %parallel_loop3A_244 = tpu.vector_load %arg12[%parallel_loop3A_243] {strides = array<i32>} : memref<20000xi32, #tpu.memory_space<vmem>>, vector<16xi32>,
          %parallel_loop3A_245 = tpu.vector_load_idx %arg7[%parallel_loop3A_244] : memref<128xf32, #tpu.memory_space<vmem>>[vector<16xi32>], vector<16xf32>,
          %parallel_loop3A_246 = arith.subf %parallel_loop3A_242, %parallel_loop3A_245 : vector<16xf32>
          %parallel_loop3A_247 = arith.index_cast %parallel_loop3A_240 : i32 to index
          %parallel_loop3A_248 = tpu.vector_load %arg13[%parallel_loop3A_247] {strides = array<i32>} : memref<20000xi32, #tpu.memory_space<vmem>>, vector<16xi32>,
          %parallel_loop3A_249 = arith.constant 4 : i32
          %parallel_loop3A_250 = vector.broadcast %parallel_loop3A_249 : i32 to vector<16xi32>
          %parallel_loop3A_251 = arith.shli %parallel_loop3A_248, %parallel_loop3A_250 : vector<16xi32>
          %parallel_loop3A_252 = arith.addi %parallel_loop3A_251, %iota3A : vector<16xi32>
          %parallel_loop3A_253 = arith.mulf %parallel_loop3A_246, %parallel_loop3A_246 : vector<16xf32>
          tpu.vector_store_idx %arg14[%parallel_loop3A_252], %parallel_loop3A_253 {add = true} : memref<8192xf32, #tpu.memory_space<vmem>>[vector<16xi32>], vector<16xf32>,
        } {sc.loop_unroll_factor = 10 : i64, sc.parallel_access}
        %cond3A_236 = arith.constant 0 : i32
        scf.yield %cond3A_236 : i32
      }
    }
    %scan3A_137 = arith.constant 25 : i32
    %dma_wait3A_138 = tpu.memref_slice %arg2[%multiple_of3A_125] : memref<6400000xf32, #tpu.memory_space<hbm>> -> memref<20000xf32, #tpu.memory_space<hbm>>
    %dma_wait3A_139 = tpu.memref_slice %arg2[%multiple_of3A_125] : memref<6400000xf32, #tpu.memory_space<hbm>> -> memref<20000xf32, #tpu.memory_space<hbm>>
    tpu.wait_dma2 semaphore(%arg16 : memref<!tpu.dma_semaphore, #tpu.memory_space<semaphore_mem>>) src(%dma_wait3A_139 : memref<20000xf32, #tpu.memory_space<hbm>>) dst(%arg8 : memref<20000xf32, #tpu.memory_space<vmem>>)
    %dma_wait3A_140 = tpu.memref_slice %arg4[%multiple_of3A_125] : memref<6400000xi32, #tpu.memory_space<hbm>> -> memref<20000xi32, #tpu.memory_space<hbm>>
    %dma_wait3A_141 = tpu.memref_slice %arg4[%multiple_of3A_125] : memref<6400000xi32, #tpu.memory_space<hbm>> -> memref<20000xi32, #tpu.memory_space<hbm>>
    tpu.wait_dma2 semaphore(%arg16 : memref<!tpu.dma_semaphore, #tpu.memory_space<semaphore_mem>>) src(%dma_wait3A_141 : memref<20000xi32, #tpu.memory_space<hbm>>) dst(%arg9 : memref<20000xi32, #tpu.memory_space<vmem>>)
    %dma_wait3A_142 = tpu.memref_slice %arg5[%multiple_of3A_125] : memref<6400000xi32, #tpu.memory_space<hbm>> -> memref<20000xi32, #tpu.memory_space<hbm>>
    %dma_wait3A_143 = tpu.memref_slice %arg5[%multiple_of3A_125] : memref<6400000xi32, #tpu.memory_space<hbm>> -> memref<20000xi32, #tpu.memory_space<hbm>>
    tpu.wait_dma2 semaphore(%arg16 : memref<!tpu.dma_semaphore, #tpu.memory_space<semaphore_mem>>) src(%dma_wait3A_143 : memref<20000xi32, #tpu.memory_space<hbm>>) dst(%arg10 : memref<20000xi32, #tpu.memory_space<vmem>>)
    %add3A_144 = arith.constant 140000 : i32
    %add3A_145 = arith.addi %multiple_of3A, %add3A_144 : i32
    %multiple_of3A_146 = tpu.assume_multiple %add3A_145, 8 : i32
    %dma_start3A_147 = tpu.memref_slice %arg2[%multiple_of3A_146] : memref<6400000xf32, #tpu.memory_space<hbm>> -> memref<20000xf32, #tpu.memory_space<hbm>>
    %dma_start3A_148 = tpu.memref_slice %arg2[%multiple_of3A_146] : memref<6400000xf32, #tpu.memory_space<hbm>> -> memref<20000xf32, #tpu.memory_space<hbm>>
    tpu.enqueue_dma source(%dma_start3A_148 : memref<20000xf32, #tpu.memory_space<hbm>>) target(%arg11 : memref<20000xf32, #tpu.memory_space<vmem>>) target_semaphore(%arg17 : memref<!tpu.dma_semaphore, #tpu.memory_space<semaphore_mem>>)
    %dma_start3A_149 = tpu.memref_slice %arg4[%multiple_of3A_146] : memref<6400000xi32, #tpu.memory_space<hbm>> -> memref<20000xi32, #tpu.memory_space<hbm>>
    %dma_start3A_150 = tpu.memref_slice %arg4[%multiple_of3A_146] : memref<6400000xi32, #tpu.memory_space<hbm>> -> memref<20000xi32, #tpu.memory_space<hbm>>
    tpu.enqueue_dma source(%dma_start3A_150 : memref<20000xi32, #tpu.memory_space<hbm>>) target(%arg12 : memref<20000xi32, #tpu.memory_space<vmem>>) target_semaphore(%arg17 : memref<!tpu.dma_semaphore, #tpu.memory_space<semaphore_mem>>)
    %dma_start3A_151 = tpu.memref_slice %arg5[%multiple_of3A_146] : memref<6400000xi32, #tpu.memory_space<hbm>> -> memref<20000xi32, #tpu.memory_space<hbm>>
    %dma_start3A_152 = tpu.memref_slice %arg5[%multiple_of3A_146] : memref<6400000xi32, #tpu.memory_space<hbm>> -> memref<20000xi32, #tpu.memory_space<hbm>>
    tpu.enqueue_dma source(%dma_start3A_152 : memref<20000xi32, #tpu.memory_space<hbm>>) target(%arg13 : memref<20000xi32, #tpu.memory_space<vmem>>) target_semaphore(%arg17 : memref<!tpu.dma_semaphore, #tpu.memory_space<semaphore_mem>>)
    %scan3A_153 = arith.constant 0 : i32
    %scan3A_154 = arith.constant 0 : i32
    %scan3A_155 = arith.constant 25 : i32
    %scan3A_156 = arith.addi %scan3A_154, %scan3A_155 : i32
    %scan3A_157 = arith.constant 1 : i32
    scf.for %scan3A_218 = %scan3A_154 to %scan3A_156 step %scan3A_157  : i32 {
      %mul3A_219 = arith.constant 800 : i32
      %mul3A_220 = arith.muli %scan3A_218, %mul3A_219 : i32
      %get3A = arith.index_cast %mul3A_220 : i32 to index
      %get3A_221 = tpu.vector_load %arg10[%get3A] {strides = array<i32>} : memref<20000xi32, #tpu.memory_space<vmem>>, vector<16xi32>,
      %add3A_222 = arith.constant 800 : i32
      %add3A_223 = arith.addi %mul3A_220, %add3A_222 : i32
      %sub3A = arith.constant 16 : i32
      %sub3A_224 = arith.subi %add3A_223, %sub3A : i32
      %get3A_225 = arith.index_cast %sub3A_224 : i32 to index
      %get3A_226 = tpu.vector_load %arg10[%get3A_225] {strides = array<i32>} : memref<20000xi32, #tpu.memory_space<vmem>>, vector<16xi32>,
      %slice3A = vector.extract_strided_slice %get3A_221 {offsets = [0], sizes = [1], strides = [1]} : vector<16xi32> to vector<1xi32>
      %squeeze3A = vector.extract %slice3A[0] : i32 from vector<1xi32>
      %slice3A_227 = vector.extract_strided_slice %get3A_226 {offsets = [15], sizes = [1], strides = [1]} : vector<16xi32> to vector<1xi32>
      %squeeze3A_228 = vector.extract %slice3A_227[0] : i32 from vector<1xi32>
      %eq3A_229 = arith.cmpi eq, %squeeze3A, %squeeze3A_228 : i32
      %convert_element_type3A = arith.extui %eq3A_229 : i1 to i32
      %cond3A = arith.constant 0 : i32
      %cond3A_230 = arith.constant 0 : i32
      %cond3A_231 = arith.cmpi ne, %convert_element_type3A, %cond3A_230 : i32
      %cond3A_232 = scf.if %cond3A_231 -> (i32) {
        %parallel_loop3A_233 = arith.constant 0 : i32
        %parallel_loop3A_234 = arith.constant 50 : i32
        %parallel_loop3A_235 = arith.constant 1 : i32
        %parallel_loop3A_236 = scf.for %parallel_loop3A_241 = %parallel_loop3A_233 to %parallel_loop3A_234 step %parallel_loop3A_235 iter_args(%parallel_loop3A_242 = %broadcast_in_dim3A_11) -> (vector<16xf32>)  : i32 {
          %parallel_loop3A_243 = arith.constant 16 : i32
          %parallel_loop3A_244 = arith.muli %parallel_loop3A_241, %parallel_loop3A_243 : i32
          %parallel_loop3A_245 = arith.addi %mul3A_220, %parallel_loop3A_244 : i32
          %parallel_loop3A_246 = arith.index_cast %parallel_loop3A_245 : i32 to index
          %parallel_loop3A_247 = tpu.vector_load %arg8[%parallel_loop3A_246] {strides = array<i32>} : memref<20000xf32, #tpu.memory_space<vmem>>, vector<16xf32>,
          %parallel_loop3A_248 = arith.index_cast %parallel_loop3A_245 : i32 to index
          %parallel_loop3A_249 = tpu.vector_load %arg9[%parallel_loop3A_248] {strides = array<i32>} : memref<20000xi32, #tpu.memory_space<vmem>>, vector<16xi32>,
          %parallel_loop3A_250 = tpu.vector_load_idx %arg7[%parallel_loop3A_249] : memref<128xf32, #tpu.memory_space<vmem>>[vector<16xi32>], vector<16xf32>,
          %parallel_loop3A_251 = arith.subf %parallel_loop3A_247, %parallel_loop3A_250 : vector<16xf32>
          %parallel_loop3A_252 = arith.mulf %parallel_loop3A_251, %parallel_loop3A_251 : vector<16xf32>
          %parallel_loop3A_253 = arith.addf %parallel_loop3A_242, %parallel_loop3A_252 : vector<16xf32>
          scf.yield %parallel_loop3A_253 : vector<16xf32>
        } {sc.loop_unroll_factor = 10 : i64, sc.parallel_access}
        %shift_left3A = arith.constant 4 : i32
        %shift_left3A_237 = vector.broadcast %shift_left3A : i32 to vector<16xi32>
        %shift_left3A_238 = arith.shli %get3A_221, %shift_left3A_237 : vector<16xi32>
        %add3A_239 = arith.addi %shift_left3A_238, %iota3A : vector<16xi32>
        tpu.vector_store_idx %arg14[%add3A_239], %parallel_loop3A_236 {add = true} : memref<8192xf32, #tpu.memory_space<vmem>>[vector<16xi32>], vector<16xf32>,
        %cond3A_240 = arith.constant 0 : i32
        scf.yield %cond3A_240 : i32
      } else {
        %parallel_loop3A_233 = arith.constant 0 : i32
        %parallel_loop3A_234 = arith.constant 50 : i32
        %parallel_loop3A_235 = arith.constant 1 : i32
        scf.for %parallel_loop3A_237 = %parallel_loop3A_233 to %parallel_loop3A_234 step %parallel_loop3A_235  : i32 {
          %parallel_loop3A_238 = arith.constant 16 : i32
          %parallel_loop3A_239 = arith.muli %parallel_loop3A_237, %parallel_loop3A_238 : i32
          %parallel_loop3A_240 = arith.addi %mul3A_220, %parallel_loop3A_239 : i32
          %parallel_loop3A_241 = arith.index_cast %parallel_loop3A_240 : i32 to index
          %parallel_loop3A_242 = tpu.vector_load %arg8[%parallel_loop3A_241] {strides = array<i32>} : memref<20000xf32, #tpu.memory_space<vmem>>, vector<16xf32>,
          %parallel_loop3A_243 = arith.index_cast %parallel_loop3A_240 : i32 to index
          %parallel_loop3A_244 = tpu.vector_load %arg9[%parallel_loop3A_243] {strides = array<i32>} : memref<20000xi32, #tpu.memory_space<vmem>>, vector<16xi32>,
          %parallel_loop3A_245 = tpu.vector_load_idx %arg7[%parallel_loop3A_244] : memref<128xf32, #tpu.memory_space<vmem>>[vector<16xi32>], vector<16xf32>,
          %parallel_loop3A_246 = arith.subf %parallel_loop3A_242, %parallel_loop3A_245 : vector<16xf32>
          %parallel_loop3A_247 = arith.index_cast %parallel_loop3A_240 : i32 to index
          %parallel_loop3A_248 = tpu.vector_load %arg10[%parallel_loop3A_247] {strides = array<i32>} : memref<20000xi32, #tpu.memory_space<vmem>>, vector<16xi32>,
          %parallel_loop3A_249 = arith.constant 4 : i32
          %parallel_loop3A_250 = vector.broadcast %parallel_loop3A_249 : i32 to vector<16xi32>
          %parallel_loop3A_251 = arith.shli %parallel_loop3A_248, %parallel_loop3A_250 : vector<16xi32>
          %parallel_loop3A_252 = arith.addi %parallel_loop3A_251, %iota3A : vector<16xi32>
          %parallel_loop3A_253 = arith.mulf %parallel_loop3A_246, %parallel_loop3A_246 : vector<16xf32>
          tpu.vector_store_idx %arg14[%parallel_loop3A_252], %parallel_loop3A_253 {add = true} : memref<8192xf32, #tpu.memory_space<vmem>>[vector<16xi32>], vector<16xf32>,
        } {sc.loop_unroll_factor = 10 : i64, sc.parallel_access}
        %cond3A_236 = arith.constant 0 : i32
        scf.yield %cond3A_236 : i32
      }
    }
    %scan3A_158 = arith.constant 25 : i32
    %dma_wait3A_159 = tpu.memref_slice %arg2[%multiple_of3A_146] : memref<6400000xf32, #tpu.memory_space<hbm>> -> memref<20000xf32, #tpu.memory_space<hbm>>
    %dma_wait3A_160 = tpu.memref_slice %arg2[%multiple_of3A_146] : memref<6400000xf32, #tpu.memory_space<hbm>> -> memref<20000xf32, #tpu.memory_space<hbm>>
    tpu.wait_dma2 semaphore(%arg17 : memref<!tpu.dma_semaphore, #tpu.memory_space<semaphore_mem>>) src(%dma_wait3A_160 : memref<20000xf32, #tpu.memory_space<hbm>>) dst(%arg11 : memref<20000xf32, #tpu.memory_space<vmem>>)
    %dma_wait3A_161 = tpu.memref_slice %arg4[%multiple_of3A_146] : memref<6400000xi32, #tpu.memory_space<hbm>> -> memref<20000xi32, #tpu.memory_space<hbm>>
    %dma_wait3A_162 = tpu.memref_slice %arg4[%multiple_of3A_146] : memref<6400000xi32, #tpu.memory_space<hbm>> -> memref<20000xi32, #tpu.memory_space<hbm>>
    tpu.wait_dma2 semaphore(%arg17 : memref<!tpu.dma_semaphore, #tpu.memory_space<semaphore_mem>>) src(%dma_wait3A_162 : memref<20000xi32, #tpu.memory_space<hbm>>) dst(%arg12 : memref<20000xi32, #tpu.memory_space<vmem>>)
    %dma_wait3A_163 = tpu.memref_slice %arg5[%multiple_of3A_146] : memref<6400000xi32, #tpu.memory_space<hbm>> -> memref<20000xi32, #tpu.memory_space<hbm>>
    %dma_wait3A_164 = tpu.memref_slice %arg5[%multiple_of3A_146] : memref<6400000xi32, #tpu.memory_space<hbm>> -> memref<20000xi32, #tpu.memory_space<hbm>>
    tpu.wait_dma2 semaphore(%arg17 : memref<!tpu.dma_semaphore, #tpu.memory_space<semaphore_mem>>) src(%dma_wait3A_164 : memref<20000xi32, #tpu.memory_space<hbm>>) dst(%arg13 : memref<20000xi32, #tpu.memory_space<vmem>>)
    %add3A_165 = arith.constant 160000 : i32
    %add3A_166 = arith.addi %multiple_of3A, %add3A_165 : i32
    %multiple_of3A_167 = tpu.assume_multiple %add3A_166, 8 : i32
    %dma_start3A_168 = tpu.memref_slice %arg2[%multiple_of3A_167] : memref<6400000xf32, #tpu.memory_space<hbm>> -> memref<20000xf32, #tpu.memory_space<hbm>>
    %dma_start3A_169 = tpu.memref_slice %arg2[%multiple_of3A_167] : memref<6400000xf32, #tpu.memory_space<hbm>> -> memref<20000xf32, #tpu.memory_space<hbm>>
    tpu.enqueue_dma source(%dma_start3A_169 : memref<20000xf32, #tpu.memory_space<hbm>>) target(%arg8 : memref<20000xf32, #tpu.memory_space<vmem>>) target_semaphore(%arg16 : memref<!tpu.dma_semaphore, #tpu.memory_space<semaphore_mem>>)
    %dma_start3A_170 = tpu.memref_slice %arg4[%multiple_of3A_167] : memref<6400000xi32, #tpu.memory_space<hbm>> -> memref<20000xi32, #tpu.memory_space<hbm>>
    %dma_start3A_171 = tpu.memref_slice %arg4[%multiple_of3A_167] : memref<6400000xi32, #tpu.memory_space<hbm>> -> memref<20000xi32, #tpu.memory_space<hbm>>
    tpu.enqueue_dma source(%dma_start3A_171 : memref<20000xi32, #tpu.memory_space<hbm>>) target(%arg9 : memref<20000xi32, #tpu.memory_space<vmem>>) target_semaphore(%arg16 : memref<!tpu.dma_semaphore, #tpu.memory_space<semaphore_mem>>)
    %dma_start3A_172 = tpu.memref_slice %arg5[%multiple_of3A_167] : memref<6400000xi32, #tpu.memory_space<hbm>> -> memref<20000xi32, #tpu.memory_space<hbm>>
    %dma_start3A_173 = tpu.memref_slice %arg5[%multiple_of3A_167] : memref<6400000xi32, #tpu.memory_space<hbm>> -> memref<20000xi32, #tpu.memory_space<hbm>>
    tpu.enqueue_dma source(%dma_start3A_173 : memref<20000xi32, #tpu.memory_space<hbm>>) target(%arg10 : memref<20000xi32, #tpu.memory_space<vmem>>) target_semaphore(%arg16 : memref<!tpu.dma_semaphore, #tpu.memory_space<semaphore_mem>>)
    %scan3A_174 = arith.constant 0 : i32
    %scan3A_175 = arith.constant 0 : i32
    %scan3A_176 = arith.constant 25 : i32
    %scan3A_177 = arith.addi %scan3A_175, %scan3A_176 : i32
    %scan3A_178 = arith.constant 1 : i32
    scf.for %scan3A_218 = %scan3A_175 to %scan3A_177 step %scan3A_178  : i32 {
      %mul3A_219 = arith.constant 800 : i32
      %mul3A_220 = arith.muli %scan3A_218, %mul3A_219 : i32
      %get3A = arith.index_cast %mul3A_220 : i32 to index
      %get3A_221 = tpu.vector_load %arg13[%get3A] {strides = array<i32>} : memref<20000xi32, #tpu.memory_space<vmem>>, vector<16xi32>,
      %add3A_222 = arith.constant 800 : i32
      %add3A_223 = arith.addi %mul3A_220, %add3A_222 : i32
      %sub3A = arith.constant 16 : i32
      %sub3A_224 = arith.subi %add3A_223, %sub3A : i32
      %get3A_225 = arith.index_cast %sub3A_224 : i32 to index
      %get3A_226 = tpu.vector_load %arg13[%get3A_225] {strides = array<i32>} : memref<20000xi32, #tpu.memory_space<vmem>>, vector<16xi32>,
      %slice3A = vector.extract_strided_slice %get3A_221 {offsets = [0], sizes = [1], strides = [1]} : vector<16xi32> to vector<1xi32>
      %squeeze3A = vector.extract %slice3A[0] : i32 from vector<1xi32>
      %slice3A_227 = vector.extract_strided_slice %get3A_226 {offsets = [15], sizes = [1], strides = [1]} : vector<16xi32> to vector<1xi32>
      %squeeze3A_228 = vector.extract %slice3A_227[0] : i32 from vector<1xi32>
      %eq3A_229 = arith.cmpi eq, %squeeze3A, %squeeze3A_228 : i32
      %convert_element_type3A = arith.extui %eq3A_229 : i1 to i32
      %cond3A = arith.constant 0 : i32
      %cond3A_230 = arith.constant 0 : i32
      %cond3A_231 = arith.cmpi ne, %convert_element_type3A, %cond3A_230 : i32
      %cond3A_232 = scf.if %cond3A_231 -> (i32) {
        %parallel_loop3A_233 = arith.constant 0 : i32
        %parallel_loop3A_234 = arith.constant 50 : i32
        %parallel_loop3A_235 = arith.constant 1 : i32
        %parallel_loop3A_236 = scf.for %parallel_loop3A_241 = %parallel_loop3A_233 to %parallel_loop3A_234 step %parallel_loop3A_235 iter_args(%parallel_loop3A_242 = %broadcast_in_dim3A_11) -> (vector<16xf32>)  : i32 {
          %parallel_loop3A_243 = arith.constant 16 : i32
          %parallel_loop3A_244 = arith.muli %parallel_loop3A_241, %parallel_loop3A_243 : i32
          %parallel_loop3A_245 = arith.addi %mul3A_220, %parallel_loop3A_244 : i32
          %parallel_loop3A_246 = arith.index_cast %parallel_loop3A_245 : i32 to index
          %parallel_loop3A_247 = tpu.vector_load %arg11[%parallel_loop3A_246] {strides = array<i32>} : memref<20000xf32, #tpu.memory_space<vmem>>, vector<16xf32>,
          %parallel_loop3A_248 = arith.index_cast %parallel_loop3A_245 : i32 to index
          %parallel_loop3A_249 = tpu.vector_load %arg12[%parallel_loop3A_248] {strides = array<i32>} : memref<20000xi32, #tpu.memory_space<vmem>>, vector<16xi32>,
          %parallel_loop3A_250 = tpu.vector_load_idx %arg7[%parallel_loop3A_249] : memref<128xf32, #tpu.memory_space<vmem>>[vector<16xi32>], vector<16xf32>,
          %parallel_loop3A_251 = arith.subf %parallel_loop3A_247, %parallel_loop3A_250 : vector<16xf32>
          %parallel_loop3A_252 = arith.mulf %parallel_loop3A_251, %parallel_loop3A_251 : vector<16xf32>
          %parallel_loop3A_253 = arith.addf %parallel_loop3A_242, %parallel_loop3A_252 : vector<16xf32>
          scf.yield %parallel_loop3A_253 : vector<16xf32>
        } {sc.loop_unroll_factor = 10 : i64, sc.parallel_access}
        %shift_left3A = arith.constant 4 : i32
        %shift_left3A_237 = vector.broadcast %shift_left3A : i32 to vector<16xi32>
        %shift_left3A_238 = arith.shli %get3A_221, %shift_left3A_237 : vector<16xi32>
        %add3A_239 = arith.addi %shift_left3A_238, %iota3A : vector<16xi32>
        tpu.vector_store_idx %arg14[%add3A_239], %parallel_loop3A_236 {add = true} : memref<8192xf32, #tpu.memory_space<vmem>>[vector<16xi32>], vector<16xf32>,
        %cond3A_240 = arith.constant 0 : i32
        scf.yield %cond3A_240 : i32
      } else {
        %parallel_loop3A_233 = arith.constant 0 : i32
        %parallel_loop3A_234 = arith.constant 50 : i32
        %parallel_loop3A_235 = arith.constant 1 : i32
        scf.for %parallel_loop3A_237 = %parallel_loop3A_233 to %parallel_loop3A_234 step %parallel_loop3A_235  : i32 {
          %parallel_loop3A_238 = arith.constant 16 : i32
          %parallel_loop3A_239 = arith.muli %parallel_loop3A_237, %parallel_loop3A_238 : i32
          %parallel_loop3A_240 = arith.addi %mul3A_220, %parallel_loop3A_239 : i32
          %parallel_loop3A_241 = arith.index_cast %parallel_loop3A_240 : i32 to index
          %parallel_loop3A_242 = tpu.vector_load %arg11[%parallel_loop3A_241] {strides = array<i32>} : memref<20000xf32, #tpu.memory_space<vmem>>, vector<16xf32>,
          %parallel_loop3A_243 = arith.index_cast %parallel_loop3A_240 : i32 to index
          %parallel_loop3A_244 = tpu.vector_load %arg12[%parallel_loop3A_243] {strides = array<i32>} : memref<20000xi32, #tpu.memory_space<vmem>>, vector<16xi32>,
          %parallel_loop3A_245 = tpu.vector_load_idx %arg7[%parallel_loop3A_244] : memref<128xf32, #tpu.memory_space<vmem>>[vector<16xi32>], vector<16xf32>,
          %parallel_loop3A_246 = arith.subf %parallel_loop3A_242, %parallel_loop3A_245 : vector<16xf32>
          %parallel_loop3A_247 = arith.index_cast %parallel_loop3A_240 : i32 to index
          %parallel_loop3A_248 = tpu.vector_load %arg13[%parallel_loop3A_247] {strides = array<i32>} : memref<20000xi32, #tpu.memory_space<vmem>>, vector<16xi32>,
          %parallel_loop3A_249 = arith.constant 4 : i32
          %parallel_loop3A_250 = vector.broadcast %parallel_loop3A_249 : i32 to vector<16xi32>
          %parallel_loop3A_251 = arith.shli %parallel_loop3A_248, %parallel_loop3A_250 : vector<16xi32>
          %parallel_loop3A_252 = arith.addi %parallel_loop3A_251, %iota3A : vector<16xi32>
          %parallel_loop3A_253 = arith.mulf %parallel_loop3A_246, %parallel_loop3A_246 : vector<16xf32>
          tpu.vector_store_idx %arg14[%parallel_loop3A_252], %parallel_loop3A_253 {add = true} : memref<8192xf32, #tpu.memory_space<vmem>>[vector<16xi32>], vector<16xf32>,
        } {sc.loop_unroll_factor = 10 : i64, sc.parallel_access}
        %cond3A_236 = arith.constant 0 : i32
        scf.yield %cond3A_236 : i32
      }
    }
    %scan3A_179 = arith.constant 25 : i32
    %dma_wait3A_180 = tpu.memref_slice %arg2[%multiple_of3A_167] : memref<6400000xf32, #tpu.memory_space<hbm>> -> memref<20000xf32, #tpu.memory_space<hbm>>
    %dma_wait3A_181 = tpu.memref_slice %arg2[%multiple_of3A_167] : memref<6400000xf32, #tpu.memory_space<hbm>> -> memref<20000xf32, #tpu.memory_space<hbm>>
    tpu.wait_dma2 semaphore(%arg16 : memref<!tpu.dma_semaphore, #tpu.memory_space<semaphore_mem>>) src(%dma_wait3A_181 : memref<20000xf32, #tpu.memory_space<hbm>>) dst(%arg8 : memref<20000xf32, #tpu.memory_space<vmem>>)
    %dma_wait3A_182 = tpu.memref_slice %arg4[%multiple_of3A_167] : memref<6400000xi32, #tpu.memory_space<hbm>> -> memref<20000xi32, #tpu.memory_space<hbm>>
    %dma_wait3A_183 = tpu.memref_slice %arg4[%multiple_of3A_167] : memref<6400000xi32, #tpu.memory_space<hbm>> -> memref<20000xi32, #tpu.memory_space<hbm>>
    tpu.wait_dma2 semaphore(%arg16 : memref<!tpu.dma_semaphore, #tpu.memory_space<semaphore_mem>>) src(%dma_wait3A_183 : memref<20000xi32, #tpu.memory_space<hbm>>) dst(%arg9 : memref<20000xi32, #tpu.memory_space<vmem>>)
    %dma_wait3A_184 = tpu.memref_slice %arg5[%multiple_of3A_167] : memref<6400000xi32, #tpu.memory_space<hbm>> -> memref<20000xi32, #tpu.memory_space<hbm>>
    %dma_wait3A_185 = tpu.memref_slice %arg5[%multiple_of3A_167] : memref<6400000xi32, #tpu.memory_space<hbm>> -> memref<20000xi32, #tpu.memory_space<hbm>>
    tpu.wait_dma2 semaphore(%arg16 : memref<!tpu.dma_semaphore, #tpu.memory_space<semaphore_mem>>) src(%dma_wait3A_185 : memref<20000xi32, #tpu.memory_space<hbm>>) dst(%arg10 : memref<20000xi32, #tpu.memory_space<vmem>>)
    %add3A_186 = arith.constant 180000 : i32
    %add3A_187 = arith.addi %multiple_of3A, %add3A_186 : i32
    %multiple_of3A_188 = tpu.assume_multiple %add3A_187, 8 : i32
    %dma_start3A_189 = tpu.memref_slice %arg2[%multiple_of3A_188] : memref<6400000xf32, #tpu.memory_space<hbm>> -> memref<20000xf32, #tpu.memory_space<hbm>>
    %dma_start3A_190 = tpu.memref_slice %arg2[%multiple_of3A_188] : memref<6400000xf32, #tpu.memory_space<hbm>> -> memref<20000xf32, #tpu.memory_space<hbm>>
    tpu.enqueue_dma source(%dma_start3A_190 : memref<20000xf32, #tpu.memory_space<hbm>>) target(%arg11 : memref<20000xf32, #tpu.memory_space<vmem>>) target_semaphore(%arg17 : memref<!tpu.dma_semaphore, #tpu.memory_space<semaphore_mem>>)
    %dma_start3A_191 = tpu.memref_slice %arg4[%multiple_of3A_188] : memref<6400000xi32, #tpu.memory_space<hbm>> -> memref<20000xi32, #tpu.memory_space<hbm>>
    %dma_start3A_192 = tpu.memref_slice %arg4[%multiple_of3A_188] : memref<6400000xi32, #tpu.memory_space<hbm>> -> memref<20000xi32, #tpu.memory_space<hbm>>
    tpu.enqueue_dma source(%dma_start3A_192 : memref<20000xi32, #tpu.memory_space<hbm>>) target(%arg12 : memref<20000xi32, #tpu.memory_space<vmem>>) target_semaphore(%arg17 : memref<!tpu.dma_semaphore, #tpu.memory_space<semaphore_mem>>)
    %dma_start3A_193 = tpu.memref_slice %arg5[%multiple_of3A_188] : memref<6400000xi32, #tpu.memory_space<hbm>> -> memref<20000xi32, #tpu.memory_space<hbm>>
    %dma_start3A_194 = tpu.memref_slice %arg5[%multiple_of3A_188] : memref<6400000xi32, #tpu.memory_space<hbm>> -> memref<20000xi32, #tpu.memory_space<hbm>>
    tpu.enqueue_dma source(%dma_start3A_194 : memref<20000xi32, #tpu.memory_space<hbm>>) target(%arg13 : memref<20000xi32, #tpu.memory_space<vmem>>) target_semaphore(%arg17 : memref<!tpu.dma_semaphore, #tpu.memory_space<semaphore_mem>>)
    %scan3A_195 = arith.constant 0 : i32
    %scan3A_196 = arith.constant 0 : i32
    %scan3A_197 = arith.constant 25 : i32
    %scan3A_198 = arith.addi %scan3A_196, %scan3A_197 : i32
    %scan3A_199 = arith.constant 1 : i32
    scf.for %scan3A_218 = %scan3A_196 to %scan3A_198 step %scan3A_199  : i32 {
      %mul3A_219 = arith.constant 800 : i32
      %mul3A_220 = arith.muli %scan3A_218, %mul3A_219 : i32
      %get3A = arith.index_cast %mul3A_220 : i32 to index
      %get3A_221 = tpu.vector_load %arg10[%get3A] {strides = array<i32>} : memref<20000xi32, #tpu.memory_space<vmem>>, vector<16xi32>,
      %add3A_222 = arith.constant 800 : i32
      %add3A_223 = arith.addi %mul3A_220, %add3A_222 : i32
      %sub3A = arith.constant 16 : i32
      %sub3A_224 = arith.subi %add3A_223, %sub3A : i32
      %get3A_225 = arith.index_cast %sub3A_224 : i32 to index
      %get3A_226 = tpu.vector_load %arg10[%get3A_225] {strides = array<i32>} : memref<20000xi32, #tpu.memory_space<vmem>>, vector<16xi32>,
      %slice3A = vector.extract_strided_slice %get3A_221 {offsets = [0], sizes = [1], strides = [1]} : vector<16xi32> to vector<1xi32>
      %squeeze3A = vector.extract %slice3A[0] : i32 from vector<1xi32>
      %slice3A_227 = vector.extract_strided_slice %get3A_226 {offsets = [15], sizes = [1], strides = [1]} : vector<16xi32> to vector<1xi32>
      %squeeze3A_228 = vector.extract %slice3A_227[0] : i32 from vector<1xi32>
      %eq3A_229 = arith.cmpi eq, %squeeze3A, %squeeze3A_228 : i32
      %convert_element_type3A = arith.extui %eq3A_229 : i1 to i32
      %cond3A = arith.constant 0 : i32
      %cond3A_230 = arith.constant 0 : i32
      %cond3A_231 = arith.cmpi ne, %convert_element_type3A, %cond3A_230 : i32
      %cond3A_232 = scf.if %cond3A_231 -> (i32) {
        %parallel_loop3A_233 = arith.constant 0 : i32
        %parallel_loop3A_234 = arith.constant 50 : i32
        %parallel_loop3A_235 = arith.constant 1 : i32
        %parallel_loop3A_236 = scf.for %parallel_loop3A_241 = %parallel_loop3A_233 to %parallel_loop3A_234 step %parallel_loop3A_235 iter_args(%parallel_loop3A_242 = %broadcast_in_dim3A_11) -> (vector<16xf32>)  : i32 {
          %parallel_loop3A_243 = arith.constant 16 : i32
          %parallel_loop3A_244 = arith.muli %parallel_loop3A_241, %parallel_loop3A_243 : i32
          %parallel_loop3A_245 = arith.addi %mul3A_220, %parallel_loop3A_244 : i32
          %parallel_loop3A_246 = arith.index_cast %parallel_loop3A_245 : i32 to index
          %parallel_loop3A_247 = tpu.vector_load %arg8[%parallel_loop3A_246] {strides = array<i32>} : memref<20000xf32, #tpu.memory_space<vmem>>, vector<16xf32>,
          %parallel_loop3A_248 = arith.index_cast %parallel_loop3A_245 : i32 to index
          %parallel_loop3A_249 = tpu.vector_load %arg9[%parallel_loop3A_248] {strides = array<i32>} : memref<20000xi32, #tpu.memory_space<vmem>>, vector<16xi32>,
          %parallel_loop3A_250 = tpu.vector_load_idx %arg7[%parallel_loop3A_249] : memref<128xf32, #tpu.memory_space<vmem>>[vector<16xi32>], vector<16xf32>,
          %parallel_loop3A_251 = arith.subf %parallel_loop3A_247, %parallel_loop3A_250 : vector<16xf32>
          %parallel_loop3A_252 = arith.mulf %parallel_loop3A_251, %parallel_loop3A_251 : vector<16xf32>
          %parallel_loop3A_253 = arith.addf %parallel_loop3A_242, %parallel_loop3A_252 : vector<16xf32>
          scf.yield %parallel_loop3A_253 : vector<16xf32>
        } {sc.loop_unroll_factor = 10 : i64, sc.parallel_access}
        %shift_left3A = arith.constant 4 : i32
        %shift_left3A_237 = vector.broadcast %shift_left3A : i32 to vector<16xi32>
        %shift_left3A_238 = arith.shli %get3A_221, %shift_left3A_237 : vector<16xi32>
        %add3A_239 = arith.addi %shift_left3A_238, %iota3A : vector<16xi32>
        tpu.vector_store_idx %arg14[%add3A_239], %parallel_loop3A_236 {add = true} : memref<8192xf32, #tpu.memory_space<vmem>>[vector<16xi32>], vector<16xf32>,
        %cond3A_240 = arith.constant 0 : i32
        scf.yield %cond3A_240 : i32
      } else {
        %parallel_loop3A_233 = arith.constant 0 : i32
        %parallel_loop3A_234 = arith.constant 50 : i32
        %parallel_loop3A_235 = arith.constant 1 : i32
        scf.for %parallel_loop3A_237 = %parallel_loop3A_233 to %parallel_loop3A_234 step %parallel_loop3A_235  : i32 {
          %parallel_loop3A_238 = arith.constant 16 : i32
          %parallel_loop3A_239 = arith.muli %parallel_loop3A_237, %parallel_loop3A_238 : i32
          %parallel_loop3A_240 = arith.addi %mul3A_220, %parallel_loop3A_239 : i32
          %parallel_loop3A_241 = arith.index_cast %parallel_loop3A_240 : i32 to index
          %parallel_loop3A_242 = tpu.vector_load %arg8[%parallel_loop3A_241] {strides = array<i32>} : memref<20000xf32, #tpu.memory_space<vmem>>, vector<16xf32>,
          %parallel_loop3A_243 = arith.index_cast %parallel_loop3A_240 : i32 to index
          %parallel_loop3A_244 = tpu.vector_load %arg9[%parallel_loop3A_243] {strides = array<i32>} : memref<20000xi32, #tpu.memory_space<vmem>>, vector<16xi32>,
          %parallel_loop3A_245 = tpu.vector_load_idx %arg7[%parallel_loop3A_244] : memref<128xf32, #tpu.memory_space<vmem>>[vector<16xi32>], vector<16xf32>,
          %parallel_loop3A_246 = arith.subf %parallel_loop3A_242, %parallel_loop3A_245 : vector<16xf32>
          %parallel_loop3A_247 = arith.index_cast %parallel_loop3A_240 : i32 to index
          %parallel_loop3A_248 = tpu.vector_load %arg10[%parallel_loop3A_247] {strides = array<i32>} : memref<20000xi32, #tpu.memory_space<vmem>>, vector<16xi32>,
          %parallel_loop3A_249 = arith.constant 4 : i32
          %parallel_loop3A_250 = vector.broadcast %parallel_loop3A_249 : i32 to vector<16xi32>
          %parallel_loop3A_251 = arith.shli %parallel_loop3A_248, %parallel_loop3A_250 : vector<16xi32>
          %parallel_loop3A_252 = arith.addi %parallel_loop3A_251, %iota3A : vector<16xi32>
          %parallel_loop3A_253 = arith.mulf %parallel_loop3A_246, %parallel_loop3A_246 : vector<16xf32>
          tpu.vector_store_idx %arg14[%parallel_loop3A_252], %parallel_loop3A_253 {add = true} : memref<8192xf32, #tpu.memory_space<vmem>>[vector<16xi32>], vector<16xf32>,
        } {sc.loop_unroll_factor = 10 : i64, sc.parallel_access}
        %cond3A_236 = arith.constant 0 : i32
        scf.yield %cond3A_236 : i32
      }
    }
    %scan3A_200 = arith.constant 25 : i32
    %dma_wait3A_201 = tpu.memref_slice %arg2[%multiple_of3A_188] : memref<6400000xf32, #tpu.memory_space<hbm>> -> memref<20000xf32, #tpu.memory_space<hbm>>
    %dma_wait3A_202 = tpu.memref_slice %arg2[%multiple_of3A_188] : memref<6400000xf32, #tpu.memory_space<hbm>> -> memref<20000xf32, #tpu.memory_space<hbm>>
    tpu.wait_dma2 semaphore(%arg17 : memref<!tpu.dma_semaphore, #tpu.memory_space<semaphore_mem>>) src(%dma_wait3A_202 : memref<20000xf32, #tpu.memory_space<hbm>>) dst(%arg11 : memref<20000xf32, #tpu.memory_space<vmem>>)
    %dma_wait3A_203 = tpu.memref_slice %arg4[%multiple_of3A_188] : memref<6400000xi32, #tpu.memory_space<hbm>> -> memref<20000xi32, #tpu.memory_space<hbm>>
    %dma_wait3A_204 = tpu.memref_slice %arg4[%multiple_of3A_188] : memref<6400000xi32, #tpu.memory_space<hbm>> -> memref<20000xi32, #tpu.memory_space<hbm>>
    tpu.wait_dma2 semaphore(%arg17 : memref<!tpu.dma_semaphore, #tpu.memory_space<semaphore_mem>>) src(%dma_wait3A_204 : memref<20000xi32, #tpu.memory_space<hbm>>) dst(%arg12 : memref<20000xi32, #tpu.memory_space<vmem>>)
    %dma_wait3A_205 = tpu.memref_slice %arg5[%multiple_of3A_188] : memref<6400000xi32, #tpu.memory_space<hbm>> -> memref<20000xi32, #tpu.memory_space<hbm>>
    %dma_wait3A_206 = tpu.memref_slice %arg5[%multiple_of3A_188] : memref<6400000xi32, #tpu.memory_space<hbm>> -> memref<20000xi32, #tpu.memory_space<hbm>>
    tpu.wait_dma2 semaphore(%arg17 : memref<!tpu.dma_semaphore, #tpu.memory_space<semaphore_mem>>) src(%dma_wait3A_206 : memref<20000xi32, #tpu.memory_space<hbm>>) dst(%arg13 : memref<20000xi32, #tpu.memory_space<vmem>>)
    %scan3A_207 = arith.constant 0 : i32
    %scan3A_208 = arith.constant 0 : i32
    %scan3A_209 = arith.constant 25 : i32
    %scan3A_210 = arith.addi %scan3A_208, %scan3A_209 : i32
    %scan3A_211 = arith.constant 1 : i32
    scf.for %scan3A_218 = %scan3A_208 to %scan3A_210 step %scan3A_211  : i32 {
      %mul3A_219 = arith.constant 800 : i32
      %mul3A_220 = arith.muli %scan3A_218, %mul3A_219 : i32
      %get3A = arith.index_cast %mul3A_220 : i32 to index
      %get3A_221 = tpu.vector_load %arg13[%get3A] {strides = array<i32>} : memref<20000xi32, #tpu.memory_space<vmem>>, vector<16xi32>,
      %add3A_222 = arith.constant 800 : i32
      %add3A_223 = arith.addi %mul3A_220, %add3A_222 : i32
      %sub3A = arith.constant 16 : i32
      %sub3A_224 = arith.subi %add3A_223, %sub3A : i32
      %get3A_225 = arith.index_cast %sub3A_224 : i32 to index
      %get3A_226 = tpu.vector_load %arg13[%get3A_225] {strides = array<i32>} : memref<20000xi32, #tpu.memory_space<vmem>>, vector<16xi32>,
      %slice3A = vector.extract_strided_slice %get3A_221 {offsets = [0], sizes = [1], strides = [1]} : vector<16xi32> to vector<1xi32>
      %squeeze3A = vector.extract %slice3A[0] : i32 from vector<1xi32>
      %slice3A_227 = vector.extract_strided_slice %get3A_226 {offsets = [15], sizes = [1], strides = [1]} : vector<16xi32> to vector<1xi32>
      %squeeze3A_228 = vector.extract %slice3A_227[0] : i32 from vector<1xi32>
      %eq3A_229 = arith.cmpi eq, %squeeze3A, %squeeze3A_228 : i32
      %convert_element_type3A = arith.extui %eq3A_229 : i1 to i32
      %cond3A = arith.constant 0 : i32
      %cond3A_230 = arith.constant 0 : i32
      %cond3A_231 = arith.cmpi ne, %convert_element_type3A, %cond3A_230 : i32
      %cond3A_232 = scf.if %cond3A_231 -> (i32) {
        %parallel_loop3A_233 = arith.constant 0 : i32
        %parallel_loop3A_234 = arith.constant 50 : i32
        %parallel_loop3A_235 = arith.constant 1 : i32
        %parallel_loop3A_236 = scf.for %parallel_loop3A_241 = %parallel_loop3A_233 to %parallel_loop3A_234 step %parallel_loop3A_235 iter_args(%parallel_loop3A_242 = %broadcast_in_dim3A_11) -> (vector<16xf32>)  : i32 {
          %parallel_loop3A_243 = arith.constant 16 : i32
          %parallel_loop3A_244 = arith.muli %parallel_loop3A_241, %parallel_loop3A_243 : i32
          %parallel_loop3A_245 = arith.addi %mul3A_220, %parallel_loop3A_244 : i32
          %parallel_loop3A_246 = arith.index_cast %parallel_loop3A_245 : i32 to index
          %parallel_loop3A_247 = tpu.vector_load %arg11[%parallel_loop3A_246] {strides = array<i32>} : memref<20000xf32, #tpu.memory_space<vmem>>, vector<16xf32>,
          %parallel_loop3A_248 = arith.index_cast %parallel_loop3A_245 : i32 to index
          %parallel_loop3A_249 = tpu.vector_load %arg12[%parallel_loop3A_248] {strides = array<i32>} : memref<20000xi32, #tpu.memory_space<vmem>>, vector<16xi32>,
          %parallel_loop3A_250 = tpu.vector_load_idx %arg7[%parallel_loop3A_249] : memref<128xf32, #tpu.memory_space<vmem>>[vector<16xi32>], vector<16xf32>,
          %parallel_loop3A_251 = arith.subf %parallel_loop3A_247, %parallel_loop3A_250 : vector<16xf32>
          %parallel_loop3A_252 = arith.mulf %parallel_loop3A_251, %parallel_loop3A_251 : vector<16xf32>
          %parallel_loop3A_253 = arith.addf %parallel_loop3A_242, %parallel_loop3A_252 : vector<16xf32>
          scf.yield %parallel_loop3A_253 : vector<16xf32>
        } {sc.loop_unroll_factor = 10 : i64, sc.parallel_access}
        %shift_left3A = arith.constant 4 : i32
        %shift_left3A_237 = vector.broadcast %shift_left3A : i32 to vector<16xi32>
        %shift_left3A_238 = arith.shli %get3A_221, %shift_left3A_237 : vector<16xi32>
        %add3A_239 = arith.addi %shift_left3A_238, %iota3A : vector<16xi32>
        tpu.vector_store_idx %arg14[%add3A_239], %parallel_loop3A_236 {add = true} : memref<8192xf32, #tpu.memory_space<vmem>>[vector<16xi32>], vector<16xf32>,
        %cond3A_240 = arith.constant 0 : i32
        scf.yield %cond3A_240 : i32
      } else {
        %parallel_loop3A_233 = arith.constant 0 : i32
        %parallel_loop3A_234 = arith.constant 50 : i32
        %parallel_loop3A_235 = arith.constant 1 : i32
        scf.for %parallel_loop3A_237 = %parallel_loop3A_233 to %parallel_loop3A_234 step %parallel_loop3A_235  : i32 {
          %parallel_loop3A_238 = arith.constant 16 : i32
          %parallel_loop3A_239 = arith.muli %parallel_loop3A_237, %parallel_loop3A_238 : i32
          %parallel_loop3A_240 = arith.addi %mul3A_220, %parallel_loop3A_239 : i32
          %parallel_loop3A_241 = arith.index_cast %parallel_loop3A_240 : i32 to index
          %parallel_loop3A_242 = tpu.vector_load %arg11[%parallel_loop3A_241] {strides = array<i32>} : memref<20000xf32, #tpu.memory_space<vmem>>, vector<16xf32>,
          %parallel_loop3A_243 = arith.index_cast %parallel_loop3A_240 : i32 to index
          %parallel_loop3A_244 = tpu.vector_load %arg12[%parallel_loop3A_243] {strides = array<i32>} : memref<20000xi32, #tpu.memory_space<vmem>>, vector<16xi32>,
          %parallel_loop3A_245 = tpu.vector_load_idx %arg7[%parallel_loop3A_244] : memref<128xf32, #tpu.memory_space<vmem>>[vector<16xi32>], vector<16xf32>,
          %parallel_loop3A_246 = arith.subf %parallel_loop3A_242, %parallel_loop3A_245 : vector<16xf32>
          %parallel_loop3A_247 = arith.index_cast %parallel_loop3A_240 : i32 to index
          %parallel_loop3A_248 = tpu.vector_load %arg13[%parallel_loop3A_247] {strides = array<i32>} : memref<20000xi32, #tpu.memory_space<vmem>>, vector<16xi32>,
          %parallel_loop3A_249 = arith.constant 4 : i32
          %parallel_loop3A_250 = vector.broadcast %parallel_loop3A_249 : i32 to vector<16xi32>
          %parallel_loop3A_251 = arith.shli %parallel_loop3A_248, %parallel_loop3A_250 : vector<16xi32>
          %parallel_loop3A_252 = arith.addi %parallel_loop3A_251, %iota3A : vector<16xi32>
          %parallel_loop3A_253 = arith.mulf %parallel_loop3A_246, %parallel_loop3A_246 : vector<16xf32>
          tpu.vector_store_idx %arg14[%parallel_loop3A_252], %parallel_loop3A_253 {add = true} : memref<8192xf32, #tpu.memory_space<vmem>>[vector<16xi32>], vector<16xf32>,
        } {sc.loop_unroll_factor = 10 : i64, sc.parallel_access}
        %cond3A_236 = arith.constant 0 : i32
        scf.yield %cond3A_236 : i32
      }
    }
    %scan3A_212 = arith.constant 25 : i32
    %eq3A = arith.constant 0 : i32
    %eq3A_213 = vector.broadcast %eq3A : i32 to vector<16xi32>
    %eq3A_214 = arith.cmpi eq, %iota3A, %eq3A_213 : vector<16xi32>
    %parallel_loop3A_215 = arith.constant 0 : i32
    %parallel_loop3A_216 = arith.constant 512 : i32
    %parallel_loop3A_217 = arith.constant 1 : i32
    scf.for %parallel_loop3A_218 = %parallel_loop3A_215 to %parallel_loop3A_216 step %parallel_loop3A_217  : i32 {
      %parallel_loop3A_219 = arith.constant 16 : i32
      %parallel_loop3A_220 = arith.muli %parallel_loop3A_218, %parallel_loop3A_219 : i32
      %parallel_loop3A_221 = arith.index_cast %parallel_loop3A_220 : i32 to index
      %parallel_loop3A_222 = tpu.vector_load %arg14[%parallel_loop3A_221] {strides = array<i32>} : memref<8192xf32, #tpu.memory_space<vmem>>, vector<16xf32>,
      %parallel_loop3A_223 = arith.constant true
      %parallel_loop3A_224 = vector.broadcast %parallel_loop3A_223 : i1 to vector<16xi1>
      %parallel_loop3A_225 = tpu.scan <sum>, %parallel_loop3A_222 masked %parallel_loop3A_224 : vector<16xf32>, vector<16xi1> -> vector<16xf32>
      %parallel_loop3A_226 = vector.extract %parallel_loop3A_225[15] : f32 from vector<16xf32>
      %parallel_loop3A_227 = vector.broadcast %parallel_loop3A_226 : f32 to vector<16xf32>
      %parallel_loop3A_228 = vector.broadcast %parallel_loop3A_218 : i32 to vector<16xi32>
      tpu.vector_store_idx %arg15[%parallel_loop3A_228], %parallel_loop3A_227 masked %eq3A_214 : memref<512xf32, #tpu.memory_space<vmem>>[vector<16xi32>], vector<16xf32>, vector<16xi1>
    } {sc.loop_unroll_factor = 8 : i64, sc.parallel_access}
    "tpu.region"() ({
      %run_scoped3A = tpu.sem_alloc : memref<!tpu.dma_semaphore, #tpu.memory_space<semaphore_mem>>
      %dma_start3A_218 = arith.constant 0 : i32
      %dma_start3A_219 = tpu.memref_slice %arg6[%add3A, %dma_start3A_218] : memref<32x512xf32, #tpu.memory_space<hbm>> -> memref<1x512xf32, #tpu.memory_space<hbm>>
      %dma_start3A_220 = tpu.memref_squeeze %dma_start3A_219 : memref<1x512xf32, #tpu.memory_space<hbm>> -> memref<512xf32, #tpu.memory_space<hbm>>
      %dma_start3A_221 = arith.constant 0 : i32
      %dma_start3A_222 = tpu.memref_slice %arg6[%add3A, %dma_start3A_221] : memref<32x512xf32, #tpu.memory_space<hbm>> -> memref<1x512xf32, #tpu.memory_space<hbm>>
      %dma_start3A_223 = tpu.memref_squeeze %dma_start3A_222 : memref<1x512xf32, #tpu.memory_space<hbm>> -> memref<512xf32, #tpu.memory_space<hbm>>
      tpu.enqueue_dma source(%arg15 : memref<512xf32, #tpu.memory_space<vmem>>) target(%dma_start3A_223 : memref<512xf32, #tpu.memory_space<hbm>>) target_semaphore(%run_scoped3A : memref<!tpu.dma_semaphore, #tpu.memory_space<semaphore_mem>>)
      %dma_wait3A_224 = arith.constant 0 : i32
      %dma_wait3A_225 = tpu.memref_slice %arg6[%add3A, %dma_wait3A_224] : memref<32x512xf32, #tpu.memory_space<hbm>> -> memref<1x512xf32, #tpu.memory_space<hbm>>
      %dma_wait3A_226 = tpu.memref_squeeze %dma_wait3A_225 : memref<1x512xf32, #tpu.memory_space<hbm>> -> memref<512xf32, #tpu.memory_space<hbm>>
      %dma_wait3A_227 = arith.constant 0 : i32
      %dma_wait3A_228 = tpu.memref_slice %arg6[%add3A, %dma_wait3A_227] : memref<32x512xf32, #tpu.memory_space<hbm>> -> memref<1x512xf32, #tpu.memory_space<hbm>>
      %dma_wait3A_229 = tpu.memref_squeeze %dma_wait3A_228 : memref<1x512xf32, #tpu.memory_space<hbm>> -> memref<512xf32, #tpu.memory_space<hbm>>
      tpu.wait_dma2 semaphore(%run_scoped3A : memref<!tpu.dma_semaphore, #tpu.memory_space<semaphore_mem>>) src(%arg15 : memref<512xf32, #tpu.memory_space<vmem>>) dst(%dma_wait3A_229 : memref<512xf32, #tpu.memory_space<hbm>>)
      tpu.yield
    }) : () -> ()
    return
  }
}

module attributes {stable_mosaic.version = 14 : i64} {
  func.func @body(%arg0: memref<32x512xf32, #tpu.memory_space<vmem>>, %arg1: memref<1x512xf32, #tpu.memory_space<vmem>>) attributes {dimension_semantics = [], scalar_prefetch = 0 : i64, scratch_operands = 0 : i64, tpu.core_type = #tpu.core_type<tc>} {
    %get3A = arith.constant 0 : index
    %get3A_0 = arith.constant 0 : index
    %get3A_1 = vector.load %arg0[%get3A, %get3A_0] : memref<32x512xf32, #tpu.memory_space<vmem>>, vector<32x512xf32>
    %reduce_sum3A = arith.constant dense<0.000000e+00> : vector<512xf32>
    %reduce_sum3A_2 = vector.multi_reduction <add>, %get3A_1, %reduce_sum3A [0] : vector<32x512xf32> to vector<512xf32>
    %broadcast_in_dim3A = vector.shape_cast %reduce_sum3A_2 : vector<512xf32> to vector<1x512xf32>
    %mul3A = arith.constant 5.000000e-01 : f32
    %mul3A_3 = vector.broadcast %mul3A : f32 to vector<1x512xf32>
    %mul3A_4 = arith.mulf %mul3A_3, %broadcast_in_dim3A : vector<1x512xf32>
    %swap3A = arith.constant 0 : index
    %swap3A_5 = arith.constant 0 : index
    %swap3A_6 = vector.load %arg1[%swap3A, %swap3A_5] : memref<1x512xf32, #tpu.memory_space<vmem>>, vector<1x512xf32>
    tpu.vector_store %arg1[%swap3A, %swap3A_5], %mul3A_4 {strides = array<i32>} : memref<1x512xf32, #tpu.memory_space<vmem>>, vector<1x512xf32>,
    return
  }
}

</mosaic_0001>

<sc_bundles>
// kernel: kernel.4.cloned.1.call-start
scs
__scs_entry_jumppad:
0x0: {  	(pc) =	sbr.rel $0x88, $3  }
0x1: {  	(tag) =	ssettag $0x0;
	lr =	simm.s32 $0x1  }
0x2: {  	[smem:$0x3F9D] =	sst lr;
	_ =	strace $0xD0000000  }
0x3: {  	_ = 	snop  }
0x4: {  	_ = 	snop  }
0x5: {  	_ = 	snop  }
0x6: {  	_ = 	snop  }
0x7: {  	_ = 	snop  }
__scs_overlays_trampoline_lowered:
0x8: {  	[smem:$0x3FAC] =	sst s0  }
0x9: {  	[smem:$0x3FAD] =	sst s1  }
0xa: {  	[smem:$0x3FAE] =	sst s2  }
0xb: {  	[smem:$0x3FAF] =	sst s3  }
0xc: {  	[smem:$0x3FB0] =	sst s4  }
0xd: {  	[smem:$0x3FB1] =	sst s5  }
0xe: {  	[smem:$0x3FB2] =	sst s6  }
0xf: {  	[smem:$0x3FB3] =	sst s7  }
0x10: {  	[smem:$0x3FB4] =	sst s8  }
0x11: {  	[smem:$0x3FB5] =	sst s9;
	s0 =	simm.s32 @!p0 $0x0  }
0x12: {  	s1 =	sld [smem:$0x3F9B];
	s0 =	simm.s32 @p0 $0x1  }
0x13: {  	[smem:$0x3FB6] =	sst s0;
	s0 =	simm.s32 @!p1 $0x0  }
0x14: {  	s2 =	sld [smem:$0x3F9A];
	s0 =	simm.s32 @p1 $0x1  }
0x15: {  	[smem:$0x3FB7] =	sst s0;
	s0 =	simm.s32 @!p2 $0x0  }
0x16: {  	s3 =	sld [smem:$0x3FDB];
	s0 =	simm.s32 @p2 $0x1  }
0x17: {  	s4 =	simm.s32 $0x1BF5;
	[smem:$0x3FB9] =	sst s0  }
0x18: {  	s0 =	sld [smem:$0x3F9C];
	_ =	swait.ge [sflag:s4], $0x0  }
0x19: {  	s7 =	sld [smem:$0x3F9D]  }
0x1a: {  	s8 =	sadd.s32 $0xFFFFE003, lr  }
0x1b: {  	s9 =	sadd.s32 $0xFFFFFEF7, lr;
	s5 =	simm.s32 $0xFFFFFFFF;
	p2 =	slt.u32 s8, $0xFFFFF086  }
0x1c: {  	p1 =	slt.u32 s9, $0xF7A;
	s5 =	simm.s32 @!p2 $0x0  }
0x1d: {  	s5 =	simm.s32 @p1 $0x1;
	p0 =	seq.s32 s7, s2  }
0x1e: {  	s7 =	smul.u32 @!p0 $0xF7A, s2;
	p2 =	seq.s32 @!p0 s5, $0x0  }
0x1f: {  	s9 =	smul.u32 $0xF7A, s1;
	s8 =	simm.s32 @!p0 $0x1BF5;
	p2 =	por !p2, p0  }
0x20: {  	[sflag:s8] =	ssyncset.s32 @!p0 $0xFFFFF086;
	s6 =	sadd.s32 @!p0 s3, s7;
	s7 =	simm.s32 @!p0 $0x108  }
0x21: {  	s3 =	sadd.s32 s3, s9;
	s6 =	sadd.s32 @!p0 $0x88, s6;
	s7 =	simm.s32 @p2 $0x1082  }
0x22: {  	[simem:s7], [sflag:s8] =	dma.local @!p0 [hbm:s6], $0xF7A  }
0x23: {  	s9 =	sor.u32 $0xD0000000, s2;
	s6 =	simm.s32 $0x108;
	_ =	swait.ge @!p0 [sflag:s8], $0x0  }
0x24: {  	s3 =	sadd.s32 $0x88, s3;
	s6 =	simm.s32 @!p1 $0x1082;
	[sflag:s4] =	ssyncset.s32 $0xFFFFF086  }
0x25: {  	[simem:s6], [sflag:s4] =	dma.local [hbm:s3], $0xF7A  }
0x26: {  	[smem:$0x3F9D] =	sst s1;
	(tag) =	ssettag s2;
	_ =	strace s9  }
0x27: {  	s1 =	sld [smem:$0x3FAD]  }
0x28: {  	s2 =	sld [smem:$0x3FAE]  }
0x29: {  	s4 =	sld [smem:$0x3FB0]  }
0x2a: {  	p0 =	seq.s32 s5, $0x0;
	s5 =	sld [smem:$0x3FB1]  }
0x2b: {  	s6 =	sld [smem:$0x3FB2]  }
0x2c: {  	s7 =	sld [smem:$0x3FB3]  }
0x2d: {  	s3 =	simm.s32 $0x108;
	s8 =	sld [smem:$0x3FB4]  }
0x2e: {  	s3 =	simm.s32 @!p0 $0x1082;
	s9 =	sld [smem:$0x3FB5]  }
0x2f: {  	lr =	sadd.s32 s0, s3;
	s0 =	sld [smem:$0x3FAC]  }
0x30: {  	s3 =	sld [smem:$0x3FAF]  }
0x31: {  	[smem:$0x3FB8] =	sst s10  }
0x32: {  	s10 =	sld [smem:$0x3FB6];
	_ =	sdelay $0x3  }
0x33: {  	p0 =	seq.s32 s10, $0x1;
	s10 =	sld [smem:$0x3FB8];
	_ =	sdelay $0x3  }
0x34: {  	[smem:$0x3FB8] =	sst s10  }
0x35: {  	s10 =	sld [smem:$0x3FB7];
	_ =	sdelay $0x3  }
0x36: {  	p1 =	seq.s32 s10, $0x1;
	s10 =	sld [smem:$0x3FB8];
	_ =	sdelay $0x3  }
0x37: {  	[smem:$0x3FB8] =	sst s10  }
0x38: {  	s10 =	sld [smem:$0x3FB9]  }
0x39: {  	_ = 	snop;
	(pc) =	sbr.ind lr, $3  }
0x3a: {  	_ = 	snop  }
0x3b: {  	_ = 	snop  }
0x3c: {  	p2 =	seq.s32 s10, $0x1;
	s10 =	sld [smem:$0x3FB8]  }
0x3d: {  	_ =	shalt  }
0x3e: {  	_ =	shalt  }
0x3f: {  	_ =	shalt  }
0x40: {  	_ =	shalt  }
0x41: {  	_ =	shalt  }
0x42: {  	_ =	shalt  }
0x43: {  	_ =	shalt  }
0x44: {  	_ =	shalt  }
0x45: {  	_ =	shalt  }
0x46: {  	_ =	shalt  }
0x47: {  	_ =	shalt  }
0x48: {  	_ =	shalt  }
0x49: {  	_ =	shalt  }
0x4a: {  	_ =	shalt  }
0x4b: {  	_ =	shalt  }
0x4c: {  	_ =	shalt  }
0x4d: {  	_ =	shalt  }
0x4e: {  	_ =	shalt  }
0x4f: {  	_ =	shalt  }
0x50: {  	_ =	shalt  }
0x51: {  	_ =	shalt  }
0x52: {  	_ =	shalt  }
0x53: {  	_ =	shalt  }
0x54: {  	_ =	shalt  }
0x55: {  	_ =	shalt  }
0x56: {  	_ =	shalt  }
0x57: {  	_ =	shalt  }
0x58: {  	_ =	shalt  }
0x59: {  	_ =	shalt  }
0x5a: {  	_ =	shalt  }
0x5b: {  	_ =	shalt  }
0x5c: {  	_ =	shalt  }
0x5d: {  	_ =	shalt  }
0x5e: {  	_ =	shalt  }
0x5f: {  	_ =	shalt  }
0x60: {  	_ =	shalt  }
0x61: {  	_ =	shalt  }
0x62: {  	_ =	shalt  }
0x63: {  	_ =	shalt  }
0x64: {  	_ =	shalt  }
0x65: {  	_ =	shalt  }
0x66: {  	_ =	shalt  }
0x67: {  	_ =	shalt  }
0x68: {  	_ =	shalt  }
0x69: {  	_ =	shalt  }
0x6a: {  	_ =	shalt  }
0x6b: {  	_ =	shalt  }
0x6c: {  	_ =	shalt  }
0x6d: {  	_ =	shalt  }
0x6e: {  	_ =	shalt  }
0x6f: {  	_ =	shalt  }
0x70: {  	_ =	shalt  }
0x71: {  	_ =	shalt  }
0x72: {  	_ =	shalt  }
0x73: {  	_ =	shalt  }
0x74: {  	_ =	shalt  }
0x75: {  	_ =	shalt  }
0x76: {  	_ =	shalt  }
0x77: {  	_ =	shalt  }
0x78: {  	_ =	shalt  }
0x79: {  	_ =	shalt  }
0x7a: {  	_ =	shalt  }
0x7b: {  	_ =	shalt  }
0x7c: {  	_ =	shalt  }
0x7d: {  	_ =	shalt  }
0x7e: {  	_ =	shalt  }
0x7f: {  	_ =	shalt  }
0x80: {  	_ =	shalt  }
0x81: {  	_ =	shalt  }
0x82: {  	_ =	shalt  }
0x83: {  	_ =	shalt  }
0x84: {  	_ =	shalt  }
0x85: {  	_ =	shalt  }
0x86: {  	_ =	shalt  }
0x87: {  	_ =	shalt  }
.Lfunc_end0:
.L_simem_size_0:
called_computation_lowered:
.L_overlay_start_0:
0x88: {  	s2 =	sld [smem:$0x3FD9]  }
0x89: {  	s3 =	sld [smem:$0x3FFE];
	_ =	sdelay $0x1  }
0x8a: {  	s1 =	srdreg.scid  }
0x8b: {  	s0 =	sand.u32 $0x1, s1  }
0x8c: {  	s17 =	sshll.u32 s0, $0xA;
	s2 =	sadd.s32 s3, s2  }
0x8d: {  	s2 =	sadd.s32 s2, s17  }
0x8e: {  	[smem:$0x3FC4] =	sst s2  }
0x8f: {  	_ = 	snop  }
0x90: {  	s2 =	sld [smem:$0x3FC9]  }
0x91: {  	s18 =	sld [smem:$0x3FC8]  }
0x92: {  	s4 =	sld [smem:$0x3FC7]  }
0x93: {  	s5 =	sld [smem:$0x3FC6];
	(tm) =	ssettm $0x1  }
0x94: {  	s6 =	sld [smem:$0x3FFB];
	_ =	sdelay $0x3  }
0x95: {  	_ =	strace s6  }
0x96: {  	s6 =	sld [smem:$0x3FFC];
	_ =	sdelay $0x3  }
0x97: {  	_ =	strace s6  }
0x98: {  	s6 =	sld [smem:$0x3FFD];
	_ =	sdelay $0x3  }
0x99: {  	_ =	strace s6  }
0x9a: {  	_ =	strace $0x8FFFFFFF  }
0x9b: {  	s19 =	sld [smem:$0x3FDB];
	_ =	sdelay $0x1  }
0x9c: {  	s7 =	simm.s32 $_scs_section_size  }
0x9d: {  	s8 =	simm.s32 $_size__tile_overlayer_lowered;
	s9 =	simm.s32 $_tile_overlayer_lowered  }
0x9e: {  	s22 =	simm.s32 $0x1BFF;
	s21 =	sshll.u32 s9, $0x1;
	s6 =	sadd.s32 s7, s19  }
0x9f: {  	s10 =	simm.s32 $0x0;
	s20 =	sshll.u32 s8, $0x1;
	s8 =	sadd.s32 s21, s6  }
0xa0: {  	[timem:s10], [sflag:s22] =	dma.local [hbm:s8], s20  }
0xa1: {  	_ =	swait.ge [sflag:s22], s20  }
0xa2: {  	s7 =	ssub.s32 $0x0, s20;
	[sflag:s22] =	ssyncset.done $0x0  }
0xa3: {  	[sflag:s22] =	ssyncadd.s32 s7;
	_ =	sdelay $0x1  }
0xa4: {  	s23 =	simm.s32 $0x1B8B  }
0xa5: {  	_ =	swait.ge [sflag:s23], $0x1  }
0xa6: {  	[sflag:s23] =	ssyncset.done $0x0  }
0xa7: {  	s25 =	simm.s32 $0x1B8E;
	s24 =	sld [smem:$0x3FFE];
	[sflag:s23] =	ssyncadd.s32 $0xFFFFFFFF  }
0xa8: {  	s26 =	simm.s32 $execute0_lowered;
	[smem:$0x3FD2] =	sst s25  }
0xa9: {  	s8 =	sshll.u32 s26, $0x1;
	_ =	strace $0x80000046;
	[dreg:$0x1] =	wrdreg $0xFFFFFFFF  }
0xaa: {  	s28 =	simm.s32 $_size_execute0_lowered;
	s6 =	sadd.s32 s6, s8;
	[dreg:$0x0] =	wrdreg $0x0  }
0xab: {  	s8 =	sshll.u32 s28, $0x1;
	[dreg:$0x2] =	wrdreg s6  }
0xac: {  	[dreg:$0x3] =	wrdreg s8  }
0xad: {  	[dreg:$0x4] =	wrdreg $0xC0  }
0xae: {  	_ =	task [dreg:s10], $0x5FFFF  }
0xaf: {  	[dreg:$0x1] =	wrdreg $0xFFFFFFFF  }
0xb0: {  	[dreg:$0x0] =	wrdreg $0x60  }
0xb1: {  	[dreg:$0x2] =	wrdreg s2  }
0xb2: {  	[dreg:$0x3] =	wrdreg s18  }
0xb3: {  	[dreg:$0x4] =	wrdreg s4  }
0xb4: {  	[dreg:$0x5] =	wrdreg s5  }
0xb5: {  	[dreg:$0x6] =	wrdreg s24  }
0xb6: {  	[dreg:$0x7] =	wrdreg $0x9  }
0xb7: {  	_ =	task.clear_ibuf [dreg:s10], $0x8FFFF;
	_ =	strace $0x90000046  }
0xb8: {  	s29 =	simm.s32 $0x9;
	_ =	strace $0x80000048  }
0xb9: {  	_ =	swait.ge [sflag:s29], $0x1  }
0xba: {  	[sflag:s29] =	ssyncadd.s32 $0xFFFFFFFF  }
0xbb: {  	_ =	strace $0x90000048  }
0xbc: {  	_ =	sfence  }
0xbd: {  	s30 =	sld [smem:$0x0];
	_ =	sdelay $0x2  }
0xbe: {  	s31 =	sshll.u32 s1, $0xD;
	s1 =	sshrl.u32 s1, $0x2  }
0xbf: {  	s3 =	sand.u32 $0x4000, s31;
	s1 =	sadd.s32 s1, s30  }
0xc0: {  	s0 =	sor.u32 s3, s0;
	s1 =	sshll.u32 s1, $0x11  }
0xc1: {  	s0 =	sor.u32 s1, s0  }
0xc2: {  	s0 =	sadd.s32 $0x8F2B, s0  }
0xc3: {  	[sflag:s0] =	ssyncadd.remote.s32 $0x1  }
0xc4: {  	_ =	sfence.sel $0xFFFF  }
0xc5: {  	[dreg:$0x0] =	wrdreg $0xFFFFFFFF;
	(pc) =	sbr.abs _section_cstart, $3  }
0xc6: {  	[dreg:$0x1] =	wrdreg $0xFFFFFFFF  }
0xc7: {  	_ =	task.clear_ibuf [dreg:s10], $0x2FFFF;
	_ =	strace $0x9FFFFFFF  }
0xc8: {  	(tm) =	ssettm $0x7FFFFFFF  }
0xc9: {  	_ =	shalt  }
tec
execute0_lowered:
.L_overlay_start_1:
0x0: {  	(tag) =	ssettag $0x1  }
0x1: {  	s0 =	rddreg [dreg:$0x0]  }
0x2: {  	s8 =	stileid.u32;
	s1 =	srdreg.scid  }
0x3: {  	s2 =	rddreg [dreg:$0x2];
	s3 =	sand.u32 $0x1, s1;
	s17 =	sshll.u32 s8, $0x1  }
0x4: {  	s4 =	rddreg [dreg:$0x3];
	s5 =	sor.u32 s3, s17  }
0x5: {  	s6 =	rddreg [dreg:$0x4];
	s1 =	simm.s32 $0x0;
	s7 =	smul.u32 $0x30D40, s5  }
0x6: {  	s8 =	sshll.u32 s8, $0x7;
	[smem:$0x7FF] =	sst s1;
	s3 =	ssub.s32 $0x2, s3  }
0x7: {  	s8 =	sand.u32 $0x600, s8;
	s18 =	sshrl.u32 s3, $0x1;
	s7 =	sshrl.u32 s7, $0x3  }
0x8: {  	s6 =	sadd.s32 s8, s6;
	s3 =	ssub.s32 s3, s18;
	s9 =	sadd.s32 $0x9C4, s7  }
0x9: {  	s5 =	sshll.u32 s5, $0x4;
	s3 =	smax.u32 s3, $0x1;
	s19 =	sadd.s32 s0, s9  }
0xa: {  	s20 =	sadd.s32 $0x1388, s7;
	s10 =	sadd.s32 s2, s9;
	[dreg:$0x6] =	wrdreg s19  }
0xb: {  	s23 =	sadd.s32 $0x1D4C, s7;
	s9 =	sadd.s32 s4, s9;
	[dreg:$0x7] =	wrdreg s10  }
0xc: {  	s26 =	sadd.s32 $0x2710, s7;
	s21 =	sadd.s32 s0, s20;
	[dreg:$0x8] =	wrdreg s9  }
0xd: {  	s11 =	sadd.s32 $0x30D4, s7;
	s22 =	sadd.s32 s2, s20;
	[dreg:$0x9] =	wrdreg s21  }
0xe: {  	s15 =	sadd.s32 $0x3A98, s7;
	s8 =	sadd.s32 s4, s20;
	[dreg:$0xa] =	wrdreg s22  }
0xf: {  	s18 =	sadd.s32 $0x445C, s7;
	s24 =	sadd.s32 s0, s23;
	[dreg:$0xb] =	wrdreg s8  }
0x10: {  	s28 =	sadd.s32 s2, s7;
	s25 =	sadd.s32 s2, s23;
	[dreg:$0xc] =	wrdreg s24  }
0x11: {  	s29 =	sadd.s32 s4, s7;
	s12 =	sadd.s32 s2, s26;
	[dreg:$0xd] =	wrdreg s25  }
0x12: {  	s13 =	sadd.s32 s0, s11;
	s14 =	sadd.s32 s2, s11;
	[dreg:$0x10] =	wrdreg s12  }
0x13: {  	s16 =	sadd.s32 s0, s15;
	s17 =	sadd.s32 s2, s15;
	[dreg:$0x12] =	wrdreg s13  }
0x14: {  	s20 =	sadd.s32 $0x4E20, s7;
	s8 =	sadd.s32 s4, s23;
	[dreg:$0x13] =	wrdreg s14  }
0x15: {  	s10 =	sadd.s32 s0, s26;
	s9 =	sadd.s32 s4, s26;
	[dreg:$0x15] =	wrdreg s16  }
0x16: {  	[dreg:$0x16] =	wrdreg s17;
	s19 =	sadd.s32 s0, s18;
	s21 =	sadd.s32 s2, s18  }
0x17: {  	s22 =	sadd.s32 s0, s20;
	s24 =	sadd.s32 s2, s20;
	[dreg:$0xe] =	wrdreg s8  }
0x18: {  	s25 =	sadd.s32 s4, s20;
	s26 =	sadd.s32 s0, s7;
	[dreg:$0xf] =	wrdreg s10  }
0x19: {  	s7 =	sadd.s32 $0x57E4, s7;
	s23 =	sand.u32 $0x70, s5;
	[dreg:$0x11] =	wrdreg s9  }
0x1a: {  	s5 =	simm.s32 $0x4F00;
	s12 =	simm.s32 $0x1D780;
	[dreg:$0x18] =	wrdreg s19  }
0x1b: {  	s13 =	simm.s32 $0x2;
	s14 =	simm.s32 $0x1F780;
	[dreg:$0x19] =	wrdreg s21  }
0x1c: {  	s8 =	sadd.s32 s4, s11;
	s9 =	sadd.s32 s4, s18;
	[dreg:$0x1b] =	wrdreg s22  }
0x1d: {  	s31 =	sadd.s32 s0, s7;
	s0 =	sadd.s32 s2, s7;
	s30 =	sadd.s32 s4, s7  }
0x1e: {  	s2 =	sadd.s32 s23, s6;
	s6 =	simm.s32 $0x9D80;
	s7 =	simm.s32 $0x3  }
0x1f: {  	s10 =	simm.s32 $0x13A80;
	s11 =	simm.s32 $0x18900;
	[dreg:$0x14] =	wrdreg s8  }
0x20: {  	s8 =	sadd.s32 s4, s15;
	[dreg:$0x1a] =	wrdreg s9;
	s2 =	sadd.s32 $0x600, s2  }
0x21: {  	s4 =	simm.s32 $0x80;
	s9 =	simm.s32 $0xEC00;
	[dreg:$0x17] =	wrdreg s8  }
0x22: {  	v0 =	vimm.f32 $0.0e+00;
	v1 =	vlaneseq.u32;
	s15 =	simm.s32 $0x0;
	s8 =	simm.s32 $0x1;
	_ =	strace $0x80000047  }
.LBB2_1:
0x23: {  	[tilespmem:s4], [sflag:$0x1] =	stream.linear.gather [hbm4b:s26+s1], $0x4E20, $0x38;
	[tilespmem:$0x1F980] =	vst v63  }
0x24: {  	_ = 	snop  }
0x25: {  	[tilespmem:s5], [sflag:$0x1] =	stream.linear.gather [hbm4b:s28+s1], $0x4E20, $0x38;
	[tilespmem:$0x1F980] =	vst v63  }
0x26: {  	_ = 	snop  }
0x27: {  	[tilespmem:s6], [sflag:$0x1] =	stream.linear.gather [hbm4b:s29+s1], $0x4E20, $0x38;
	[tilespmem:$0x1F980] =	vst v63  }
0x28: {  	s16 =	rddreg [dreg:$0x1]  }
0x29: {  	[tilespmem:s1], [sflag:$0x3] =	stream.linear.gather [hbm4b:s16+s1], $0x80, $0x38;
	[tilespmem:$0x1F980] =	vst v63  }
0x2a: {  	_ =	swait.ge [sflag:s7], $0x80  }
0x2b: {  	[sflag:s7] =	ssyncset.done $0x0  }
0x2c: {  	s16 =	simm.s32 $0x1D7C0;
	[sflag:s7] =	ssyncadd.s32 $0xFFFFFF80  }
0x2d: {  	[tilespmem:s16+$0xFFFFFFC0] =	vst v0  }
0x2e: {  	[tilespmem:s16+$0x30] =	vst v0  }
0x2f: {  	[tilespmem:s16+$0x20] =	vst v0  }
0x30: {  	[tilespmem:s16+$0x10] =	vst v0  }
0x31: {  	[tilespmem:s16+$0x0] =	vst v0  }
0x32: {  	[tilespmem:s16+$0xFFFFFFF0] =	vst v0  }
0x33: {  	s17 =	simm.s32 $0x0;
	[tilespmem:s16+$0xFFFFFFE0] =	vst v0  }
.LBB2_2:
0x34: {  	s17 =	sadd.s32 $0x8, s17;
	[tilespmem:s16+$0xFFFFFFD0] =	vst v0;
	s16 =	sadd.s32 $0x80, s16  }
0x35: {  	[tilespmem:s16+$0xFFFFFFC0] =	vst v0;
	p0 =	slt.u32 s17, $0x1F8  }
0x36: {  	[tilespmem:s16+$0x30] =	vst v0  }
.Ltmp0:
0x37: {  	[tilespmem:s16+$0x20] =	vst v0;
	(pc) =	sbr.rel @p0 .LBB2_2-.Ltmp0, $4  }
0x38: {  	[tilespmem:s16+$0x10] =	vst v0  }
0x39: {  	[tilespmem:s16+$0x0] =	vst v0  }
0x3a: {  	[tilespmem:s16+$0xFFFFFFF0] =	vst v0  }
0x3b: {  	[tilespmem:s16+$0xFFFFFFE0] =	vst v0  }
0x3c: {  	[tilespmem:s16+$0xFFFFFFD0] =	vst v0  }
0x3d: {  	_ =	swait.ge [sflag:s8], $0x4E20  }
0x3e: {  	[sflag:s8] =	ssyncset.done $0x0  }
0x3f: {  	[sflag:s8] =	ssyncadd.s32 $0xFFFFB1E0  }
0x40: {  	_ =	swait.ge [sflag:s8], $0x4E20  }
0x41: {  	[sflag:s8] =	ssyncset.done $0x0  }
0x42: {  	[sflag:s8] =	ssyncadd.s32 $0xFFFFB1E0  }
0x43: {  	_ =	swait.ge [sflag:s8], $0x4E20  }
0x44: {  	[sflag:s8] =	ssyncset.done $0x0  }
0x45: {  	s16 =	simm.s32 $0x0;
	s17 =	rddreg [dreg:$0x6];
	[sflag:s8] =	ssyncadd.s32 $0xFFFFB1E0  }
0x46: {  	[tilespmem:s9], [sflag:$0x2] =	stream.linear.gather [hbm4b:s17+s16], $0x4E20, $0x38;
	[tilespmem:$0x1F980] =	vst v63  }
.Ltmp1:
0x47: {  	s22 =	rddreg [dreg:$0x7];
	(pc) =	sbr.rel .LBB2_4-.Ltmp1, $4  }
0x48: {  	[tilespmem:s10], [sflag:$0x2] =	stream.linear.gather [hbm4b:s22+s16], $0x4E20, $0x38;
	[tilespmem:$0x1F980] =	vst v63  }
0x49: {  	s23 =	rddreg [dreg:$0x8]  }
0x4a: {  	[tilespmem:s11], [sflag:$0x2] =	stream.linear.gather [hbm4b:s23+s16], $0x4E20, $0x38;
	[tilespmem:$0x1F980] =	vst v63  }
0x4b: {  	s18 =	simm.s32 $0x4F50;
	s22 =	simm.s32 $0x9DD0;
	s23 =	simm.s32 $0xD0  }
.LBB2_10:
0x4c: {  	_ =	sdelay $0x3  }
0x4d: {  	[tilespmem:v5+s12+$0x0] =	vst.idx.add.f32.msk $0xffff, v2  }
0x4e: {  	[tilespmem:v4+s12+$0x0] =	vst.idx.add.f32.msk $0xffff, v3  }
.LBB2_11:
0x4f: {  	s16 =	sadd.s32 $0x1, s16  }
0x50: {  	p0 =	sne.s32 s16, $0x19  }
.Ltmp2:
0x51: {  	_ = 	snop;
	(pc) =	sbr.rel @!p0 .LBB2_12-.Ltmp2, $2  }
0x52: {  	_ =	sdelay $0x2  }
0x53: {  	s23 =	sadd.s32 $0x320, s23;
	s18 =	sadd.s32 $0x320, s18;
	s22 =	sadd.s32 $0x320, s22  }
.LBB2_4:
0x54: {  	s17 =	smul.u32 $0x320, s16;
	_ =	sdelay $0x1  }
0x55: {  	v2 =	vld [tilespmem:s17+$0x9D80]  }
0x56: {  	v3 =	vld [tilespmem:s17+$0xA090];
	_ =	sdelay $0x3  }
0x57: {  	(v2sf) =	vpush v2, $0x0  }
0x58: {  	(v2sf) =	vpush v3, $0xF;
	_ =	sdelay $0xd  }
0x59: {  	s21 =	spop (v2sf)  }
0x5a: {  	s19 =	spop (v2sf)  }
0x5b: {  	p0 =	sne.s32 s21, s19  }
.Ltmp3:
0x5c: {  	_ = 	snop;
	(pc) =	sbr.rel @p0 .LBB2_8-.Ltmp3, $2  }
0x5d: {  	_ =	sdelay $0x2  }
0x5e: {  	s17 =	simm.s32 $0xFFFFFFF6;
	v3 =	vimm.f32 $0.0e+00  }
0x5f: {  	v5 =	vld [tilespmem:s18+$0x40]  }
0x60: {  	v4 =	vld [tilespmem:s18+$0x30]  }
0x61: {  	v6 =	vld [tilespmem:s18+$0xFFFFFFB0]  }
0x62: {  	v7 =	vld [tilespmem:s18+$0x20]  }
0x63: {  	v8 =	vld [tilespmem:s18+$0xFFFFFFC0]  }
0x64: {  	v9 =	vld [tilespmem:s18+$0x10]  }
0x65: {  	v10 =	vld [tilespmem:s18+$0xFFFFFFD0]  }
0x66: {  	v11 =	vld [tilespmem:s18+$0x0]  }
0x67: {  	v12 =	vld [tilespmem:s18+$0xFFFFFFE0]  }
0x68: {  	v13 =	vld [tilespmem:s18+$0xFFFFFFF0]  }
0x69: {  	v14 =	vld [tilespmem:s23+$0xFFFFFFB0]  }
0x6a: {  	v6 =	vld.idx.msk [tilespmem:v6+s1+$0x0], $0xffff  }
0x6b: {  	v15 =	vld [tilespmem:s23+$0xFFFFFFC0]  }
0x6c: {  	v8 =	vld.idx.msk [tilespmem:v8+s1+$0x0], $0xffff  }
0x6d: {  	v16 =	vld [tilespmem:s23+$0xFFFFFFD0]  }
0x6e: {  	v10 =	vld.idx.msk [tilespmem:v10+s1+$0x0], $0xffff  }
0x6f: {  	v60 =	vld [tilespmem:s23+$0xFFFFFFE0];
	v6 =	vsub.f32 v14, v6  }
0x70: {  	v12 =	vld.idx.msk [tilespmem:v12+s1+$0x0], $0xffff  }
0x71: {  	v61 =	vld [tilespmem:s23+$0xFFFFFFF0];
	v8 =	vsub.f32 v15, v8;
	v6 =	vmul.f32 v6, v6  }
0x72: {  	v13 =	vld.idx.msk [tilespmem:v13+s1+$0x0], $0xffff  }
0x73: {  	v11 =	vld.idx.msk [tilespmem:v11+s1+$0x0], $0xffff;
	v3 =	vadd.f32 v6, v3;
	v6 =	vmul.f32 v8, v8;
	v8 =	vsub.f32 v16, v10  }
0x74: {  	v10 =	vld [tilespmem:s23+$0x0]  }
0x75: {  	v62 =	vld.idx.msk [tilespmem:v9+s1+$0x0], $0xffff;
	v9 =	vsub.f32 v60, v12;
	v6 =	vadd.f32 v6, v3;
	v8 =	vmul.f32 v8, v8  }
0x76: {  	v63 =	vld [tilespmem:s23+$0x10]  }
0x77: {  	v3 =	vld.idx.msk [tilespmem:v7+s1+$0x0], $0xffff;
	v7 =	vadd.f32 v8, v6;
	v8 =	vmul.f32 v9, v9;
	v9 =	vsub.f32 v61, v13  }
0x78: {  	v6 =	vld [tilespmem:s23+$0x20]  }
0x79: {  	v4 =	vld.idx.msk [tilespmem:v4+s1+$0x0], $0xffff;
	v10 =	vsub.f32 v10, v11;
	v8 =	vadd.f32 v8, v7;
	v9 =	vmul.f32 v9, v9  }
0x7a: {  	v7 =	vld [tilespmem:s23+$0x30]  }
0x7b: {  	v5 =	vld.idx.msk [tilespmem:v5+s1+$0x0], $0xffff;
	v11 =	vsub.f32 v63, v62;
	v10 =	vmul.f32 v10, v10;
	v9 =	vadd.f32 v9, v8  }
0x7c: {  	s17 =	sadd.s32 $0xA, s17;
	s19 =	sadd.s32 $0xA0, s18;
	s20 =	smov.u32 s23;
	v8 =	vld [tilespmem:s23+$0x40]  }
.LBB2_6:
0x7d: {  	v12 =	vld [tilespmem:s19+$0x40];
	v9 =	vadd.f32 v10, v9;
	v10 =	vmul.f32 v11, v11;
	v3 =	vsub.f32 v6, v3  }
0x7e: {  	v11 =	vld [tilespmem:s19+$0x30]  }
0x7f: {  	s17 =	sadd.s32 $0xA, s17;
	v6 =	vld [tilespmem:s19+$0xFFFFFFB0];
	v9 =	vadd.f32 v10, v9;
	v3 =	vmul.f32 v3, v3;
	v4 =	vsub.f32 v7, v4  }
0x80: {  	p0 =	slt.u32 s17, $0x28;
	v7 =	vld [tilespmem:s19+$0x20]  }
0x81: {  	v10 =	vld [tilespmem:s19+$0xFFFFFFC0];
	v3 =	vadd.f32 v3, v9;
	v4 =	vmul.f32 v4, v4;
	v5 =	vsub.f32 v8, v5  }
0x82: {  	v8 =	vld [tilespmem:s19+$0x10]  }
0x83: {  	v9 =	vld [tilespmem:s19+$0xFFFFFFD0];
	v3 =	vadd.f32 v4, v3;
	v4 =	vmul.f32 v5, v5  }
0x84: {  	v5 =	vld [tilespmem:s19+$0x0]  }
0x85: {  	v13 =	vld [tilespmem:s19+$0xFFFFFFE0];
	v3 =	vadd.f32 v4, v3  }
0x86: {  	v4 =	vld [tilespmem:s19+$0xFFFFFFF0]  }
0x87: {  	s20 =	sadd.s32 $0xA0, s20;
	v6 =	vld.idx.msk [tilespmem:v6+s1+$0x0], $0xffff  }
0x88: {  	v14 =	vld [tilespmem:s20+$0xFFFFFFB0]  }
0x89: {  	v10 =	vld.idx.msk [tilespmem:v10+s1+$0x0], $0xffff  }
0x8a: {  	v15 =	vld [tilespmem:s20+$0xFFFFFFC0]  }
0x8b: {  	v9 =	vld.idx.msk [tilespmem:v9+s1+$0x0], $0xffff  }
0x8c: {  	v16 =	vld [tilespmem:s20+$0xFFFFFFD0]  }
0x8d: {  	v6 =	vsub.f32 v14, v6;
	v13 =	vld.idx.msk [tilespmem:v13+s1+$0x0], $0xffff  }
0x8e: {  	v14 =	vld [tilespmem:s20+$0xFFFFFFE0]  }
0x8f: {  	v6 =	vmul.f32 v6, v6;
	v10 =	vsub.f32 v15, v10;
	v4 =	vld.idx.msk [tilespmem:v4+s1+$0x0], $0xffff  }
0x90: {  	v15 =	vld [tilespmem:s20+$0xFFFFFFF0]  }
0x91: {  	v3 =	vadd.f32 v6, v3;
	v6 =	vmul.f32 v10, v10;
	v9 =	vsub.f32 v16, v9;
	v5 =	vld.idx.msk [tilespmem:v5+s1+$0x0], $0xffff  }
0x92: {  	v10 =	vld [tilespmem:s20+$0x0]  }
0x93: {  	v3 =	vadd.f32 v6, v3;
	v6 =	vmul.f32 v9, v9;
	v9 =	vsub.f32 v14, v13;
	v8 =	vld.idx.msk [tilespmem:v8+s1+$0x0], $0xffff  }
0x94: {  	v13 =	vld [tilespmem:s20+$0x10]  }
0x95: {  	v14 =	vadd.f32 v6, v3;
	v9 =	vmul.f32 v9, v9;
	v4 =	vsub.f32 v15, v4;
	v3 =	vld.idx.msk [tilespmem:v7+s1+$0x0], $0xffff  }
.Ltmp4:
0x96: {  	v6 =	vld [tilespmem:s20+$0x20];
	(pc) =	sbr.rel @p0 .LBB2_6-.Ltmp4, $4  }
0x97: {  	v9 =	vadd.f32 v9, v14;
	v14 =	vmul.f32 v4, v4;
	v5 =	vsub.f32 v10, v5;
	v4 =	vld.idx.msk [tilespmem:v11+s1+$0x0], $0xffff  }
0x98: {  	v7 =	vld [tilespmem:s20+$0x30]  }
0x99: {  	v9 =	vadd.f32 v14, v9;
	v10 =	vmul.f32 v5, v5;
	v11 =	vsub.f32 v13, v8;
	v5 =	vld.idx.msk [tilespmem:v12+s1+$0x0], $0xffff  }
0x9a: {  	s19 =	sadd.s32 $0xA0, s19;
	v8 =	vld [tilespmem:s20+$0x40]  }
0x9b: {  	v9 =	vadd.f32 v10, v9;
	v61 =	vmul.f32 v11, v11;
	v3 =	vsub.f32 v6, v3;
	_ =	sdelay $0x1  }
0x9c: {  	v62 =	vadd.f32 v61, v9;
	v3 =	vmul.f32 v3, v3;
	v4 =	vsub.f32 v7, v4  }
0x9d: {  	v2 =	vshll.u32 v2, $0x4  }
0x9e: {  	v3 =	vadd.f32 v3, v62;
	v4 =	vmul.f32 v4, v4;
	v5 =	vsub.f32 v8, v5  }
0x9f: {  	v2 =	vor.u32 v1, v2  }
.Ltmp5:
0xa0: {  	v3 =	vadd.f32 v4, v3;
	v63 =	vmul.f32 v5, v5;
	(pc) =	sbr.rel .LBB2_11-.Ltmp5, $3  }
0xa1: {  	_ = 	snop  }
0xa2: {  	v3 =	vadd.f32 v63, v3;
	_ =	sdelay $0x1  }
0xa3: {  	[tilespmem:v2+s12+$0x0] =	vst.idx.add.f32.msk $0xffff, v3  }
.LBB2_8:
0xa4: {  	v2 =	vld [tilespmem:s18+$0x40]  }
0xa5: {  	v3 =	vld [tilespmem:s18+$0xFFFFFFB0]  }
0xa6: {  	v4 =	vld [tilespmem:s18+$0xFFFFFFC0]  }
0xa7: {  	v5 =	vld [tilespmem:s18+$0xFFFFFFD0]  }
0xa8: {  	v6 =	vld [tilespmem:s18+$0xFFFFFFE0]  }
0xa9: {  	v7 =	vld [tilespmem:s18+$0xFFFFFFF0]  }
0xaa: {  	v8 =	vld [tilespmem:s18+$0x0]  }
0xab: {  	v9 =	vld [tilespmem:s22+$0x40]  }
0xac: {  	v10 =	vld [tilespmem:s23+$0x40]  }
0xad: {  	v11 =	vld [tilespmem:s18+$0x10]  }
0xae: {  	v12 =	vld [tilespmem:s18+$0x20]  }
0xaf: {  	v13 =	vld [tilespmem:s18+$0x30]  }
0xb0: {  	v51 =	vld [tilespmem:s23+$0xFFFFFFC0]  }
0xb1: {  	v52 =	vld [tilespmem:s22+$0xFFFFFFB0]  }
0xb2: {  	v53 =	vld [tilespmem:s23+$0xFFFFFFD0]  }
0xb3: {  	v14 =	vld [tilespmem:s23+$0xFFFFFFB0]  }
0xb4: {  	v15 =	vld [tilespmem:s23+$0xFFFFFFE0]  }
0xb5: {  	v16 =	vld [tilespmem:s22+$0xFFFFFFC0]  }
0xb6: {  	v17 =	vld [tilespmem:s23+$0xFFFFFFF0]  }
0xb7: {  	v18 =	vld [tilespmem:s23+$0x0]  }
0xb8: {  	v19 =	vld [tilespmem:s23+$0x10]  }
0xb9: {  	v54 =	vld [tilespmem:s22+$0xFFFFFFD0]  }
0xba: {  	v20 =	vld [tilespmem:s22+$0xFFFFFFE0]  }
0xbb: {  	v21 =	vld [tilespmem:s22+$0xFFFFFFF0]  }
0xbc: {  	v55 =	vld [tilespmem:s22+$0x10]  }
0xbd: {  	v56 =	vld [tilespmem:s23+$0x20]  }
0xbe: {  	v3 =	vld.idx.msk [tilespmem:v3+s1+$0x0], $0xffff  }
0xbf: {  	v2 =	vld.idx.msk [tilespmem:v2+s1+$0x0], $0xffff  }
0xc0: {  	v4 =	vld.idx.msk [tilespmem:v4+s1+$0x0], $0xffff  }
0xc1: {  	v49 =	vld.idx.msk [tilespmem:v12+s1+$0x0], $0xffff;
	v12 =	vshll.u32 v52, $0x4  }
0xc2: {  	v5 =	vld.idx.msk [tilespmem:v5+s1+$0x0], $0xffff;
	v12 =	vor.u32 v1, v12  }
0xc3: {  	v9 =	vshll.u32 v9, $0x4;
	v6 =	vld.idx.msk [tilespmem:v6+s1+$0x0], $0xffff;
	v3 =	vsub.f32 v14, v3  }
0xc4: {  	v9 =	vor.u32 v1, v9;
	v7 =	vld.idx.msk [tilespmem:v7+s1+$0x0], $0xffff  }
0xc5: {  	v16 =	vshll.u32 v16, $0x4;
	v48 =	vld.idx.msk [tilespmem:v11+s1+$0x0], $0xffff;
	v2 =	vsub.f32 v10, v2;
	v3 =	vmul.f32 v3, v3  }
0xc6: {  	v16 =	vor.u32 v1, v16;
	v50 =	vld.idx.msk [tilespmem:v13+s1+$0x0], $0xffff  }
0xc7: {  	v4 =	vsub.f32 v51, v4;
	v2 =	vmul.f32 v2, v2;
	[tilespmem:v12+s12+$0x0] =	vst.idx.add.f32.msk $0xffff, v3  }
0xc8: {  	v3 =	vld [tilespmem:s22+$0x0]  }
0xc9: {  	v4 =	vmul.f32 v4, v4;
	[tilespmem:v9+s12+$0x0] =	vst.idx.add.f32.msk $0xffff, v2  }
0xca: {  	v57 =	vshll.u32 v54, $0x4;
	v58 =	vshll.u32 v20, $0x4;
	v2 =	vld.idx.msk [tilespmem:v8+s1+$0x0], $0xffff  }
0xcb: {  	v59 =	vshll.u32 v21, $0x4;
	v13 =	vor.u32 v1, v57;
	v5 =	vsub.f32 v53, v5;
	[tilespmem:v16+s12+$0x0] =	vst.idx.add.f32.msk $0xffff, v4  }
0xcc: {  	v6 =	vsub.f32 v15, v6;
	v14 =	vor.u32 v1, v58;
	v7 =	vsub.f32 v17, v7;
	v4 =	vld [tilespmem:s23+$0x30]  }
0xcd: {  	v61 =	vld [tilespmem:s22+$0x30];
	v15 =	vor.u32 v1, v59;
	v63 =	vsub.f32 v56, v49;
	v3 =	vshll.u32 v3, $0x4  }
0xce: {  	v60 =	vld [tilespmem:s22+$0x20];
	v5 =	vmul.f32 v5, v5;
	v62 =	vor.u32 v1, v3;
	v3 =	vshll.u32 v55, $0x4  }
0xcf: {  	v6 =	vmul.f32 v6, v6;
	v2 =	vsub.f32 v18, v2;
	v11 =	vor.u32 v1, v3  }
0xd0: {  	v7 =	vmul.f32 v7, v7;
	[tilespmem:v13+s12+$0x0] =	vst.idx.add.f32.msk $0xffff, v5;
	v3 =	vsub.f32 v19, v48  }
0xd1: {  	[tilespmem:v14+s12+$0x0] =	vst.idx.add.f32.msk $0xffff, v6;
	v4 =	vsub.f32 v4, v50;
	v5 =	vmul.f32 v2, v2  }
0xd2: {  	[tilespmem:v15+s12+$0x0] =	vst.idx.add.f32.msk $0xffff, v7;
	v7 =	vshll.u32 v61, $0x4;
	v6 =	vmul.f32 v3, v3  }
0xd3: {  	s20 =	simm.s32 $0x0;
	v2 =	vmul.f32 v63, v63;
	v3 =	vmul.f32 v4, v4;
	v4 =	vshll.u32 v60, $0x4;
	[tilespmem:v62+s12+$0x0] =	vst.idx.add.f32.msk $0xffff, v5  }
0xd4: {  	s21 =	sadd.s32 $0xA0, s18;
	s19 =	smov.u32 s22;
	s17 =	smov.u32 s23;
	v5 =	vor.u32 v1, v4;
	v4 =	vor.u32 v1, v7;
	[tilespmem:v11+s12+$0x0] =	vst.idx.add.f32.msk $0xffff, v6  }
.LBB2_9:
0xd5: {  	v6 =	vld [tilespmem:s21+$0x40];
	s20 =	sadd.s32 $0xA, s20  }
0xd6: {  	v7 =	vld [tilespmem:s21+$0xFFFFFFB0];
	p0 =	slt.u32 s20, $0x28  }
0xd7: {  	v8 =	vld [tilespmem:s21+$0xFFFFFFC0]  }
0xd8: {  	v9 =	vld [tilespmem:s21+$0xFFFFFFD0]  }
0xd9: {  	v10 =	vld [tilespmem:s21+$0xFFFFFFE0]  }
0xda: {  	v11 =	vld [tilespmem:s21+$0xFFFFFFF0]  }
0xdb: {  	s19 =	sadd.s32 $0xA0, s19;
	v12 =	vld [tilespmem:s21+$0x0]  }
0xdc: {  	v13 =	vld [tilespmem:s19+$0x40]  }
0xdd: {  	s17 =	sadd.s32 $0xA0, s17;
	v6 =	vld.idx.msk [tilespmem:v6+s1+$0x0], $0xffff  }
0xde: {  	v14 =	vld [tilespmem:s17+$0x40]  }
0xdf: {  	v15 =	vld [tilespmem:s21+$0x10]  }
0xe0: {  	v16 =	vld [tilespmem:s21+$0x20]  }
0xe1: {  	v17 =	vld [tilespmem:s21+$0x30];
	v13 =	vshll.u32 v13, $0x4  }
0xe2: {  	v7 =	vld.idx.msk [tilespmem:v7+s1+$0x0], $0xffff;
	v13 =	vor.u32 v1, v13  }
0xe3: {  	v8 =	vld.idx.msk [tilespmem:v8+s1+$0x0], $0xffff;
	v6 =	vsub.f32 v14, v6  }
0xe4: {  	v9 =	vld.idx.msk [tilespmem:v9+s1+$0x0], $0xffff  }
0xe5: {  	v10 =	vld.idx.msk [tilespmem:v10+s1+$0x0], $0xffff;
	v6 =	vmul.f32 v6, v6  }
0xe6: {  	v11 =	vld.idx.msk [tilespmem:v11+s1+$0x0], $0xffff  }
0xe7: {  	[tilespmem:v13+s12+$0x0] =	vst.idx.add.f32.msk $0xffff, v6  }
0xe8: {  	v6 =	vld.idx.msk [tilespmem:v12+s1+$0x0], $0xffff  }
0xe9: {  	v12 =	vld.idx.msk [tilespmem:v15+s1+$0x0], $0xffff  }
0xea: {  	v13 =	vld.idx.msk [tilespmem:v16+s1+$0x0], $0xffff  }
0xeb: {  	v14 =	vld.idx.msk [tilespmem:v17+s1+$0x0], $0xffff  }
0xec: {  	v15 =	vld [tilespmem:s17+$0xFFFFFFC0]  }
0xed: {  	v16 =	vld [tilespmem:s17+$0xFFFFFFD0]  }
0xee: {  	v17 =	vld [tilespmem:s17+$0xFFFFFFE0]  }
0xef: {  	v18 =	vld [tilespmem:s17+$0xFFFFFFF0]  }
0xf0: {  	v19 =	vld [tilespmem:s17+$0x0]  }
0xf1: {  	v8 =	vsub.f32 v15, v8;
	v15 =	vld [tilespmem:s17+$0x10]  }
0xf2: {  	v9 =	vsub.f32 v16, v9;
	v16 =	vld [tilespmem:s17+$0x20]  }
0xf3: {  	v8 =	vmul.f32 v8, v8;
	v10 =	vsub.f32 v17, v10;
	v17 =	vld [tilespmem:s17+$0x30]  }
0xf4: {  	v20 =	vld [tilespmem:s17+$0xFFFFFFB0];
	v9 =	vmul.f32 v9, v9;
	v11 =	vsub.f32 v18, v11  }
0xf5: {  	v18 =	vld [tilespmem:s19+$0xFFFFFFB0];
	v10 =	vmul.f32 v10, v10;
	v6 =	vsub.f32 v19, v6  }
0xf6: {  	v19 =	vld [tilespmem:s19+$0xFFFFFFC0];
	v11 =	vmul.f32 v11, v11;
	v12 =	vsub.f32 v15, v12  }
0xf7: {  	v15 =	vld [tilespmem:s19+$0xFFFFFFD0];
	v6 =	vmul.f32 v6, v6;
	v13 =	vsub.f32 v16, v13  }
0xf8: {  	v16 =	vld [tilespmem:s19+$0xFFFFFFE0];
	v12 =	vmul.f32 v12, v12;
	v14 =	vsub.f32 v17, v14  }
0xf9: {  	v7 =	vsub.f32 v20, v7;
	v17 =	vld [tilespmem:s19+$0xFFFFFFF0];
	v13 =	vmul.f32 v13, v13  }
0xfa: {  	v18 =	vshll.u32 v18, $0x4;
	v20 =	vld [tilespmem:s19+$0x0];
	v14 =	vmul.f32 v14, v14  }
0xfb: {  	v7 =	vmul.f32 v7, v7;
	v18 =	vor.u32 v1, v18;
	v19 =	vshll.u32 v19, $0x4;
	v21 =	vld [tilespmem:s19+$0x10]  }
0xfc: {  	v19 =	vor.u32 v1, v19;
	v15 =	vshll.u32 v15, $0x4;
	v22 =	vld [tilespmem:s19+$0x20]  }
0xfd: {  	v15 =	vor.u32 v1, v15;
	v16 =	vshll.u32 v16, $0x4;
	v23 =	vld [tilespmem:s19+$0x30]  }
0xfe: {  	v16 =	vor.u32 v1, v16;
	v17 =	vshll.u32 v17, $0x4;
	[tilespmem:v5+s12+$0x0] =	vst.idx.add.f32.msk $0xffff, v2;
	v2 =	vmov v13  }
0xff: {  	v13 =	vor.u32 v1, v17;
	v5 =	vshll.u32 v20, $0x4;
	[tilespmem:v4+s12+$0x0] =	vst.idx.add.f32.msk $0xffff, v3;
	v3 =	vmov v14  }
0x100: {  	[tilespmem:v18+s12+$0x0] =	vst.idx.add.f32.msk $0xffff, v7;
	v7 =	vor.u32 v1, v5;
	v4 =	vshll.u32 v21, $0x4  }
0x101: {  	[tilespmem:v19+s12+$0x0] =	vst.idx.add.f32.msk $0xffff, v8;
	v8 =	vor.u32 v1, v4;
	v4 =	vshll.u32 v22, $0x4  }
.Ltmp6:
0x102: {  	[tilespmem:v15+s12+$0x0] =	vst.idx.add.f32.msk $0xffff, v9;
	v5 =	vor.u32 v1, v4;
	v4 =	vshll.u32 v23, $0x4;
	(pc) =	sbr.rel @p0 .LBB2_9-.Ltmp6, $4  }
0x103: {  	[tilespmem:v16+s12+$0x0] =	vst.idx.add.f32.msk $0xffff, v10;
	v4 =	vor.u32 v1, v4  }
0x104: {  	[tilespmem:v13+s12+$0x0] =	vst.idx.add.f32.msk $0xffff, v11  }
0x105: {  	[tilespmem:v7+s12+$0x0] =	vst.idx.add.f32.msk $0xffff, v6  }
0x106: {  	s21 =	sadd.s32 $0xA0, s21;
	[tilespmem:v8+s12+$0x0] =	vst.idx.add.f32.msk $0xffff, v12  }
.Ltmp7:
0x107: {  	_ = 	snop;
	(pc) =	sbr.rel .LBB2_10-.Ltmp7, $1  }
0x108: {  	_ =	sdelay $0x3  }
.LBB2_12:
0x109: {  	_ =	swait.ge [sflag:s13], $0x4E20  }
0x10a: {  	[sflag:s13] =	ssyncset.done $0x0  }
0x10b: {  	[sflag:s13] =	ssyncadd.s32 $0xFFFFB1E0  }
0x10c: {  	_ =	swait.ge [sflag:s13], $0x4E20  }
0x10d: {  	[sflag:s13] =	ssyncset.done $0x0  }
0x10e: {  	[sflag:s13] =	ssyncadd.s32 $0xFFFFB1E0  }
0x10f: {  	_ =	swait.ge [sflag:s13], $0x4E20  }
0x110: {  	[sflag:s13] =	ssyncset.done $0x0  }
0x111: {  	s16 =	simm.s32 $0x0;
	s17 =	rddreg [dreg:$0x9];
	[sflag:s13] =	ssyncadd.s32 $0xFFFFB1E0  }
0x112: {  	[tilespmem:s4], [sflag:$0x1] =	stream.linear.gather [hbm4b:s17+s16], $0x4E20, $0x38;
	[tilespmem:$0x1F980] =	vst v63  }
.Ltmp8:
0x113: {  	_ = 	snop;
	(pc) =	sbr.rel .LBB2_13-.Ltmp8, $4  }
0x114: {  	s18 =	simm.s32 $0x13AD0;
	s22 =	rddreg [dreg:$0xa]  }
0x115: {  	[tilespmem:s5], [sflag:$0x1] =	stream.linear.gather [hbm4b:s22+s16], $0x4E20, $0x38;
	[tilespmem:$0x1F980] =	vst v63  }
0x116: {  	s19 =	simm.s32 $0x18950;
	s23 =	rddreg [dreg:$0xb];
	s17 =	simm.s32 $0xEC50  }
0x117: {  	[tilespmem:s6], [sflag:$0x1] =	stream.linear.gather [hbm4b:s23+s16], $0x4E20, $0x38;
	[tilespmem:$0x1F980] =	vst v63  }
.LBB2_19:
0x118: {  	_ =	sdelay $0x3  }
0x119: {  	[tilespmem:v5+s12+$0x0] =	vst.idx.add.f32.msk $0xffff, v2  }
0x11a: {  	[tilespmem:v4+s12+$0x0] =	vst.idx.add.f32.msk $0xffff, v3  }
.LBB2_20:
0x11b: {  	s16 =	sadd.s32 $0x1, s16  }
0x11c: {  	p0 =	sne.s32 s16, $0x19  }
.Ltmp9:
0x11d: {  	_ = 	snop;
	(pc) =	sbr.rel @!p0 .LBB2_21-.Ltmp9, $2  }
0x11e: {  	_ =	sdelay $0x2  }
0x11f: {  	s17 =	sadd.s32 $0x320, s17;
	s18 =	sadd.s32 $0x320, s18;
	s19 =	sadd.s32 $0x320, s19  }
.LBB2_13:
0x120: {  	s20 =	smul.u32 $0x320, s16;
	_ =	sdelay $0x1  }
0x121: {  	v2 =	vld [tilespmem:s20+$0x18900]  }
0x122: {  	v3 =	vld [tilespmem:s20+$0x18C10];
	_ =	sdelay $0x3  }
0x123: {  	(v2sf) =	vpush v2, $0x0  }
0x124: {  	(v2sf) =	vpush v3, $0xF;
	_ =	sdelay $0xd  }
0x125: {  	s23 =	spop (v2sf)  }
0x126: {  	s21 =	spop (v2sf)  }
0x127: {  	p0 =	sne.s32 s23, s21  }
.Ltmp10:
0x128: {  	_ = 	snop;
	(pc) =	sbr.rel @p0 .LBB2_17-.Ltmp10, $2  }
0x129: {  	_ =	sdelay $0x2  }
0x12a: {  	s20 =	simm.s32 $0xFFFFFFF6;
	v3 =	vimm.f32 $0.0e+00  }
0x12b: {  	v5 =	vld [tilespmem:s18+$0x40]  }
0x12c: {  	v4 =	vld [tilespmem:s18+$0x30]  }
0x12d: {  	v6 =	vld [tilespmem:s18+$0xFFFFFFB0]  }
0x12e: {  	v7 =	vld [tilespmem:s18+$0x20]  }
0x12f: {  	v8 =	vld [tilespmem:s18+$0xFFFFFFC0]  }
0x130: {  	v9 =	vld [tilespmem:s18+$0x10]  }
0x131: {  	v10 =	vld [tilespmem:s18+$0xFFFFFFD0]  }
0x132: {  	v11 =	vld [tilespmem:s18+$0x0]  }
0x133: {  	v12 =	vld [tilespmem:s18+$0xFFFFFFE0]  }
0x134: {  	v13 =	vld [tilespmem:s18+$0xFFFFFFF0]  }
0x135: {  	v14 =	vld [tilespmem:s17+$0xFFFFFFB0]  }
0x136: {  	v6 =	vld.idx.msk [tilespmem:v6+s1+$0x0], $0xffff  }
0x137: {  	v15 =	vld [tilespmem:s17+$0xFFFFFFC0]  }
0x138: {  	v8 =	vld.idx.msk [tilespmem:v8+s1+$0x0], $0xffff  }
0x139: {  	v16 =	vld [tilespmem:s17+$0xFFFFFFD0]  }
0x13a: {  	v10 =	vld.idx.msk [tilespmem:v10+s1+$0x0], $0xffff  }
0x13b: {  	v60 =	vld [tilespmem:s17+$0xFFFFFFE0];
	v6 =	vsub.f32 v14, v6  }
0x13c: {  	v12 =	vld.idx.msk [tilespmem:v12+s1+$0x0], $0xffff  }
0x13d: {  	v61 =	vld [tilespmem:s17+$0xFFFFFFF0];
	v8 =	vsub.f32 v15, v8;
	v6 =	vmul.f32 v6, v6  }
0x13e: {  	v13 =	vld.idx.msk [tilespmem:v13+s1+$0x0], $0xffff  }
0x13f: {  	v11 =	vld.idx.msk [tilespmem:v11+s1+$0x0], $0xffff;
	v3 =	vadd.f32 v6, v3;
	v6 =	vmul.f32 v8, v8;
	v8 =	vsub.f32 v16, v10  }
0x140: {  	v10 =	vld [tilespmem:s17+$0x0]  }
0x141: {  	v62 =	vld.idx.msk [tilespmem:v9+s1+$0x0], $0xffff;
	v9 =	vsub.f32 v60, v12;
	v6 =	vadd.f32 v6, v3;
	v8 =	vmul.f32 v8, v8  }
0x142: {  	v63 =	vld [tilespmem:s17+$0x10]  }
0x143: {  	v3 =	vld.idx.msk [tilespmem:v7+s1+$0x0], $0xffff;
	v7 =	vadd.f32 v8, v6;
	v8 =	vmul.f32 v9, v9;
	v9 =	vsub.f32 v61, v13  }
0x144: {  	v6 =	vld [tilespmem:s17+$0x20]  }
0x145: {  	v4 =	vld.idx.msk [tilespmem:v4+s1+$0x0], $0xffff;
	v10 =	vsub.f32 v10, v11;
	v8 =	vadd.f32 v8, v7;
	v9 =	vmul.f32 v9, v9  }
0x146: {  	v7 =	vld [tilespmem:s17+$0x30]  }
0x147: {  	v5 =	vld.idx.msk [tilespmem:v5+s1+$0x0], $0xffff;
	v11 =	vsub.f32 v63, v62;
	v10 =	vmul.f32 v10, v10;
	v9 =	vadd.f32 v9, v8  }
0x148: {  	s20 =	sadd.s32 $0xA, s20;
	s21 =	sadd.s32 $0xA0, s18;
	s22 =	smov.u32 s17;
	v8 =	vld [tilespmem:s17+$0x40]  }
.LBB2_15:
0x149: {  	v12 =	vld [tilespmem:s21+$0x40];
	v9 =	vadd.f32 v10, v9;
	v10 =	vmul.f32 v11, v11;
	v3 =	vsub.f32 v6, v3  }
0x14a: {  	v11 =	vld [tilespmem:s21+$0x30]  }
0x14b: {  	s20 =	sadd.s32 $0xA, s20;
	v6 =	vld [tilespmem:s21+$0xFFFFFFB0];
	v9 =	vadd.f32 v10, v9;
	v3 =	vmul.f32 v3, v3;
	v4 =	vsub.f32 v7, v4  }
0x14c: {  	p0 =	slt.u32 s20, $0x28;
	v7 =	vld [tilespmem:s21+$0x20]  }
0x14d: {  	v10 =	vld [tilespmem:s21+$0xFFFFFFC0];
	v3 =	vadd.f32 v3, v9;
	v4 =	vmul.f32 v4, v4;
	v5 =	vsub.f32 v8, v5  }
0x14e: {  	v8 =	vld [tilespmem:s21+$0x10]  }
0x14f: {  	v9 =	vld [tilespmem:s21+$0xFFFFFFD0];
	v3 =	vadd.f32 v4, v3;
	v4 =	vmul.f32 v5, v5  }
0x150: {  	v5 =	vld [tilespmem:s21+$0x0]  }
0x151: {  	v13 =	vld [tilespmem:s21+$0xFFFFFFE0];
	v3 =	vadd.f32 v4, v3  }
0x152: {  	v4 =	vld [tilespmem:s21+$0xFFFFFFF0]  }
0x153: {  	s22 =	sadd.s32 $0xA0, s22;
	v6 =	vld.idx.msk [tilespmem:v6+s1+$0x0], $0xffff  }
0x154: {  	v14 =	vld [tilespmem:s22+$0xFFFFFFB0]  }
0x155: {  	v10 =	vld.idx.msk [tilespmem:v10+s1+$0x0], $0xffff  }
0x156: {  	v15 =	vld [tilespmem:s22+$0xFFFFFFC0]  }
0x157: {  	v9 =	vld.idx.msk [tilespmem:v9+s1+$0x0], $0xffff  }
0x158: {  	v16 =	vld [tilespmem:s22+$0xFFFFFFD0]  }
0x159: {  	v6 =	vsub.f32 v14, v6;
	v13 =	vld.idx.msk [tilespmem:v13+s1+$0x0], $0xffff  }
0x15a: {  	v14 =	vld [tilespmem:s22+$0xFFFFFFE0]  }
0x15b: {  	v6 =	vmul.f32 v6, v6;
	v10 =	vsub.f32 v15, v10;
	v4 =	vld.idx.msk [tilespmem:v4+s1+$0x0], $0xffff  }
0x15c: {  	v15 =	vld [tilespmem:s22+$0xFFFFFFF0]  }
0x15d: {  	v3 =	vadd.f32 v6, v3;
	v6 =	vmul.f32 v10, v10;
	v9 =	vsub.f32 v16, v9;
	v5 =	vld.idx.msk [tilespmem:v5+s1+$0x0], $0xffff  }
0x15e: {  	v10 =	vld [tilespmem:s22+$0x0]  }
0x15f: {  	v3 =	vadd.f32 v6, v3;
	v6 =	vmul.f32 v9, v9;
	v9 =	vsub.f32 v14, v13;
	v8 =	vld.idx.msk [tilespmem:v8+s1+$0x0], $0xffff  }
0x160: {  	v13 =	vld [tilespmem:s22+$0x10]  }
0x161: {  	v14 =	vadd.f32 v6, v3;
	v9 =	vmul.f32 v9, v9;
	v4 =	vsub.f32 v15, v4;
	v3 =	vld.idx.msk [tilespmem:v7+s1+$0x0], $0xffff  }
.Ltmp11:
0x162: {  	v6 =	vld [tilespmem:s22+$0x20];
	(pc) =	sbr.rel @p0 .LBB2_15-.Ltmp11, $4  }
0x163: {  	v9 =	vadd.f32 v9, v14;
	v14 =	vmul.f32 v4, v4;
	v5 =	vsub.f32 v10, v5;
	v4 =	vld.idx.msk [tilespmem:v11+s1+$0x0], $0xffff  }
0x164: {  	v7 =	vld [tilespmem:s22+$0x30]  }
0x165: {  	v9 =	vadd.f32 v14, v9;
	v10 =	vmul.f32 v5, v5;
	v11 =	vsub.f32 v13, v8;
	v5 =	vld.idx.msk [tilespmem:v12+s1+$0x0], $0xffff  }
0x166: {  	s21 =	sadd.s32 $0xA0, s21;
	v8 =	vld [tilespmem:s22+$0x40]  }
0x167: {  	v9 =	vadd.f32 v10, v9;
	v61 =	vmul.f32 v11, v11;
	v3 =	vsub.f32 v6, v3;
	_ =	sdelay $0x1  }
0x168: {  	v62 =	vadd.f32 v61, v9;
	v3 =	vmul.f32 v3, v3;
	v4 =	vsub.f32 v7, v4  }
0x169: {  	v2 =	vshll.u32 v2, $0x4  }
0x16a: {  	v3 =	vadd.f32 v3, v62;
	v4 =	vmul.f32 v4, v4;
	v5 =	vsub.f32 v8, v5  }
0x16b: {  	v2 =	vor.u32 v1, v2  }
.Ltmp12:
0x16c: {  	v3 =	vadd.f32 v4, v3;
	v63 =	vmul.f32 v5, v5;
	(pc) =	sbr.rel .LBB2_20-.Ltmp12, $3  }
0x16d: {  	_ = 	snop  }
0x16e: {  	v3 =	vadd.f32 v63, v3;
	_ =	sdelay $0x1  }
0x16f: {  	[tilespmem:v2+s12+$0x0] =	vst.idx.add.f32.msk $0xffff, v3  }
.LBB2_17:
0x170: {  	v2 =	vld [tilespmem:s18+$0x40]  }
0x171: {  	v3 =	vld [tilespmem:s18+$0xFFFFFFB0]  }
0x172: {  	v4 =	vld [tilespmem:s18+$0xFFFFFFC0]  }
0x173: {  	v5 =	vld [tilespmem:s18+$0xFFFFFFD0]  }
0x174: {  	v6 =	vld [tilespmem:s18+$0xFFFFFFE0]  }
0x175: {  	v7 =	vld [tilespmem:s18+$0xFFFFFFF0]  }
0x176: {  	v8 =	vld [tilespmem:s18+$0x0]  }
0x177: {  	v9 =	vld [tilespmem:s19+$0x40]  }
0x178: {  	v10 =	vld [tilespmem:s17+$0x40]  }
0x179: {  	v11 =	vld [tilespmem:s18+$0x10]  }
0x17a: {  	v12 =	vld [tilespmem:s18+$0x20]  }
0x17b: {  	v13 =	vld [tilespmem:s18+$0x30]  }
0x17c: {  	v51 =	vld [tilespmem:s17+$0xFFFFFFC0]  }
0x17d: {  	v52 =	vld [tilespmem:s19+$0xFFFFFFB0]  }
0x17e: {  	v53 =	vld [tilespmem:s17+$0xFFFFFFD0]  }
0x17f: {  	v14 =	vld [tilespmem:s17+$0xFFFFFFB0]  }
0x180: {  	v15 =	vld [tilespmem:s17+$0xFFFFFFE0]  }
0x181: {  	v16 =	vld [tilespmem:s19+$0xFFFFFFC0]  }
0x182: {  	v17 =	vld [tilespmem:s17+$0xFFFFFFF0]  }
0x183: {  	v18 =	vld [tilespmem:s17+$0x0]  }
0x184: {  	v19 =	vld [tilespmem:s17+$0x10]  }
0x185: {  	v54 =	vld [tilespmem:s19+$0xFFFFFFD0]  }
0x186: {  	v20 =	vld [tilespmem:s19+$0xFFFFFFE0]  }
0x187: {  	v21 =	vld [tilespmem:s19+$0xFFFFFFF0]  }
0x188: {  	v55 =	vld [tilespmem:s19+$0x10]  }
0x189: {  	v56 =	vld [tilespmem:s17+$0x20]  }
0x18a: {  	v3 =	vld.idx.msk [tilespmem:v3+s1+$0x0], $0xffff  }
0x18b: {  	v2 =	vld.idx.msk [tilespmem:v2+s1+$0x0], $0xffff  }
0x18c: {  	v4 =	vld.idx.msk [tilespmem:v4+s1+$0x0], $0xffff  }
0x18d: {  	v49 =	vld.idx.msk [tilespmem:v12+s1+$0x0], $0xffff;
	v12 =	vshll.u32 v52, $0x4  }
0x18e: {  	v5 =	vld.idx.msk [tilespmem:v5+s1+$0x0], $0xffff;
	v12 =	vor.u32 v1, v12  }
0x18f: {  	v9 =	vshll.u32 v9, $0x4;
	v6 =	vld.idx.msk [tilespmem:v6+s1+$0x0], $0xffff;
	v3 =	vsub.f32 v14, v3  }
0x190: {  	v9 =	vor.u32 v1, v9;
	v7 =	vld.idx.msk [tilespmem:v7+s1+$0x0], $0xffff  }
0x191: {  	v16 =	vshll.u32 v16, $0x4;
	v48 =	vld.idx.msk [tilespmem:v11+s1+$0x0], $0xffff;
	v2 =	vsub.f32 v10, v2;
	v3 =	vmul.f32 v3, v3  }
0x192: {  	v16 =	vor.u32 v1, v16;
	v50 =	vld.idx.msk [tilespmem:v13+s1+$0x0], $0xffff  }
0x193: {  	v4 =	vsub.f32 v51, v4;
	v2 =	vmul.f32 v2, v2;
	[tilespmem:v12+s12+$0x0] =	vst.idx.add.f32.msk $0xffff, v3  }
0x194: {  	v3 =	vld [tilespmem:s19+$0x0]  }
0x195: {  	v4 =	vmul.f32 v4, v4;
	[tilespmem:v9+s12+$0x0] =	vst.idx.add.f32.msk $0xffff, v2  }
0x196: {  	v57 =	vshll.u32 v54, $0x4;
	v58 =	vshll.u32 v20, $0x4;
	v2 =	vld.idx.msk [tilespmem:v8+s1+$0x0], $0xffff  }
0x197: {  	v59 =	vshll.u32 v21, $0x4;
	v13 =	vor.u32 v1, v57;
	v5 =	vsub.f32 v53, v5;
	[tilespmem:v16+s12+$0x0] =	vst.idx.add.f32.msk $0xffff, v4  }
0x198: {  	v6 =	vsub.f32 v15, v6;
	v14 =	vor.u32 v1, v58;
	v7 =	vsub.f32 v17, v7;
	v4 =	vld [tilespmem:s17+$0x30]  }
0x199: {  	v61 =	vld [tilespmem:s19+$0x30];
	v15 =	vor.u32 v1, v59;
	v63 =	vsub.f32 v56, v49;
	v3 =	vshll.u32 v3, $0x4  }
0x19a: {  	v60 =	vld [tilespmem:s19+$0x20];
	v5 =	vmul.f32 v5, v5;
	v62 =	vor.u32 v1, v3;
	v3 =	vshll.u32 v55, $0x4  }
0x19b: {  	v6 =	vmul.f32 v6, v6;
	v2 =	vsub.f32 v18, v2;
	v11 =	vor.u32 v1, v3  }
0x19c: {  	v7 =	vmul.f32 v7, v7;
	[tilespmem:v13+s12+$0x0] =	vst.idx.add.f32.msk $0xffff, v5;
	v3 =	vsub.f32 v19, v48  }
0x19d: {  	[tilespmem:v14+s12+$0x0] =	vst.idx.add.f32.msk $0xffff, v6;
	v4 =	vsub.f32 v4, v50;
	v5 =	vmul.f32 v2, v2  }
0x19e: {  	[tilespmem:v15+s12+$0x0] =	vst.idx.add.f32.msk $0xffff, v7;
	v7 =	vshll.u32 v61, $0x4;
	v6 =	vmul.f32 v3, v3  }
0x19f: {  	s20 =	simm.s32 $0x0;
	v2 =	vmul.f32 v63, v63;
	v3 =	vmul.f32 v4, v4;
	v4 =	vshll.u32 v60, $0x4;
	[tilespmem:v62+s12+$0x0] =	vst.idx.add.f32.msk $0xffff, v5  }
0x1a0: {  	s21 =	sadd.s32 $0xA0, s18;
	s22 =	smov.u32 s19;
	s23 =	smov.u32 s17;
	v5 =	vor.u32 v1, v4;
	v4 =	vor.u32 v1, v7;
	[tilespmem:v11+s12+$0x0] =	vst.idx.add.f32.msk $0xffff, v6  }
.LBB2_18:
0x1a1: {  	v6 =	vld [tilespmem:s21+$0x40];
	s20 =	sadd.s32 $0xA, s20  }
0x1a2: {  	v7 =	vld [tilespmem:s21+$0xFFFFFFB0];
	p0 =	slt.u32 s20, $0x28  }
0x1a3: {  	v8 =	vld [tilespmem:s21+$0xFFFFFFC0]  }
0x1a4: {  	v9 =	vld [tilespmem:s21+$0xFFFFFFD0]  }
0x1a5: {  	v10 =	vld [tilespmem:s21+$0xFFFFFFE0]  }
0x1a6: {  	v11 =	vld [tilespmem:s21+$0xFFFFFFF0]  }
0x1a7: {  	s22 =	sadd.s32 $0xA0, s22;
	v12 =	vld [tilespmem:s21+$0x0]  }
0x1a8: {  	v13 =	vld [tilespmem:s22+$0x40]  }
0x1a9: {  	s23 =	sadd.s32 $0xA0, s23;
	v6 =	vld.idx.msk [tilespmem:v6+s1+$0x0], $0xffff  }
0x1aa: {  	v14 =	vld [tilespmem:s23+$0x40]  }
0x1ab: {  	v15 =	vld [tilespmem:s21+$0x10]  }
0x1ac: {  	v16 =	vld [tilespmem:s21+$0x20]  }
0x1ad: {  	v17 =	vld [tilespmem:s21+$0x30];
	v13 =	vshll.u32 v13, $0x4  }
0x1ae: {  	v7 =	vld.idx.msk [tilespmem:v7+s1+$0x0], $0xffff;
	v13 =	vor.u32 v1, v13  }
0x1af: {  	v8 =	vld.idx.msk [tilespmem:v8+s1+$0x0], $0xffff;
	v6 =	vsub.f32 v14, v6  }
0x1b0: {  	v9 =	vld.idx.msk [tilespmem:v9+s1+$0x0], $0xffff  }
0x1b1: {  	v10 =	vld.idx.msk [tilespmem:v10+s1+$0x0], $0xffff;
	v6 =	vmul.f32 v6, v6  }
0x1b2: {  	v11 =	vld.idx.msk [tilespmem:v11+s1+$0x0], $0xffff  }
0x1b3: {  	[tilespmem:v13+s12+$0x0] =	vst.idx.add.f32.msk $0xffff, v6  }
0x1b4: {  	v6 =	vld.idx.msk [tilespmem:v12+s1+$0x0], $0xffff  }
0x1b5: {  	v12 =	vld.idx.msk [tilespmem:v15+s1+$0x0], $0xffff  }
0x1b6: {  	v13 =	vld.idx.msk [tilespmem:v16+s1+$0x0], $0xffff  }
0x1b7: {  	v14 =	vld.idx.msk [tilespmem:v17+s1+$0x0], $0xffff  }
0x1b8: {  	v15 =	vld [tilespmem:s23+$0xFFFFFFC0]  }
0x1b9: {  	v16 =	vld [tilespmem:s23+$0xFFFFFFD0]  }
0x1ba: {  	v17 =	vld [tilespmem:s23+$0xFFFFFFE0]  }
0x1bb: {  	v18 =	vld [tilespmem:s23+$0xFFFFFFF0]  }
0x1bc: {  	v19 =	vld [tilespmem:s23+$0x0]  }
0x1bd: {  	v8 =	vsub.f32 v15, v8;
	v15 =	vld [tilespmem:s23+$0x10]  }
0x1be: {  	v9 =	vsub.f32 v16, v9;
	v16 =	vld [tilespmem:s23+$0x20]  }
0x1bf: {  	v8 =	vmul.f32 v8, v8;
	v10 =	vsub.f32 v17, v10;
	v17 =	vld [tilespmem:s23+$0x30]  }
0x1c0: {  	v20 =	vld [tilespmem:s23+$0xFFFFFFB0];
	v9 =	vmul.f32 v9, v9;
	v11 =	vsub.f32 v18, v11  }
0x1c1: {  	v18 =	vld [tilespmem:s22+$0xFFFFFFB0];
	v10 =	vmul.f32 v10, v10;
	v6 =	vsub.f32 v19, v6  }
0x1c2: {  	v19 =	vld [tilespmem:s22+$0xFFFFFFC0];
	v11 =	vmul.f32 v11, v11;
	v12 =	vsub.f32 v15, v12  }
0x1c3: {  	v15 =	vld [tilespmem:s22+$0xFFFFFFD0];
	v6 =	vmul.f32 v6, v6;
	v13 =	vsub.f32 v16, v13  }
0x1c4: {  	v16 =	vld [tilespmem:s22+$0xFFFFFFE0];
	v12 =	vmul.f32 v12, v12;
	v14 =	vsub.f32 v17, v14  }
0x1c5: {  	v7 =	vsub.f32 v20, v7;
	v17 =	vld [tilespmem:s22+$0xFFFFFFF0];
	v13 =	vmul.f32 v13, v13  }
0x1c6: {  	v18 =	vshll.u32 v18, $0x4;
	v20 =	vld [tilespmem:s22+$0x0];
	v14 =	vmul.f32 v14, v14  }
0x1c7: {  	v7 =	vmul.f32 v7, v7;
	v18 =	vor.u32 v1, v18;
	v19 =	vshll.u32 v19, $0x4;
	v21 =	vld [tilespmem:s22+$0x10]  }
0x1c8: {  	v19 =	vor.u32 v1, v19;
	v15 =	vshll.u32 v15, $0x4;
	v22 =	vld [tilespmem:s22+$0x20]  }
0x1c9: {  	v15 =	vor.u32 v1, v15;
	v16 =	vshll.u32 v16, $0x4;
	v23 =	vld [tilespmem:s22+$0x30]  }
0x1ca: {  	v16 =	vor.u32 v1, v16;
	v17 =	vshll.u32 v17, $0x4;
	[tilespmem:v5+s12+$0x0] =	vst.idx.add.f32.msk $0xffff, v2;
	v2 =	vmov v13  }
0x1cb: {  	v13 =	vor.u32 v1, v17;
	v5 =	vshll.u32 v20, $0x4;
	[tilespmem:v4+s12+$0x0] =	vst.idx.add.f32.msk $0xffff, v3;
	v3 =	vmov v14  }
0x1cc: {  	[tilespmem:v18+s12+$0x0] =	vst.idx.add.f32.msk $0xffff, v7;
	v7 =	vor.u32 v1, v5;
	v4 =	vshll.u32 v21, $0x4  }
0x1cd: {  	[tilespmem:v19+s12+$0x0] =	vst.idx.add.f32.msk $0xffff, v8;
	v8 =	vor.u32 v1, v4;
	v4 =	vshll.u32 v22, $0x4  }
.Ltmp13:
0x1ce: {  	[tilespmem:v15+s12+$0x0] =	vst.idx.add.f32.msk $0xffff, v9;
	v5 =	vor.u32 v1, v4;
	v4 =	vshll.u32 v23, $0x4;
	(pc) =	sbr.rel @p0 .LBB2_18-.Ltmp13, $4  }
0x1cf: {  	[tilespmem:v16+s12+$0x0] =	vst.idx.add.f32.msk $0xffff, v10;
	v4 =	vor.u32 v1, v4  }
0x1d0: {  	[tilespmem:v13+s12+$0x0] =	vst.idx.add.f32.msk $0xffff, v11  }
0x1d1: {  	[tilespmem:v7+s12+$0x0] =	vst.idx.add.f32.msk $0xffff, v6  }
0x1d2: {  	s21 =	sadd.s32 $0xA0, s21;
	[tilespmem:v8+s12+$0x0] =	vst.idx.add.f32.msk $0xffff, v12  }
.Ltmp14:
0x1d3: {  	_ = 	snop;
	(pc) =	sbr.rel .LBB2_19-.Ltmp14, $1  }
0x1d4: {  	_ =	sdelay $0x3  }
.LBB2_21:
0x1d5: {  	_ =	swait.ge [sflag:s8], $0x4E20  }
0x1d6: {  	[sflag:s8] =	ssyncset.done $0x0  }
0x1d7: {  	[sflag:s8] =	ssyncadd.s32 $0xFFFFB1E0  }
0x1d8: {  	_ =	swait.ge [sflag:s8], $0x4E20  }
0x1d9: {  	[sflag:s8] =	ssyncset.done $0x0  }
0x1da: {  	[sflag:s8] =	ssyncadd.s32 $0xFFFFB1E0  }
0x1db: {  	_ =	swait.ge [sflag:s8], $0x4E20  }
0x1dc: {  	[sflag:s8] =	ssyncset.done $0x0  }
0x1dd: {  	s16 =	simm.s32 $0x0;
	s17 =	rddreg [dreg:$0xc];
	[sflag:s8] =	ssyncadd.s32 $0xFFFFB1E0  }
0x1de: {  	[tilespmem:s9], [sflag:$0x2] =	stream.linear.gather [hbm4b:s17+s16], $0x4E20, $0x38;
	[tilespmem:$0x1F980] =	vst v63  }
.Ltmp15:
0x1df: {  	_ = 	snop;
	(pc) =	sbr.rel .LBB2_22-.Ltmp15, $4  }
0x1e0: {  	s18 =	simm.s32 $0x4F50;
	s22 =	rddreg [dreg:$0xd]  }
0x1e1: {  	[tilespmem:s10], [sflag:$0x2] =	stream.linear.gather [hbm4b:s22+s16], $0x4E20, $0x38;
	[tilespmem:$0x1F980] =	vst v63  }
0x1e2: {  	s19 =	simm.s32 $0x9DD0;
	s23 =	rddreg [dreg:$0xe];
	s17 =	simm.s32 $0xD0  }
0x1e3: {  	[tilespmem:s11], [sflag:$0x2] =	stream.linear.gather [hbm4b:s23+s16], $0x4E20, $0x38;
	[tilespmem:$0x1F980] =	vst v63  }
.LBB2_28:
0x1e4: {  	_ =	sdelay $0x3  }
0x1e5: {  	[tilespmem:v5+s12+$0x0] =	vst.idx.add.f32.msk $0xffff, v2  }
0x1e6: {  	[tilespmem:v4+s12+$0x0] =	vst.idx.add.f32.msk $0xffff, v3  }
.LBB2_29:
0x1e7: {  	s16 =	sadd.s32 $0x1, s16  }
0x1e8: {  	p0 =	sne.s32 s16, $0x19  }
.Ltmp16:
0x1e9: {  	_ = 	snop;
	(pc) =	sbr.rel @!p0 .LBB2_30-.Ltmp16, $2  }
0x1ea: {  	_ =	sdelay $0x2  }
0x1eb: {  	s17 =	sadd.s32 $0x320, s17;
	s18 =	sadd.s32 $0x320, s18;
	s19 =	sadd.s32 $0x320, s19  }
.LBB2_22:
0x1ec: {  	s20 =	smul.u32 $0x320, s16;
	_ =	sdelay $0x1  }
0x1ed: {  	v2 =	vld [tilespmem:s20+$0x9D80]  }
0x1ee: {  	v3 =	vld [tilespmem:s20+$0xA090];
	_ =	sdelay $0x3  }
0x1ef: {  	(v2sf) =	vpush v2, $0x0  }
0x1f0: {  	(v2sf) =	vpush v3, $0xF;
	_ =	sdelay $0xd  }
0x1f1: {  	s23 =	spop (v2sf)  }
0x1f2: {  	s21 =	spop (v2sf)  }
0x1f3: {  	p0 =	sne.s32 s23, s21  }
.Ltmp17:
0x1f4: {  	_ = 	snop;
	(pc) =	sbr.rel @p0 .LBB2_26-.Ltmp17, $2  }
0x1f5: {  	_ =	sdelay $0x2  }
0x1f6: {  	s20 =	simm.s32 $0xFFFFFFF6;
	v3 =	vimm.f32 $0.0e+00  }
0x1f7: {  	v5 =	vld [tilespmem:s18+$0x40]  }
0x1f8: {  	v4 =	vld [tilespmem:s18+$0x30]  }
0x1f9: {  	v6 =	vld [tilespmem:s18+$0xFFFFFFB0]  }
0x1fa: {  	v7 =	vld [tilespmem:s18+$0x20]  }
0x1fb: {  	v8 =	vld [tilespmem:s18+$0xFFFFFFC0]  }
0x1fc: {  	v9 =	vld [tilespmem:s18+$0x10]  }
0x1fd: {  	v10 =	vld [tilespmem:s18+$0xFFFFFFD0]  }
0x1fe: {  	v11 =	vld [tilespmem:s18+$0x0]  }
0x1ff: {  	v12 =	vld [tilespmem:s18+$0xFFFFFFE0]  }
0x200: {  	v13 =	vld [tilespmem:s18+$0xFFFFFFF0]  }
0x201: {  	v14 =	vld [tilespmem:s17+$0xFFFFFFB0]  }
0x202: {  	v6 =	vld.idx.msk [tilespmem:v6+s1+$0x0], $0xffff  }
0x203: {  	v15 =	vld [tilespmem:s17+$0xFFFFFFC0]  }
0x204: {  	v8 =	vld.idx.msk [tilespmem:v8+s1+$0x0], $0xffff  }
0x205: {  	v16 =	vld [tilespmem:s17+$0xFFFFFFD0]  }
0x206: {  	v10 =	vld.idx.msk [tilespmem:v10+s1+$0x0], $0xffff  }
0x207: {  	v60 =	vld [tilespmem:s17+$0xFFFFFFE0];
	v6 =	vsub.f32 v14, v6  }
0x208: {  	v12 =	vld.idx.msk [tilespmem:v12+s1+$0x0], $0xffff  }
0x209: {  	v61 =	vld [tilespmem:s17+$0xFFFFFFF0];
	v8 =	vsub.f32 v15, v8;
	v6 =	vmul.f32 v6, v6  }
0x20a: {  	v13 =	vld.idx.msk [tilespmem:v13+s1+$0x0], $0xffff  }
0x20b: {  	v11 =	vld.idx.msk [tilespmem:v11+s1+$0x0], $0xffff;
	v3 =	vadd.f32 v6, v3;
	v6 =	vmul.f32 v8, v8;
	v8 =	vsub.f32 v16, v10  }
0x20c: {  	v10 =	vld [tilespmem:s17+$0x0]  }
0x20d: {  	v62 =	vld.idx.msk [tilespmem:v9+s1+$0x0], $0xffff;
	v9 =	vsub.f32 v60, v12;
	v6 =	vadd.f32 v6, v3;
	v8 =	vmul.f32 v8, v8  }
0x20e: {  	v63 =	vld [tilespmem:s17+$0x10]  }
0x20f: {  	v3 =	vld.idx.msk [tilespmem:v7+s1+$0x0], $0xffff;
	v7 =	vadd.f32 v8, v6;
	v8 =	vmul.f32 v9, v9;
	v9 =	vsub.f32 v61, v13  }
0x210: {  	v6 =	vld [tilespmem:s17+$0x20]  }
0x211: {  	v4 =	vld.idx.msk [tilespmem:v4+s1+$0x0], $0xffff;
	v10 =	vsub.f32 v10, v11;
	v8 =	vadd.f32 v8, v7;
	v9 =	vmul.f32 v9, v9  }
0x212: {  	v7 =	vld [tilespmem:s17+$0x30]  }
0x213: {  	v5 =	vld.idx.msk [tilespmem:v5+s1+$0x0], $0xffff;
	v11 =	vsub.f32 v63, v62;
	v10 =	vmul.f32 v10, v10;
	v9 =	vadd.f32 v9, v8  }
0x214: {  	s20 =	sadd.s32 $0xA, s20;
	s21 =	sadd.s32 $0xA0, s18;
	s22 =	smov.u32 s17;
	v8 =	vld [tilespmem:s17+$0x40]  }
.LBB2_24:
0x215: {  	v12 =	vld [tilespmem:s21+$0x40];
	v9 =	vadd.f32 v10, v9;
	v10 =	vmul.f32 v11, v11;
	v3 =	vsub.f32 v6, v3  }
0x216: {  	v11 =	vld [tilespmem:s21+$0x30]  }
0x217: {  	s20 =	sadd.s32 $0xA, s20;
	v6 =	vld [tilespmem:s21+$0xFFFFFFB0];
	v9 =	vadd.f32 v10, v9;
	v3 =	vmul.f32 v3, v3;
	v4 =	vsub.f32 v7, v4  }
0x218: {  	p0 =	slt.u32 s20, $0x28;
	v7 =	vld [tilespmem:s21+$0x20]  }
0x219: {  	v10 =	vld [tilespmem:s21+$0xFFFFFFC0];
	v3 =	vadd.f32 v3, v9;
	v4 =	vmul.f32 v4, v4;
	v5 =	vsub.f32 v8, v5  }
0x21a: {  	v8 =	vld [tilespmem:s21+$0x10]  }
0x21b: {  	v9 =	vld [tilespmem:s21+$0xFFFFFFD0];
	v3 =	vadd.f32 v4, v3;
	v4 =	vmul.f32 v5, v5  }
0x21c: {  	v5 =	vld [tilespmem:s21+$0x0]  }
0x21d: {  	v13 =	vld [tilespmem:s21+$0xFFFFFFE0];
	v3 =	vadd.f32 v4, v3  }
0x21e: {  	v4 =	vld [tilespmem:s21+$0xFFFFFFF0]  }
0x21f: {  	s22 =	sadd.s32 $0xA0, s22;
	v6 =	vld.idx.msk [tilespmem:v6+s1+$0x0], $0xffff  }
0x220: {  	v14 =	vld [tilespmem:s22+$0xFFFFFFB0]  }
0x221: {  	v10 =	vld.idx.msk [tilespmem:v10+s1+$0x0], $0xffff  }
0x222: {  	v15 =	vld [tilespmem:s22+$0xFFFFFFC0]  }
0x223: {  	v9 =	vld.idx.msk [tilespmem:v9+s1+$0x0], $0xffff  }
0x224: {  	v16 =	vld [tilespmem:s22+$0xFFFFFFD0]  }
0x225: {  	v6 =	vsub.f32 v14, v6;
	v13 =	vld.idx.msk [tilespmem:v13+s1+$0x0], $0xffff  }
0x226: {  	v14 =	vld [tilespmem:s22+$0xFFFFFFE0]  }
0x227: {  	v6 =	vmul.f32 v6, v6;
	v10 =	vsub.f32 v15, v10;
	v4 =	vld.idx.msk [tilespmem:v4+s1+$0x0], $0xffff  }
0x228: {  	v15 =	vld [tilespmem:s22+$0xFFFFFFF0]  }
0x229: {  	v3 =	vadd.f32 v6, v3;
	v6 =	vmul.f32 v10, v10;
	v9 =	vsub.f32 v16, v9;
	v5 =	vld.idx.msk [tilespmem:v5+s1+$0x0], $0xffff  }
0x22a: {  	v10 =	vld [tilespmem:s22+$0x0]  }
0x22b: {  	v3 =	vadd.f32 v6, v3;
	v6 =	vmul.f32 v9, v9;
	v9 =	vsub.f32 v14, v13;
	v8 =	vld.idx.msk [tilespmem:v8+s1+$0x0], $0xffff  }
0x22c: {  	v13 =	vld [tilespmem:s22+$0x10]  }
0x22d: {  	v14 =	vadd.f32 v6, v3;
	v9 =	vmul.f32 v9, v9;
	v4 =	vsub.f32 v15, v4;
	v3 =	vld.idx.msk [tilespmem:v7+s1+$0x0], $0xffff  }
.Ltmp18:
0x22e: {  	v6 =	vld [tilespmem:s22+$0x20];
	(pc) =	sbr.rel @p0 .LBB2_24-.Ltmp18, $4  }
0x22f: {  	v9 =	vadd.f32 v9, v14;
	v14 =	vmul.f32 v4, v4;
	v5 =	vsub.f32 v10, v5;
	v4 =	vld.idx.msk [tilespmem:v11+s1+$0x0], $0xffff  }
0x230: {  	v7 =	vld [tilespmem:s22+$0x30]  }
0x231: {  	v9 =	vadd.f32 v14, v9;
	v10 =	vmul.f32 v5, v5;
	v11 =	vsub.f32 v13, v8;
	v5 =	vld.idx.msk [tilespmem:v12+s1+$0x0], $0xffff  }
0x232: {  	s21 =	sadd.s32 $0xA0, s21;
	v8 =	vld [tilespmem:s22+$0x40]  }
0x233: {  	v9 =	vadd.f32 v10, v9;
	v61 =	vmul.f32 v11, v11;
	v3 =	vsub.f32 v6, v3;
	_ =	sdelay $0x1  }
0x234: {  	v62 =	vadd.f32 v61, v9;
	v3 =	vmul.f32 v3, v3;
	v4 =	vsub.f32 v7, v4  }
0x235: {  	v2 =	vshll.u32 v2, $0x4  }
0x236: {  	v3 =	vadd.f32 v3, v62;
	v4 =	vmul.f32 v4, v4;
	v5 =	vsub.f32 v8, v5  }
0x237: {  	v2 =	vor.u32 v1, v2  }
.Ltmp19:
0x238: {  	v3 =	vadd.f32 v4, v3;
	v63 =	vmul.f32 v5, v5;
	(pc) =	sbr.rel .LBB2_29-.Ltmp19, $3  }
0x239: {  	_ = 	snop  }
0x23a: {  	v3 =	vadd.f32 v63, v3;
	_ =	sdelay $0x1  }
0x23b: {  	[tilespmem:v2+s12+$0x0] =	vst.idx.add.f32.msk $0xffff, v3  }
.LBB2_26:
0x23c: {  	v2 =	vld [tilespmem:s18+$0x40]  }
0x23d: {  	v3 =	vld [tilespmem:s18+$0xFFFFFFB0]  }
0x23e: {  	v4 =	vld [tilespmem:s18+$0xFFFFFFC0]  }
0x23f: {  	v5 =	vld [tilespmem:s18+$0xFFFFFFD0]  }
0x240: {  	v6 =	vld [tilespmem:s18+$0xFFFFFFE0]  }
0x241: {  	v7 =	vld [tilespmem:s18+$0xFFFFFFF0]  }
0x242: {  	v8 =	vld [tilespmem:s18+$0x0]  }
0x243: {  	v9 =	vld [tilespmem:s19+$0x40]  }
0x244: {  	v10 =	vld [tilespmem:s17+$0x40]  }
0x245: {  	v11 =	vld [tilespmem:s18+$0x10]  }
0x246: {  	v12 =	vld [tilespmem:s18+$0x20]  }
0x247: {  	v13 =	vld [tilespmem:s18+$0x30]  }
0x248: {  	v51 =	vld [tilespmem:s17+$0xFFFFFFC0]  }
0x249: {  	v52 =	vld [tilespmem:s19+$0xFFFFFFB0]  }
0x24a: {  	v53 =	vld [tilespmem:s17+$0xFFFFFFD0]  }
0x24b: {  	v14 =	vld [tilespmem:s17+$0xFFFFFFB0]  }
0x24c: {  	v15 =	vld [tilespmem:s17+$0xFFFFFFE0]  }
0x24d: {  	v16 =	vld [tilespmem:s19+$0xFFFFFFC0]  }
0x24e: {  	v17 =	vld [tilespmem:s17+$0xFFFFFFF0]  }
0x24f: {  	v18 =	vld [tilespmem:s17+$0x0]  }
0x250: {  	v19 =	vld [tilespmem:s17+$0x10]  }
0x251: {  	v54 =	vld [tilespmem:s19+$0xFFFFFFD0]  }
0x252: {  	v20 =	vld [tilespmem:s19+$0xFFFFFFE0]  }
0x253: {  	v21 =	vld [tilespmem:s19+$0xFFFFFFF0]  }
0x254: {  	v55 =	vld [tilespmem:s19+$0x10]  }
0x255: {  	v56 =	vld [tilespmem:s17+$0x20]  }
0x256: {  	v3 =	vld.idx.msk [tilespmem:v3+s1+$0x0], $0xffff  }
0x257: {  	v2 =	vld.idx.msk [tilespmem:v2+s1+$0x0], $0xffff  }
0x258: {  	v4 =	vld.idx.msk [tilespmem:v4+s1+$0x0], $0xffff  }
0x259: {  	v49 =	vld.idx.msk [tilespmem:v12+s1+$0x0], $0xffff;
	v12 =	vshll.u32 v52, $0x4  }
0x25a: {  	v5 =	vld.idx.msk [tilespmem:v5+s1+$0x0], $0xffff;
	v12 =	vor.u32 v1, v12  }
0x25b: {  	v9 =	vshll.u32 v9, $0x4;
	v6 =	vld.idx.msk [tilespmem:v6+s1+$0x0], $0xffff;
	v3 =	vsub.f32 v14, v3  }
0x25c: {  	v9 =	vor.u32 v1, v9;
	v7 =	vld.idx.msk [tilespmem:v7+s1+$0x0], $0xffff  }
0x25d: {  	v16 =	vshll.u32 v16, $0x4;
	v48 =	vld.idx.msk [tilespmem:v11+s1+$0x0], $0xffff;
	v2 =	vsub.f32 v10, v2;
	v3 =	vmul.f32 v3, v3  }
0x25e: {  	v16 =	vor.u32 v1, v16;
	v50 =	vld.idx.msk [tilespmem:v13+s1+$0x0], $0xffff  }
0x25f: {  	v4 =	vsub.f32 v51, v4;
	v2 =	vmul.f32 v2, v2;
	[tilespmem:v12+s12+$0x0] =	vst.idx.add.f32.msk $0xffff, v3  }
0x260: {  	v3 =	vld [tilespmem:s19+$0x0]  }
0x261: {  	v4 =	vmul.f32 v4, v4;
	[tilespmem:v9+s12+$0x0] =	vst.idx.add.f32.msk $0xffff, v2  }
0x262: {  	v57 =	vshll.u32 v54, $0x4;
	v58 =	vshll.u32 v20, $0x4;
	v2 =	vld.idx.msk [tilespmem:v8+s1+$0x0], $0xffff  }
0x263: {  	v59 =	vshll.u32 v21, $0x4;
	v13 =	vor.u32 v1, v57;
	v5 =	vsub.f32 v53, v5;
	[tilespmem:v16+s12+$0x0] =	vst.idx.add.f32.msk $0xffff, v4  }
0x264: {  	v6 =	vsub.f32 v15, v6;
	v14 =	vor.u32 v1, v58;
	v7 =	vsub.f32 v17, v7;
	v4 =	vld [tilespmem:s17+$0x30]  }
0x265: {  	v61 =	vld [tilespmem:s19+$0x30];
	v15 =	vor.u32 v1, v59;
	v63 =	vsub.f32 v56, v49;
	v3 =	vshll.u32 v3, $0x4  }
0x266: {  	v60 =	vld [tilespmem:s19+$0x20];
	v5 =	vmul.f32 v5, v5;
	v62 =	vor.u32 v1, v3;
	v3 =	vshll.u32 v55, $0x4  }
0x267: {  	v6 =	vmul.f32 v6, v6;
	v2 =	vsub.f32 v18, v2;
	v11 =	vor.u32 v1, v3  }
0x268: {  	v7 =	vmul.f32 v7, v7;
	[tilespmem:v13+s12+$0x0] =	vst.idx.add.f32.msk $0xffff, v5;
	v3 =	vsub.f32 v19, v48  }
0x269: {  	[tilespmem:v14+s12+$0x0] =	vst.idx.add.f32.msk $0xffff, v6;
	v4 =	vsub.f32 v4, v50;
	v5 =	vmul.f32 v2, v2  }
0x26a: {  	[tilespmem:v15+s12+$0x0] =	vst.idx.add.f32.msk $0xffff, v7;
	v7 =	vshll.u32 v61, $0x4;
	v6 =	vmul.f32 v3, v3  }
0x26b: {  	s20 =	simm.s32 $0x0;
	v2 =	vmul.f32 v63, v63;
	v3 =	vmul.f32 v4, v4;
	v4 =	vshll.u32 v60, $0x4;
	[tilespmem:v62+s12+$0x0] =	vst.idx.add.f32.msk $0xffff, v5  }
0x26c: {  	s21 =	sadd.s32 $0xA0, s18;
	s22 =	smov.u32 s19;
	s23 =	smov.u32 s17;
	v5 =	vor.u32 v1, v4;
	v4 =	vor.u32 v1, v7;
	[tilespmem:v11+s12+$0x0] =	vst.idx.add.f32.msk $0xffff, v6  }
.LBB2_27:
0x26d: {  	v6 =	vld [tilespmem:s21+$0x40];
	s20 =	sadd.s32 $0xA, s20  }
0x26e: {  	v7 =	vld [tilespmem:s21+$0xFFFFFFB0];
	p0 =	slt.u32 s20, $0x28  }
0x26f: {  	v8 =	vld [tilespmem:s21+$0xFFFFFFC0]  }
0x270: {  	v9 =	vld [tilespmem:s21+$0xFFFFFFD0]  }
0x271: {  	v10 =	vld [tilespmem:s21+$0xFFFFFFE0]  }
0x272: {  	v11 =	vld [tilespmem:s21+$0xFFFFFFF0]  }
0x273: {  	s22 =	sadd.s32 $0xA0, s22;
	v12 =	vld [tilespmem:s21+$0x0]  }
0x274: {  	v13 =	vld [tilespmem:s22+$0x40]  }
0x275: {  	s23 =	sadd.s32 $0xA0, s23;
	v6 =	vld.idx.msk [tilespmem:v6+s1+$0x0], $0xffff  }
0x276: {  	v14 =	vld [tilespmem:s23+$0x40]  }
0x277: {  	v15 =	vld [tilespmem:s21+$0x10]  }
0x278: {  	v16 =	vld [tilespmem:s21+$0x20]  }
0x279: {  	v17 =	vld [tilespmem:s21+$0x30];
	v13 =	vshll.u32 v13, $0x4  }
0x27a: {  	v7 =	vld.idx.msk [tilespmem:v7+s1+$0x0], $0xffff;
	v13 =	vor.u32 v1, v13  }
0x27b: {  	v8 =	vld.idx.msk [tilespmem:v8+s1+$0x0], $0xffff;
	v6 =	vsub.f32 v14, v6  }
0x27c: {  	v9 =	vld.idx.msk [tilespmem:v9+s1+$0x0], $0xffff  }
0x27d: {  	v10 =	vld.idx.msk [tilespmem:v10+s1+$0x0], $0xffff;
	v6 =	vmul.f32 v6, v6  }
0x27e: {  	v11 =	vld.idx.msk [tilespmem:v11+s1+$0x0], $0xffff  }
0x27f: {  	[tilespmem:v13+s12+$0x0] =	vst.idx.add.f32.msk $0xffff, v6  }
0x280: {  	v6 =	vld.idx.msk [tilespmem:v12+s1+$0x0], $0xffff  }
0x281: {  	v12 =	vld.idx.msk [tilespmem:v15+s1+$0x0], $0xffff  }
0x282: {  	v13 =	vld.idx.msk [tilespmem:v16+s1+$0x0], $0xffff  }
0x283: {  	v14 =	vld.idx.msk [tilespmem:v17+s1+$0x0], $0xffff  }
0x284: {  	v15 =	vld [tilespmem:s23+$0xFFFFFFC0]  }
0x285: {  	v16 =	vld [tilespmem:s23+$0xFFFFFFD0]  }
0x286: {  	v17 =	vld [tilespmem:s23+$0xFFFFFFE0]  }
0x287: {  	v18 =	vld [tilespmem:s23+$0xFFFFFFF0]  }
0x288: {  	v19 =	vld [tilespmem:s23+$0x0]  }
0x289: {  	v8 =	vsub.f32 v15, v8;
	v15 =	vld [tilespmem:s23+$0x10]  }
0x28a: {  	v9 =	vsub.f32 v16, v9;
	v16 =	vld [tilespmem:s23+$0x20]  }
0x28b: {  	v8 =	vmul.f32 v8, v8;
	v10 =	vsub.f32 v17, v10;
	v17 =	vld [tilespmem:s23+$0x30]  }
0x28c: {  	v20 =	vld [tilespmem:s23+$0xFFFFFFB0];
	v9 =	vmul.f32 v9, v9;
	v11 =	vsub.f32 v18, v11  }
0x28d: {  	v18 =	vld [tilespmem:s22+$0xFFFFFFB0];
	v10 =	vmul.f32 v10, v10;
	v6 =	vsub.f32 v19, v6  }
0x28e: {  	v19 =	vld [tilespmem:s22+$0xFFFFFFC0];
	v11 =	vmul.f32 v11, v11;
	v12 =	vsub.f32 v15, v12  }
0x28f: {  	v15 =	vld [tilespmem:s22+$0xFFFFFFD0];
	v6 =	vmul.f32 v6, v6;
	v13 =	vsub.f32 v16, v13  }
0x290: {  	v16 =	vld [tilespmem:s22+$0xFFFFFFE0];
	v12 =	vmul.f32 v12, v12;
	v14 =	vsub.f32 v17, v14  }
0x291: {  	v7 =	vsub.f32 v20, v7;
	v17 =	vld [tilespmem:s22+$0xFFFFFFF0];
	v13 =	vmul.f32 v13, v13  }
0x292: {  	v18 =	vshll.u32 v18, $0x4;
	v20 =	vld [tilespmem:s22+$0x0];
	v14 =	vmul.f32 v14, v14  }
0x293: {  	v7 =	vmul.f32 v7, v7;
	v18 =	vor.u32 v1, v18;
	v19 =	vshll.u32 v19, $0x4;
	v21 =	vld [tilespmem:s22+$0x10]  }
0x294: {  	v19 =	vor.u32 v1, v19;
	v15 =	vshll.u32 v15, $0x4;
	v22 =	vld [tilespmem:s22+$0x20]  }
0x295: {  	v15 =	vor.u32 v1, v15;
	v16 =	vshll.u32 v16, $0x4;
	v23 =	vld [tilespmem:s22+$0x30]  }
0x296: {  	v16 =	vor.u32 v1, v16;
	v17 =	vshll.u32 v17, $0x4;
	[tilespmem:v5+s12+$0x0] =	vst.idx.add.f32.msk $0xffff, v2;
	v2 =	vmov v13  }
0x297: {  	v13 =	vor.u32 v1, v17;
	v5 =	vshll.u32 v20, $0x4;
	[tilespmem:v4+s12+$0x0] =	vst.idx.add.f32.msk $0xffff, v3;
	v3 =	vmov v14  }
0x298: {  	[tilespmem:v18+s12+$0x0] =	vst.idx.add.f32.msk $0xffff, v7;
	v7 =	vor.u32 v1, v5;
	v4 =	vshll.u32 v21, $0x4  }
0x299: {  	[tilespmem:v19+s12+$0x0] =	vst.idx.add.f32.msk $0xffff, v8;
	v8 =	vor.u32 v1, v4;
	v4 =	vshll.u32 v22, $0x4  }
.Ltmp20:
0x29a: {  	[tilespmem:v15+s12+$0x0] =	vst.idx.add.f32.msk $0xffff, v9;
	v5 =	vor.u32 v1, v4;
	v4 =	vshll.u32 v23, $0x4;
	(pc) =	sbr.rel @p0 .LBB2_27-.Ltmp20, $4  }
0x29b: {  	[tilespmem:v16+s12+$0x0] =	vst.idx.add.f32.msk $0xffff, v10;
	v4 =	vor.u32 v1, v4  }
0x29c: {  	[tilespmem:v13+s12+$0x0] =	vst.idx.add.f32.msk $0xffff, v11  }
0x29d: {  	[tilespmem:v7+s12+$0x0] =	vst.idx.add.f32.msk $0xffff, v6  }
0x29e: {  	s21 =	sadd.s32 $0xA0, s21;
	[tilespmem:v8+s12+$0x0] =	vst.idx.add.f32.msk $0xffff, v12  }
.Ltmp21:
0x29f: {  	_ = 	snop;
	(pc) =	sbr.rel .LBB2_28-.Ltmp21, $1  }
0x2a0: {  	_ =	sdelay $0x3  }
.LBB2_30:
0x2a1: {  	_ =	swait.ge [sflag:s13], $0x4E20  }
0x2a2: {  	[sflag:s13] =	ssyncset.done $0x0  }
0x2a3: {  	[sflag:s13] =	ssyncadd.s32 $0xFFFFB1E0  }
0x2a4: {  	_ =	swait.ge [sflag:s13], $0x4E20  }
0x2a5: {  	[sflag:s13] =	ssyncset.done $0x0  }
0x2a6: {  	[sflag:s13] =	ssyncadd.s32 $0xFFFFB1E0  }
0x2a7: {  	_ =	swait.ge [sflag:s13], $0x4E20  }
0x2a8: {  	[sflag:s13] =	ssyncset.done $0x0  }
0x2a9: {  	s16 =	simm.s32 $0x0;
	s17 =	rddreg [dreg:$0xf];
	[sflag:s13] =	ssyncadd.s32 $0xFFFFB1E0  }
0x2aa: {  	[tilespmem:s4], [sflag:$0x1] =	stream.linear.gather [hbm4b:s17+s16], $0x4E20, $0x38;
	[tilespmem:$0x1F980] =	vst v63  }
.Ltmp22:
0x2ab: {  	_ = 	snop;
	(pc) =	sbr.rel .LBB2_31-.Ltmp22, $4  }
0x2ac: {  	s18 =	simm.s32 $0x13AD0;
	s22 =	rddreg [dreg:$0x10]  }
0x2ad: {  	[tilespmem:s5], [sflag:$0x1] =	stream.linear.gather [hbm4b:s22+s16], $0x4E20, $0x38;
	[tilespmem:$0x1F980] =	vst v63  }
0x2ae: {  	s19 =	simm.s32 $0x18950;
	s23 =	rddreg [dreg:$0x11];
	s17 =	simm.s32 $0xEC50  }
0x2af: {  	[tilespmem:s6], [sflag:$0x1] =	stream.linear.gather [hbm4b:s23+s16], $0x4E20, $0x38;
	[tilespmem:$0x1F980] =	vst v63  }
.LBB2_37:
0x2b0: {  	_ =	sdelay $0x3  }
0x2b1: {  	[tilespmem:v5+s12+$0x0] =	vst.idx.add.f32.msk $0xffff, v2  }
0x2b2: {  	[tilespmem:v4+s12+$0x0] =	vst.idx.add.f32.msk $0xffff, v3  }
.LBB2_38:
0x2b3: {  	s16 =	sadd.s32 $0x1, s16  }
0x2b4: {  	p0 =	sne.s32 s16, $0x19  }
.Ltmp23:
0x2b5: {  	_ = 	snop;
	(pc) =	sbr.rel @!p0 .LBB2_39-.Ltmp23, $2  }
0x2b6: {  	_ =	sdelay $0x2  }
0x2b7: {  	s17 =	sadd.s32 $0x320, s17;
	s18 =	sadd.s32 $0x320, s18;
	s19 =	sadd.s32 $0x320, s19  }
.LBB2_31:
0x2b8: {  	s20 =	smul.u32 $0x320, s16;
	_ =	sdelay $0x1  }
0x2b9: {  	v2 =	vld [tilespmem:s20+$0x18900]  }
0x2ba: {  	v3 =	vld [tilespmem:s20+$0x18C10];
	_ =	sdelay $0x3  }
0x2bb: {  	(v2sf) =	vpush v2, $0x0  }
0x2bc: {  	(v2sf) =	vpush v3, $0xF;
	_ =	sdelay $0xd  }
0x2bd: {  	s23 =	spop (v2sf)  }
0x2be: {  	s21 =	spop (v2sf)  }
0x2bf: {  	p0 =	sne.s32 s23, s21  }
.Ltmp24:
0x2c0: {  	_ = 	snop;
	(pc) =	sbr.rel @p0 .LBB2_35-.Ltmp24, $2  }
0x2c1: {  	_ =	sdelay $0x2  }
0x2c2: {  	s20 =	simm.s32 $0xFFFFFFF6;
	v3 =	vimm.f32 $0.0e+00  }
0x2c3: {  	v5 =	vld [tilespmem:s18+$0x40]  }
0x2c4: {  	v4 =	vld [tilespmem:s18+$0x30]  }
0x2c5: {  	v6 =	vld [tilespmem:s18+$0xFFFFFFB0]  }
0x2c6: {  	v7 =	vld [tilespmem:s18+$0x20]  }
0x2c7: {  	v8 =	vld [tilespmem:s18+$0xFFFFFFC0]  }
0x2c8: {  	v9 =	vld [tilespmem:s18+$0x10]  }
0x2c9: {  	v10 =	vld [tilespmem:s18+$0xFFFFFFD0]  }
0x2ca: {  	v11 =	vld [tilespmem:s18+$0x0]  }
0x2cb: {  	v12 =	vld [tilespmem:s18+$0xFFFFFFE0]  }
0x2cc: {  	v13 =	vld [tilespmem:s18+$0xFFFFFFF0]  }
0x2cd: {  	v14 =	vld [tilespmem:s17+$0xFFFFFFB0]  }
0x2ce: {  	v6 =	vld.idx.msk [tilespmem:v6+s1+$0x0], $0xffff  }
0x2cf: {  	v15 =	vld [tilespmem:s17+$0xFFFFFFC0]  }
0x2d0: {  	v8 =	vld.idx.msk [tilespmem:v8+s1+$0x0], $0xffff  }
0x2d1: {  	v16 =	vld [tilespmem:s17+$0xFFFFFFD0]  }
0x2d2: {  	v10 =	vld.idx.msk [tilespmem:v10+s1+$0x0], $0xffff  }
0x2d3: {  	v60 =	vld [tilespmem:s17+$0xFFFFFFE0];
	v6 =	vsub.f32 v14, v6  }
0x2d4: {  	v12 =	vld.idx.msk [tilespmem:v12+s1+$0x0], $0xffff  }
0x2d5: {  	v61 =	vld [tilespmem:s17+$0xFFFFFFF0];
	v8 =	vsub.f32 v15, v8;
	v6 =	vmul.f32 v6, v6  }
0x2d6: {  	v13 =	vld.idx.msk [tilespmem:v13+s1+$0x0], $0xffff  }
0x2d7: {  	v11 =	vld.idx.msk [tilespmem:v11+s1+$0x0], $0xffff;
	v3 =	vadd.f32 v6, v3;
	v6 =	vmul.f32 v8, v8;
	v8 =	vsub.f32 v16, v10  }
0x2d8: {  	v10 =	vld [tilespmem:s17+$0x0]  }
0x2d9: {  	v62 =	vld.idx.msk [tilespmem:v9+s1+$0x0], $0xffff;
	v9 =	vsub.f32 v60, v12;
	v6 =	vadd.f32 v6, v3;
	v8 =	vmul.f32 v8, v8  }
0x2da: {  	v63 =	vld [tilespmem:s17+$0x10]  }
0x2db: {  	v3 =	vld.idx.msk [tilespmem:v7+s1+$0x0], $0xffff;
	v7 =	vadd.f32 v8, v6;
	v8 =	vmul.f32 v9, v9;
	v9 =	vsub.f32 v61, v13  }
0x2dc: {  	v6 =	vld [tilespmem:s17+$0x20]  }
0x2dd: {  	v4 =	vld.idx.msk [tilespmem:v4+s1+$0x0], $0xffff;
	v10 =	vsub.f32 v10, v11;
	v8 =	vadd.f32 v8, v7;
	v9 =	vmul.f32 v9, v9  }
0x2de: {  	v7 =	vld [tilespmem:s17+$0x30]  }
0x2df: {  	v5 =	vld.idx.msk [tilespmem:v5+s1+$0x0], $0xffff;
	v11 =	vsub.f32 v63, v62;
	v10 =	vmul.f32 v10, v10;
	v9 =	vadd.f32 v9, v8  }
0x2e0: {  	s20 =	sadd.s32 $0xA, s20;
	s21 =	sadd.s32 $0xA0, s18;
	s22 =	smov.u32 s17;
	v8 =	vld [tilespmem:s17+$0x40]  }
.LBB2_33:
0x2e1: {  	v12 =	vld [tilespmem:s21+$0x40];
	v9 =	vadd.f32 v10, v9;
	v10 =	vmul.f32 v11, v11;
	v3 =	vsub.f32 v6, v3  }
0x2e2: {  	v11 =	vld [tilespmem:s21+$0x30]  }
0x2e3: {  	s20 =	sadd.s32 $0xA, s20;
	v6 =	vld [tilespmem:s21+$0xFFFFFFB0];
	v9 =	vadd.f32 v10, v9;
	v3 =	vmul.f32 v3, v3;
	v4 =	vsub.f32 v7, v4  }
0x2e4: {  	p0 =	slt.u32 s20, $0x28;
	v7 =	vld [tilespmem:s21+$0x20]  }
0x2e5: {  	v10 =	vld [tilespmem:s21+$0xFFFFFFC0];
	v3 =	vadd.f32 v3, v9;
	v4 =	vmul.f32 v4, v4;
	v5 =	vsub.f32 v8, v5  }
0x2e6: {  	v8 =	vld [tilespmem:s21+$0x10]  }
0x2e7: {  	v9 =	vld [tilespmem:s21+$0xFFFFFFD0];
	v3 =	vadd.f32 v4, v3;
	v4 =	vmul.f32 v5, v5  }
0x2e8: {  	v5 =	vld [tilespmem:s21+$0x0]  }
0x2e9: {  	v13 =	vld [tilespmem:s21+$0xFFFFFFE0];
	v3 =	vadd.f32 v4, v3  }
0x2ea: {  	v4 =	vld [tilespmem:s21+$0xFFFFFFF0]  }
0x2eb: {  	s22 =	sadd.s32 $0xA0, s22;
	v6 =	vld.idx.msk [tilespmem:v6+s1+$0x0], $0xffff  }
0x2ec: {  	v14 =	vld [tilespmem:s22+$0xFFFFFFB0]  }
0x2ed: {  	v10 =	vld.idx.msk [tilespmem:v10+s1+$0x0], $0xffff  }
0x2ee: {  	v15 =	vld [tilespmem:s22+$0xFFFFFFC0]  }
0x2ef: {  	v9 =	vld.idx.msk [tilespmem:v9+s1+$0x0], $0xffff  }
0x2f0: {  	v16 =	vld [tilespmem:s22+$0xFFFFFFD0]  }
0x2f1: {  	v6 =	vsub.f32 v14, v6;
	v13 =	vld.idx.msk [tilespmem:v13+s1+$0x0], $0xffff  }
0x2f2: {  	v14 =	vld [tilespmem:s22+$0xFFFFFFE0]  }
0x2f3: {  	v6 =	vmul.f32 v6, v6;
	v10 =	vsub.f32 v15, v10;
	v4 =	vld.idx.msk [tilespmem:v4+s1+$0x0], $0xffff  }
0x2f4: {  	v15 =	vld [tilespmem:s22+$0xFFFFFFF0]  }
0x2f5: {  	v3 =	vadd.f32 v6, v3;
	v6 =	vmul.f32 v10, v10;
	v9 =	vsub.f32 v16, v9;
	v5 =	vld.idx.msk [tilespmem:v5+s1+$0x0], $0xffff  }
0x2f6: {  	v10 =	vld [tilespmem:s22+$0x0]  }
0x2f7: {  	v3 =	vadd.f32 v6, v3;
	v6 =	vmul.f32 v9, v9;
	v9 =	vsub.f32 v14, v13;
	v8 =	vld.idx.msk [tilespmem:v8+s1+$0x0], $0xffff  }
0x2f8: {  	v13 =	vld [tilespmem:s22+$0x10]  }
0x2f9: {  	v14 =	vadd.f32 v6, v3;
	v9 =	vmul.f32 v9, v9;
	v4 =	vsub.f32 v15, v4;
	v3 =	vld.idx.msk [tilespmem:v7+s1+$0x0], $0xffff  }
.Ltmp25:
0x2fa: {  	v6 =	vld [tilespmem:s22+$0x20];
	(pc) =	sbr.rel @p0 .LBB2_33-.Ltmp25, $4  }
0x2fb: {  	v9 =	vadd.f32 v9, v14;
	v14 =	vmul.f32 v4, v4;
	v5 =	vsub.f32 v10, v5;
	v4 =	vld.idx.msk [tilespmem:v11+s1+$0x0], $0xffff  }
0x2fc: {  	v7 =	vld [tilespmem:s22+$0x30]  }
0x2fd: {  	v9 =	vadd.f32 v14, v9;
	v10 =	vmul.f32 v5, v5;
	v11 =	vsub.f32 v13, v8;
	v5 =	vld.idx.msk [tilespmem:v12+s1+$0x0], $0xffff  }
0x2fe: {  	s21 =	sadd.s32 $0xA0, s21;
	v8 =	vld [tilespmem:s22+$0x40]  }
0x2ff: {  	v9 =	vadd.f32 v10, v9;
	v61 =	vmul.f32 v11, v11;
	v3 =	vsub.f32 v6, v3;
	_ =	sdelay $0x1  }
0x300: {  	v62 =	vadd.f32 v61, v9;
	v3 =	vmul.f32 v3, v3;
	v4 =	vsub.f32 v7, v4  }
0x301: {  	v2 =	vshll.u32 v2, $0x4  }
0x302: {  	v3 =	vadd.f32 v3, v62;
	v4 =	vmul.f32 v4, v4;
	v5 =	vsub.f32 v8, v5  }
0x303: {  	v2 =	vor.u32 v1, v2  }
.Ltmp26:
0x304: {  	v3 =	vadd.f32 v4, v3;
	v63 =	vmul.f32 v5, v5;
	(pc) =	sbr.rel .LBB2_38-.Ltmp26, $3  }
0x305: {  	_ = 	snop  }
0x306: {  	v3 =	vadd.f32 v63, v3;
	_ =	sdelay $0x1  }
0x307: {  	[tilespmem:v2+s12+$0x0] =	vst.idx.add.f32.msk $0xffff, v3  }
.LBB2_35:
0x308: {  	v2 =	vld [tilespmem:s18+$0x40]  }
0x309: {  	v3 =	vld [tilespmem:s18+$0xFFFFFFB0]  }
0x30a: {  	v4 =	vld [tilespmem:s18+$0xFFFFFFC0]  }
0x30b: {  	v5 =	vld [tilespmem:s18+$0xFFFFFFD0]  }
0x30c: {  	v6 =	vld [tilespmem:s18+$0xFFFFFFE0]  }
0x30d: {  	v7 =	vld [tilespmem:s18+$0xFFFFFFF0]  }
0x30e: {  	v8 =	vld [tilespmem:s18+$0x0]  }
0x30f: {  	v9 =	vld [tilespmem:s19+$0x40]  }
0x310: {  	v10 =	vld [tilespmem:s17+$0x40]  }
0x311: {  	v11 =	vld [tilespmem:s18+$0x10]  }
0x312: {  	v12 =	vld [tilespmem:s18+$0x20]  }
0x313: {  	v13 =	vld [tilespmem:s18+$0x30]  }
0x314: {  	v51 =	vld [tilespmem:s17+$0xFFFFFFC0]  }
0x315: {  	v52 =	vld [tilespmem:s19+$0xFFFFFFB0]  }
0x316: {  	v53 =	vld [tilespmem:s17+$0xFFFFFFD0]  }
0x317: {  	v14 =	vld [tilespmem:s17+$0xFFFFFFB0]  }
0x318: {  	v15 =	vld [tilespmem:s17+$0xFFFFFFE0]  }
0x319: {  	v16 =	vld [tilespmem:s19+$0xFFFFFFC0]  }
0x31a: {  	v17 =	vld [tilespmem:s17+$0xFFFFFFF0]  }
0x31b: {  	v18 =	vld [tilespmem:s17+$0x0]  }
0x31c: {  	v19 =	vld [tilespmem:s17+$0x10]  }
0x31d: {  	v54 =	vld [tilespmem:s19+$0xFFFFFFD0]  }
0x31e: {  	v20 =	vld [tilespmem:s19+$0xFFFFFFE0]  }
0x31f: {  	v21 =	vld [tilespmem:s19+$0xFFFFFFF0]  }
0x320: {  	v55 =	vld [tilespmem:s19+$0x10]  }
0x321: {  	v56 =	vld [tilespmem:s17+$0x20]  }
0x322: {  	v3 =	vld.idx.msk [tilespmem:v3+s1+$0x0], $0xffff  }
0x323: {  	v2 =	vld.idx.msk [tilespmem:v2+s1+$0x0], $0xffff  }
0x324: {  	v4 =	vld.idx.msk [tilespmem:v4+s1+$0x0], $0xffff  }
0x325: {  	v49 =	vld.idx.msk [tilespmem:v12+s1+$0x0], $0xffff;
	v12 =	vshll.u32 v52, $0x4  }
0x326: {  	v5 =	vld.idx.msk [tilespmem:v5+s1+$0x0], $0xffff;
	v12 =	vor.u32 v1, v12  }
0x327: {  	v9 =	vshll.u32 v9, $0x4;
	v6 =	vld.idx.msk [tilespmem:v6+s1+$0x0], $0xffff;
	v3 =	vsub.f32 v14, v3  }
0x328: {  	v9 =	vor.u32 v1, v9;
	v7 =	vld.idx.msk [tilespmem:v7+s1+$0x0], $0xffff  }
0x329: {  	v16 =	vshll.u32 v16, $0x4;
	v48 =	vld.idx.msk [tilespmem:v11+s1+$0x0], $0xffff;
	v2 =	vsub.f32 v10, v2;
	v3 =	vmul.f32 v3, v3  }
0x32a: {  	v16 =	vor.u32 v1, v16;
	v50 =	vld.idx.msk [tilespmem:v13+s1+$0x0], $0xffff  }
0x32b: {  	v4 =	vsub.f32 v51, v4;
	v2 =	vmul.f32 v2, v2;
	[tilespmem:v12+s12+$0x0] =	vst.idx.add.f32.msk $0xffff, v3  }
0x32c: {  	v3 =	vld [tilespmem:s19+$0x0]  }
0x32d: {  	v4 =	vmul.f32 v4, v4;
	[tilespmem:v9+s12+$0x0] =	vst.idx.add.f32.msk $0xffff, v2  }
0x32e: {  	v57 =	vshll.u32 v54, $0x4;
	v58 =	vshll.u32 v20, $0x4;
	v2 =	vld.idx.msk [tilespmem:v8+s1+$0x0], $0xffff  }
0x32f: {  	v59 =	vshll.u32 v21, $0x4;
	v13 =	vor.u32 v1, v57;
	v5 =	vsub.f32 v53, v5;
	[tilespmem:v16+s12+$0x0] =	vst.idx.add.f32.msk $0xffff, v4  }
0x330: {  	v6 =	vsub.f32 v15, v6;
	v14 =	vor.u32 v1, v58;
	v7 =	vsub.f32 v17, v7;
	v4 =	vld [tilespmem:s17+$0x30]  }
0x331: {  	v61 =	vld [tilespmem:s19+$0x30];
	v15 =	vor.u32 v1, v59;
	v63 =	vsub.f32 v56, v49;
	v3 =	vshll.u32 v3, $0x4  }
0x332: {  	v60 =	vld [tilespmem:s19+$0x20];
	v5 =	vmul.f32 v5, v5;
	v62 =	vor.u32 v1, v3;
	v3 =	vshll.u32 v55, $0x4  }
0x333: {  	v6 =	vmul.f32 v6, v6;
	v2 =	vsub.f32 v18, v2;
	v11 =	vor.u32 v1, v3  }
0x334: {  	v7 =	vmul.f32 v7, v7;
	[tilespmem:v13+s12+$0x0] =	vst.idx.add.f32.msk $0xffff, v5;
	v3 =	vsub.f32 v19, v48  }
0x335: {  	[tilespmem:v14+s12+$0x0] =	vst.idx.add.f32.msk $0xffff, v6;
	v4 =	vsub.f32 v4, v50;
	v5 =	vmul.f32 v2, v2  }
0x336: {  	[tilespmem:v15+s12+$0x0] =	vst.idx.add.f32.msk $0xffff, v7;
	v7 =	vshll.u32 v61, $0x4;
	v6 =	vmul.f32 v3, v3  }
0x337: {  	s20 =	simm.s32 $0x0;
	v2 =	vmul.f32 v63, v63;
	v3 =	vmul.f32 v4, v4;
	v4 =	vshll.u32 v60, $0x4;
	[tilespmem:v62+s12+$0x0] =	vst.idx.add.f32.msk $0xffff, v5  }
0x338: {  	s21 =	sadd.s32 $0xA0, s18;
	s22 =	smov.u32 s19;
	s23 =	smov.u32 s17;
	v5 =	vor.u32 v1, v4;
	v4 =	vor.u32 v1, v7;
	[tilespmem:v11+s12+$0x0] =	vst.idx.add.f32.msk $0xffff, v6  }
.LBB2_36:
0x339: {  	v6 =	vld [tilespmem:s21+$0x40];
	s20 =	sadd.s32 $0xA, s20  }
0x33a: {  	v7 =	vld [tilespmem:s21+$0xFFFFFFB0];
	p0 =	slt.u32 s20, $0x28  }
0x33b: {  	v8 =	vld [tilespmem:s21+$0xFFFFFFC0]  }
0x33c: {  	v9 =	vld [tilespmem:s21+$0xFFFFFFD0]  }
0x33d: {  	v10 =	vld [tilespmem:s21+$0xFFFFFFE0]  }
0x33e: {  	v11 =	vld [tilespmem:s21+$0xFFFFFFF0]  }
0x33f: {  	s22 =	sadd.s32 $0xA0, s22;
	v12 =	vld [tilespmem:s21+$0x0]  }
0x340: {  	v13 =	vld [tilespmem:s22+$0x40]  }
0x341: {  	s23 =	sadd.s32 $0xA0, s23;
	v6 =	vld.idx.msk [tilespmem:v6+s1+$0x0], $0xffff  }
0x342: {  	v14 =	vld [tilespmem:s23+$0x40]  }
0x343: {  	v15 =	vld [tilespmem:s21+$0x10]  }
0x344: {  	v16 =	vld [tilespmem:s21+$0x20]  }
0x345: {  	v17 =	vld [tilespmem:s21+$0x30];
	v13 =	vshll.u32 v13, $0x4  }
0x346: {  	v7 =	vld.idx.msk [tilespmem:v7+s1+$0x0], $0xffff;
	v13 =	vor.u32 v1, v13  }
0x347: {  	v8 =	vld.idx.msk [tilespmem:v8+s1+$0x0], $0xffff;
	v6 =	vsub.f32 v14, v6  }
0x348: {  	v9 =	vld.idx.msk [tilespmem:v9+s1+$0x0], $0xffff  }
0x349: {  	v10 =	vld.idx.msk [tilespmem:v10+s1+$0x0], $0xffff;
	v6 =	vmul.f32 v6, v6  }
0x34a: {  	v11 =	vld.idx.msk [tilespmem:v11+s1+$0x0], $0xffff  }
0x34b: {  	[tilespmem:v13+s12+$0x0] =	vst.idx.add.f32.msk $0xffff, v6  }
0x34c: {  	v6 =	vld.idx.msk [tilespmem:v12+s1+$0x0], $0xffff  }
0x34d: {  	v12 =	vld.idx.msk [tilespmem:v15+s1+$0x0], $0xffff  }
0x34e: {  	v13 =	vld.idx.msk [tilespmem:v16+s1+$0x0], $0xffff  }
0x34f: {  	v14 =	vld.idx.msk [tilespmem:v17+s1+$0x0], $0xffff  }
0x350: {  	v15 =	vld [tilespmem:s23+$0xFFFFFFC0]  }
0x351: {  	v16 =	vld [tilespmem:s23+$0xFFFFFFD0]  }
0x352: {  	v17 =	vld [tilespmem:s23+$0xFFFFFFE0]  }
0x353: {  	v18 =	vld [tilespmem:s23+$0xFFFFFFF0]  }
0x354: {  	v19 =	vld [tilespmem:s23+$0x0]  }
0x355: {  	v8 =	vsub.f32 v15, v8;
	v15 =	vld [tilespmem:s23+$0x10]  }
0x356: {  	v9 =	vsub.f32 v16, v9;
	v16 =	vld [tilespmem:s23+$0x20]  }
0x357: {  	v8 =	vmul.f32 v8, v8;
	v10 =	vsub.f32 v17, v10;
	v17 =	vld [tilespmem:s23+$0x30]  }
0x358: {  	v20 =	vld [tilespmem:s23+$0xFFFFFFB0];
	v9 =	vmul.f32 v9, v9;
	v11 =	vsub.f32 v18, v11  }
0x359: {  	v18 =	vld [tilespmem:s22+$0xFFFFFFB0];
	v10 =	vmul.f32 v10, v10;
	v6 =	vsub.f32 v19, v6  }
0x35a: {  	v19 =	vld [tilespmem:s22+$0xFFFFFFC0];
	v11 =	vmul.f32 v11, v11;
	v12 =	vsub.f32 v15, v12  }
0x35b: {  	v15 =	vld [tilespmem:s22+$0xFFFFFFD0];
	v6 =	vmul.f32 v6, v6;
	v13 =	vsub.f32 v16, v13  }
0x35c: {  	v16 =	vld [tilespmem:s22+$0xFFFFFFE0];
	v12 =	vmul.f32 v12, v12;
	v14 =	vsub.f32 v17, v14  }
0x35d: {  	v7 =	vsub.f32 v20, v7;
	v17 =	vld [tilespmem:s22+$0xFFFFFFF0];
	v13 =	vmul.f32 v13, v13  }
0x35e: {  	v18 =	vshll.u32 v18, $0x4;
	v20 =	vld [tilespmem:s22+$0x0];
	v14 =	vmul.f32 v14, v14  }
0x35f: {  	v7 =	vmul.f32 v7, v7;
	v18 =	vor.u32 v1, v18;
	v19 =	vshll.u32 v19, $0x4;
	v21 =	vld [tilespmem:s22+$0x10]  }
0x360: {  	v19 =	vor.u32 v1, v19;
	v15 =	vshll.u32 v15, $0x4;
	v22 =	vld [tilespmem:s22+$0x20]  }
0x361: {  	v15 =	vor.u32 v1, v15;
	v16 =	vshll.u32 v16, $0x4;
	v23 =	vld [tilespmem:s22+$0x30]  }
0x362: {  	v16 =	vor.u32 v1, v16;
	v17 =	vshll.u32 v17, $0x4;
	[tilespmem:v5+s12+$0x0] =	vst.idx.add.f32.msk $0xffff, v2;
	v2 =	vmov v13  }
0x363: {  	v13 =	vor.u32 v1, v17;
	v5 =	vshll.u32 v20, $0x4;
	[tilespmem:v4+s12+$0x0] =	vst.idx.add.f32.msk $0xffff, v3;
	v3 =	vmov v14  }
0x364: {  	[tilespmem:v18+s12+$0x0] =	vst.idx.add.f32.msk $0xffff, v7;
	v7 =	vor.u32 v1, v5;
	v4 =	vshll.u32 v21, $0x4  }
0x365: {  	[tilespmem:v19+s12+$0x0] =	vst.idx.add.f32.msk $0xffff, v8;
	v8 =	vor.u32 v1, v4;
	v4 =	vshll.u32 v22, $0x4  }
.Ltmp27:
0x366: {  	[tilespmem:v15+s12+$0x0] =	vst.idx.add.f32.msk $0xffff, v9;
	v5 =	vor.u32 v1, v4;
	v4 =	vshll.u32 v23, $0x4;
	(pc) =	sbr.rel @p0 .LBB2_36-.Ltmp27, $4  }
0x367: {  	[tilespmem:v16+s12+$0x0] =	vst.idx.add.f32.msk $0xffff, v10;
	v4 =	vor.u32 v1, v4  }
0x368: {  	[tilespmem:v13+s12+$0x0] =	vst.idx.add.f32.msk $0xffff, v11  }
0x369: {  	[tilespmem:v7+s12+$0x0] =	vst.idx.add.f32.msk $0xffff, v6  }
0x36a: {  	s21 =	sadd.s32 $0xA0, s21;
	[tilespmem:v8+s12+$0x0] =	vst.idx.add.f32.msk $0xffff, v12  }
.Ltmp28:
0x36b: {  	_ = 	snop;
	(pc) =	sbr.rel .LBB2_37-.Ltmp28, $1  }
0x36c: {  	_ =	sdelay $0x3  }
.LBB2_39:
0x36d: {  	_ =	swait.ge [sflag:s8], $0x4E20  }
0x36e: {  	[sflag:s8] =	ssyncset.done $0x0  }
0x36f: {  	[sflag:s8] =	ssyncadd.s32 $0xFFFFB1E0  }
0x370: {  	_ =	swait.ge [sflag:s8], $0x4E20  }
0x371: {  	[sflag:s8] =	ssyncset.done $0x0  }
0x372: {  	[sflag:s8] =	ssyncadd.s32 $0xFFFFB1E0  }
0x373: {  	_ =	swait.ge [sflag:s8], $0x4E20  }
0x374: {  	[sflag:s8] =	ssyncset.done $0x0  }
0x375: {  	s16 =	simm.s32 $0x0;
	s17 =	rddreg [dreg:$0x12];
	[sflag:s8] =	ssyncadd.s32 $0xFFFFB1E0  }
0x376: {  	[tilespmem:s9], [sflag:$0x2] =	stream.linear.gather [hbm4b:s17+s16], $0x4E20, $0x38;
	[tilespmem:$0x1F980] =	vst v63  }
.Ltmp29:
0x377: {  	_ = 	snop;
	(pc) =	sbr.rel .LBB2_40-.Ltmp29, $4  }
0x378: {  	s18 =	simm.s32 $0x4F50;
	s22 =	rddreg [dreg:$0x13]  }
0x379: {  	[tilespmem:s10], [sflag:$0x2] =	stream.linear.gather [hbm4b:s22+s16], $0x4E20, $0x38;
	[tilespmem:$0x1F980] =	vst v63  }
0x37a: {  	s19 =	simm.s32 $0x9DD0;
	s23 =	rddreg [dreg:$0x14];
	s17 =	simm.s32 $0xD0  }
0x37b: {  	[tilespmem:s11], [sflag:$0x2] =	stream.linear.gather [hbm4b:s23+s16], $0x4E20, $0x38;
	[tilespmem:$0x1F980] =	vst v63  }
.LBB2_46:
0x37c: {  	_ =	sdelay $0x3  }
0x37d: {  	[tilespmem:v5+s12+$0x0] =	vst.idx.add.f32.msk $0xffff, v2  }
0x37e: {  	[tilespmem:v4+s12+$0x0] =	vst.idx.add.f32.msk $0xffff, v3  }
.LBB2_47:
0x37f: {  	s16 =	sadd.s32 $0x1, s16  }
0x380: {  	p0 =	sne.s32 s16, $0x19  }
.Ltmp30:
0x381: {  	_ = 	snop;
	(pc) =	sbr.rel @!p0 .LBB2_48-.Ltmp30, $2  }
0x382: {  	_ =	sdelay $0x2  }
0x383: {  	s17 =	sadd.s32 $0x320, s17;
	s18 =	sadd.s32 $0x320, s18;
	s19 =	sadd.s32 $0x320, s19  }
.LBB2_40:
0x384: {  	s20 =	smul.u32 $0x320, s16;
	_ =	sdelay $0x1  }
0x385: {  	v2 =	vld [tilespmem:s20+$0x9D80]  }
0x386: {  	v3 =	vld [tilespmem:s20+$0xA090];
	_ =	sdelay $0x3  }
0x387: {  	(v2sf) =	vpush v2, $0x0  }
0x388: {  	(v2sf) =	vpush v3, $0xF;
	_ =	sdelay $0xd  }
0x389: {  	s23 =	spop (v2sf)  }
0x38a: {  	s21 =	spop (v2sf)  }
0x38b: {  	p0 =	sne.s32 s23, s21  }
.Ltmp31:
0x38c: {  	_ = 	snop;
	(pc) =	sbr.rel @p0 .LBB2_44-.Ltmp31, $2  }
0x38d: {  	_ =	sdelay $0x2  }
0x38e: {  	s20 =	simm.s32 $0xFFFFFFF6;
	v3 =	vimm.f32 $0.0e+00  }
0x38f: {  	v5 =	vld [tilespmem:s18+$0x40]  }
0x390: {  	v4 =	vld [tilespmem:s18+$0x30]  }
0x391: {  	v6 =	vld [tilespmem:s18+$0xFFFFFFB0]  }
0x392: {  	v7 =	vld [tilespmem:s18+$0x20]  }
0x393: {  	v8 =	vld [tilespmem:s18+$0xFFFFFFC0]  }
0x394: {  	v9 =	vld [tilespmem:s18+$0x10]  }
0x395: {  	v10 =	vld [tilespmem:s18+$0xFFFFFFD0]  }
0x396: {  	v11 =	vld [tilespmem:s18+$0x0]  }
0x397: {  	v12 =	vld [tilespmem:s18+$0xFFFFFFE0]  }
0x398: {  	v13 =	vld [tilespmem:s18+$0xFFFFFFF0]  }
0x399: {  	v14 =	vld [tilespmem:s17+$0xFFFFFFB0]  }
0x39a: {  	v6 =	vld.idx.msk [tilespmem:v6+s1+$0x0], $0xffff  }
0x39b: {  	v15 =	vld [tilespmem:s17+$0xFFFFFFC0]  }
0x39c: {  	v8 =	vld.idx.msk [tilespmem:v8+s1+$0x0], $0xffff  }
0x39d: {  	v16 =	vld [tilespmem:s17+$0xFFFFFFD0]  }
0x39e: {  	v10 =	vld.idx.msk [tilespmem:v10+s1+$0x0], $0xffff  }
0x39f: {  	v60 =	vld [tilespmem:s17+$0xFFFFFFE0];
	v6 =	vsub.f32 v14, v6  }
0x3a0: {  	v12 =	vld.idx.msk [tilespmem:v12+s1+$0x0], $0xffff  }
0x3a1: {  	v61 =	vld [tilespmem:s17+$0xFFFFFFF0];
	v8 =	vsub.f32 v15, v8;
	v6 =	vmul.f32 v6, v6  }
0x3a2: {  	v13 =	vld.idx.msk [tilespmem:v13+s1+$0x0], $0xffff  }
0x3a3: {  	v11 =	vld.idx.msk [tilespmem:v11+s1+$0x0], $0xffff;
	v3 =	vadd.f32 v6, v3;
	v6 =	vmul.f32 v8, v8;
	v8 =	vsub.f32 v16, v10  }
0x3a4: {  	v10 =	vld [tilespmem:s17+$0x0]  }
0x3a5: {  	v62 =	vld.idx.msk [tilespmem:v9+s1+$0x0], $0xffff;
	v9 =	vsub.f32 v60, v12;
	v6 =	vadd.f32 v6, v3;
	v8 =	vmul.f32 v8, v8  }
0x3a6: {  	v63 =	vld [tilespmem:s17+$0x10]  }
0x3a7: {  	v3 =	vld.idx.msk [tilespmem:v7+s1+$0x0], $0xffff;
	v7 =	vadd.f32 v8, v6;
	v8 =	vmul.f32 v9, v9;
	v9 =	vsub.f32 v61, v13  }
0x3a8: {  	v6 =	vld [tilespmem:s17+$0x20]  }
0x3a9: {  	v4 =	vld.idx.msk [tilespmem:v4+s1+$0x0], $0xffff;
	v10 =	vsub.f32 v10, v11;
	v8 =	vadd.f32 v8, v7;
	v9 =	vmul.f32 v9, v9  }
0x3aa: {  	v7 =	vld [tilespmem:s17+$0x30]  }
0x3ab: {  	v5 =	vld.idx.msk [tilespmem:v5+s1+$0x0], $0xffff;
	v11 =	vsub.f32 v63, v62;
	v10 =	vmul.f32 v10, v10;
	v9 =	vadd.f32 v9, v8  }
0x3ac: {  	s20 =	sadd.s32 $0xA, s20;
	s21 =	sadd.s32 $0xA0, s18;
	s22 =	smov.u32 s17;
	v8 =	vld [tilespmem:s17+$0x40]  }
.LBB2_42:
0x3ad: {  	v12 =	vld [tilespmem:s21+$0x40];
	v9 =	vadd.f32 v10, v9;
	v10 =	vmul.f32 v11, v11;
	v3 =	vsub.f32 v6, v3  }
0x3ae: {  	v11 =	vld [tilespmem:s21+$0x30]  }
0x3af: {  	s20 =	sadd.s32 $0xA, s20;
	v6 =	vld [tilespmem:s21+$0xFFFFFFB0];
	v9 =	vadd.f32 v10, v9;
	v3 =	vmul.f32 v3, v3;
	v4 =	vsub.f32 v7, v4  }
0x3b0: {  	p0 =	slt.u32 s20, $0x28;
	v7 =	vld [tilespmem:s21+$0x20]  }
0x3b1: {  	v10 =	vld [tilespmem:s21+$0xFFFFFFC0];
	v3 =	vadd.f32 v3, v9;
	v4 =	vmul.f32 v4, v4;
	v5 =	vsub.f32 v8, v5  }
0x3b2: {  	v8 =	vld [tilespmem:s21+$0x10]  }
0x3b3: {  	v9 =	vld [tilespmem:s21+$0xFFFFFFD0];
	v3 =	vadd.f32 v4, v3;
	v4 =	vmul.f32 v5, v5  }
0x3b4: {  	v5 =	vld [tilespmem:s21+$0x0]  }
0x3b5: {  	v13 =	vld [tilespmem:s21+$0xFFFFFFE0];
	v3 =	vadd.f32 v4, v3  }
0x3b6: {  	v4 =	vld [tilespmem:s21+$0xFFFFFFF0]  }
0x3b7: {  	s22 =	sadd.s32 $0xA0, s22;
	v6 =	vld.idx.msk [tilespmem:v6+s1+$0x0], $0xffff  }
0x3b8: {  	v14 =	vld [tilespmem:s22+$0xFFFFFFB0]  }
0x3b9: {  	v10 =	vld.idx.msk [tilespmem:v10+s1+$0x0], $0xffff  }
0x3ba: {  	v15 =	vld [tilespmem:s22+$0xFFFFFFC0]  }
0x3bb: {  	v9 =	vld.idx.msk [tilespmem:v9+s1+$0x0], $0xffff  }
0x3bc: {  	v16 =	vld [tilespmem:s22+$0xFFFFFFD0]  }
0x3bd: {  	v6 =	vsub.f32 v14, v6;
	v13 =	vld.idx.msk [tilespmem:v13+s1+$0x0], $0xffff  }
0x3be: {  	v14 =	vld [tilespmem:s22+$0xFFFFFFE0]  }
0x3bf: {  	v6 =	vmul.f32 v6, v6;
	v10 =	vsub.f32 v15, v10;
	v4 =	vld.idx.msk [tilespmem:v4+s1+$0x0], $0xffff  }
0x3c0: {  	v15 =	vld [tilespmem:s22+$0xFFFFFFF0]  }
0x3c1: {  	v3 =	vadd.f32 v6, v3;
	v6 =	vmul.f32 v10, v10;
	v9 =	vsub.f32 v16, v9;
	v5 =	vld.idx.msk [tilespmem:v5+s1+$0x0], $0xffff  }
0x3c2: {  	v10 =	vld [tilespmem:s22+$0x0]  }
0x3c3: {  	v3 =	vadd.f32 v6, v3;
	v6 =	vmul.f32 v9, v9;
	v9 =	vsub.f32 v14, v13;
	v8 =	vld.idx.msk [tilespmem:v8+s1+$0x0], $0xffff  }
0x3c4: {  	v13 =	vld [tilespmem:s22+$0x10]  }
0x3c5: {  	v14 =	vadd.f32 v6, v3;
	v9 =	vmul.f32 v9, v9;
	v4 =	vsub.f32 v15, v4;
	v3 =	vld.idx.msk [tilespmem:v7+s1+$0x0], $0xffff  }
.Ltmp32:
0x3c6: {  	v6 =	vld [tilespmem:s22+$0x20];
	(pc) =	sbr.rel @p0 .LBB2_42-.Ltmp32, $4  }
0x3c7: {  	v9 =	vadd.f32 v9, v14;
	v14 =	vmul.f32 v4, v4;
	v5 =	vsub.f32 v10, v5;
	v4 =	vld.idx.msk [tilespmem:v11+s1+$0x0], $0xffff  }
0x3c8: {  	v7 =	vld [tilespmem:s22+$0x30]  }
0x3c9: {  	v9 =	vadd.f32 v14, v9;
	v10 =	vmul.f32 v5, v5;
	v11 =	vsub.f32 v13, v8;
	v5 =	vld.idx.msk [tilespmem:v12+s1+$0x0], $0xffff  }
0x3ca: {  	s21 =	sadd.s32 $0xA0, s21;
	v8 =	vld [tilespmem:s22+$0x40]  }
0x3cb: {  	v9 =	vadd.f32 v10, v9;
	v61 =	vmul.f32 v11, v11;
	v3 =	vsub.f32 v6, v3;
	_ =	sdelay $0x1  }
0x3cc: {  	v62 =	vadd.f32 v61, v9;
	v3 =	vmul.f32 v3, v3;
	v4 =	vsub.f32 v7, v4  }
0x3cd: {  	v2 =	vshll.u32 v2, $0x4  }
0x3ce: {  	v3 =	vadd.f32 v3, v62;
	v4 =	vmul.f32 v4, v4;
	v5 =	vsub.f32 v8, v5  }
0x3cf: {  	v2 =	vor.u32 v1, v2  }
.Ltmp33:
0x3d0: {  	v3 =	vadd.f32 v4, v3;
	v63 =	vmul.f32 v5, v5;
	(pc) =	sbr.rel .LBB2_47-.Ltmp33, $3  }
0x3d1: {  	_ = 	snop  }
0x3d2: {  	v3 =	vadd.f32 v63, v3;
	_ =	sdelay $0x1  }
0x3d3: {  	[tilespmem:v2+s12+$0x0] =	vst.idx.add.f32.msk $0xffff, v3  }
.LBB2_44:
0x3d4: {  	v2 =	vld [tilespmem:s18+$0x40]  }
0x3d5: {  	v3 =	vld [tilespmem:s18+$0xFFFFFFB0]  }
0x3d6: {  	v4 =	vld [tilespmem:s18+$0xFFFFFFC0]  }
0x3d7: {  	v5 =	vld [tilespmem:s18+$0xFFFFFFD0]  }
0x3d8: {  	v6 =	vld [tilespmem:s18+$0xFFFFFFE0]  }
0x3d9: {  	v7 =	vld [tilespmem:s18+$0xFFFFFFF0]  }
0x3da: {  	v8 =	vld [tilespmem:s18+$0x0]  }
0x3db: {  	v9 =	vld [tilespmem:s19+$0x40]  }
0x3dc: {  	v10 =	vld [tilespmem:s17+$0x40]  }
0x3dd: {  	v11 =	vld [tilespmem:s18+$0x10]  }
0x3de: {  	v12 =	vld [tilespmem:s18+$0x20]  }
0x3df: {  	v13 =	vld [tilespmem:s18+$0x30]  }
0x3e0: {  	v51 =	vld [tilespmem:s17+$0xFFFFFFC0]  }
0x3e1: {  	v52 =	vld [tilespmem:s19+$0xFFFFFFB0]  }
0x3e2: {  	v53 =	vld [tilespmem:s17+$0xFFFFFFD0]  }
0x3e3: {  	v14 =	vld [tilespmem:s17+$0xFFFFFFB0]  }
0x3e4: {  	v15 =	vld [tilespmem:s17+$0xFFFFFFE0]  }
0x3e5: {  	v16 =	vld [tilespmem:s19+$0xFFFFFFC0]  }
0x3e6: {  	v17 =	vld [tilespmem:s17+$0xFFFFFFF0]  }
0x3e7: {  	v18 =	vld [tilespmem:s17+$0x0]  }
0x3e8: {  	v19 =	vld [tilespmem:s17+$0x10]  }
0x3e9: {  	v54 =	vld [tilespmem:s19+$0xFFFFFFD0]  }
0x3ea: {  	v20 =	vld [tilespmem:s19+$0xFFFFFFE0]  }
0x3eb: {  	v21 =	vld [tilespmem:s19+$0xFFFFFFF0]  }
0x3ec: {  	v55 =	vld [tilespmem:s19+$0x10]  }
0x3ed: {  	v56 =	vld [tilespmem:s17+$0x20]  }
0x3ee: {  	v3 =	vld.idx.msk [tilespmem:v3+s1+$0x0], $0xffff  }
0x3ef: {  	v2 =	vld.idx.msk [tilespmem:v2+s1+$0x0], $0xffff  }
0x3f0: {  	v4 =	vld.idx.msk [tilespmem:v4+s1+$0x0], $0xffff  }
0x3f1: {  	v49 =	vld.idx.msk [tilespmem:v12+s1+$0x0], $0xffff;
	v12 =	vshll.u32 v52, $0x4  }
0x3f2: {  	v5 =	vld.idx.msk [tilespmem:v5+s1+$0x0], $0xffff;
	v12 =	vor.u32 v1, v12  }
0x3f3: {  	v9 =	vshll.u32 v9, $0x4;
	v6 =	vld.idx.msk [tilespmem:v6+s1+$0x0], $0xffff;
	v3 =	vsub.f32 v14, v3  }
0x3f4: {  	v9 =	vor.u32 v1, v9;
	v7 =	vld.idx.msk [tilespmem:v7+s1+$0x0], $0xffff  }
0x3f5: {  	v16 =	vshll.u32 v16, $0x4;
	v48 =	vld.idx.msk [tilespmem:v11+s1+$0x0], $0xffff;
	v2 =	vsub.f32 v10, v2;
	v3 =	vmul.f32 v3, v3  }
0x3f6: {  	v16 =	vor.u32 v1, v16;
	v50 =	vld.idx.msk [tilespmem:v13+s1+$0x0], $0xffff  }
0x3f7: {  	v4 =	vsub.f32 v51, v4;
	v2 =	vmul.f32 v2, v2;
	[tilespmem:v12+s12+$0x0] =	vst.idx.add.f32.msk $0xffff, v3  }
0x3f8: {  	v3 =	vld [tilespmem:s19+$0x0]  }
0x3f9: {  	v4 =	vmul.f32 v4, v4;
	[tilespmem:v9+s12+$0x0] =	vst.idx.add.f32.msk $0xffff, v2  }
0x3fa: {  	v57 =	vshll.u32 v54, $0x4;
	v58 =	vshll.u32 v20, $0x4;
	v2 =	vld.idx.msk [tilespmem:v8+s1+$0x0], $0xffff  }
0x3fb: {  	v59 =	vshll.u32 v21, $0x4;
	v13 =	vor.u32 v1, v57;
	v5 =	vsub.f32 v53, v5;
	[tilespmem:v16+s12+$0x0] =	vst.idx.add.f32.msk $0xffff, v4  }
0x3fc: {  	v6 =	vsub.f32 v15, v6;
	v14 =	vor.u32 v1, v58;
	v7 =	vsub.f32 v17, v7;
	v4 =	vld [tilespmem:s17+$0x30]  }
0x3fd: {  	v61 =	vld [tilespmem:s19+$0x30];
	v15 =	vor.u32 v1, v59;
	v63 =	vsub.f32 v56, v49;
	v3 =	vshll.u32 v3, $0x4  }
0x3fe: {  	v60 =	vld [tilespmem:s19+$0x20];
	v5 =	vmul.f32 v5, v5;
	v62 =	vor.u32 v1, v3;
	v3 =	vshll.u32 v55, $0x4  }
0x3ff: {  	v6 =	vmul.f32 v6, v6;
	v2 =	vsub.f32 v18, v2;
	v11 =	vor.u32 v1, v3  }
0x400: {  	v7 =	vmul.f32 v7, v7;
	[tilespmem:v13+s12+$0x0] =	vst.idx.add.f32.msk $0xffff, v5;
	v3 =	vsub.f32 v19, v48  }
0x401: {  	[tilespmem:v14+s12+$0x0] =	vst.idx.add.f32.msk $0xffff, v6;
	v4 =	vsub.f32 v4, v50;
	v5 =	vmul.f32 v2, v2  }
0x402: {  	[tilespmem:v15+s12+$0x0] =	vst.idx.add.f32.msk $0xffff, v7;
	v7 =	vshll.u32 v61, $0x4;
	v6 =	vmul.f32 v3, v3  }
0x403: {  	s20 =	simm.s32 $0x0;
	v2 =	vmul.f32 v63, v63;
	v3 =	vmul.f32 v4, v4;
	v4 =	vshll.u32 v60, $0x4;
	[tilespmem:v62+s12+$0x0] =	vst.idx.add.f32.msk $0xffff, v5  }
0x404: {  	s21 =	sadd.s32 $0xA0, s18;
	s22 =	smov.u32 s19;
	s23 =	smov.u32 s17;
	v5 =	vor.u32 v1, v4;
	v4 =	vor.u32 v1, v7;
	[tilespmem:v11+s12+$0x0] =	vst.idx.add.f32.msk $0xffff, v6  }
.LBB2_45:
0x405: {  	v6 =	vld [tilespmem:s21+$0x40];
	s20 =	sadd.s32 $0xA, s20  }
0x406: {  	v7 =	vld [tilespmem:s21+$0xFFFFFFB0];
	p0 =	slt.u32 s20, $0x28  }
0x407: {  	v8 =	vld [tilespmem:s21+$0xFFFFFFC0]  }
0x408: {  	v9 =	vld [tilespmem:s21+$0xFFFFFFD0]  }
0x409: {  	v10 =	vld [tilespmem:s21+$0xFFFFFFE0]  }
0x40a: {  	v11 =	vld [tilespmem:s21+$0xFFFFFFF0]  }
0x40b: {  	s22 =	sadd.s32 $0xA0, s22;
	v12 =	vld [tilespmem:s21+$0x0]  }
0x40c: {  	v13 =	vld [tilespmem:s22+$0x40]  }
0x40d: {  	s23 =	sadd.s32 $0xA0, s23;
	v6 =	vld.idx.msk [tilespmem:v6+s1+$0x0], $0xffff  }
0x40e: {  	v14 =	vld [tilespmem:s23+$0x40]  }
0x40f: {  	v15 =	vld [tilespmem:s21+$0x10]  }
0x410: {  	v16 =	vld [tilespmem:s21+$0x20]  }
0x411: {  	v17 =	vld [tilespmem:s21+$0x30];
	v13 =	vshll.u32 v13, $0x4  }
0x412: {  	v7 =	vld.idx.msk [tilespmem:v7+s1+$0x0], $0xffff;
	v13 =	vor.u32 v1, v13  }
0x413: {  	v8 =	vld.idx.msk [tilespmem:v8+s1+$0x0], $0xffff;
	v6 =	vsub.f32 v14, v6  }
0x414: {  	v9 =	vld.idx.msk [tilespmem:v9+s1+$0x0], $0xffff  }
0x415: {  	v10 =	vld.idx.msk [tilespmem:v10+s1+$0x0], $0xffff;
	v6 =	vmul.f32 v6, v6  }
0x416: {  	v11 =	vld.idx.msk [tilespmem:v11+s1+$0x0], $0xffff  }
0x417: {  	[tilespmem:v13+s12+$0x0] =	vst.idx.add.f32.msk $0xffff, v6  }
0x418: {  	v6 =	vld.idx.msk [tilespmem:v12+s1+$0x0], $0xffff  }
0x419: {  	v12 =	vld.idx.msk [tilespmem:v15+s1+$0x0], $0xffff  }
0x41a: {  	v13 =	vld.idx.msk [tilespmem:v16+s1+$0x0], $0xffff  }
0x41b: {  	v14 =	vld.idx.msk [tilespmem:v17+s1+$0x0], $0xffff  }
0x41c: {  	v15 =	vld [tilespmem:s23+$0xFFFFFFC0]  }
0x41d: {  	v16 =	vld [tilespmem:s23+$0xFFFFFFD0]  }
0x41e: {  	v17 =	vld [tilespmem:s23+$0xFFFFFFE0]  }
0x41f: {  	v18 =	vld [tilespmem:s23+$0xFFFFFFF0]  }
0x420: {  	v19 =	vld [tilespmem:s23+$0x0]  }
0x421: {  	v8 =	vsub.f32 v15, v8;
	v15 =	vld [tilespmem:s23+$0x10]  }
0x422: {  	v9 =	vsub.f32 v16, v9;
	v16 =	vld [tilespmem:s23+$0x20]  }
0x423: {  	v8 =	vmul.f32 v8, v8;
	v10 =	vsub.f32 v17, v10;
	v17 =	vld [tilespmem:s23+$0x30]  }
0x424: {  	v20 =	vld [tilespmem:s23+$0xFFFFFFB0];
	v9 =	vmul.f32 v9, v9;
	v11 =	vsub.f32 v18, v11  }
0x425: {  	v18 =	vld [tilespmem:s22+$0xFFFFFFB0];
	v10 =	vmul.f32 v10, v10;
	v6 =	vsub.f32 v19, v6  }
0x426: {  	v19 =	vld [tilespmem:s22+$0xFFFFFFC0];
	v11 =	vmul.f32 v11, v11;
	v12 =	vsub.f32 v15, v12  }
0x427: {  	v15 =	vld [tilespmem:s22+$0xFFFFFFD0];
	v6 =	vmul.f32 v6, v6;
	v13 =	vsub.f32 v16, v13  }
0x428: {  	v16 =	vld [tilespmem:s22+$0xFFFFFFE0];
	v12 =	vmul.f32 v12, v12;
	v14 =	vsub.f32 v17, v14  }
0x429: {  	v7 =	vsub.f32 v20, v7;
	v17 =	vld [tilespmem:s22+$0xFFFFFFF0];
	v13 =	vmul.f32 v13, v13  }
0x42a: {  	v18 =	vshll.u32 v18, $0x4;
	v20 =	vld [tilespmem:s22+$0x0];
	v14 =	vmul.f32 v14, v14  }
0x42b: {  	v7 =	vmul.f32 v7, v7;
	v18 =	vor.u32 v1, v18;
	v19 =	vshll.u32 v19, $0x4;
	v21 =	vld [tilespmem:s22+$0x10]  }
0x42c: {  	v19 =	vor.u32 v1, v19;
	v15 =	vshll.u32 v15, $0x4;
	v22 =	vld [tilespmem:s22+$0x20]  }
0x42d: {  	v15 =	vor.u32 v1, v15;
	v16 =	vshll.u32 v16, $0x4;
	v23 =	vld [tilespmem:s22+$0x30]  }
0x42e: {  	v16 =	vor.u32 v1, v16;
	v17 =	vshll.u32 v17, $0x4;
	[tilespmem:v5+s12+$0x0] =	vst.idx.add.f32.msk $0xffff, v2;
	v2 =	vmov v13  }
0x42f: {  	v13 =	vor.u32 v1, v17;
	v5 =	vshll.u32 v20, $0x4;
	[tilespmem:v4+s12+$0x0] =	vst.idx.add.f32.msk $0xffff, v3;
	v3 =	vmov v14  }
0x430: {  	[tilespmem:v18+s12+$0x0] =	vst.idx.add.f32.msk $0xffff, v7;
	v7 =	vor.u32 v1, v5;
	v4 =	vshll.u32 v21, $0x4  }
0x431: {  	[tilespmem:v19+s12+$0x0] =	vst.idx.add.f32.msk $0xffff, v8;
	v8 =	vor.u32 v1, v4;
	v4 =	vshll.u32 v22, $0x4  }
.Ltmp34:
0x432: {  	[tilespmem:v15+s12+$0x0] =	vst.idx.add.f32.msk $0xffff, v9;
	v5 =	vor.u32 v1, v4;
	v4 =	vshll.u32 v23, $0x4;
	(pc) =	sbr.rel @p0 .LBB2_45-.Ltmp34, $4  }
0x433: {  	[tilespmem:v16+s12+$0x0] =	vst.idx.add.f32.msk $0xffff, v10;
	v4 =	vor.u32 v1, v4  }
0x434: {  	[tilespmem:v13+s12+$0x0] =	vst.idx.add.f32.msk $0xffff, v11  }
0x435: {  	[tilespmem:v7+s12+$0x0] =	vst.idx.add.f32.msk $0xffff, v6  }
0x436: {  	s21 =	sadd.s32 $0xA0, s21;
	[tilespmem:v8+s12+$0x0] =	vst.idx.add.f32.msk $0xffff, v12  }
.Ltmp35:
0x437: {  	_ = 	snop;
	(pc) =	sbr.rel .LBB2_46-.Ltmp35, $1  }
0x438: {  	_ =	sdelay $0x3  }
.LBB2_48:
0x439: {  	_ =	swait.ge [sflag:s13], $0x4E20  }
0x43a: {  	[sflag:s13] =	ssyncset.done $0x0  }
0x43b: {  	[sflag:s13] =	ssyncadd.s32 $0xFFFFB1E0  }
0x43c: {  	_ =	swait.ge [sflag:s13], $0x4E20  }
0x43d: {  	[sflag:s13] =	ssyncset.done $0x0  }
0x43e: {  	[sflag:s13] =	ssyncadd.s32 $0xFFFFB1E0  }
0x43f: {  	_ =	swait.ge [sflag:s13], $0x4E20  }
0x440: {  	[sflag:s13] =	ssyncset.done $0x0  }
0x441: {  	s16 =	simm.s32 $0x0;
	s17 =	rddreg [dreg:$0x15];
	[sflag:s13] =	ssyncadd.s32 $0xFFFFB1E0  }
0x442: {  	[tilespmem:s4], [sflag:$0x1] =	stream.linear.gather [hbm4b:s17+s16], $0x4E20, $0x38;
	[tilespmem:$0x1F980] =	vst v63  }
.Ltmp36:
0x443: {  	_ = 	snop;
	(pc) =	sbr.rel .LBB2_49-.Ltmp36, $4  }
0x444: {  	s18 =	simm.s32 $0x13AD0;
	s22 =	rddreg [dreg:$0x16]  }
0x445: {  	[tilespmem:s5], [sflag:$0x1] =	stream.linear.gather [hbm4b:s22+s16], $0x4E20, $0x38;
	[tilespmem:$0x1F980] =	vst v63  }
0x446: {  	s19 =	simm.s32 $0x18950;
	s23 =	rddreg [dreg:$0x17];
	s17 =	simm.s32 $0xEC50  }
0x447: {  	[tilespmem:s6], [sflag:$0x1] =	stream.linear.gather [hbm4b:s23+s16], $0x4E20, $0x38;
	[tilespmem:$0x1F980] =	vst v63  }
.LBB2_55:
0x448: {  	_ =	sdelay $0x3  }
0x449: {  	[tilespmem:v5+s12+$0x0] =	vst.idx.add.f32.msk $0xffff, v2  }
0x44a: {  	[tilespmem:v4+s12+$0x0] =	vst.idx.add.f32.msk $0xffff, v3  }
.LBB2_56:
0x44b: {  	s16 =	sadd.s32 $0x1, s16  }
0x44c: {  	p0 =	sne.s32 s16, $0x19  }
.Ltmp37:
0x44d: {  	_ = 	snop;
	(pc) =	sbr.rel @!p0 .LBB2_57-.Ltmp37, $2  }
0x44e: {  	_ =	sdelay $0x2  }
0x44f: {  	s17 =	sadd.s32 $0x320, s17;
	s18 =	sadd.s32 $0x320, s18;
	s19 =	sadd.s32 $0x320, s19  }
.LBB2_49:
0x450: {  	s20 =	smul.u32 $0x320, s16;
	_ =	sdelay $0x1  }
0x451: {  	v2 =	vld [tilespmem:s20+$0x18900]  }
0x452: {  	v3 =	vld [tilespmem:s20+$0x18C10];
	_ =	sdelay $0x3  }
0x453: {  	(v2sf) =	vpush v2, $0x0  }
0x454: {  	(v2sf) =	vpush v3, $0xF;
	_ =	sdelay $0xd  }
0x455: {  	s23 =	spop (v2sf)  }
0x456: {  	s21 =	spop (v2sf)  }
0x457: {  	p0 =	sne.s32 s23, s21  }
.Ltmp38:
0x458: {  	_ = 	snop;
	(pc) =	sbr.rel @p0 .LBB2_53-.Ltmp38, $2  }
0x459: {  	_ =	sdelay $0x2  }
0x45a: {  	s20 =	simm.s32 $0xFFFFFFF6;
	v3 =	vimm.f32 $0.0e+00  }
0x45b: {  	v5 =	vld [tilespmem:s18+$0x40]  }
0x45c: {  	v4 =	vld [tilespmem:s18+$0x30]  }
0x45d: {  	v6 =	vld [tilespmem:s18+$0xFFFFFFB0]  }
0x45e: {  	v7 =	vld [tilespmem:s18+$0x20]  }
0x45f: {  	v8 =	vld [tilespmem:s18+$0xFFFFFFC0]  }
0x460: {  	v9 =	vld [tilespmem:s18+$0x10]  }
0x461: {  	v10 =	vld [tilespmem:s18+$0xFFFFFFD0]  }
0x462: {  	v11 =	vld [tilespmem:s18+$0x0]  }
0x463: {  	v12 =	vld [tilespmem:s18+$0xFFFFFFE0]  }
0x464: {  	v13 =	vld [tilespmem:s18+$0xFFFFFFF0]  }
0x465: {  	v14 =	vld [tilespmem:s17+$0xFFFFFFB0]  }
0x466: {  	v6 =	vld.idx.msk [tilespmem:v6+s1+$0x0], $0xffff  }
0x467: {  	v15 =	vld [tilespmem:s17+$0xFFFFFFC0]  }
0x468: {  	v8 =	vld.idx.msk [tilespmem:v8+s1+$0x0], $0xffff  }
0x469: {  	v16 =	vld [tilespmem:s17+$0xFFFFFFD0]  }
0x46a: {  	v10 =	vld.idx.msk [tilespmem:v10+s1+$0x0], $0xffff  }
0x46b: {  	v60 =	vld [tilespmem:s17+$0xFFFFFFE0];
	v6 =	vsub.f32 v14, v6  }
0x46c: {  	v12 =	vld.idx.msk [tilespmem:v12+s1+$0x0], $0xffff  }
0x46d: {  	v61 =	vld [tilespmem:s17+$0xFFFFFFF0];
	v8 =	vsub.f32 v15, v8;
	v6 =	vmul.f32 v6, v6  }
0x46e: {  	v13 =	vld.idx.msk [tilespmem:v13+s1+$0x0], $0xffff  }
0x46f: {  	v11 =	vld.idx.msk [tilespmem:v11+s1+$0x0], $0xffff;
	v3 =	vadd.f32 v6, v3;
	v6 =	vmul.f32 v8, v8;
	v8 =	vsub.f32 v16, v10  }
0x470: {  	v10 =	vld [tilespmem:s17+$0x0]  }
0x471: {  	v62 =	vld.idx.msk [tilespmem:v9+s1+$0x0], $0xffff;
	v9 =	vsub.f32 v60, v12;
	v6 =	vadd.f32 v6, v3;
	v8 =	vmul.f32 v8, v8  }
0x472: {  	v63 =	vld [tilespmem:s17+$0x10]  }
0x473: {  	v3 =	vld.idx.msk [tilespmem:v7+s1+$0x0], $0xffff;
	v7 =	vadd.f32 v8, v6;
	v8 =	vmul.f32 v9, v9;
	v9 =	vsub.f32 v61, v13  }
0x474: {  	v6 =	vld [tilespmem:s17+$0x20]  }
0x475: {  	v4 =	vld.idx.msk [tilespmem:v4+s1+$0x0], $0xffff;
	v10 =	vsub.f32 v10, v11;
	v8 =	vadd.f32 v8, v7;
	v9 =	vmul.f32 v9, v9  }
0x476: {  	v7 =	vld [tilespmem:s17+$0x30]  }
0x477: {  	v5 =	vld.idx.msk [tilespmem:v5+s1+$0x0], $0xffff;
	v11 =	vsub.f32 v63, v62;
	v10 =	vmul.f32 v10, v10;
	v9 =	vadd.f32 v9, v8  }
0x478: {  	s20 =	sadd.s32 $0xA, s20;
	s21 =	sadd.s32 $0xA0, s18;
	s22 =	smov.u32 s17;
	v8 =	vld [tilespmem:s17+$0x40]  }
.LBB2_51:
0x479: {  	v12 =	vld [tilespmem:s21+$0x40];
	v9 =	vadd.f32 v10, v9;
	v10 =	vmul.f32 v11, v11;
	v3 =	vsub.f32 v6, v3  }
0x47a: {  	v11 =	vld [tilespmem:s21+$0x30]  }
0x47b: {  	s20 =	sadd.s32 $0xA, s20;
	v6 =	vld [tilespmem:s21+$0xFFFFFFB0];
	v9 =	vadd.f32 v10, v9;
	v3 =	vmul.f32 v3, v3;
	v4 =	vsub.f32 v7, v4  }
0x47c: {  	p0 =	slt.u32 s20, $0x28;
	v7 =	vld [tilespmem:s21+$0x20]  }
0x47d: {  	v10 =	vld [tilespmem:s21+$0xFFFFFFC0];
	v3 =	vadd.f32 v3, v9;
	v4 =	vmul.f32 v4, v4;
	v5 =	vsub.f32 v8, v5  }
0x47e: {  	v8 =	vld [tilespmem:s21+$0x10]  }
0x47f: {  	v9 =	vld [tilespmem:s21+$0xFFFFFFD0];
	v3 =	vadd.f32 v4, v3;
	v4 =	vmul.f32 v5, v5  }
0x480: {  	v5 =	vld [tilespmem:s21+$0x0]  }
0x481: {  	v13 =	vld [tilespmem:s21+$0xFFFFFFE0];
	v3 =	vadd.f32 v4, v3  }
0x482: {  	v4 =	vld [tilespmem:s21+$0xFFFFFFF0]  }
0x483: {  	s22 =	sadd.s32 $0xA0, s22;
	v6 =	vld.idx.msk [tilespmem:v6+s1+$0x0], $0xffff  }
0x484: {  	v14 =	vld [tilespmem:s22+$0xFFFFFFB0]  }
0x485: {  	v10 =	vld.idx.msk [tilespmem:v10+s1+$0x0], $0xffff  }
0x486: {  	v15 =	vld [tilespmem:s22+$0xFFFFFFC0]  }
0x487: {  	v9 =	vld.idx.msk [tilespmem:v9+s1+$0x0], $0xffff  }
0x488: {  	v16 =	vld [tilespmem:s22+$0xFFFFFFD0]  }
0x489: {  	v6 =	vsub.f32 v14, v6;
	v13 =	vld.idx.msk [tilespmem:v13+s1+$0x0], $0xffff  }
0x48a: {  	v14 =	vld [tilespmem:s22+$0xFFFFFFE0]  }
0x48b: {  	v6 =	vmul.f32 v6, v6;
	v10 =	vsub.f32 v15, v10;
	v4 =	vld.idx.msk [tilespmem:v4+s1+$0x0], $0xffff  }
0x48c: {  	v15 =	vld [tilespmem:s22+$0xFFFFFFF0]  }
0x48d: {  	v3 =	vadd.f32 v6, v3;
	v6 =	vmul.f32 v10, v10;
	v9 =	vsub.f32 v16, v9;
	v5 =	vld.idx.msk [tilespmem:v5+s1+$0x0], $0xffff  }
0x48e: {  	v10 =	vld [tilespmem:s22+$0x0]  }
0x48f: {  	v3 =	vadd.f32 v6, v3;
	v6 =	vmul.f32 v9, v9;
	v9 =	vsub.f32 v14, v13;
	v8 =	vld.idx.msk [tilespmem:v8+s1+$0x0], $0xffff  }
0x490: {  	v13 =	vld [tilespmem:s22+$0x10]  }
0x491: {  	v14 =	vadd.f32 v6, v3;
	v9 =	vmul.f32 v9, v9;
	v4 =	vsub.f32 v15, v4;
	v3 =	vld.idx.msk [tilespmem:v7+s1+$0x0], $0xffff  }
.Ltmp39:
0x492: {  	v6 =	vld [tilespmem:s22+$0x20];
	(pc) =	sbr.rel @p0 .LBB2_51-.Ltmp39, $4  }
0x493: {  	v9 =	vadd.f32 v9, v14;
	v14 =	vmul.f32 v4, v4;
	v5 =	vsub.f32 v10, v5;
	v4 =	vld.idx.msk [tilespmem:v11+s1+$0x0], $0xffff  }
0x494: {  	v7 =	vld [tilespmem:s22+$0x30]  }
0x495: {  	v9 =	vadd.f32 v14, v9;
	v10 =	vmul.f32 v5, v5;
	v11 =	vsub.f32 v13, v8;
	v5 =	vld.idx.msk [tilespmem:v12+s1+$0x0], $0xffff  }
0x496: {  	s21 =	sadd.s32 $0xA0, s21;
	v8 =	vld [tilespmem:s22+$0x40]  }
0x497: {  	v9 =	vadd.f32 v10, v9;
	v61 =	vmul.f32 v11, v11;
	v3 =	vsub.f32 v6, v3;
	_ =	sdelay $0x1  }
0x498: {  	v62 =	vadd.f32 v61, v9;
	v3 =	vmul.f32 v3, v3;
	v4 =	vsub.f32 v7, v4  }
0x499: {  	v2 =	vshll.u32 v2, $0x4  }
0x49a: {  	v3 =	vadd.f32 v3, v62;
	v4 =	vmul.f32 v4, v4;
	v5 =	vsub.f32 v8, v5  }
0x49b: {  	v2 =	vor.u32 v1, v2  }
.Ltmp40:
0x49c: {  	v3 =	vadd.f32 v4, v3;
	v63 =	vmul.f32 v5, v5;
	(pc) =	sbr.rel .LBB2_56-.Ltmp40, $3  }
0x49d: {  	_ = 	snop  }
0x49e: {  	v3 =	vadd.f32 v63, v3;
	_ =	sdelay $0x1  }
0x49f: {  	[tilespmem:v2+s12+$0x0] =	vst.idx.add.f32.msk $0xffff, v3  }
.LBB2_53:
0x4a0: {  	v2 =	vld [tilespmem:s18+$0x40]  }
0x4a1: {  	v3 =	vld [tilespmem:s18+$0xFFFFFFB0]  }
0x4a2: {  	v4 =	vld [tilespmem:s18+$0xFFFFFFC0]  }
0x4a3: {  	v5 =	vld [tilespmem:s18+$0xFFFFFFD0]  }
0x4a4: {  	v6 =	vld [tilespmem:s18+$0xFFFFFFE0]  }
0x4a5: {  	v7 =	vld [tilespmem:s18+$0xFFFFFFF0]  }
0x4a6: {  	v8 =	vld [tilespmem:s18+$0x0]  }
0x4a7: {  	v9 =	vld [tilespmem:s19+$0x40]  }
0x4a8: {  	v10 =	vld [tilespmem:s17+$0x40]  }
0x4a9: {  	v11 =	vld [tilespmem:s18+$0x10]  }
0x4aa: {  	v12 =	vld [tilespmem:s18+$0x20]  }
0x4ab: {  	v13 =	vld [tilespmem:s18+$0x30]  }
0x4ac: {  	v51 =	vld [tilespmem:s17+$0xFFFFFFC0]  }
0x4ad: {  	v52 =	vld [tilespmem:s19+$0xFFFFFFB0]  }
0x4ae: {  	v53 =	vld [tilespmem:s17+$0xFFFFFFD0]  }
0x4af: {  	v14 =	vld [tilespmem:s17+$0xFFFFFFB0]  }
0x4b0: {  	v15 =	vld [tilespmem:s17+$0xFFFFFFE0]  }
0x4b1: {  	v16 =	vld [tilespmem:s19+$0xFFFFFFC0]  }
0x4b2: {  	v17 =	vld [tilespmem:s17+$0xFFFFFFF0]  }
0x4b3: {  	v18 =	vld [tilespmem:s17+$0x0]  }
0x4b4: {  	v19 =	vld [tilespmem:s17+$0x10]  }
0x4b5: {  	v54 =	vld [tilespmem:s19+$0xFFFFFFD0]  }
0x4b6: {  	v20 =	vld [tilespmem:s19+$0xFFFFFFE0]  }
0x4b7: {  	v21 =	vld [tilespmem:s19+$0xFFFFFFF0]  }
0x4b8: {  	v55 =	vld [tilespmem:s19+$0x10]  }
0x4b9: {  	v56 =	vld [tilespmem:s17+$0x20]  }
0x4ba: {  	v3 =	vld.idx.msk [tilespmem:v3+s1+$0x0], $0xffff  }
0x4bb: {  	v2 =	vld.idx.msk [tilespmem:v2+s1+$0x0], $0xffff  }
0x4bc: {  	v4 =	vld.idx.msk [tilespmem:v4+s1+$0x0], $0xffff  }
0x4bd: {  	v49 =	vld.idx.msk [tilespmem:v12+s1+$0x0], $0xffff;
	v12 =	vshll.u32 v52, $0x4  }
0x4be: {  	v5 =	vld.idx.msk [tilespmem:v5+s1+$0x0], $0xffff;
	v12 =	vor.u32 v1, v12  }
0x4bf: {  	v9 =	vshll.u32 v9, $0x4;
	v6 =	vld.idx.msk [tilespmem:v6+s1+$0x0], $0xffff;
	v3 =	vsub.f32 v14, v3  }
0x4c0: {  	v9 =	vor.u32 v1, v9;
	v7 =	vld.idx.msk [tilespmem:v7+s1+$0x0], $0xffff  }
0x4c1: {  	v16 =	vshll.u32 v16, $0x4;
	v48 =	vld.idx.msk [tilespmem:v11+s1+$0x0], $0xffff;
	v2 =	vsub.f32 v10, v2;
	v3 =	vmul.f32 v3, v3  }
0x4c2: {  	v16 =	vor.u32 v1, v16;
	v50 =	vld.idx.msk [tilespmem:v13+s1+$0x0], $0xffff  }
0x4c3: {  	v4 =	vsub.f32 v51, v4;
	v2 =	vmul.f32 v2, v2;
	[tilespmem:v12+s12+$0x0] =	vst.idx.add.f32.msk $0xffff, v3  }
0x4c4: {  	v3 =	vld [tilespmem:s19+$0x0]  }
0x4c5: {  	v4 =	vmul.f32 v4, v4;
	[tilespmem:v9+s12+$0x0] =	vst.idx.add.f32.msk $0xffff, v2  }
0x4c6: {  	v57 =	vshll.u32 v54, $0x4;
	v58 =	vshll.u32 v20, $0x4;
	v2 =	vld.idx.msk [tilespmem:v8+s1+$0x0], $0xffff  }
0x4c7: {  	v59 =	vshll.u32 v21, $0x4;
	v13 =	vor.u32 v1, v57;
	v5 =	vsub.f32 v53, v5;
	[tilespmem:v16+s12+$0x0] =	vst.idx.add.f32.msk $0xffff, v4  }
0x4c8: {  	v6 =	vsub.f32 v15, v6;
	v14 =	vor.u32 v1, v58;
	v7 =	vsub.f32 v17, v7;
	v4 =	vld [tilespmem:s17+$0x30]  }
0x4c9: {  	v61 =	vld [tilespmem:s19+$0x30];
	v15 =	vor.u32 v1, v59;
	v63 =	vsub.f32 v56, v49;
	v3 =	vshll.u32 v3, $0x4  }
0x4ca: {  	v60 =	vld [tilespmem:s19+$0x20];
	v5 =	vmul.f32 v5, v5;
	v62 =	vor.u32 v1, v3;
	v3 =	vshll.u32 v55, $0x4  }
0x4cb: {  	v6 =	vmul.f32 v6, v6;
	v2 =	vsub.f32 v18, v2;
	v11 =	vor.u32 v1, v3  }
0x4cc: {  	v7 =	vmul.f32 v7, v7;
	[tilespmem:v13+s12+$0x0] =	vst.idx.add.f32.msk $0xffff, v5;
	v3 =	vsub.f32 v19, v48  }
0x4cd: {  	[tilespmem:v14+s12+$0x0] =	vst.idx.add.f32.msk $0xffff, v6;
	v4 =	vsub.f32 v4, v50;
	v5 =	vmul.f32 v2, v2  }
0x4ce: {  	[tilespmem:v15+s12+$0x0] =	vst.idx.add.f32.msk $0xffff, v7;
	v7 =	vshll.u32 v61, $0x4;
	v6 =	vmul.f32 v3, v3  }
0x4cf: {  	s20 =	simm.s32 $0x0;
	v2 =	vmul.f32 v63, v63;
	v3 =	vmul.f32 v4, v4;
	v4 =	vshll.u32 v60, $0x4;
	[tilespmem:v62+s12+$0x0] =	vst.idx.add.f32.msk $0xffff, v5  }
0x4d0: {  	s21 =	sadd.s32 $0xA0, s18;
	s22 =	smov.u32 s19;
	s23 =	smov.u32 s17;
	v5 =	vor.u32 v1, v4;
	v4 =	vor.u32 v1, v7;
	[tilespmem:v11+s12+$0x0] =	vst.idx.add.f32.msk $0xffff, v6  }
.LBB2_54:
0x4d1: {  	v6 =	vld [tilespmem:s21+$0x40];
	s20 =	sadd.s32 $0xA, s20  }
0x4d2: {  	v7 =	vld [tilespmem:s21+$0xFFFFFFB0];
	p0 =	slt.u32 s20, $0x28  }
0x4d3: {  	v8 =	vld [tilespmem:s21+$0xFFFFFFC0]  }
0x4d4: {  	v9 =	vld [tilespmem:s21+$0xFFFFFFD0]  }
0x4d5: {  	v10 =	vld [tilespmem:s21+$0xFFFFFFE0]  }
0x4d6: {  	v11 =	vld [tilespmem:s21+$0xFFFFFFF0]  }
0x4d7: {  	s22 =	sadd.s32 $0xA0, s22;
	v12 =	vld [tilespmem:s21+$0x0]  }
0x4d8: {  	v13 =	vld [tilespmem:s22+$0x40]  }
0x4d9: {  	s23 =	sadd.s32 $0xA0, s23;
	v6 =	vld.idx.msk [tilespmem:v6+s1+$0x0], $0xffff  }
0x4da: {  	v14 =	vld [tilespmem:s23+$0x40]  }
0x4db: {  	v15 =	vld [tilespmem:s21+$0x10]  }
0x4dc: {  	v16 =	vld [tilespmem:s21+$0x20]  }
0x4dd: {  	v17 =	vld [tilespmem:s21+$0x30];
	v13 =	vshll.u32 v13, $0x4  }
0x4de: {  	v7 =	vld.idx.msk [tilespmem:v7+s1+$0x0], $0xffff;
	v13 =	vor.u32 v1, v13  }
0x4df: {  	v8 =	vld.idx.msk [tilespmem:v8+s1+$0x0], $0xffff;
	v6 =	vsub.f32 v14, v6  }
0x4e0: {  	v9 =	vld.idx.msk [tilespmem:v9+s1+$0x0], $0xffff  }
0x4e1: {  	v10 =	vld.idx.msk [tilespmem:v10+s1+$0x0], $0xffff;
	v6 =	vmul.f32 v6, v6  }
0x4e2: {  	v11 =	vld.idx.msk [tilespmem:v11+s1+$0x0], $0xffff  }
0x4e3: {  	[tilespmem:v13+s12+$0x0] =	vst.idx.add.f32.msk $0xffff, v6  }
0x4e4: {  	v6 =	vld.idx.msk [tilespmem:v12+s1+$0x0], $0xffff  }
0x4e5: {  	v12 =	vld.idx.msk [tilespmem:v15+s1+$0x0], $0xffff  }
0x4e6: {  	v13 =	vld.idx.msk [tilespmem:v16+s1+$0x0], $0xffff  }
0x4e7: {  	v14 =	vld.idx.msk [tilespmem:v17+s1+$0x0], $0xffff  }
0x4e8: {  	v15 =	vld [tilespmem:s23+$0xFFFFFFC0]  }
0x4e9: {  	v16 =	vld [tilespmem:s23+$0xFFFFFFD0]  }
0x4ea: {  	v17 =	vld [tilespmem:s23+$0xFFFFFFE0]  }
0x4eb: {  	v18 =	vld [tilespmem:s23+$0xFFFFFFF0]  }
0x4ec: {  	v19 =	vld [tilespmem:s23+$0x0]  }
0x4ed: {  	v8 =	vsub.f32 v15, v8;
	v15 =	vld [tilespmem:s23+$0x10]  }
0x4ee: {  	v9 =	vsub.f32 v16, v9;
	v16 =	vld [tilespmem:s23+$0x20]  }
0x4ef: {  	v8 =	vmul.f32 v8, v8;
	v10 =	vsub.f32 v17, v10;
	v17 =	vld [tilespmem:s23+$0x30]  }
0x4f0: {  	v20 =	vld [tilespmem:s23+$0xFFFFFFB0];
	v9 =	vmul.f32 v9, v9;
	v11 =	vsub.f32 v18, v11  }
0x4f1: {  	v18 =	vld [tilespmem:s22+$0xFFFFFFB0];
	v10 =	vmul.f32 v10, v10;
	v6 =	vsub.f32 v19, v6  }
0x4f2: {  	v19 =	vld [tilespmem:s22+$0xFFFFFFC0];
	v11 =	vmul.f32 v11, v11;
	v12 =	vsub.f32 v15, v12  }
0x4f3: {  	v15 =	vld [tilespmem:s22+$0xFFFFFFD0];
	v6 =	vmul.f32 v6, v6;
	v13 =	vsub.f32 v16, v13  }
0x4f4: {  	v16 =	vld [tilespmem:s22+$0xFFFFFFE0];
	v12 =	vmul.f32 v12, v12;
	v14 =	vsub.f32 v17, v14  }
0x4f5: {  	v7 =	vsub.f32 v20, v7;
	v17 =	vld [tilespmem:s22+$0xFFFFFFF0];
	v13 =	vmul.f32 v13, v13  }
0x4f6: {  	v18 =	vshll.u32 v18, $0x4;
	v20 =	vld [tilespmem:s22+$0x0];
	v14 =	vmul.f32 v14, v14  }
0x4f7: {  	v7 =	vmul.f32 v7, v7;
	v18 =	vor.u32 v1, v18;
	v19 =	vshll.u32 v19, $0x4;
	v21 =	vld [tilespmem:s22+$0x10]  }
0x4f8: {  	v19 =	vor.u32 v1, v19;
	v15 =	vshll.u32 v15, $0x4;
	v22 =	vld [tilespmem:s22+$0x20]  }
0x4f9: {  	v15 =	vor.u32 v1, v15;
	v16 =	vshll.u32 v16, $0x4;
	v23 =	vld [tilespmem:s22+$0x30]  }
0x4fa: {  	v16 =	vor.u32 v1, v16;
	v17 =	vshll.u32 v17, $0x4;
	[tilespmem:v5+s12+$0x0] =	vst.idx.add.f32.msk $0xffff, v2;
	v2 =	vmov v13  }
0x4fb: {  	v13 =	vor.u32 v1, v17;
	v5 =	vshll.u32 v20, $0x4;
	[tilespmem:v4+s12+$0x0] =	vst.idx.add.f32.msk $0xffff, v3;
	v3 =	vmov v14  }
0x4fc: {  	[tilespmem:v18+s12+$0x0] =	vst.idx.add.f32.msk $0xffff, v7;
	v7 =	vor.u32 v1, v5;
	v4 =	vshll.u32 v21, $0x4  }
0x4fd: {  	[tilespmem:v19+s12+$0x0] =	vst.idx.add.f32.msk $0xffff, v8;
	v8 =	vor.u32 v1, v4;
	v4 =	vshll.u32 v22, $0x4  }
.Ltmp41:
0x4fe: {  	[tilespmem:v15+s12+$0x0] =	vst.idx.add.f32.msk $0xffff, v9;
	v5 =	vor.u32 v1, v4;
	v4 =	vshll.u32 v23, $0x4;
	(pc) =	sbr.rel @p0 .LBB2_54-.Ltmp41, $4  }
0x4ff: {  	[tilespmem:v16+s12+$0x0] =	vst.idx.add.f32.msk $0xffff, v10;
	v4 =	vor.u32 v1, v4  }
0x500: {  	[tilespmem:v13+s12+$0x0] =	vst.idx.add.f32.msk $0xffff, v11  }
0x501: {  	[tilespmem:v7+s12+$0x0] =	vst.idx.add.f32.msk $0xffff, v6  }
0x502: {  	s21 =	sadd.s32 $0xA0, s21;
	[tilespmem:v8+s12+$0x0] =	vst.idx.add.f32.msk $0xffff, v12  }
.Ltmp42:
0x503: {  	_ = 	snop;
	(pc) =	sbr.rel .LBB2_55-.Ltmp42, $1  }
0x504: {  	_ =	sdelay $0x3  }
.LBB2_57:
0x505: {  	_ =	swait.ge [sflag:s8], $0x4E20  }
0x506: {  	[sflag:s8] =	ssyncset.done $0x0  }
0x507: {  	[sflag:s8] =	ssyncadd.s32 $0xFFFFB1E0  }
0x508: {  	_ =	swait.ge [sflag:s8], $0x4E20  }
0x509: {  	[sflag:s8] =	ssyncset.done $0x0  }
0x50a: {  	[sflag:s8] =	ssyncadd.s32 $0xFFFFB1E0  }
0x50b: {  	_ =	swait.ge [sflag:s8], $0x4E20  }
0x50c: {  	[sflag:s8] =	ssyncset.done $0x0  }
0x50d: {  	s16 =	simm.s32 $0x0;
	s17 =	rddreg [dreg:$0x18];
	[sflag:s8] =	ssyncadd.s32 $0xFFFFB1E0  }
0x50e: {  	[tilespmem:s9], [sflag:$0x2] =	stream.linear.gather [hbm4b:s17+s16], $0x4E20, $0x38;
	[tilespmem:$0x1F980] =	vst v63  }
.Ltmp43:
0x50f: {  	_ = 	snop;
	(pc) =	sbr.rel .LBB2_58-.Ltmp43, $4  }
0x510: {  	s18 =	simm.s32 $0x4F50;
	s22 =	rddreg [dreg:$0x19]  }
0x511: {  	[tilespmem:s10], [sflag:$0x2] =	stream.linear.gather [hbm4b:s22+s16], $0x4E20, $0x38;
	[tilespmem:$0x1F980] =	vst v63  }
0x512: {  	s19 =	simm.s32 $0x9DD0;
	s23 =	rddreg [dreg:$0x1a];
	s17 =	simm.s32 $0xD0  }
0x513: {  	[tilespmem:s11], [sflag:$0x2] =	stream.linear.gather [hbm4b:s23+s16], $0x4E20, $0x38;
	[tilespmem:$0x1F980] =	vst v63  }
.LBB2_64:
0x514: {  	_ =	sdelay $0x3  }
0x515: {  	[tilespmem:v5+s12+$0x0] =	vst.idx.add.f32.msk $0xffff, v2  }
0x516: {  	[tilespmem:v4+s12+$0x0] =	vst.idx.add.f32.msk $0xffff, v3  }
.LBB2_65:
0x517: {  	s16 =	sadd.s32 $0x1, s16  }
0x518: {  	p0 =	sne.s32 s16, $0x19  }
.Ltmp44:
0x519: {  	_ = 	snop;
	(pc) =	sbr.rel @!p0 .LBB2_66-.Ltmp44, $2  }
0x51a: {  	_ =	sdelay $0x2  }
0x51b: {  	s17 =	sadd.s32 $0x320, s17;
	s18 =	sadd.s32 $0x320, s18;
	s19 =	sadd.s32 $0x320, s19  }
.LBB2_58:
0x51c: {  	s20 =	smul.u32 $0x320, s16;
	_ =	sdelay $0x1  }
0x51d: {  	v2 =	vld [tilespmem:s20+$0x9D80]  }
0x51e: {  	v3 =	vld [tilespmem:s20+$0xA090];
	_ =	sdelay $0x3  }
0x51f: {  	(v2sf) =	vpush v2, $0x0  }
0x520: {  	(v2sf) =	vpush v3, $0xF;
	_ =	sdelay $0xd  }
0x521: {  	s23 =	spop (v2sf)  }
0x522: {  	s21 =	spop (v2sf)  }
0x523: {  	p0 =	sne.s32 s23, s21  }
.Ltmp45:
0x524: {  	_ = 	snop;
	(pc) =	sbr.rel @p0 .LBB2_62-.Ltmp45, $2  }
0x525: {  	_ =	sdelay $0x2  }
0x526: {  	s20 =	simm.s32 $0xFFFFFFF6;
	v3 =	vimm.f32 $0.0e+00  }
0x527: {  	v5 =	vld [tilespmem:s18+$0x40]  }
0x528: {  	v4 =	vld [tilespmem:s18+$0x30]  }
0x529: {  	v6 =	vld [tilespmem:s18+$0xFFFFFFB0]  }
0x52a: {  	v7 =	vld [tilespmem:s18+$0x20]  }
0x52b: {  	v8 =	vld [tilespmem:s18+$0xFFFFFFC0]  }
0x52c: {  	v9 =	vld [tilespmem:s18+$0x10]  }
0x52d: {  	v10 =	vld [tilespmem:s18+$0xFFFFFFD0]  }
0x52e: {  	v11 =	vld [tilespmem:s18+$0x0]  }
0x52f: {  	v12 =	vld [tilespmem:s18+$0xFFFFFFE0]  }
0x530: {  	v13 =	vld [tilespmem:s18+$0xFFFFFFF0]  }
0x531: {  	v14 =	vld [tilespmem:s17+$0xFFFFFFB0]  }
0x532: {  	v6 =	vld.idx.msk [tilespmem:v6+s1+$0x0], $0xffff  }
0x533: {  	v15 =	vld [tilespmem:s17+$0xFFFFFFC0]  }
0x534: {  	v8 =	vld.idx.msk [tilespmem:v8+s1+$0x0], $0xffff  }
0x535: {  	v16 =	vld [tilespmem:s17+$0xFFFFFFD0]  }
0x536: {  	v10 =	vld.idx.msk [tilespmem:v10+s1+$0x0], $0xffff  }
0x537: {  	v60 =	vld [tilespmem:s17+$0xFFFFFFE0];
	v6 =	vsub.f32 v14, v6  }
0x538: {  	v12 =	vld.idx.msk [tilespmem:v12+s1+$0x0], $0xffff  }
0x539: {  	v61 =	vld [tilespmem:s17+$0xFFFFFFF0];
	v8 =	vsub.f32 v15, v8;
	v6 =	vmul.f32 v6, v6  }
0x53a: {  	v13 =	vld.idx.msk [tilespmem:v13+s1+$0x0], $0xffff  }
0x53b: {  	v11 =	vld.idx.msk [tilespmem:v11+s1+$0x0], $0xffff;
	v3 =	vadd.f32 v6, v3;
	v6 =	vmul.f32 v8, v8;
	v8 =	vsub.f32 v16, v10  }
0x53c: {  	v10 =	vld [tilespmem:s17+$0x0]  }
0x53d: {  	v62 =	vld.idx.msk [tilespmem:v9+s1+$0x0], $0xffff;
	v9 =	vsub.f32 v60, v12;
	v6 =	vadd.f32 v6, v3;
	v8 =	vmul.f32 v8, v8  }
0x53e: {  	v63 =	vld [tilespmem:s17+$0x10]  }
0x53f: {  	v3 =	vld.idx.msk [tilespmem:v7+s1+$0x0], $0xffff;
	v7 =	vadd.f32 v8, v6;
	v8 =	vmul.f32 v9, v9;
	v9 =	vsub.f32 v61, v13  }
0x540: {  	v6 =	vld [tilespmem:s17+$0x20]  }
0x541: {  	v4 =	vld.idx.msk [tilespmem:v4+s1+$0x0], $0xffff;
	v10 =	vsub.f32 v10, v11;
	v8 =	vadd.f32 v8, v7;
	v9 =	vmul.f32 v9, v9  }
0x542: {  	v7 =	vld [tilespmem:s17+$0x30]  }
0x543: {  	v5 =	vld.idx.msk [tilespmem:v5+s1+$0x0], $0xffff;
	v11 =	vsub.f32 v63, v62;
	v10 =	vmul.f32 v10, v10;
	v9 =	vadd.f32 v9, v8  }
0x544: {  	s20 =	sadd.s32 $0xA, s20;
	s21 =	sadd.s32 $0xA0, s18;
	s22 =	smov.u32 s17;
	v8 =	vld [tilespmem:s17+$0x40]  }
.LBB2_60:
0x545: {  	v12 =	vld [tilespmem:s21+$0x40];
	v9 =	vadd.f32 v10, v9;
	v10 =	vmul.f32 v11, v11;
	v3 =	vsub.f32 v6, v3  }
0x546: {  	v11 =	vld [tilespmem:s21+$0x30]  }
0x547: {  	s20 =	sadd.s32 $0xA, s20;
	v6 =	vld [tilespmem:s21+$0xFFFFFFB0];
	v9 =	vadd.f32 v10, v9;
	v3 =	vmul.f32 v3, v3;
	v4 =	vsub.f32 v7, v4  }
0x548: {  	p0 =	slt.u32 s20, $0x28;
	v7 =	vld [tilespmem:s21+$0x20]  }
0x549: {  	v10 =	vld [tilespmem:s21+$0xFFFFFFC0];
	v3 =	vadd.f32 v3, v9;
	v4 =	vmul.f32 v4, v4;
	v5 =	vsub.f32 v8, v5  }
0x54a: {  	v8 =	vld [tilespmem:s21+$0x10]  }
0x54b: {  	v9 =	vld [tilespmem:s21+$0xFFFFFFD0];
	v3 =	vadd.f32 v4, v3;
	v4 =	vmul.f32 v5, v5  }
0x54c: {  	v5 =	vld [tilespmem:s21+$0x0]  }
0x54d: {  	v13 =	vld [tilespmem:s21+$0xFFFFFFE0];
	v3 =	vadd.f32 v4, v3  }
0x54e: {  	v4 =	vld [tilespmem:s21+$0xFFFFFFF0]  }
0x54f: {  	s22 =	sadd.s32 $0xA0, s22;
	v6 =	vld.idx.msk [tilespmem:v6+s1+$0x0], $0xffff  }
0x550: {  	v14 =	vld [tilespmem:s22+$0xFFFFFFB0]  }
0x551: {  	v10 =	vld.idx.msk [tilespmem:v10+s1+$0x0], $0xffff  }
0x552: {  	v15 =	vld [tilespmem:s22+$0xFFFFFFC0]  }
0x553: {  	v9 =	vld.idx.msk [tilespmem:v9+s1+$0x0], $0xffff  }
0x554: {  	v16 =	vld [tilespmem:s22+$0xFFFFFFD0]  }
0x555: {  	v6 =	vsub.f32 v14, v6;
	v13 =	vld.idx.msk [tilespmem:v13+s1+$0x0], $0xffff  }
0x556: {  	v14 =	vld [tilespmem:s22+$0xFFFFFFE0]  }
0x557: {  	v6 =	vmul.f32 v6, v6;
	v10 =	vsub.f32 v15, v10;
	v4 =	vld.idx.msk [tilespmem:v4+s1+$0x0], $0xffff  }
0x558: {  	v15 =	vld [tilespmem:s22+$0xFFFFFFF0]  }
0x559: {  	v3 =	vadd.f32 v6, v3;
	v6 =	vmul.f32 v10, v10;
	v9 =	vsub.f32 v16, v9;
	v5 =	vld.idx.msk [tilespmem:v5+s1+$0x0], $0xffff  }
0x55a: {  	v10 =	vld [tilespmem:s22+$0x0]  }
0x55b: {  	v3 =	vadd.f32 v6, v3;
	v6 =	vmul.f32 v9, v9;
	v9 =	vsub.f32 v14, v13;
	v8 =	vld.idx.msk [tilespmem:v8+s1+$0x0], $0xffff  }
0x55c: {  	v13 =	vld [tilespmem:s22+$0x10]  }
0x55d: {  	v14 =	vadd.f32 v6, v3;
	v9 =	vmul.f32 v9, v9;
	v4 =	vsub.f32 v15, v4;
	v3 =	vld.idx.msk [tilespmem:v7+s1+$0x0], $0xffff  }
.Ltmp46:
0x55e: {  	v6 =	vld [tilespmem:s22+$0x20];
	(pc) =	sbr.rel @p0 .LBB2_60-.Ltmp46, $4  }
0x55f: {  	v9 =	vadd.f32 v9, v14;
	v14 =	vmul.f32 v4, v4;
	v5 =	vsub.f32 v10, v5;
	v4 =	vld.idx.msk [tilespmem:v11+s1+$0x0], $0xffff  }
0x560: {  	v7 =	vld [tilespmem:s22+$0x30]  }
0x561: {  	v9 =	vadd.f32 v14, v9;
	v10 =	vmul.f32 v5, v5;
	v11 =	vsub.f32 v13, v8;
	v5 =	vld.idx.msk [tilespmem:v12+s1+$0x0], $0xffff  }
0x562: {  	s21 =	sadd.s32 $0xA0, s21;
	v8 =	vld [tilespmem:s22+$0x40]  }
0x563: {  	v9 =	vadd.f32 v10, v9;
	v61 =	vmul.f32 v11, v11;
	v3 =	vsub.f32 v6, v3;
	_ =	sdelay $0x1  }
0x564: {  	v62 =	vadd.f32 v61, v9;
	v3 =	vmul.f32 v3, v3;
	v4 =	vsub.f32 v7, v4  }
0x565: {  	v2 =	vshll.u32 v2, $0x4  }
0x566: {  	v3 =	vadd.f32 v3, v62;
	v4 =	vmul.f32 v4, v4;
	v5 =	vsub.f32 v8, v5  }
0x567: {  	v2 =	vor.u32 v1, v2  }
.Ltmp47:
0x568: {  	v3 =	vadd.f32 v4, v3;
	v63 =	vmul.f32 v5, v5;
	(pc) =	sbr.rel .LBB2_65-.Ltmp47, $3  }
0x569: {  	_ = 	snop  }
0x56a: {  	v3 =	vadd.f32 v63, v3;
	_ =	sdelay $0x1  }
0x56b: {  	[tilespmem:v2+s12+$0x0] =	vst.idx.add.f32.msk $0xffff, v3  }
.LBB2_62:
0x56c: {  	v2 =	vld [tilespmem:s18+$0x40]  }
0x56d: {  	v3 =	vld [tilespmem:s18+$0xFFFFFFB0]  }
0x56e: {  	v4 =	vld [tilespmem:s18+$0xFFFFFFC0]  }
0x56f: {  	v5 =	vld [tilespmem:s18+$0xFFFFFFD0]  }
0x570: {  	v6 =	vld [tilespmem:s18+$0xFFFFFFE0]  }
0x571: {  	v7 =	vld [tilespmem:s18+$0xFFFFFFF0]  }
0x572: {  	v8 =	vld [tilespmem:s18+$0x0]  }
0x573: {  	v9 =	vld [tilespmem:s19+$0x40]  }
0x574: {  	v10 =	vld [tilespmem:s17+$0x40]  }
0x575: {  	v11 =	vld [tilespmem:s18+$0x10]  }
0x576: {  	v12 =	vld [tilespmem:s18+$0x20]  }
0x577: {  	v13 =	vld [tilespmem:s18+$0x30]  }
0x578: {  	v51 =	vld [tilespmem:s17+$0xFFFFFFC0]  }
0x579: {  	v52 =	vld [tilespmem:s19+$0xFFFFFFB0]  }
0x57a: {  	v53 =	vld [tilespmem:s17+$0xFFFFFFD0]  }
0x57b: {  	v14 =	vld [tilespmem:s17+$0xFFFFFFB0]  }
0x57c: {  	v15 =	vld [tilespmem:s17+$0xFFFFFFE0]  }
0x57d: {  	v16 =	vld [tilespmem:s19+$0xFFFFFFC0]  }
0x57e: {  	v17 =	vld [tilespmem:s17+$0xFFFFFFF0]  }
0x57f: {  	v18 =	vld [tilespmem:s17+$0x0]  }
0x580: {  	v19 =	vld [tilespmem:s17+$0x10]  }
0x581: {  	v54 =	vld [tilespmem:s19+$0xFFFFFFD0]  }
0x582: {  	v20 =	vld [tilespmem:s19+$0xFFFFFFE0]  }
0x583: {  	v21 =	vld [tilespmem:s19+$0xFFFFFFF0]  }
0x584: {  	v55 =	vld [tilespmem:s19+$0x10]  }
0x585: {  	v56 =	vld [tilespmem:s17+$0x20]  }
0x586: {  	v3 =	vld.idx.msk [tilespmem:v3+s1+$0x0], $0xffff  }
0x587: {  	v2 =	vld.idx.msk [tilespmem:v2+s1+$0x0], $0xffff  }
0x588: {  	v4 =	vld.idx.msk [tilespmem:v4+s1+$0x0], $0xffff  }
0x589: {  	v49 =	vld.idx.msk [tilespmem:v12+s1+$0x0], $0xffff;
	v12 =	vshll.u32 v52, $0x4  }
0x58a: {  	v5 =	vld.idx.msk [tilespmem:v5+s1+$0x0], $0xffff;
	v12 =	vor.u32 v1, v12  }
0x58b: {  	v9 =	vshll.u32 v9, $0x4;
	v6 =	vld.idx.msk [tilespmem:v6+s1+$0x0], $0xffff;
	v3 =	vsub.f32 v14, v3  }
0x58c: {  	v9 =	vor.u32 v1, v9;
	v7 =	vld.idx.msk [tilespmem:v7+s1+$0x0], $0xffff  }
0x58d: {  	v16 =	vshll.u32 v16, $0x4;
	v48 =	vld.idx.msk [tilespmem:v11+s1+$0x0], $0xffff;
	v2 =	vsub.f32 v10, v2;
	v3 =	vmul.f32 v3, v3  }
0x58e: {  	v16 =	vor.u32 v1, v16;
	v50 =	vld.idx.msk [tilespmem:v13+s1+$0x0], $0xffff  }
0x58f: {  	v4 =	vsub.f32 v51, v4;
	v2 =	vmul.f32 v2, v2;
	[tilespmem:v12+s12+$0x0] =	vst.idx.add.f32.msk $0xffff, v3  }
0x590: {  	v3 =	vld [tilespmem:s19+$0x0]  }
0x591: {  	v4 =	vmul.f32 v4, v4;
	[tilespmem:v9+s12+$0x0] =	vst.idx.add.f32.msk $0xffff, v2  }
0x592: {  	v57 =	vshll.u32 v54, $0x4;
	v58 =	vshll.u32 v20, $0x4;
	v2 =	vld.idx.msk [tilespmem:v8+s1+$0x0], $0xffff  }
0x593: {  	v59 =	vshll.u32 v21, $0x4;
	v13 =	vor.u32 v1, v57;
	v5 =	vsub.f32 v53, v5;
	[tilespmem:v16+s12+$0x0] =	vst.idx.add.f32.msk $0xffff, v4  }
0x594: {  	v6 =	vsub.f32 v15, v6;
	v14 =	vor.u32 v1, v58;
	v7 =	vsub.f32 v17, v7;
	v4 =	vld [tilespmem:s17+$0x30]  }
0x595: {  	v61 =	vld [tilespmem:s19+$0x30];
	v15 =	vor.u32 v1, v59;
	v63 =	vsub.f32 v56, v49;
	v3 =	vshll.u32 v3, $0x4  }
0x596: {  	v60 =	vld [tilespmem:s19+$0x20];
	v5 =	vmul.f32 v5, v5;
	v62 =	vor.u32 v1, v3;
	v3 =	vshll.u32 v55, $0x4  }
0x597: {  	v6 =	vmul.f32 v6, v6;
	v2 =	vsub.f32 v18, v2;
	v11 =	vor.u32 v1, v3  }
0x598: {  	v7 =	vmul.f32 v7, v7;
	[tilespmem:v13+s12+$0x0] =	vst.idx.add.f32.msk $0xffff, v5;
	v3 =	vsub.f32 v19, v48  }
0x599: {  	[tilespmem:v14+s12+$0x0] =	vst.idx.add.f32.msk $0xffff, v6;
	v4 =	vsub.f32 v4, v50;
	v5 =	vmul.f32 v2, v2  }
0x59a: {  	[tilespmem:v15+s12+$0x0] =	vst.idx.add.f32.msk $0xffff, v7;
	v7 =	vshll.u32 v61, $0x4;
	v6 =	vmul.f32 v3, v3  }
0x59b: {  	s20 =	simm.s32 $0x0;
	v2 =	vmul.f32 v63, v63;
	v3 =	vmul.f32 v4, v4;
	v4 =	vshll.u32 v60, $0x4;
	[tilespmem:v62+s12+$0x0] =	vst.idx.add.f32.msk $0xffff, v5  }
0x59c: {  	s21 =	sadd.s32 $0xA0, s18;
	s22 =	smov.u32 s19;
	s23 =	smov.u32 s17;
	v5 =	vor.u32 v1, v4;
	v4 =	vor.u32 v1, v7;
	[tilespmem:v11+s12+$0x0] =	vst.idx.add.f32.msk $0xffff, v6  }
.LBB2_63:
0x59d: {  	v6 =	vld [tilespmem:s21+$0x40];
	s20 =	sadd.s32 $0xA, s20  }
0x59e: {  	v7 =	vld [tilespmem:s21+$0xFFFFFFB0];
	p0 =	slt.u32 s20, $0x28  }
0x59f: {  	v8 =	vld [tilespmem:s21+$0xFFFFFFC0]  }
0x5a0: {  	v9 =	vld [tilespmem:s21+$0xFFFFFFD0]  }
0x5a1: {  	v10 =	vld [tilespmem:s21+$0xFFFFFFE0]  }
0x5a2: {  	v11 =	vld [tilespmem:s21+$0xFFFFFFF0]  }
0x5a3: {  	s22 =	sadd.s32 $0xA0, s22;
	v12 =	vld [tilespmem:s21+$0x0]  }
0x5a4: {  	v13 =	vld [tilespmem:s22+$0x40]  }
0x5a5: {  	s23 =	sadd.s32 $0xA0, s23;
	v6 =	vld.idx.msk [tilespmem:v6+s1+$0x0], $0xffff  }
0x5a6: {  	v14 =	vld [tilespmem:s23+$0x40]  }
0x5a7: {  	v15 =	vld [tilespmem:s21+$0x10]  }
0x5a8: {  	v16 =	vld [tilespmem:s21+$0x20]  }
0x5a9: {  	v17 =	vld [tilespmem:s21+$0x30];
	v13 =	vshll.u32 v13, $0x4  }
0x5aa: {  	v7 =	vld.idx.msk [tilespmem:v7+s1+$0x0], $0xffff;
	v13 =	vor.u32 v1, v13  }
0x5ab: {  	v8 =	vld.idx.msk [tilespmem:v8+s1+$0x0], $0xffff;
	v6 =	vsub.f32 v14, v6  }
0x5ac: {  	v9 =	vld.idx.msk [tilespmem:v9+s1+$0x0], $0xffff  }
0x5ad: {  	v10 =	vld.idx.msk [tilespmem:v10+s1+$0x0], $0xffff;
	v6 =	vmul.f32 v6, v6  }
0x5ae: {  	v11 =	vld.idx.msk [tilespmem:v11+s1+$0x0], $0xffff  }
0x5af: {  	[tilespmem:v13+s12+$0x0] =	vst.idx.add.f32.msk $0xffff, v6  }
0x5b0: {  	v6 =	vld.idx.msk [tilespmem:v12+s1+$0x0], $0xffff  }
0x5b1: {  	v12 =	vld.idx.msk [tilespmem:v15+s1+$0x0], $0xffff  }
0x5b2: {  	v13 =	vld.idx.msk [tilespmem:v16+s1+$0x0], $0xffff  }
0x5b3: {  	v14 =	vld.idx.msk [tilespmem:v17+s1+$0x0], $0xffff  }
0x5b4: {  	v15 =	vld [tilespmem:s23+$0xFFFFFFC0]  }
0x5b5: {  	v16 =	vld [tilespmem:s23+$0xFFFFFFD0]  }
0x5b6: {  	v17 =	vld [tilespmem:s23+$0xFFFFFFE0]  }
0x5b7: {  	v18 =	vld [tilespmem:s23+$0xFFFFFFF0]  }
0x5b8: {  	v19 =	vld [tilespmem:s23+$0x0]  }
0x5b9: {  	v8 =	vsub.f32 v15, v8;
	v15 =	vld [tilespmem:s23+$0x10]  }
0x5ba: {  	v9 =	vsub.f32 v16, v9;
	v16 =	vld [tilespmem:s23+$0x20]  }
0x5bb: {  	v8 =	vmul.f32 v8, v8;
	v10 =	vsub.f32 v17, v10;
	v17 =	vld [tilespmem:s23+$0x30]  }
0x5bc: {  	v20 =	vld [tilespmem:s23+$0xFFFFFFB0];
	v9 =	vmul.f32 v9, v9;
	v11 =	vsub.f32 v18, v11  }
0x5bd: {  	v18 =	vld [tilespmem:s22+$0xFFFFFFB0];
	v10 =	vmul.f32 v10, v10;
	v6 =	vsub.f32 v19, v6  }
0x5be: {  	v19 =	vld [tilespmem:s22+$0xFFFFFFC0];
	v11 =	vmul.f32 v11, v11;
	v12 =	vsub.f32 v15, v12  }
0x5bf: {  	v15 =	vld [tilespmem:s22+$0xFFFFFFD0];
	v6 =	vmul.f32 v6, v6;
	v13 =	vsub.f32 v16, v13  }
0x5c0: {  	v16 =	vld [tilespmem:s22+$0xFFFFFFE0];
	v12 =	vmul.f32 v12, v12;
	v14 =	vsub.f32 v17, v14  }
0x5c1: {  	v7 =	vsub.f32 v20, v7;
	v17 =	vld [tilespmem:s22+$0xFFFFFFF0];
	v13 =	vmul.f32 v13, v13  }
0x5c2: {  	v18 =	vshll.u32 v18, $0x4;
	v20 =	vld [tilespmem:s22+$0x0];
	v14 =	vmul.f32 v14, v14  }
0x5c3: {  	v7 =	vmul.f32 v7, v7;
	v18 =	vor.u32 v1, v18;
	v19 =	vshll.u32 v19, $0x4;
	v21 =	vld [tilespmem:s22+$0x10]  }
0x5c4: {  	v19 =	vor.u32 v1, v19;
	v15 =	vshll.u32 v15, $0x4;
	v22 =	vld [tilespmem:s22+$0x20]  }
0x5c5: {  	v15 =	vor.u32 v1, v15;
	v16 =	vshll.u32 v16, $0x4;
	v23 =	vld [tilespmem:s22+$0x30]  }
0x5c6: {  	v16 =	vor.u32 v1, v16;
	v17 =	vshll.u32 v17, $0x4;
	[tilespmem:v5+s12+$0x0] =	vst.idx.add.f32.msk $0xffff, v2;
	v2 =	vmov v13  }
0x5c7: {  	v13 =	vor.u32 v1, v17;
	v5 =	vshll.u32 v20, $0x4;
	[tilespmem:v4+s12+$0x0] =	vst.idx.add.f32.msk $0xffff, v3;
	v3 =	vmov v14  }
0x5c8: {  	[tilespmem:v18+s12+$0x0] =	vst.idx.add.f32.msk $0xffff, v7;
	v7 =	vor.u32 v1, v5;
	v4 =	vshll.u32 v21, $0x4  }
0x5c9: {  	[tilespmem:v19+s12+$0x0] =	vst.idx.add.f32.msk $0xffff, v8;
	v8 =	vor.u32 v1, v4;
	v4 =	vshll.u32 v22, $0x4  }
.Ltmp48:
0x5ca: {  	[tilespmem:v15+s12+$0x0] =	vst.idx.add.f32.msk $0xffff, v9;
	v5 =	vor.u32 v1, v4;
	v4 =	vshll.u32 v23, $0x4;
	(pc) =	sbr.rel @p0 .LBB2_63-.Ltmp48, $4  }
0x5cb: {  	[tilespmem:v16+s12+$0x0] =	vst.idx.add.f32.msk $0xffff, v10;
	v4 =	vor.u32 v1, v4  }
0x5cc: {  	[tilespmem:v13+s12+$0x0] =	vst.idx.add.f32.msk $0xffff, v11  }
0x5cd: {  	[tilespmem:v7+s12+$0x0] =	vst.idx.add.f32.msk $0xffff, v6  }
0x5ce: {  	s21 =	sadd.s32 $0xA0, s21;
	[tilespmem:v8+s12+$0x0] =	vst.idx.add.f32.msk $0xffff, v12  }
.Ltmp49:
0x5cf: {  	_ = 	snop;
	(pc) =	sbr.rel .LBB2_64-.Ltmp49, $1  }
0x5d0: {  	_ =	sdelay $0x3  }
.LBB2_66:
0x5d1: {  	_ =	swait.ge [sflag:s13], $0x4E20  }
0x5d2: {  	[sflag:s13] =	ssyncset.done $0x0  }
0x5d3: {  	[sflag:s13] =	ssyncadd.s32 $0xFFFFB1E0  }
0x5d4: {  	_ =	swait.ge [sflag:s13], $0x4E20  }
0x5d5: {  	[sflag:s13] =	ssyncset.done $0x0  }
0x5d6: {  	[sflag:s13] =	ssyncadd.s32 $0xFFFFB1E0  }
0x5d7: {  	_ =	swait.ge [sflag:s13], $0x4E20  }
0x5d8: {  	[sflag:s13] =	ssyncset.done $0x0  }
0x5d9: {  	s16 =	simm.s32 $0x0;
	s17 =	rddreg [dreg:$0x1b];
	[sflag:s13] =	ssyncadd.s32 $0xFFFFB1E0  }
0x5da: {  	[tilespmem:s4], [sflag:$0x1] =	stream.linear.gather [hbm4b:s17+s16], $0x4E20, $0x38;
	[tilespmem:$0x1F980] =	vst v63  }
.Ltmp50:
0x5db: {  	_ = 	snop;
	(pc) =	sbr.rel .LBB2_67-.Ltmp50, $4  }
0x5dc: {  	_ = 	snop  }
0x5dd: {  	[tilespmem:s5], [sflag:$0x1] =	stream.linear.gather [hbm4b:s24+s16], $0x4E20, $0x38;
	[tilespmem:$0x1F980] =	vst v63  }
0x5de: {  	s18 =	simm.s32 $0x13AD0;
	s19 =	simm.s32 $0x18950;
	s17 =	simm.s32 $0xEC50  }
0x5df: {  	[tilespmem:s6], [sflag:$0x1] =	stream.linear.gather [hbm4b:s25+s16], $0x4E20, $0x38;
	[tilespmem:$0x1F980] =	vst v63  }
.LBB2_73:
0x5e0: {  	_ =	sdelay $0x3  }
0x5e1: {  	[tilespmem:v5+s12+$0x0] =	vst.idx.add.f32.msk $0xffff, v2  }
0x5e2: {  	[tilespmem:v4+s12+$0x0] =	vst.idx.add.f32.msk $0xffff, v3  }
.LBB2_74:
0x5e3: {  	s16 =	sadd.s32 $0x1, s16  }
0x5e4: {  	p0 =	sne.s32 s16, $0x19  }
.Ltmp51:
0x5e5: {  	_ = 	snop;
	(pc) =	sbr.rel @!p0 .LBB2_75-.Ltmp51, $2  }
0x5e6: {  	_ =	sdelay $0x2  }
0x5e7: {  	s17 =	sadd.s32 $0x320, s17;
	s18 =	sadd.s32 $0x320, s18;
	s19 =	sadd.s32 $0x320, s19  }
.LBB2_67:
0x5e8: {  	s20 =	smul.u32 $0x320, s16;
	_ =	sdelay $0x1  }
0x5e9: {  	v2 =	vld [tilespmem:s20+$0x18900]  }
0x5ea: {  	v3 =	vld [tilespmem:s20+$0x18C10];
	_ =	sdelay $0x3  }
0x5eb: {  	(v2sf) =	vpush v2, $0x0  }
0x5ec: {  	(v2sf) =	vpush v3, $0xF;
	_ =	sdelay $0xd  }
0x5ed: {  	s23 =	spop (v2sf)  }
0x5ee: {  	s21 =	spop (v2sf)  }
0x5ef: {  	p0 =	sne.s32 s23, s21  }
.Ltmp52:
0x5f0: {  	_ = 	snop;
	(pc) =	sbr.rel @p0 .LBB2_71-.Ltmp52, $2  }
0x5f1: {  	_ =	sdelay $0x2  }
0x5f2: {  	s20 =	simm.s32 $0xFFFFFFF6;
	v3 =	vimm.f32 $0.0e+00  }
0x5f3: {  	v5 =	vld [tilespmem:s18+$0x40]  }
0x5f4: {  	v4 =	vld [tilespmem:s18+$0x30]  }
0x5f5: {  	v6 =	vld [tilespmem:s18+$0xFFFFFFB0]  }
0x5f6: {  	v7 =	vld [tilespmem:s18+$0x20]  }
0x5f7: {  	v8 =	vld [tilespmem:s18+$0xFFFFFFC0]  }
0x5f8: {  	v9 =	vld [tilespmem:s18+$0x10]  }
0x5f9: {  	v10 =	vld [tilespmem:s18+$0xFFFFFFD0]  }
0x5fa: {  	v11 =	vld [tilespmem:s18+$0x0]  }
0x5fb: {  	v12 =	vld [tilespmem:s18+$0xFFFFFFE0]  }
0x5fc: {  	v13 =	vld [tilespmem:s18+$0xFFFFFFF0]  }
0x5fd: {  	v14 =	vld [tilespmem:s17+$0xFFFFFFB0]  }
0x5fe: {  	v6 =	vld.idx.msk [tilespmem:v6+s1+$0x0], $0xffff  }
0x5ff: {  	v15 =	vld [tilespmem:s17+$0xFFFFFFC0]  }
0x600: {  	v8 =	vld.idx.msk [tilespmem:v8+s1+$0x0], $0xffff  }
0x601: {  	v16 =	vld [tilespmem:s17+$0xFFFFFFD0]  }
0x602: {  	v10 =	vld.idx.msk [tilespmem:v10+s1+$0x0], $0xffff  }
0x603: {  	v60 =	vld [tilespmem:s17+$0xFFFFFFE0];
	v6 =	vsub.f32 v14, v6  }
0x604: {  	v12 =	vld.idx.msk [tilespmem:v12+s1+$0x0], $0xffff  }
0x605: {  	v61 =	vld [tilespmem:s17+$0xFFFFFFF0];
	v8 =	vsub.f32 v15, v8;
	v6 =	vmul.f32 v6, v6  }
0x606: {  	v13 =	vld.idx.msk [tilespmem:v13+s1+$0x0], $0xffff  }
0x607: {  	v11 =	vld.idx.msk [tilespmem:v11+s1+$0x0], $0xffff;
	v3 =	vadd.f32 v6, v3;
	v6 =	vmul.f32 v8, v8;
	v8 =	vsub.f32 v16, v10  }
0x608: {  	v10 =	vld [tilespmem:s17+$0x0]  }
0x609: {  	v62 =	vld.idx.msk [tilespmem:v9+s1+$0x0], $0xffff;
	v9 =	vsub.f32 v60, v12;
	v6 =	vadd.f32 v6, v3;
	v8 =	vmul.f32 v8, v8  }
0x60a: {  	v63 =	vld [tilespmem:s17+$0x10]  }
0x60b: {  	v3 =	vld.idx.msk [tilespmem:v7+s1+$0x0], $0xffff;
	v7 =	vadd.f32 v8, v6;
	v8 =	vmul.f32 v9, v9;
	v9 =	vsub.f32 v61, v13  }
0x60c: {  	v6 =	vld [tilespmem:s17+$0x20]  }
0x60d: {  	v4 =	vld.idx.msk [tilespmem:v4+s1+$0x0], $0xffff;
	v10 =	vsub.f32 v10, v11;
	v8 =	vadd.f32 v8, v7;
	v9 =	vmul.f32 v9, v9  }
0x60e: {  	v7 =	vld [tilespmem:s17+$0x30]  }
0x60f: {  	v5 =	vld.idx.msk [tilespmem:v5+s1+$0x0], $0xffff;
	v11 =	vsub.f32 v63, v62;
	v10 =	vmul.f32 v10, v10;
	v9 =	vadd.f32 v9, v8  }
0x610: {  	s20 =	sadd.s32 $0xA, s20;
	s21 =	sadd.s32 $0xA0, s18;
	s22 =	smov.u32 s17;
	v8 =	vld [tilespmem:s17+$0x40]  }
.LBB2_69:
0x611: {  	v12 =	vld [tilespmem:s21+$0x40];
	v9 =	vadd.f32 v10, v9;
	v10 =	vmul.f32 v11, v11;
	v3 =	vsub.f32 v6, v3  }
0x612: {  	v11 =	vld [tilespmem:s21+$0x30]  }
0x613: {  	s20 =	sadd.s32 $0xA, s20;
	v6 =	vld [tilespmem:s21+$0xFFFFFFB0];
	v9 =	vadd.f32 v10, v9;
	v3 =	vmul.f32 v3, v3;
	v4 =	vsub.f32 v7, v4  }
0x614: {  	p0 =	slt.u32 s20, $0x28;
	v7 =	vld [tilespmem:s21+$0x20]  }
0x615: {  	v10 =	vld [tilespmem:s21+$0xFFFFFFC0];
	v3 =	vadd.f32 v3, v9;
	v4 =	vmul.f32 v4, v4;
	v5 =	vsub.f32 v8, v5  }
0x616: {  	v8 =	vld [tilespmem:s21+$0x10]  }
0x617: {  	v9 =	vld [tilespmem:s21+$0xFFFFFFD0];
	v3 =	vadd.f32 v4, v3;
	v4 =	vmul.f32 v5, v5  }
0x618: {  	v5 =	vld [tilespmem:s21+$0x0]  }
0x619: {  	v13 =	vld [tilespmem:s21+$0xFFFFFFE0];
	v3 =	vadd.f32 v4, v3  }
0x61a: {  	v4 =	vld [tilespmem:s21+$0xFFFFFFF0]  }
0x61b: {  	s22 =	sadd.s32 $0xA0, s22;
	v6 =	vld.idx.msk [tilespmem:v6+s1+$0x0], $0xffff  }
0x61c: {  	v14 =	vld [tilespmem:s22+$0xFFFFFFB0]  }
0x61d: {  	v10 =	vld.idx.msk [tilespmem:v10+s1+$0x0], $0xffff  }
0x61e: {  	v15 =	vld [tilespmem:s22+$0xFFFFFFC0]  }
0x61f: {  	v9 =	vld.idx.msk [tilespmem:v9+s1+$0x0], $0xffff  }
0x620: {  	v16 =	vld [tilespmem:s22+$0xFFFFFFD0]  }
0x621: {  	v6 =	vsub.f32 v14, v6;
	v13 =	vld.idx.msk [tilespmem:v13+s1+$0x0], $0xffff  }
0x622: {  	v14 =	vld [tilespmem:s22+$0xFFFFFFE0]  }
0x623: {  	v6 =	vmul.f32 v6, v6;
	v10 =	vsub.f32 v15, v10;
	v4 =	vld.idx.msk [tilespmem:v4+s1+$0x0], $0xffff  }
0x624: {  	v15 =	vld [tilespmem:s22+$0xFFFFFFF0]  }
0x625: {  	v3 =	vadd.f32 v6, v3;
	v6 =	vmul.f32 v10, v10;
	v9 =	vsub.f32 v16, v9;
	v5 =	vld.idx.msk [tilespmem:v5+s1+$0x0], $0xffff  }
0x626: {  	v10 =	vld [tilespmem:s22+$0x0]  }
0x627: {  	v3 =	vadd.f32 v6, v3;
	v6 =	vmul.f32 v9, v9;
	v9 =	vsub.f32 v14, v13;
	v8 =	vld.idx.msk [tilespmem:v8+s1+$0x0], $0xffff  }
0x628: {  	v13 =	vld [tilespmem:s22+$0x10]  }
0x629: {  	v14 =	vadd.f32 v6, v3;
	v9 =	vmul.f32 v9, v9;
	v4 =	vsub.f32 v15, v4;
	v3 =	vld.idx.msk [tilespmem:v7+s1+$0x0], $0xffff  }
.Ltmp53:
0x62a: {  	v6 =	vld [tilespmem:s22+$0x20];
	(pc) =	sbr.rel @p0 .LBB2_69-.Ltmp53, $4  }
0x62b: {  	v9 =	vadd.f32 v9, v14;
	v14 =	vmul.f32 v4, v4;
	v5 =	vsub.f32 v10, v5;
	v4 =	vld.idx.msk [tilespmem:v11+s1+$0x0], $0xffff  }
0x62c: {  	v7 =	vld [tilespmem:s22+$0x30]  }
0x62d: {  	v9 =	vadd.f32 v14, v9;
	v10 =	vmul.f32 v5, v5;
	v11 =	vsub.f32 v13, v8;
	v5 =	vld.idx.msk [tilespmem:v12+s1+$0x0], $0xffff  }
0x62e: {  	s21 =	sadd.s32 $0xA0, s21;
	v8 =	vld [tilespmem:s22+$0x40]  }
0x62f: {  	v9 =	vadd.f32 v10, v9;
	v61 =	vmul.f32 v11, v11;
	v3 =	vsub.f32 v6, v3;
	_ =	sdelay $0x1  }
0x630: {  	v62 =	vadd.f32 v61, v9;
	v3 =	vmul.f32 v3, v3;
	v4 =	vsub.f32 v7, v4  }
0x631: {  	v2 =	vshll.u32 v2, $0x4  }
0x632: {  	v3 =	vadd.f32 v3, v62;
	v4 =	vmul.f32 v4, v4;
	v5 =	vsub.f32 v8, v5  }
0x633: {  	v2 =	vor.u32 v1, v2  }
.Ltmp54:
0x634: {  	v3 =	vadd.f32 v4, v3;
	v63 =	vmul.f32 v5, v5;
	(pc) =	sbr.rel .LBB2_74-.Ltmp54, $3  }
0x635: {  	_ = 	snop  }
0x636: {  	v3 =	vadd.f32 v63, v3;
	_ =	sdelay $0x1  }
0x637: {  	[tilespmem:v2+s12+$0x0] =	vst.idx.add.f32.msk $0xffff, v3  }
.LBB2_71:
0x638: {  	v2 =	vld [tilespmem:s18+$0x40]  }
0x639: {  	v3 =	vld [tilespmem:s18+$0xFFFFFFB0]  }
0x63a: {  	v4 =	vld [tilespmem:s18+$0xFFFFFFC0]  }
0x63b: {  	v5 =	vld [tilespmem:s18+$0xFFFFFFD0]  }
0x63c: {  	v6 =	vld [tilespmem:s18+$0xFFFFFFE0]  }
0x63d: {  	v7 =	vld [tilespmem:s18+$0xFFFFFFF0]  }
0x63e: {  	v8 =	vld [tilespmem:s18+$0x0]  }
0x63f: {  	v9 =	vld [tilespmem:s19+$0x40]  }
0x640: {  	v10 =	vld [tilespmem:s17+$0x40]  }
0x641: {  	v11 =	vld [tilespmem:s18+$0x10]  }
0x642: {  	v12 =	vld [tilespmem:s18+$0x20]  }
0x643: {  	v13 =	vld [tilespmem:s18+$0x30]  }
0x644: {  	v51 =	vld [tilespmem:s17+$0xFFFFFFC0]  }
0x645: {  	v52 =	vld [tilespmem:s19+$0xFFFFFFB0]  }
0x646: {  	v53 =	vld [tilespmem:s17+$0xFFFFFFD0]  }
0x647: {  	v14 =	vld [tilespmem:s17+$0xFFFFFFB0]  }
0x648: {  	v15 =	vld [tilespmem:s17+$0xFFFFFFE0]  }
0x649: {  	v16 =	vld [tilespmem:s19+$0xFFFFFFC0]  }
0x64a: {  	v17 =	vld [tilespmem:s17+$0xFFFFFFF0]  }
0x64b: {  	v18 =	vld [tilespmem:s17+$0x0]  }
0x64c: {  	v19 =	vld [tilespmem:s17+$0x10]  }
0x64d: {  	v54 =	vld [tilespmem:s19+$0xFFFFFFD0]  }
0x64e: {  	v20 =	vld [tilespmem:s19+$0xFFFFFFE0]  }
0x64f: {  	v21 =	vld [tilespmem:s19+$0xFFFFFFF0]  }
0x650: {  	v55 =	vld [tilespmem:s19+$0x10]  }
0x651: {  	v56 =	vld [tilespmem:s17+$0x20]  }
0x652: {  	v3 =	vld.idx.msk [tilespmem:v3+s1+$0x0], $0xffff  }
0x653: {  	v2 =	vld.idx.msk [tilespmem:v2+s1+$0x0], $0xffff  }
0x654: {  	v4 =	vld.idx.msk [tilespmem:v4+s1+$0x0], $0xffff  }
0x655: {  	v49 =	vld.idx.msk [tilespmem:v12+s1+$0x0], $0xffff;
	v12 =	vshll.u32 v52, $0x4  }
0x656: {  	v5 =	vld.idx.msk [tilespmem:v5+s1+$0x0], $0xffff;
	v12 =	vor.u32 v1, v12  }
0x657: {  	v9 =	vshll.u32 v9, $0x4;
	v6 =	vld.idx.msk [tilespmem:v6+s1+$0x0], $0xffff;
	v3 =	vsub.f32 v14, v3  }
0x658: {  	v9 =	vor.u32 v1, v9;
	v7 =	vld.idx.msk [tilespmem:v7+s1+$0x0], $0xffff  }
0x659: {  	v16 =	vshll.u32 v16, $0x4;
	v48 =	vld.idx.msk [tilespmem:v11+s1+$0x0], $0xffff;
	v2 =	vsub.f32 v10, v2;
	v3 =	vmul.f32 v3, v3  }
0x65a: {  	v16 =	vor.u32 v1, v16;
	v50 =	vld.idx.msk [tilespmem:v13+s1+$0x0], $0xffff  }
0x65b: {  	v4 =	vsub.f32 v51, v4;
	v2 =	vmul.f32 v2, v2;
	[tilespmem:v12+s12+$0x0] =	vst.idx.add.f32.msk $0xffff, v3  }
0x65c: {  	v3 =	vld [tilespmem:s19+$0x0]  }
0x65d: {  	v4 =	vmul.f32 v4, v4;
	[tilespmem:v9+s12+$0x0] =	vst.idx.add.f32.msk $0xffff, v2  }
0x65e: {  	v57 =	vshll.u32 v54, $0x4;
	v58 =	vshll.u32 v20, $0x4;
	v2 =	vld.idx.msk [tilespmem:v8+s1+$0x0], $0xffff  }
0x65f: {  	v59 =	vshll.u32 v21, $0x4;
	v13 =	vor.u32 v1, v57;
	v5 =	vsub.f32 v53, v5;
	[tilespmem:v16+s12+$0x0] =	vst.idx.add.f32.msk $0xffff, v4  }
0x660: {  	v6 =	vsub.f32 v15, v6;
	v14 =	vor.u32 v1, v58;
	v7 =	vsub.f32 v17, v7;
	v4 =	vld [tilespmem:s17+$0x30]  }
0x661: {  	v61 =	vld [tilespmem:s19+$0x30];
	v15 =	vor.u32 v1, v59;
	v63 =	vsub.f32 v56, v49;
	v3 =	vshll.u32 v3, $0x4  }
0x662: {  	v60 =	vld [tilespmem:s19+$0x20];
	v5 =	vmul.f32 v5, v5;
	v62 =	vor.u32 v1, v3;
	v3 =	vshll.u32 v55, $0x4  }
0x663: {  	v6 =	vmul.f32 v6, v6;
	v2 =	vsub.f32 v18, v2;
	v11 =	vor.u32 v1, v3  }
0x664: {  	v7 =	vmul.f32 v7, v7;
	[tilespmem:v13+s12+$0x0] =	vst.idx.add.f32.msk $0xffff, v5;
	v3 =	vsub.f32 v19, v48  }
0x665: {  	[tilespmem:v14+s12+$0x0] =	vst.idx.add.f32.msk $0xffff, v6;
	v4 =	vsub.f32 v4, v50;
	v5 =	vmul.f32 v2, v2  }
0x666: {  	[tilespmem:v15+s12+$0x0] =	vst.idx.add.f32.msk $0xffff, v7;
	v7 =	vshll.u32 v61, $0x4;
	v6 =	vmul.f32 v3, v3  }
0x667: {  	s20 =	simm.s32 $0x0;
	v2 =	vmul.f32 v63, v63;
	v3 =	vmul.f32 v4, v4;
	v4 =	vshll.u32 v60, $0x4;
	[tilespmem:v62+s12+$0x0] =	vst.idx.add.f32.msk $0xffff, v5  }
0x668: {  	s21 =	sadd.s32 $0xA0, s18;
	s22 =	smov.u32 s19;
	s23 =	smov.u32 s17;
	v5 =	vor.u32 v1, v4;
	v4 =	vor.u32 v1, v7;
	[tilespmem:v11+s12+$0x0] =	vst.idx.add.f32.msk $0xffff, v6  }
.LBB2_72:
0x669: {  	v6 =	vld [tilespmem:s21+$0x40];
	s20 =	sadd.s32 $0xA, s20  }
0x66a: {  	v7 =	vld [tilespmem:s21+$0xFFFFFFB0];
	p0 =	slt.u32 s20, $0x28  }
0x66b: {  	v8 =	vld [tilespmem:s21+$0xFFFFFFC0]  }
0x66c: {  	v9 =	vld [tilespmem:s21+$0xFFFFFFD0]  }
0x66d: {  	v10 =	vld [tilespmem:s21+$0xFFFFFFE0]  }
0x66e: {  	v11 =	vld [tilespmem:s21+$0xFFFFFFF0]  }
0x66f: {  	s22 =	sadd.s32 $0xA0, s22;
	v12 =	vld [tilespmem:s21+$0x0]  }
0x670: {  	v13 =	vld [tilespmem:s22+$0x40]  }
0x671: {  	s23 =	sadd.s32 $0xA0, s23;
	v6 =	vld.idx.msk [tilespmem:v6+s1+$0x0], $0xffff  }
0x672: {  	v14 =	vld [tilespmem:s23+$0x40]  }
0x673: {  	v15 =	vld [tilespmem:s21+$0x10]  }
0x674: {  	v16 =	vld [tilespmem:s21+$0x20]  }
0x675: {  	v17 =	vld [tilespmem:s21+$0x30];
	v13 =	vshll.u32 v13, $0x4  }
0x676: {  	v7 =	vld.idx.msk [tilespmem:v7+s1+$0x0], $0xffff;
	v13 =	vor.u32 v1, v13  }
0x677: {  	v8 =	vld.idx.msk [tilespmem:v8+s1+$0x0], $0xffff;
	v6 =	vsub.f32 v14, v6  }
0x678: {  	v9 =	vld.idx.msk [tilespmem:v9+s1+$0x0], $0xffff  }
0x679: {  	v10 =	vld.idx.msk [tilespmem:v10+s1+$0x0], $0xffff;
	v6 =	vmul.f32 v6, v6  }
0x67a: {  	v11 =	vld.idx.msk [tilespmem:v11+s1+$0x0], $0xffff  }
0x67b: {  	[tilespmem:v13+s12+$0x0] =	vst.idx.add.f32.msk $0xffff, v6  }
0x67c: {  	v6 =	vld.idx.msk [tilespmem:v12+s1+$0x0], $0xffff  }
0x67d: {  	v12 =	vld.idx.msk [tilespmem:v15+s1+$0x0], $0xffff  }
0x67e: {  	v13 =	vld.idx.msk [tilespmem:v16+s1+$0x0], $0xffff  }
0x67f: {  	v14 =	vld.idx.msk [tilespmem:v17+s1+$0x0], $0xffff  }
0x680: {  	v15 =	vld [tilespmem:s23+$0xFFFFFFC0]  }
0x681: {  	v16 =	vld [tilespmem:s23+$0xFFFFFFD0]  }
0x682: {  	v17 =	vld [tilespmem:s23+$0xFFFFFFE0]  }
0x683: {  	v18 =	vld [tilespmem:s23+$0xFFFFFFF0]  }
0x684: {  	v19 =	vld [tilespmem:s23+$0x0]  }
0x685: {  	v8 =	vsub.f32 v15, v8;
	v15 =	vld [tilespmem:s23+$0x10]  }
0x686: {  	v9 =	vsub.f32 v16, v9;
	v16 =	vld [tilespmem:s23+$0x20]  }
0x687: {  	v8 =	vmul.f32 v8, v8;
	v10 =	vsub.f32 v17, v10;
	v17 =	vld [tilespmem:s23+$0x30]  }
0x688: {  	v20 =	vld [tilespmem:s23+$0xFFFFFFB0];
	v9 =	vmul.f32 v9, v9;
	v11 =	vsub.f32 v18, v11  }
0x689: {  	v18 =	vld [tilespmem:s22+$0xFFFFFFB0];
	v10 =	vmul.f32 v10, v10;
	v6 =	vsub.f32 v19, v6  }
0x68a: {  	v19 =	vld [tilespmem:s22+$0xFFFFFFC0];
	v11 =	vmul.f32 v11, v11;
	v12 =	vsub.f32 v15, v12  }
0x68b: {  	v15 =	vld [tilespmem:s22+$0xFFFFFFD0];
	v6 =	vmul.f32 v6, v6;
	v13 =	vsub.f32 v16, v13  }
0x68c: {  	v16 =	vld [tilespmem:s22+$0xFFFFFFE0];
	v12 =	vmul.f32 v12, v12;
	v14 =	vsub.f32 v17, v14  }
0x68d: {  	v7 =	vsub.f32 v20, v7;
	v17 =	vld [tilespmem:s22+$0xFFFFFFF0];
	v13 =	vmul.f32 v13, v13  }
0x68e: {  	v18 =	vshll.u32 v18, $0x4;
	v20 =	vld [tilespmem:s22+$0x0];
	v14 =	vmul.f32 v14, v14  }
0x68f: {  	v7 =	vmul.f32 v7, v7;
	v18 =	vor.u32 v1, v18;
	v19 =	vshll.u32 v19, $0x4;
	v21 =	vld [tilespmem:s22+$0x10]  }
0x690: {  	v19 =	vor.u32 v1, v19;
	v15 =	vshll.u32 v15, $0x4;
	v22 =	vld [tilespmem:s22+$0x20]  }
0x691: {  	v15 =	vor.u32 v1, v15;
	v16 =	vshll.u32 v16, $0x4;
	v23 =	vld [tilespmem:s22+$0x30]  }
0x692: {  	v16 =	vor.u32 v1, v16;
	v17 =	vshll.u32 v17, $0x4;
	[tilespmem:v5+s12+$0x0] =	vst.idx.add.f32.msk $0xffff, v2;
	v2 =	vmov v13  }
0x693: {  	v13 =	vor.u32 v1, v17;
	v5 =	vshll.u32 v20, $0x4;
	[tilespmem:v4+s12+$0x0] =	vst.idx.add.f32.msk $0xffff, v3;
	v3 =	vmov v14  }
0x694: {  	[tilespmem:v18+s12+$0x0] =	vst.idx.add.f32.msk $0xffff, v7;
	v7 =	vor.u32 v1, v5;
	v4 =	vshll.u32 v21, $0x4  }
0x695: {  	[tilespmem:v19+s12+$0x0] =	vst.idx.add.f32.msk $0xffff, v8;
	v8 =	vor.u32 v1, v4;
	v4 =	vshll.u32 v22, $0x4  }
.Ltmp55:
0x696: {  	[tilespmem:v15+s12+$0x0] =	vst.idx.add.f32.msk $0xffff, v9;
	v5 =	vor.u32 v1, v4;
	v4 =	vshll.u32 v23, $0x4;
	(pc) =	sbr.rel @p0 .LBB2_72-.Ltmp55, $4  }
0x697: {  	[tilespmem:v16+s12+$0x0] =	vst.idx.add.f32.msk $0xffff, v10;
	v4 =	vor.u32 v1, v4  }
0x698: {  	[tilespmem:v13+s12+$0x0] =	vst.idx.add.f32.msk $0xffff, v11  }
0x699: {  	[tilespmem:v7+s12+$0x0] =	vst.idx.add.f32.msk $0xffff, v6  }
0x69a: {  	s21 =	sadd.s32 $0xA0, s21;
	[tilespmem:v8+s12+$0x0] =	vst.idx.add.f32.msk $0xffff, v12  }
.Ltmp56:
0x69b: {  	_ = 	snop;
	(pc) =	sbr.rel .LBB2_73-.Ltmp56, $1  }
0x69c: {  	_ =	sdelay $0x3  }
.LBB2_75:
0x69d: {  	_ =	swait.ge [sflag:s8], $0x4E20  }
0x69e: {  	[sflag:s8] =	ssyncset.done $0x0  }
0x69f: {  	[sflag:s8] =	ssyncadd.s32 $0xFFFFB1E0  }
0x6a0: {  	_ =	swait.ge [sflag:s8], $0x4E20  }
0x6a1: {  	[sflag:s8] =	ssyncset.done $0x0  }
0x6a2: {  	[sflag:s8] =	ssyncadd.s32 $0xFFFFB1E0  }
0x6a3: {  	_ =	swait.ge [sflag:s8], $0x4E20  }
0x6a4: {  	[sflag:s8] =	ssyncset.done $0x0  }
0x6a5: {  	s16 =	simm.s32 $0x0;
	[sflag:s8] =	ssyncadd.s32 $0xFFFFB1E0  }
0x6a6: {  	[tilespmem:s9], [sflag:$0x2] =	stream.linear.gather [hbm4b:s31+s16], $0x4E20, $0x38;
	[tilespmem:$0x1F980] =	vst v63  }
.Ltmp57:
0x6a7: {  	_ = 	snop;
	(pc) =	sbr.rel .LBB2_76-.Ltmp57, $4  }
0x6a8: {  	_ = 	snop  }
0x6a9: {  	[tilespmem:s10], [sflag:$0x2] =	stream.linear.gather [hbm4b:s0+s16], $0x4E20, $0x38;
	[tilespmem:$0x1F980] =	vst v63  }
0x6aa: {  	s17 =	simm.s32 $0xD0;
	s18 =	simm.s32 $0x4F50;
	s19 =	simm.s32 $0x9DD0  }
0x6ab: {  	[tilespmem:s11], [sflag:$0x2] =	stream.linear.gather [hbm4b:s30+s16], $0x4E20, $0x38;
	[tilespmem:$0x1F980] =	vst v63  }
.LBB2_82:
0x6ac: {  	_ =	sdelay $0x3  }
0x6ad: {  	[tilespmem:v5+s12+$0x0] =	vst.idx.add.f32.msk $0xffff, v2  }
0x6ae: {  	[tilespmem:v4+s12+$0x0] =	vst.idx.add.f32.msk $0xffff, v3  }
.LBB2_83:
0x6af: {  	s16 =	sadd.s32 $0x1, s16  }
0x6b0: {  	p0 =	sne.s32 s16, $0x19  }
.Ltmp58:
0x6b1: {  	_ = 	snop;
	(pc) =	sbr.rel @!p0 .LBB2_84-.Ltmp58, $2  }
0x6b2: {  	_ =	sdelay $0x2  }
0x6b3: {  	s17 =	sadd.s32 $0x320, s17;
	s18 =	sadd.s32 $0x320, s18;
	s19 =	sadd.s32 $0x320, s19  }
.LBB2_76:
0x6b4: {  	s20 =	smul.u32 $0x320, s16;
	_ =	sdelay $0x1  }
0x6b5: {  	v2 =	vld [tilespmem:s20+$0x9D80]  }
0x6b6: {  	v3 =	vld [tilespmem:s20+$0xA090];
	_ =	sdelay $0x3  }
0x6b7: {  	(v2sf) =	vpush v2, $0x0  }
0x6b8: {  	(v2sf) =	vpush v3, $0xF;
	_ =	sdelay $0xd  }
0x6b9: {  	s23 =	spop (v2sf)  }
0x6ba: {  	s21 =	spop (v2sf)  }
0x6bb: {  	p0 =	sne.s32 s23, s21  }
.Ltmp59:
0x6bc: {  	_ = 	snop;
	(pc) =	sbr.rel @p0 .LBB2_80-.Ltmp59, $2  }
0x6bd: {  	_ =	sdelay $0x2  }
0x6be: {  	s20 =	simm.s32 $0xFFFFFFF6;
	v3 =	vimm.f32 $0.0e+00  }
0x6bf: {  	v5 =	vld [tilespmem:s18+$0x40]  }
0x6c0: {  	v4 =	vld [tilespmem:s18+$0x30]  }
0x6c1: {  	v6 =	vld [tilespmem:s18+$0xFFFFFFB0]  }
0x6c2: {  	v7 =	vld [tilespmem:s18+$0x20]  }
0x6c3: {  	v8 =	vld [tilespmem:s18+$0xFFFFFFC0]  }
0x6c4: {  	v9 =	vld [tilespmem:s18+$0x10]  }
0x6c5: {  	v10 =	vld [tilespmem:s18+$0xFFFFFFD0]  }
0x6c6: {  	v11 =	vld [tilespmem:s18+$0x0]  }
0x6c7: {  	v12 =	vld [tilespmem:s18+$0xFFFFFFE0]  }
0x6c8: {  	v13 =	vld [tilespmem:s18+$0xFFFFFFF0]  }
0x6c9: {  	v14 =	vld [tilespmem:s17+$0xFFFFFFB0]  }
0x6ca: {  	v6 =	vld.idx.msk [tilespmem:v6+s1+$0x0], $0xffff  }
0x6cb: {  	v15 =	vld [tilespmem:s17+$0xFFFFFFC0]  }
0x6cc: {  	v8 =	vld.idx.msk [tilespmem:v8+s1+$0x0], $0xffff  }
0x6cd: {  	v16 =	vld [tilespmem:s17+$0xFFFFFFD0]  }
0x6ce: {  	v10 =	vld.idx.msk [tilespmem:v10+s1+$0x0], $0xffff  }
0x6cf: {  	v60 =	vld [tilespmem:s17+$0xFFFFFFE0];
	v6 =	vsub.f32 v14, v6  }
0x6d0: {  	v12 =	vld.idx.msk [tilespmem:v12+s1+$0x0], $0xffff  }
0x6d1: {  	v61 =	vld [tilespmem:s17+$0xFFFFFFF0];
	v8 =	vsub.f32 v15, v8;
	v6 =	vmul.f32 v6, v6  }
0x6d2: {  	v13 =	vld.idx.msk [tilespmem:v13+s1+$0x0], $0xffff  }
0x6d3: {  	v11 =	vld.idx.msk [tilespmem:v11+s1+$0x0], $0xffff;
	v3 =	vadd.f32 v6, v3;
	v6 =	vmul.f32 v8, v8;
	v8 =	vsub.f32 v16, v10  }
0x6d4: {  	v10 =	vld [tilespmem:s17+$0x0]  }
0x6d5: {  	v62 =	vld.idx.msk [tilespmem:v9+s1+$0x0], $0xffff;
	v9 =	vsub.f32 v60, v12;
	v6 =	vadd.f32 v6, v3;
	v8 =	vmul.f32 v8, v8  }
0x6d6: {  	v63 =	vld [tilespmem:s17+$0x10]  }
0x6d7: {  	v3 =	vld.idx.msk [tilespmem:v7+s1+$0x0], $0xffff;
	v7 =	vadd.f32 v8, v6;
	v8 =	vmul.f32 v9, v9;
	v9 =	vsub.f32 v61, v13  }
0x6d8: {  	v6 =	vld [tilespmem:s17+$0x20]  }
0x6d9: {  	v4 =	vld.idx.msk [tilespmem:v4+s1+$0x0], $0xffff;
	v10 =	vsub.f32 v10, v11;
	v8 =	vadd.f32 v8, v7;
	v9 =	vmul.f32 v9, v9  }
0x6da: {  	v7 =	vld [tilespmem:s17+$0x30]  }
0x6db: {  	v5 =	vld.idx.msk [tilespmem:v5+s1+$0x0], $0xffff;
	v11 =	vsub.f32 v63, v62;
	v10 =	vmul.f32 v10, v10;
	v9 =	vadd.f32 v9, v8  }
0x6dc: {  	s20 =	sadd.s32 $0xA, s20;
	s21 =	sadd.s32 $0xA0, s18;
	s22 =	smov.u32 s17;
	v8 =	vld [tilespmem:s17+$0x40]  }
.LBB2_78:
0x6dd: {  	v12 =	vld [tilespmem:s21+$0x40];
	v9 =	vadd.f32 v10, v9;
	v10 =	vmul.f32 v11, v11;
	v3 =	vsub.f32 v6, v3  }
0x6de: {  	v11 =	vld [tilespmem:s21+$0x30]  }
0x6df: {  	s20 =	sadd.s32 $0xA, s20;
	v6 =	vld [tilespmem:s21+$0xFFFFFFB0];
	v9 =	vadd.f32 v10, v9;
	v3 =	vmul.f32 v3, v3;
	v4 =	vsub.f32 v7, v4  }
0x6e0: {  	p0 =	slt.u32 s20, $0x28;
	v7 =	vld [tilespmem:s21+$0x20]  }
0x6e1: {  	v10 =	vld [tilespmem:s21+$0xFFFFFFC0];
	v3 =	vadd.f32 v3, v9;
	v4 =	vmul.f32 v4, v4;
	v5 =	vsub.f32 v8, v5  }
0x6e2: {  	v8 =	vld [tilespmem:s21+$0x10]  }
0x6e3: {  	v9 =	vld [tilespmem:s21+$0xFFFFFFD0];
	v3 =	vadd.f32 v4, v3;
	v4 =	vmul.f32 v5, v5  }
0x6e4: {  	v5 =	vld [tilespmem:s21+$0x0]  }
0x6e5: {  	v13 =	vld [tilespmem:s21+$0xFFFFFFE0];
	v3 =	vadd.f32 v4, v3  }
0x6e6: {  	v4 =	vld [tilespmem:s21+$0xFFFFFFF0]  }
0x6e7: {  	s22 =	sadd.s32 $0xA0, s22;
	v6 =	vld.idx.msk [tilespmem:v6+s1+$0x0], $0xffff  }
0x6e8: {  	v14 =	vld [tilespmem:s22+$0xFFFFFFB0]  }
0x6e9: {  	v10 =	vld.idx.msk [tilespmem:v10+s1+$0x0], $0xffff  }
0x6ea: {  	v15 =	vld [tilespmem:s22+$0xFFFFFFC0]  }
0x6eb: {  	v9 =	vld.idx.msk [tilespmem:v9+s1+$0x0], $0xffff  }
0x6ec: {  	v16 =	vld [tilespmem:s22+$0xFFFFFFD0]  }
0x6ed: {  	v6 =	vsub.f32 v14, v6;
	v13 =	vld.idx.msk [tilespmem:v13+s1+$0x0], $0xffff  }
0x6ee: {  	v14 =	vld [tilespmem:s22+$0xFFFFFFE0]  }
0x6ef: {  	v6 =	vmul.f32 v6, v6;
	v10 =	vsub.f32 v15, v10;
	v4 =	vld.idx.msk [tilespmem:v4+s1+$0x0], $0xffff  }
0x6f0: {  	v15 =	vld [tilespmem:s22+$0xFFFFFFF0]  }
0x6f1: {  	v3 =	vadd.f32 v6, v3;
	v6 =	vmul.f32 v10, v10;
	v9 =	vsub.f32 v16, v9;
	v5 =	vld.idx.msk [tilespmem:v5+s1+$0x0], $0xffff  }
0x6f2: {  	v10 =	vld [tilespmem:s22+$0x0]  }
0x6f3: {  	v3 =	vadd.f32 v6, v3;
	v6 =	vmul.f32 v9, v9;
	v9 =	vsub.f32 v14, v13;
	v8 =	vld.idx.msk [tilespmem:v8+s1+$0x0], $0xffff  }
0x6f4: {  	v13 =	vld [tilespmem:s22+$0x10]  }
0x6f5: {  	v14 =	vadd.f32 v6, v3;
	v9 =	vmul.f32 v9, v9;
	v4 =	vsub.f32 v15, v4;
	v3 =	vld.idx.msk [tilespmem:v7+s1+$0x0], $0xffff  }
.Ltmp60:
0x6f6: {  	v6 =	vld [tilespmem:s22+$0x20];
	(pc) =	sbr.rel @p0 .LBB2_78-.Ltmp60, $4  }
0x6f7: {  	v9 =	vadd.f32 v9, v14;
	v14 =	vmul.f32 v4, v4;
	v5 =	vsub.f32 v10, v5;
	v4 =	vld.idx.msk [tilespmem:v11+s1+$0x0], $0xffff  }
0x6f8: {  	v7 =	vld [tilespmem:s22+$0x30]  }
0x6f9: {  	v9 =	vadd.f32 v14, v9;
	v10 =	vmul.f32 v5, v5;
	v11 =	vsub.f32 v13, v8;
	v5 =	vld.idx.msk [tilespmem:v12+s1+$0x0], $0xffff  }
0x6fa: {  	s21 =	sadd.s32 $0xA0, s21;
	v8 =	vld [tilespmem:s22+$0x40]  }
0x6fb: {  	v9 =	vadd.f32 v10, v9;
	v61 =	vmul.f32 v11, v11;
	v3 =	vsub.f32 v6, v3;
	_ =	sdelay $0x1  }
0x6fc: {  	v62 =	vadd.f32 v61, v9;
	v3 =	vmul.f32 v3, v3;
	v4 =	vsub.f32 v7, v4  }
0x6fd: {  	v2 =	vshll.u32 v2, $0x4  }
0x6fe: {  	v3 =	vadd.f32 v3, v62;
	v4 =	vmul.f32 v4, v4;
	v5 =	vsub.f32 v8, v5  }
0x6ff: {  	v2 =	vor.u32 v1, v2  }
.Ltmp61:
0x700: {  	v3 =	vadd.f32 v4, v3;
	v63 =	vmul.f32 v5, v5;
	(pc) =	sbr.rel .LBB2_83-.Ltmp61, $3  }
0x701: {  	_ = 	snop  }
0x702: {  	v3 =	vadd.f32 v63, v3;
	_ =	sdelay $0x1  }
0x703: {  	[tilespmem:v2+s12+$0x0] =	vst.idx.add.f32.msk $0xffff, v3  }
.LBB2_80:
0x704: {  	v2 =	vld [tilespmem:s18+$0x40]  }
0x705: {  	v3 =	vld [tilespmem:s18+$0xFFFFFFB0]  }
0x706: {  	v4 =	vld [tilespmem:s18+$0xFFFFFFC0]  }
0x707: {  	v5 =	vld [tilespmem:s18+$0xFFFFFFD0]  }
0x708: {  	v6 =	vld [tilespmem:s18+$0xFFFFFFE0]  }
0x709: {  	v7 =	vld [tilespmem:s18+$0xFFFFFFF0]  }
0x70a: {  	v8 =	vld [tilespmem:s18+$0x0]  }
0x70b: {  	v9 =	vld [tilespmem:s19+$0x40]  }
0x70c: {  	v10 =	vld [tilespmem:s17+$0x40]  }
0x70d: {  	v11 =	vld [tilespmem:s18+$0x10]  }
0x70e: {  	v12 =	vld [tilespmem:s18+$0x20]  }
0x70f: {  	v13 =	vld [tilespmem:s18+$0x30]  }
0x710: {  	v51 =	vld [tilespmem:s17+$0xFFFFFFC0]  }
0x711: {  	v52 =	vld [tilespmem:s19+$0xFFFFFFB0]  }
0x712: {  	v53 =	vld [tilespmem:s17+$0xFFFFFFD0]  }
0x713: {  	v14 =	vld [tilespmem:s17+$0xFFFFFFB0]  }
0x714: {  	v15 =	vld [tilespmem:s17+$0xFFFFFFE0]  }
0x715: {  	v16 =	vld [tilespmem:s19+$0xFFFFFFC0]  }
0x716: {  	v17 =	vld [tilespmem:s17+$0xFFFFFFF0]  }
0x717: {  	v18 =	vld [tilespmem:s17+$0x0]  }
0x718: {  	v19 =	vld [tilespmem:s17+$0x10]  }
0x719: {  	v54 =	vld [tilespmem:s19+$0xFFFFFFD0]  }
0x71a: {  	v20 =	vld [tilespmem:s19+$0xFFFFFFE0]  }
0x71b: {  	v21 =	vld [tilespmem:s19+$0xFFFFFFF0]  }
0x71c: {  	v55 =	vld [tilespmem:s19+$0x10]  }
0x71d: {  	v56 =	vld [tilespmem:s17+$0x20]  }
0x71e: {  	v3 =	vld.idx.msk [tilespmem:v3+s1+$0x0], $0xffff  }
0x71f: {  	v2 =	vld.idx.msk [tilespmem:v2+s1+$0x0], $0xffff  }
0x720: {  	v4 =	vld.idx.msk [tilespmem:v4+s1+$0x0], $0xffff  }
0x721: {  	v49 =	vld.idx.msk [tilespmem:v12+s1+$0x0], $0xffff;
	v12 =	vshll.u32 v52, $0x4  }
0x722: {  	v5 =	vld.idx.msk [tilespmem:v5+s1+$0x0], $0xffff;
	v12 =	vor.u32 v1, v12  }
0x723: {  	v9 =	vshll.u32 v9, $0x4;
	v6 =	vld.idx.msk [tilespmem:v6+s1+$0x0], $0xffff;
	v3 =	vsub.f32 v14, v3  }
0x724: {  	v9 =	vor.u32 v1, v9;
	v7 =	vld.idx.msk [tilespmem:v7+s1+$0x0], $0xffff  }
0x725: {  	v16 =	vshll.u32 v16, $0x4;
	v48 =	vld.idx.msk [tilespmem:v11+s1+$0x0], $0xffff;
	v2 =	vsub.f32 v10, v2;
	v3 =	vmul.f32 v3, v3  }
0x726: {  	v16 =	vor.u32 v1, v16;
	v50 =	vld.idx.msk [tilespmem:v13+s1+$0x0], $0xffff  }
0x727: {  	v4 =	vsub.f32 v51, v4;
	v2 =	vmul.f32 v2, v2;
	[tilespmem:v12+s12+$0x0] =	vst.idx.add.f32.msk $0xffff, v3  }
0x728: {  	v3 =	vld [tilespmem:s19+$0x0]  }
0x729: {  	v4 =	vmul.f32 v4, v4;
	[tilespmem:v9+s12+$0x0] =	vst.idx.add.f32.msk $0xffff, v2  }
0x72a: {  	v57 =	vshll.u32 v54, $0x4;
	v58 =	vshll.u32 v20, $0x4;
	v2 =	vld.idx.msk [tilespmem:v8+s1+$0x0], $0xffff  }
0x72b: {  	v59 =	vshll.u32 v21, $0x4;
	v13 =	vor.u32 v1, v57;
	v5 =	vsub.f32 v53, v5;
	[tilespmem:v16+s12+$0x0] =	vst.idx.add.f32.msk $0xffff, v4  }
0x72c: {  	v6 =	vsub.f32 v15, v6;
	v14 =	vor.u32 v1, v58;
	v7 =	vsub.f32 v17, v7;
	v4 =	vld [tilespmem:s17+$0x30]  }
0x72d: {  	v61 =	vld [tilespmem:s19+$0x30];
	v15 =	vor.u32 v1, v59;
	v63 =	vsub.f32 v56, v49;
	v3 =	vshll.u32 v3, $0x4  }
0x72e: {  	v60 =	vld [tilespmem:s19+$0x20];
	v5 =	vmul.f32 v5, v5;
	v62 =	vor.u32 v1, v3;
	v3 =	vshll.u32 v55, $0x4  }
0x72f: {  	v6 =	vmul.f32 v6, v6;
	v2 =	vsub.f32 v18, v2;
	v11 =	vor.u32 v1, v3  }
0x730: {  	v7 =	vmul.f32 v7, v7;
	[tilespmem:v13+s12+$0x0] =	vst.idx.add.f32.msk $0xffff, v5;
	v3 =	vsub.f32 v19, v48  }
0x731: {  	[tilespmem:v14+s12+$0x0] =	vst.idx.add.f32.msk $0xffff, v6;
	v4 =	vsub.f32 v4, v50;
	v5 =	vmul.f32 v2, v2  }
0x732: {  	[tilespmem:v15+s12+$0x0] =	vst.idx.add.f32.msk $0xffff, v7;
	v7 =	vshll.u32 v61, $0x4;
	v6 =	vmul.f32 v3, v3  }
0x733: {  	s20 =	simm.s32 $0x0;
	v2 =	vmul.f32 v63, v63;
	v3 =	vmul.f32 v4, v4;
	v4 =	vshll.u32 v60, $0x4;
	[tilespmem:v62+s12+$0x0] =	vst.idx.add.f32.msk $0xffff, v5  }
0x734: {  	s21 =	sadd.s32 $0xA0, s18;
	s22 =	smov.u32 s19;
	s23 =	smov.u32 s17;
	v5 =	vor.u32 v1, v4;
	v4 =	vor.u32 v1, v7;
	[tilespmem:v11+s12+$0x0] =	vst.idx.add.f32.msk $0xffff, v6  }
.LBB2_81:
0x735: {  	v6 =	vld [tilespmem:s21+$0x40];
	s20 =	sadd.s32 $0xA, s20  }
0x736: {  	v7 =	vld [tilespmem:s21+$0xFFFFFFB0];
	p0 =	slt.u32 s20, $0x28  }
0x737: {  	v8 =	vld [tilespmem:s21+$0xFFFFFFC0]  }
0x738: {  	v9 =	vld [tilespmem:s21+$0xFFFFFFD0]  }
0x739: {  	v10 =	vld [tilespmem:s21+$0xFFFFFFE0]  }
0x73a: {  	v11 =	vld [tilespmem:s21+$0xFFFFFFF0]  }
0x73b: {  	s22 =	sadd.s32 $0xA0, s22;
	v12 =	vld [tilespmem:s21+$0x0]  }
0x73c: {  	v13 =	vld [tilespmem:s22+$0x40]  }
0x73d: {  	s23 =	sadd.s32 $0xA0, s23;
	v6 =	vld.idx.msk [tilespmem:v6+s1+$0x0], $0xffff  }
0x73e: {  	v14 =	vld [tilespmem:s23+$0x40]  }
0x73f: {  	v15 =	vld [tilespmem:s21+$0x10]  }
0x740: {  	v16 =	vld [tilespmem:s21+$0x20]  }
0x741: {  	v17 =	vld [tilespmem:s21+$0x30];
	v13 =	vshll.u32 v13, $0x4  }
0x742: {  	v7 =	vld.idx.msk [tilespmem:v7+s1+$0x0], $0xffff;
	v13 =	vor.u32 v1, v13  }
0x743: {  	v8 =	vld.idx.msk [tilespmem:v8+s1+$0x0], $0xffff;
	v6 =	vsub.f32 v14, v6  }
0x744: {  	v9 =	vld.idx.msk [tilespmem:v9+s1+$0x0], $0xffff  }
0x745: {  	v10 =	vld.idx.msk [tilespmem:v10+s1+$0x0], $0xffff;
	v6 =	vmul.f32 v6, v6  }
0x746: {  	v11 =	vld.idx.msk [tilespmem:v11+s1+$0x0], $0xffff  }
0x747: {  	[tilespmem:v13+s12+$0x0] =	vst.idx.add.f32.msk $0xffff, v6  }
0x748: {  	v6 =	vld.idx.msk [tilespmem:v12+s1+$0x0], $0xffff  }
0x749: {  	v12 =	vld.idx.msk [tilespmem:v15+s1+$0x0], $0xffff  }
0x74a: {  	v13 =	vld.idx.msk [tilespmem:v16+s1+$0x0], $0xffff  }
0x74b: {  	v14 =	vld.idx.msk [tilespmem:v17+s1+$0x0], $0xffff  }
0x74c: {  	v15 =	vld [tilespmem:s23+$0xFFFFFFC0]  }
0x74d: {  	v16 =	vld [tilespmem:s23+$0xFFFFFFD0]  }
0x74e: {  	v17 =	vld [tilespmem:s23+$0xFFFFFFE0]  }
0x74f: {  	v18 =	vld [tilespmem:s23+$0xFFFFFFF0]  }
0x750: {  	v19 =	vld [tilespmem:s23+$0x0]  }
0x751: {  	v8 =	vsub.f32 v15, v8;
	v15 =	vld [tilespmem:s23+$0x10]  }
0x752: {  	v9 =	vsub.f32 v16, v9;
	v16 =	vld [tilespmem:s23+$0x20]  }
0x753: {  	v8 =	vmul.f32 v8, v8;
	v10 =	vsub.f32 v17, v10;
	v17 =	vld [tilespmem:s23+$0x30]  }
0x754: {  	v20 =	vld [tilespmem:s23+$0xFFFFFFB0];
	v9 =	vmul.f32 v9, v9;
	v11 =	vsub.f32 v18, v11  }
0x755: {  	v18 =	vld [tilespmem:s22+$0xFFFFFFB0];
	v10 =	vmul.f32 v10, v10;
	v6 =	vsub.f32 v19, v6  }
0x756: {  	v19 =	vld [tilespmem:s22+$0xFFFFFFC0];
	v11 =	vmul.f32 v11, v11;
	v12 =	vsub.f32 v15, v12  }
0x757: {  	v15 =	vld [tilespmem:s22+$0xFFFFFFD0];
	v6 =	vmul.f32 v6, v6;
	v13 =	vsub.f32 v16, v13  }
0x758: {  	v16 =	vld [tilespmem:s22+$0xFFFFFFE0];
	v12 =	vmul.f32 v12, v12;
	v14 =	vsub.f32 v17, v14  }
0x759: {  	v7 =	vsub.f32 v20, v7;
	v17 =	vld [tilespmem:s22+$0xFFFFFFF0];
	v13 =	vmul.f32 v13, v13  }
0x75a: {  	v18 =	vshll.u32 v18, $0x4;
	v20 =	vld [tilespmem:s22+$0x0];
	v14 =	vmul.f32 v14, v14  }
0x75b: {  	v7 =	vmul.f32 v7, v7;
	v18 =	vor.u32 v1, v18;
	v19 =	vshll.u32 v19, $0x4;
	v21 =	vld [tilespmem:s22+$0x10]  }
0x75c: {  	v19 =	vor.u32 v1, v19;
	v15 =	vshll.u32 v15, $0x4;
	v22 =	vld [tilespmem:s22+$0x20]  }
0x75d: {  	v15 =	vor.u32 v1, v15;
	v16 =	vshll.u32 v16, $0x4;
	v23 =	vld [tilespmem:s22+$0x30]  }
0x75e: {  	v16 =	vor.u32 v1, v16;
	v17 =	vshll.u32 v17, $0x4;
	[tilespmem:v5+s12+$0x0] =	vst.idx.add.f32.msk $0xffff, v2;
	v2 =	vmov v13  }
0x75f: {  	v13 =	vor.u32 v1, v17;
	v5 =	vshll.u32 v20, $0x4;
	[tilespmem:v4+s12+$0x0] =	vst.idx.add.f32.msk $0xffff, v3;
	v3 =	vmov v14  }
0x760: {  	[tilespmem:v18+s12+$0x0] =	vst.idx.add.f32.msk $0xffff, v7;
	v7 =	vor.u32 v1, v5;
	v4 =	vshll.u32 v21, $0x4  }
0x761: {  	[tilespmem:v19+s12+$0x0] =	vst.idx.add.f32.msk $0xffff, v8;
	v8 =	vor.u32 v1, v4;
	v4 =	vshll.u32 v22, $0x4  }
.Ltmp62:
0x762: {  	[tilespmem:v15+s12+$0x0] =	vst.idx.add.f32.msk $0xffff, v9;
	v5 =	vor.u32 v1, v4;
	v4 =	vshll.u32 v23, $0x4;
	(pc) =	sbr.rel @p0 .LBB2_81-.Ltmp62, $4  }
0x763: {  	[tilespmem:v16+s12+$0x0] =	vst.idx.add.f32.msk $0xffff, v10;
	v4 =	vor.u32 v1, v4  }
0x764: {  	[tilespmem:v13+s12+$0x0] =	vst.idx.add.f32.msk $0xffff, v11  }
0x765: {  	[tilespmem:v7+s12+$0x0] =	vst.idx.add.f32.msk $0xffff, v6  }
0x766: {  	s21 =	sadd.s32 $0xA0, s21;
	[tilespmem:v8+s12+$0x0] =	vst.idx.add.f32.msk $0xffff, v12  }
.Ltmp63:
0x767: {  	_ = 	snop;
	(pc) =	sbr.rel .LBB2_82-.Ltmp63, $1  }
0x768: {  	_ =	sdelay $0x3  }
.LBB2_84:
0x769: {  	_ =	swait.ge [sflag:s13], $0x4E20  }
0x76a: {  	[sflag:s13] =	ssyncset.done $0x0  }
0x76b: {  	[sflag:s13] =	ssyncadd.s32 $0xFFFFB1E0  }
0x76c: {  	_ =	swait.ge [sflag:s13], $0x4E20  }
.Ltmp64:
0x76d: {  	[sflag:s13] =	ssyncset.done $0x0;
	(pc) =	sbr.rel .LBB2_85-.Ltmp64, $4  }
0x76e: {  	[sflag:s13] =	ssyncadd.s32 $0xFFFFB1E0  }
0x76f: {  	_ =	swait.ge [sflag:s13], $0x4E20  }
0x770: {  	s16 =	simm.s32 $0x0;
	s17 =	simm.s32 $0xEC50;
	[sflag:s13] =	ssyncset.done $0x0  }
0x771: {  	s18 =	simm.s32 $0x13AD0;
	s19 =	simm.s32 $0x18950;
	[sflag:s13] =	ssyncadd.s32 $0xFFFFB1E0  }
.LBB2_91:
0x772: {  	_ =	sdelay $0x3  }
0x773: {  	[tilespmem:v5+s12+$0x0] =	vst.idx.add.f32.msk $0xffff, v2  }
0x774: {  	[tilespmem:v4+s12+$0x0] =	vst.idx.add.f32.msk $0xffff, v3  }
.LBB2_92:
0x775: {  	s16 =	sadd.s32 $0x1, s16  }
0x776: {  	p0 =	sne.s32 s16, $0x19  }
.Ltmp65:
0x777: {  	_ = 	snop;
	(pc) =	sbr.rel @!p0 .LBB2_93-.Ltmp65, $2  }
0x778: {  	_ =	sdelay $0x2  }
0x779: {  	s17 =	sadd.s32 $0x320, s17;
	s18 =	sadd.s32 $0x320, s18;
	s19 =	sadd.s32 $0x320, s19  }
.LBB2_85:
0x77a: {  	s20 =	smul.u32 $0x320, s16;
	_ =	sdelay $0x1  }
0x77b: {  	v2 =	vld [tilespmem:s20+$0x18900]  }
0x77c: {  	v3 =	vld [tilespmem:s20+$0x18C10];
	_ =	sdelay $0x3  }
0x77d: {  	(v2sf) =	vpush v2, $0x0  }
0x77e: {  	(v2sf) =	vpush v3, $0xF;
	_ =	sdelay $0xd  }
0x77f: {  	s23 =	spop (v2sf)  }
0x780: {  	s21 =	spop (v2sf)  }
0x781: {  	p0 =	sne.s32 s23, s21  }
.Ltmp66:
0x782: {  	_ = 	snop;
	(pc) =	sbr.rel @p0 .LBB2_89-.Ltmp66, $2  }
0x783: {  	_ =	sdelay $0x2  }
0x784: {  	s20 =	simm.s32 $0xFFFFFFF6;
	v3 =	vimm.f32 $0.0e+00  }
0x785: {  	v5 =	vld [tilespmem:s18+$0x40]  }
0x786: {  	v4 =	vld [tilespmem:s18+$0x30]  }
0x787: {  	v6 =	vld [tilespmem:s18+$0xFFFFFFB0]  }
0x788: {  	v7 =	vld [tilespmem:s18+$0x20]  }
0x789: {  	v8 =	vld [tilespmem:s18+$0xFFFFFFC0]  }
0x78a: {  	v9 =	vld [tilespmem:s18+$0x10]  }
0x78b: {  	v10 =	vld [tilespmem:s18+$0xFFFFFFD0]  }
0x78c: {  	v11 =	vld [tilespmem:s18+$0x0]  }
0x78d: {  	v12 =	vld [tilespmem:s18+$0xFFFFFFE0]  }
0x78e: {  	v13 =	vld [tilespmem:s18+$0xFFFFFFF0]  }
0x78f: {  	v14 =	vld [tilespmem:s17+$0xFFFFFFB0]  }
0x790: {  	v6 =	vld.idx.msk [tilespmem:v6+s1+$0x0], $0xffff  }
0x791: {  	v15 =	vld [tilespmem:s17+$0xFFFFFFC0]  }
0x792: {  	v8 =	vld.idx.msk [tilespmem:v8+s1+$0x0], $0xffff  }
0x793: {  	v16 =	vld [tilespmem:s17+$0xFFFFFFD0]  }
0x794: {  	v10 =	vld.idx.msk [tilespmem:v10+s1+$0x0], $0xffff  }
0x795: {  	v60 =	vld [tilespmem:s17+$0xFFFFFFE0];
	v6 =	vsub.f32 v14, v6  }
0x796: {  	v12 =	vld.idx.msk [tilespmem:v12+s1+$0x0], $0xffff  }
0x797: {  	v61 =	vld [tilespmem:s17+$0xFFFFFFF0];
	v8 =	vsub.f32 v15, v8;
	v6 =	vmul.f32 v6, v6  }
0x798: {  	v13 =	vld.idx.msk [tilespmem:v13+s1+$0x0], $0xffff  }
0x799: {  	v11 =	vld.idx.msk [tilespmem:v11+s1+$0x0], $0xffff;
	v3 =	vadd.f32 v6, v3;
	v6 =	vmul.f32 v8, v8;
	v8 =	vsub.f32 v16, v10  }
0x79a: {  	v10 =	vld [tilespmem:s17+$0x0]  }
0x79b: {  	v62 =	vld.idx.msk [tilespmem:v9+s1+$0x0], $0xffff;
	v9 =	vsub.f32 v60, v12;
	v6 =	vadd.f32 v6, v3;
	v8 =	vmul.f32 v8, v8  }
0x79c: {  	v63 =	vld [tilespmem:s17+$0x10]  }
0x79d: {  	v3 =	vld.idx.msk [tilespmem:v7+s1+$0x0], $0xffff;
	v7 =	vadd.f32 v8, v6;
	v8 =	vmul.f32 v9, v9;
	v9 =	vsub.f32 v61, v13  }
0x79e: {  	v6 =	vld [tilespmem:s17+$0x20]  }
0x79f: {  	v4 =	vld.idx.msk [tilespmem:v4+s1+$0x0], $0xffff;
	v10 =	vsub.f32 v10, v11;
	v8 =	vadd.f32 v8, v7;
	v9 =	vmul.f32 v9, v9  }
0x7a0: {  	v7 =	vld [tilespmem:s17+$0x30]  }
0x7a1: {  	v5 =	vld.idx.msk [tilespmem:v5+s1+$0x0], $0xffff;
	v11 =	vsub.f32 v63, v62;
	v10 =	vmul.f32 v10, v10;
	v9 =	vadd.f32 v9, v8  }
0x7a2: {  	s20 =	sadd.s32 $0xA, s20;
	s21 =	sadd.s32 $0xA0, s18;
	s22 =	smov.u32 s17;
	v8 =	vld [tilespmem:s17+$0x40]  }
.LBB2_87:
0x7a3: {  	v12 =	vld [tilespmem:s21+$0x40];
	v9 =	vadd.f32 v10, v9;
	v10 =	vmul.f32 v11, v11;
	v3 =	vsub.f32 v6, v3  }
0x7a4: {  	v11 =	vld [tilespmem:s21+$0x30]  }
0x7a5: {  	s20 =	sadd.s32 $0xA, s20;
	v6 =	vld [tilespmem:s21+$0xFFFFFFB0];
	v9 =	vadd.f32 v10, v9;
	v3 =	vmul.f32 v3, v3;
	v4 =	vsub.f32 v7, v4  }
0x7a6: {  	p0 =	slt.u32 s20, $0x28;
	v7 =	vld [tilespmem:s21+$0x20]  }
0x7a7: {  	v10 =	vld [tilespmem:s21+$0xFFFFFFC0];
	v3 =	vadd.f32 v3, v9;
	v4 =	vmul.f32 v4, v4;
	v5 =	vsub.f32 v8, v5  }
0x7a8: {  	v8 =	vld [tilespmem:s21+$0x10]  }
0x7a9: {  	v9 =	vld [tilespmem:s21+$0xFFFFFFD0];
	v3 =	vadd.f32 v4, v3;
	v4 =	vmul.f32 v5, v5  }
0x7aa: {  	v5 =	vld [tilespmem:s21+$0x0]  }
0x7ab: {  	v13 =	vld [tilespmem:s21+$0xFFFFFFE0];
	v3 =	vadd.f32 v4, v3  }
0x7ac: {  	v4 =	vld [tilespmem:s21+$0xFFFFFFF0]  }
0x7ad: {  	s22 =	sadd.s32 $0xA0, s22;
	v6 =	vld.idx.msk [tilespmem:v6+s1+$0x0], $0xffff  }
0x7ae: {  	v14 =	vld [tilespmem:s22+$0xFFFFFFB0]  }
0x7af: {  	v10 =	vld.idx.msk [tilespmem:v10+s1+$0x0], $0xffff  }
0x7b0: {  	v15 =	vld [tilespmem:s22+$0xFFFFFFC0]  }
0x7b1: {  	v9 =	vld.idx.msk [tilespmem:v9+s1+$0x0], $0xffff  }
0x7b2: {  	v16 =	vld [tilespmem:s22+$0xFFFFFFD0]  }
0x7b3: {  	v6 =	vsub.f32 v14, v6;
	v13 =	vld.idx.msk [tilespmem:v13+s1+$0x0], $0xffff  }
0x7b4: {  	v14 =	vld [tilespmem:s22+$0xFFFFFFE0]  }
0x7b5: {  	v6 =	vmul.f32 v6, v6;
	v10 =	vsub.f32 v15, v10;
	v4 =	vld.idx.msk [tilespmem:v4+s1+$0x0], $0xffff  }
0x7b6: {  	v15 =	vld [tilespmem:s22+$0xFFFFFFF0]  }
0x7b7: {  	v3 =	vadd.f32 v6, v3;
	v6 =	vmul.f32 v10, v10;
	v9 =	vsub.f32 v16, v9;
	v5 =	vld.idx.msk [tilespmem:v5+s1+$0x0], $0xffff  }
0x7b8: {  	v10 =	vld [tilespmem:s22+$0x0]  }
0x7b9: {  	v3 =	vadd.f32 v6, v3;
	v6 =	vmul.f32 v9, v9;
	v9 =	vsub.f32 v14, v13;
	v8 =	vld.idx.msk [tilespmem:v8+s1+$0x0], $0xffff  }
0x7ba: {  	v13 =	vld [tilespmem:s22+$0x10]  }
0x7bb: {  	v14 =	vadd.f32 v6, v3;
	v9 =	vmul.f32 v9, v9;
	v4 =	vsub.f32 v15, v4;
	v3 =	vld.idx.msk [tilespmem:v7+s1+$0x0], $0xffff  }
.Ltmp67:
0x7bc: {  	v6 =	vld [tilespmem:s22+$0x20];
	(pc) =	sbr.rel @p0 .LBB2_87-.Ltmp67, $4  }
0x7bd: {  	v9 =	vadd.f32 v9, v14;
	v14 =	vmul.f32 v4, v4;
	v5 =	vsub.f32 v10, v5;
	v4 =	vld.idx.msk [tilespmem:v11+s1+$0x0], $0xffff  }
0x7be: {  	v7 =	vld [tilespmem:s22+$0x30]  }
0x7bf: {  	v9 =	vadd.f32 v14, v9;
	v10 =	vmul.f32 v5, v5;
	v11 =	vsub.f32 v13, v8;
	v5 =	vld.idx.msk [tilespmem:v12+s1+$0x0], $0xffff  }
0x7c0: {  	s21 =	sadd.s32 $0xA0, s21;
	v8 =	vld [tilespmem:s22+$0x40]  }
0x7c1: {  	v9 =	vadd.f32 v10, v9;
	v61 =	vmul.f32 v11, v11;
	v3 =	vsub.f32 v6, v3;
	_ =	sdelay $0x1  }
0x7c2: {  	v62 =	vadd.f32 v61, v9;
	v3 =	vmul.f32 v3, v3;
	v4 =	vsub.f32 v7, v4  }
0x7c3: {  	v2 =	vshll.u32 v2, $0x4  }
0x7c4: {  	v3 =	vadd.f32 v3, v62;
	v4 =	vmul.f32 v4, v4;
	v5 =	vsub.f32 v8, v5  }
0x7c5: {  	v2 =	vor.u32 v1, v2  }
.Ltmp68:
0x7c6: {  	v3 =	vadd.f32 v4, v3;
	v63 =	vmul.f32 v5, v5;
	(pc) =	sbr.rel .LBB2_92-.Ltmp68, $3  }
0x7c7: {  	_ = 	snop  }
0x7c8: {  	v3 =	vadd.f32 v63, v3;
	_ =	sdelay $0x1  }
0x7c9: {  	[tilespmem:v2+s12+$0x0] =	vst.idx.add.f32.msk $0xffff, v3  }
.LBB2_89:
0x7ca: {  	v2 =	vld [tilespmem:s18+$0x40]  }
0x7cb: {  	v3 =	vld [tilespmem:s18+$0xFFFFFFB0]  }
0x7cc: {  	v4 =	vld [tilespmem:s18+$0xFFFFFFC0]  }
0x7cd: {  	v5 =	vld [tilespmem:s18+$0xFFFFFFD0]  }
0x7ce: {  	v6 =	vld [tilespmem:s18+$0xFFFFFFE0]  }
0x7cf: {  	v7 =	vld [tilespmem:s18+$0xFFFFFFF0]  }
0x7d0: {  	v8 =	vld [tilespmem:s18+$0x0]  }
0x7d1: {  	v9 =	vld [tilespmem:s19+$0x40]  }
0x7d2: {  	v10 =	vld [tilespmem:s17+$0x40]  }
0x7d3: {  	v11 =	vld [tilespmem:s18+$0x10]  }
0x7d4: {  	v12 =	vld [tilespmem:s18+$0x20]  }
0x7d5: {  	v13 =	vld [tilespmem:s18+$0x30]  }
0x7d6: {  	v51 =	vld [tilespmem:s17+$0xFFFFFFC0]  }
0x7d7: {  	v52 =	vld [tilespmem:s19+$0xFFFFFFB0]  }
0x7d8: {  	v53 =	vld [tilespmem:s17+$0xFFFFFFD0]  }
0x7d9: {  	v14 =	vld [tilespmem:s17+$0xFFFFFFB0]  }
0x7da: {  	v15 =	vld [tilespmem:s17+$0xFFFFFFE0]  }
0x7db: {  	v16 =	vld [tilespmem:s19+$0xFFFFFFC0]  }
0x7dc: {  	v17 =	vld [tilespmem:s17+$0xFFFFFFF0]  }
0x7dd: {  	v18 =	vld [tilespmem:s17+$0x0]  }
0x7de: {  	v19 =	vld [tilespmem:s17+$0x10]  }
0x7df: {  	v54 =	vld [tilespmem:s19+$0xFFFFFFD0]  }
0x7e0: {  	v20 =	vld [tilespmem:s19+$0xFFFFFFE0]  }
0x7e1: {  	v21 =	vld [tilespmem:s19+$0xFFFFFFF0]  }
0x7e2: {  	v55 =	vld [tilespmem:s19+$0x10]  }
0x7e3: {  	v56 =	vld [tilespmem:s17+$0x20]  }
0x7e4: {  	v3 =	vld.idx.msk [tilespmem:v3+s1+$0x0], $0xffff  }
0x7e5: {  	v2 =	vld.idx.msk [tilespmem:v2+s1+$0x0], $0xffff  }
0x7e6: {  	v4 =	vld.idx.msk [tilespmem:v4+s1+$0x0], $0xffff  }
0x7e7: {  	v49 =	vld.idx.msk [tilespmem:v12+s1+$0x0], $0xffff;
	v12 =	vshll.u32 v52, $0x4  }
0x7e8: {  	v5 =	vld.idx.msk [tilespmem:v5+s1+$0x0], $0xffff;
	v12 =	vor.u32 v1, v12  }
0x7e9: {  	v9 =	vshll.u32 v9, $0x4;
	v6 =	vld.idx.msk [tilespmem:v6+s1+$0x0], $0xffff;
	v3 =	vsub.f32 v14, v3  }
0x7ea: {  	v9 =	vor.u32 v1, v9;
	v7 =	vld.idx.msk [tilespmem:v7+s1+$0x0], $0xffff  }
0x7eb: {  	v16 =	vshll.u32 v16, $0x4;
	v48 =	vld.idx.msk [tilespmem:v11+s1+$0x0], $0xffff;
	v2 =	vsub.f32 v10, v2;
	v3 =	vmul.f32 v3, v3  }
0x7ec: {  	v16 =	vor.u32 v1, v16;
	v50 =	vld.idx.msk [tilespmem:v13+s1+$0x0], $0xffff  }
0x7ed: {  	v4 =	vsub.f32 v51, v4;
	v2 =	vmul.f32 v2, v2;
	[tilespmem:v12+s12+$0x0] =	vst.idx.add.f32.msk $0xffff, v3  }
0x7ee: {  	v3 =	vld [tilespmem:s19+$0x0]  }
0x7ef: {  	v4 =	vmul.f32 v4, v4;
	[tilespmem:v9+s12+$0x0] =	vst.idx.add.f32.msk $0xffff, v2  }
0x7f0: {  	v57 =	vshll.u32 v54, $0x4;
	v58 =	vshll.u32 v20, $0x4;
	v2 =	vld.idx.msk [tilespmem:v8+s1+$0x0], $0xffff  }
0x7f1: {  	v59 =	vshll.u32 v21, $0x4;
	v13 =	vor.u32 v1, v57;
	v5 =	vsub.f32 v53, v5;
	[tilespmem:v16+s12+$0x0] =	vst.idx.add.f32.msk $0xffff, v4  }
0x7f2: {  	v6 =	vsub.f32 v15, v6;
	v14 =	vor.u32 v1, v58;
	v7 =	vsub.f32 v17, v7;
	v4 =	vld [tilespmem:s17+$0x30]  }
0x7f3: {  	v61 =	vld [tilespmem:s19+$0x30];
	v15 =	vor.u32 v1, v59;
	v63 =	vsub.f32 v56, v49;
	v3 =	vshll.u32 v3, $0x4  }
0x7f4: {  	v60 =	vld [tilespmem:s19+$0x20];
	v5 =	vmul.f32 v5, v5;
	v62 =	vor.u32 v1, v3;
	v3 =	vshll.u32 v55, $0x4  }
0x7f5: {  	v6 =	vmul.f32 v6, v6;
	v2 =	vsub.f32 v18, v2;
	v11 =	vor.u32 v1, v3  }
0x7f6: {  	v7 =	vmul.f32 v7, v7;
	[tilespmem:v13+s12+$0x0] =	vst.idx.add.f32.msk $0xffff, v5;
	v3 =	vsub.f32 v19, v48  }
0x7f7: {  	[tilespmem:v14+s12+$0x0] =	vst.idx.add.f32.msk $0xffff, v6;
	v4 =	vsub.f32 v4, v50;
	v5 =	vmul.f32 v2, v2  }
0x7f8: {  	[tilespmem:v15+s12+$0x0] =	vst.idx.add.f32.msk $0xffff, v7;
	v7 =	vshll.u32 v61, $0x4;
	v6 =	vmul.f32 v3, v3  }
0x7f9: {  	s20 =	simm.s32 $0x0;
	v2 =	vmul.f32 v63, v63;
	v3 =	vmul.f32 v4, v4;
	v4 =	vshll.u32 v60, $0x4;
	[tilespmem:v62+s12+$0x0] =	vst.idx.add.f32.msk $0xffff, v5  }
0x7fa: {  	s21 =	sadd.s32 $0xA0, s18;
	s22 =	smov.u32 s19;
	s23 =	smov.u32 s17;
	v5 =	vor.u32 v1, v4;
	v4 =	vor.u32 v1, v7;
	[tilespmem:v11+s12+$0x0] =	vst.idx.add.f32.msk $0xffff, v6  }
.LBB2_90:
0x7fb: {  	v6 =	vld [tilespmem:s21+$0x40];
	s20 =	sadd.s32 $0xA, s20  }
0x7fc: {  	v7 =	vld [tilespmem:s21+$0xFFFFFFB0];
	p0 =	slt.u32 s20, $0x28  }
0x7fd: {  	v8 =	vld [tilespmem:s21+$0xFFFFFFC0]  }
0x7fe: {  	v9 =	vld [tilespmem:s21+$0xFFFFFFD0]  }
0x7ff: {  	v10 =	vld [tilespmem:s21+$0xFFFFFFE0]  }
0x800: {  	v11 =	vld [tilespmem:s21+$0xFFFFFFF0]  }
0x801: {  	s22 =	sadd.s32 $0xA0, s22;
	v12 =	vld [tilespmem:s21+$0x0]  }
0x802: {  	v13 =	vld [tilespmem:s22+$0x40]  }
0x803: {  	s23 =	sadd.s32 $0xA0, s23;
	v6 =	vld.idx.msk [tilespmem:v6+s1+$0x0], $0xffff  }
0x804: {  	v14 =	vld [tilespmem:s23+$0x40]  }
0x805: {  	v15 =	vld [tilespmem:s21+$0x10]  }
0x806: {  	v16 =	vld [tilespmem:s21+$0x20]  }
0x807: {  	v17 =	vld [tilespmem:s21+$0x30];
	v13 =	vshll.u32 v13, $0x4  }
0x808: {  	v7 =	vld.idx.msk [tilespmem:v7+s1+$0x0], $0xffff;
	v13 =	vor.u32 v1, v13  }
0x809: {  	v8 =	vld.idx.msk [tilespmem:v8+s1+$0x0], $0xffff;
	v6 =	vsub.f32 v14, v6  }
0x80a: {  	v9 =	vld.idx.msk [tilespmem:v9+s1+$0x0], $0xffff  }
0x80b: {  	v10 =	vld.idx.msk [tilespmem:v10+s1+$0x0], $0xffff;
	v6 =	vmul.f32 v6, v6  }
0x80c: {  	v11 =	vld.idx.msk [tilespmem:v11+s1+$0x0], $0xffff  }
0x80d: {  	[tilespmem:v13+s12+$0x0] =	vst.idx.add.f32.msk $0xffff, v6  }
0x80e: {  	v6 =	vld.idx.msk [tilespmem:v12+s1+$0x0], $0xffff  }
0x80f: {  	v12 =	vld.idx.msk [tilespmem:v15+s1+$0x0], $0xffff  }
0x810: {  	v13 =	vld.idx.msk [tilespmem:v16+s1+$0x0], $0xffff  }
0x811: {  	v14 =	vld.idx.msk [tilespmem:v17+s1+$0x0], $0xffff  }
0x812: {  	v15 =	vld [tilespmem:s23+$0xFFFFFFC0]  }
0x813: {  	v16 =	vld [tilespmem:s23+$0xFFFFFFD0]  }
0x814: {  	v17 =	vld [tilespmem:s23+$0xFFFFFFE0]  }
0x815: {  	v18 =	vld [tilespmem:s23+$0xFFFFFFF0]  }
0x816: {  	v19 =	vld [tilespmem:s23+$0x0]  }
0x817: {  	v8 =	vsub.f32 v15, v8;
	v15 =	vld [tilespmem:s23+$0x10]  }
0x818: {  	v9 =	vsub.f32 v16, v9;
	v16 =	vld [tilespmem:s23+$0x20]  }
0x819: {  	v8 =	vmul.f32 v8, v8;
	v10 =	vsub.f32 v17, v10;
	v17 =	vld [tilespmem:s23+$0x30]  }
0x81a: {  	v20 =	vld [tilespmem:s23+$0xFFFFFFB0];
	v9 =	vmul.f32 v9, v9;
	v11 =	vsub.f32 v18, v11  }
0x81b: {  	v18 =	vld [tilespmem:s22+$0xFFFFFFB0];
	v10 =	vmul.f32 v10, v10;
	v6 =	vsub.f32 v19, v6  }
0x81c: {  	v19 =	vld [tilespmem:s22+$0xFFFFFFC0];
	v11 =	vmul.f32 v11, v11;
	v12 =	vsub.f32 v15, v12  }
0x81d: {  	v15 =	vld [tilespmem:s22+$0xFFFFFFD0];
	v6 =	vmul.f32 v6, v6;
	v13 =	vsub.f32 v16, v13  }
0x81e: {  	v16 =	vld [tilespmem:s22+$0xFFFFFFE0];
	v12 =	vmul.f32 v12, v12;
	v14 =	vsub.f32 v17, v14  }
0x81f: {  	v7 =	vsub.f32 v20, v7;
	v17 =	vld [tilespmem:s22+$0xFFFFFFF0];
	v13 =	vmul.f32 v13, v13  }
0x820: {  	v18 =	vshll.u32 v18, $0x4;
	v20 =	vld [tilespmem:s22+$0x0];
	v14 =	vmul.f32 v14, v14  }
0x821: {  	v7 =	vmul.f32 v7, v7;
	v18 =	vor.u32 v1, v18;
	v19 =	vshll.u32 v19, $0x4;
	v21 =	vld [tilespmem:s22+$0x10]  }
0x822: {  	v19 =	vor.u32 v1, v19;
	v15 =	vshll.u32 v15, $0x4;
	v22 =	vld [tilespmem:s22+$0x20]  }
0x823: {  	v15 =	vor.u32 v1, v15;
	v16 =	vshll.u32 v16, $0x4;
	v23 =	vld [tilespmem:s22+$0x30]  }
0x824: {  	v16 =	vor.u32 v1, v16;
	v17 =	vshll.u32 v17, $0x4;
	[tilespmem:v5+s12+$0x0] =	vst.idx.add.f32.msk $0xffff, v2;
	v2 =	vmov v13  }
0x825: {  	v13 =	vor.u32 v1, v17;
	v5 =	vshll.u32 v20, $0x4;
	[tilespmem:v4+s12+$0x0] =	vst.idx.add.f32.msk $0xffff, v3;
	v3 =	vmov v14  }
0x826: {  	[tilespmem:v18+s12+$0x0] =	vst.idx.add.f32.msk $0xffff, v7;
	v7 =	vor.u32 v1, v5;
	v4 =	vshll.u32 v21, $0x4  }
0x827: {  	[tilespmem:v19+s12+$0x0] =	vst.idx.add.f32.msk $0xffff, v8;
	v8 =	vor.u32 v1, v4;
	v4 =	vshll.u32 v22, $0x4  }
.Ltmp69:
0x828: {  	[tilespmem:v15+s12+$0x0] =	vst.idx.add.f32.msk $0xffff, v9;
	v5 =	vor.u32 v1, v4;
	v4 =	vshll.u32 v23, $0x4;
	(pc) =	sbr.rel @p0 .LBB2_90-.Ltmp69, $4  }
0x829: {  	[tilespmem:v16+s12+$0x0] =	vst.idx.add.f32.msk $0xffff, v10;
	v4 =	vor.u32 v1, v4  }
0x82a: {  	[tilespmem:v13+s12+$0x0] =	vst.idx.add.f32.msk $0xffff, v11  }
0x82b: {  	[tilespmem:v7+s12+$0x0] =	vst.idx.add.f32.msk $0xffff, v6  }
0x82c: {  	s21 =	sadd.s32 $0xA0, s21;
	[tilespmem:v8+s12+$0x0] =	vst.idx.add.f32.msk $0xffff, v12  }
.Ltmp70:
0x82d: {  	_ = 	snop;
	(pc) =	sbr.rel .LBB2_91-.Ltmp70, $1  }
0x82e: {  	_ =	sdelay $0x3  }
.LBB2_93:
0x82f: {  	s18 =	simm.s32 $0x1D7C0  }
0x830: {  	v2 =	vld [tilespmem:s18+$0x30];
	_ =	sdelay $0x1  }
0x831: {  	v3 =	vld [tilespmem:s18+$0xFFFFFFC0];
	_ =	sdelay $0x1  }
0x832: {  	v4 =	vld [tilespmem:s18+$0x20]  }
0x833: {  	(xrf2) =	vadd.scan.msk.f32 $0xffff, v2;
	_ =	sdelay $0x1  }
0x834: {  	v2 =	vld [tilespmem:s18+$0x10];
	(xrf2) =	vadd.scan.msk.f32 $0xffff, v3;
	_ =	sdelay $0x1  }
0x835: {  	(xrf2) =	vadd.scan.msk.f32 $0xffff, v4  }
0x836: {  	s16 =	simm.s32 $0x0;
	v4 =	vld [tilespmem:s18+$0xFFFFFFF0]  }
0x837: {  	v3 =	vmov s16  }
0x838: {  	s17 =	simm.s32 $0x7;
	v3 =	vand.u32 $0xFFFFFFF8, v3;
	(xrf2) =	vadd.scan.msk.f32 $0xffff, v2  }
0x839: {  	v5 =	vld [tilespmem:s18+$0x0];
	v6 =	vbroadcast v3, $0x0;
	v3 =	vmov s17;
	_ =	sdelay $0x1  }
0x83a: {  	v7 =	vld [tilespmem:s18+$0xFFFFFFE0];
	(xrf2) =	vadd.scan.msk.f32 $0xffff, v4;
	v8, _, _ =	vpop (xrf2)  }
0x83b: {  	s19 =	simm.s32 $0x5;
	v8 =	vbroadcast v8, $0xF  }
0x83c: {  	v4 =	vmov s19;
	v2, _, _ =	vpop (xrf2)  }
0x83d: {  	s23 =	simm.s32 $0x6;
	(xrf2) =	vadd.scan.msk.f32 $0xffff, v5;
	v10 =	vbroadcast v2, $0xF;
	[tilespmem:v3+s14+$0x0] =	vst.idx.msk $0x1, v8;
	v3 =	vand.u32 $0xFFFFFFFD, v4  }
0x83e: {  	v9 =	vmov s23;
	v63, _, _ =	vpop (xrf2);
	v4 =	vld [tilespmem:s18+$0xFFFFFFD0];
	v5 =	vbroadcast v3, $0x0  }
0x83f: {  	s17 =	simm.s32 $0x8;
	v2 =	vand.u32 $0xFFFFFFFE, v9;
	(xrf2) =	vadd.scan.msk.f32 $0xffff, v7;
	s18 =	simm.s32 $0x1D840;
	v3 =	vbroadcast v63, $0xF;
	[tilespmem:v6+s14+$0x0] =	vst.idx.msk $0x1, v10  }
.LBB2_94:
0x840: {  	p0 =	slt.u32 s17, $0x1F8  }
0x841: {  	v6 =	vld [tilespmem:s18+$0x30];
	s19 =	sadd.s32 $0x3, s16;
	v7, _, _ =	vpop (xrf2);
	s20 =	smov.u32 s17;
	s17 =	sadd.s32 $0x8, s17  }
0x842: {  	v8 =	vld [tilespmem:s18+$0x10];
	v9 =	vmov s19;
	s19 =	sadd.s32 $0x4, s16;
	v7 =	vbroadcast v7, $0xF  }
0x843: {  	v10 =	vld [tilespmem:s18+$0x20];
	v9 =	vand.u32 $0xFFFFFFFB, v9;
	v11 =	vmov s19;
	(xrf2) =	vadd.scan.msk.f32 $0xffff, v4  }
0x844: {  	v12 =	vld [tilespmem:s18+$0xFFFFFFC0];
	v9 =	vbroadcast v9, $0x0;
	v4 =	vand.u32 $0xFFFFFFFC, v11;
	[tilespmem:v5+s14+$0x0] =	vst.idx.msk $0x1, v7;
	v5, _, _ =	vpop (xrf2)  }
0x845: {  	v7 =	vld [tilespmem:s18+$0xFFFFFFF0];
	v11 =	vbroadcast v4, $0x0  }
0x846: {  	s19 =	sadd.s32 $0x2, s16;
	v13 =	vld [tilespmem:s18+$0xFFFFFFE0];
	(xrf2) =	vadd.scan.msk.f32 $0xffff, v6  }
0x847: {  	s21 =	sadd.s32 $0x1, s16;
	v14 =	vbroadcast v2, $0x0;
	s16 =	smov.u32 s20;
	v6 =	vmov s19;
	v4 =	vld [tilespmem:s18+$0xFFFFFFD0];
	v2, _, _ =	vpop (xrf2)  }
0x848: {  	v15 =	vbroadcast v5, $0xF;
	v6 =	vand.u32 $0xFFFFFFFA, v6;
	v2 =	vbroadcast v2, $0xF  }
0x849: {  	v6 =	vbroadcast v6, $0x0;
	(xrf2) =	vadd.scan.msk.f32 $0xffff, v12;
	v12 =	vmov s21  }
0x84a: {  	s19 =	sadd.s32 $0x6, s16;
	v12 =	vand.u32 $0xFFFFFFF9, v12;
	[tilespmem:v9+s14+$0x0] =	vst.idx.msk $0x1, v15;
	v5, _, _ =	vpop (xrf2)  }
0x84b: {  	v15 =	vmov s19;
	v9 =	vld [tilespmem:s18+$0x0];
	v12 =	vbroadcast v12, $0x0;
	[tilespmem:v11+s14+$0x0] =	vst.idx.msk $0x1, v2  }
0x84c: {  	v2 =	vand.u32 $0xFFFFFFFE, v15;
	(xrf2) =	vadd.scan.msk.f32 $0xffff, v10  }
0x84d: {  	v15 =	vbroadcast v5, $0xF;
	v10 =	vmov s16;
	[tilespmem:v14+s14+$0x0] =	vst.idx.msk $0x1, v3;
	v3, _, _ =	vpop (xrf2)  }
0x84e: {  	s19 =	sadd.s32 $0x7, s16;
	v10 =	vand.u32 $0xFFFFFFF8, v10;
	v3 =	vbroadcast v3, $0xF  }
0x84f: {  	v11 =	vmov s19;
	v10 =	vbroadcast v10, $0x0;
	(xrf2) =	vadd.scan.msk.f32 $0xffff, v8;
	[tilespmem:v6+s14+$0x0] =	vst.idx.msk $0x1, v15  }
0x850: {  	v5, _, _ =	vpop (xrf2)  }
0x851: {  	v5 =	vbroadcast v5, $0xF;
	[tilespmem:v12+s14+$0x0] =	vst.idx.msk $0x1, v3  }
0x852: {  	(xrf2) =	vadd.scan.msk.f32 $0xffff, v7  }
0x853: {  	s19 =	sadd.s32 $0x5, s16;
	v3, _, _ =	vpop (xrf2)  }
.Ltmp71:
0x854: {  	v6 =	vmov s19;
	[tilespmem:v11+s14+$0x0] =	vst.idx.msk $0x1, v5;
	(pc) =	sbr.rel @p0 .LBB2_94-.Ltmp71, $4  }
0x855: {  	v5 =	vand.u32 $0xFFFFFFFD, v6;
	(xrf2) =	vadd.scan.msk.f32 $0xffff, v9  }
0x856: {  	v6 =	vbroadcast v3, $0xF;
	v5 =	vbroadcast v5, $0x0;
	v3, _, _ =	vpop (xrf2)  }
0x857: {  	v3 =	vbroadcast v3, $0xF  }
0x858: {  	s18 =	sadd.s32 $0x80, s18;
	[tilespmem:v10+s14+$0x0] =	vst.idx.msk $0x1, v6;
	(xrf2) =	vadd.scan.msk.f32 $0xffff, v13  }
0x859: {  	(xrf2) =	vadd.scan.msk.f32 $0xffff, v4  }
0x85a: {  	s17 =	sadd.s32 $0x3, s16  }
0x85b: {  	s20 =	sadd.s32 $0x4, s16;
	v60 =	vmov s17  }
0x85c: {  	s21 =	sadd.s32 $0x2, s16;
	v2 =	vbroadcast v2, $0x0;
	v6 =	vmov s20;
	v4 =	vand.u32 $0xFFFFFFFB, v60  }
0x85d: {  	s22 =	sadd.s32 $0x1, s16;
	v7 =	vmov s21;
	v6 =	vand.u32 $0xFFFFFFFC, v6;
	v4 =	vbroadcast v4, $0x0  }
0x85e: {  	v8, _, _ =	vpop (xrf2);
	v9 =	vmov s22;
	v7 =	vand.u32 $0xFFFFFFFA, v7;
	v6 =	vbroadcast v6, $0x0  }
0x85f: {  	v8 =	vbroadcast v8, $0xF;
	v9 =	vand.u32 $0xFFFFFFF9, v9;
	v7 =	vbroadcast v7, $0x0  }
0x860: {  	v10, _, _ =	vpop (xrf2);
	v9 =	vbroadcast v9, $0x0  }
0x861: {  	[tilespmem:v5+s14+$0x0] =	vst.idx.msk $0x1, v8;
	v10 =	vbroadcast v10, $0xF;
	v11, _, _ =	vpop (xrf2)  }
0x862: {  	[tilespmem:v2+s14+$0x0] =	vst.idx.msk $0x1, v3;
	v61 =	vbroadcast v11, $0xF;
	v62, _, _ =	vpop (xrf2)  }
0x863: {  	[tilespmem:v4+s14+$0x0] =	vst.idx.msk $0x1, v10;
	v4 =	vbroadcast v62, $0xF;
	v63, _, _ =	vpop (xrf2)  }
0x864: {  	s15 =	sadd.s32 $0x1, s15;
	[tilespmem:v6+s14+$0x0] =	vst.idx.msk $0x1, v61;
	v2 =	vbroadcast v63, $0xF  }
0x865: {  	p0 =	sne.s32 s15, s3;
	[tilespmem:v7+s14+$0x0] =	vst.idx.msk $0x1, v4  }
.Ltmp72:
0x866: {  	s23 =	simm.s32 $0x400;
	[tilespmem:v9+s14+$0x0] =	vst.idx.msk $0x1, v2;
	(pc) =	sbr.rel @p0 .LBB2_1-.Ltmp72, $4  }
0x867: {  	[hbm4b:s2+s4] =	stream.strided.scatter [tilespmem:s14], [sflag:$0x3], $0x200, s23, s4, $0x38;
	[tilespmem:$0x1F980] =	vst v63  }
0x868: {  	_ =	swait.ge [sflag:s7], $0x200  }
0x869: {  	[sflag:s7] =	ssyncset.done $0x0  }
0x86a: {  	[sflag:s7] =	ssyncadd.s32 $0xFFFFFE00  }
0x86b: {  	_ =	sfence.sel $0x180000  }
0x86c: {  	[bflag:$0x0] =	sbarrier.arrive $0xFFFF  }
0x86d: {  	_ =	strace $0x90000047  }
0x86e: {  	s0 =	stileid.u32;
	[bflag:$0x2] =	sbarrier.arrive $0xFFFF  }
0x86f: {  	p0 =	sne.s32 s0, $0x0;
	s0 =	rddreg [dreg:$0x5]  }
0x870: {  	s0 =	sadd.s32 @!p0 $0x100000, s0  }
0x871: {  	[sflag:s0] =	ssyncadd.tile.s32 @!p0 $0x1;
	_ =	shalt  }
.Lfunc_end2:
_tile_overlayer_lowered:
.L_overlay_start_2:
0x872: {  	(tag) =	ssettag $0x2  }
0x873: {  	s0 =	rddreg [dreg:$0x0];
	s2 =	stileid.u32  }
0x874: {  	s1 =	rddreg [dreg:$0x1];
	p0 =	sne.s32 s2, $0x0  }
0x875: {  	s3 =	rddreg [dreg:$0x2];
	[bflag:$0x3] =	sbarrier.arrive $0xFFFF;
	s2 =	simm.s32 @!p0 $0x1C03  }
0x876: {  	[timem:s3], [sflag:s2] =	dma.local @!p0 [hbm:s0], s1  }
0x877: {  	s0 =	simm.s32 @!p0 $0x3  }
0x878: {  	_ =	swait.ge @!p0 [sflag:s0], s1  }
0x879: {  	s1 =	ssub.s32 @!p0 $0x0, s1;
	[sflag:s0] =	ssyncset.done @!p0 $0x0  }
0x87a: {  	[sflag:s0] =	ssyncadd.s32 @!p0 s1  }
0x87b: {  	[bflag:$0x3] =	sbarrier.arrive $0xFFFF  }
0x87c: {  	_ =	shalt  }

</sc_bundles>
